<compile_context>
chip_gen: v7x
topology: tpu7x:2x2x1
jax: 0.10.2.dev20260603
libtpu: 0.0.44.dev20260713+nightly
codegen_flags: <defaults>
</compile_context>

<pallas_src>
import math

import jax
import jax.numpy as jnp
from jax import lax
from jax.experimental import pallas as pl
from jax.experimental.pallas import tpu as pltpu
import jax.experimental.pallas.tpu_sc as plsc

_N = 10000
_E = 320000
_D = 128
_G = 64
_LOG2 = math.log(2.0)

_NC, _NS = 2, 16
_NW = _NC * _NS
_EW = _E // _NW
_CH = 125
_NCH = _EW // _CH
_HNCH = _NCH // 2
_RT = 640

_B = 1000
_NB = _N // _B

_sc_mesh = plsc.VectorSubcoreMesh(
    core_axis_name="c", subcore_axis_name="s", num_cores=_NC, num_subcores=_NS)



def _row_slab_copy(s, src, dst):

    @pl.when(s < _NS - 1)
    def _main():
        pltpu.sync_copy(src.at[pl.ds(s * _RT, _RT)],
                        dst.at[pl.ds(s * _RT, _RT)])

    @pl.when(s == _NS - 1)
    def _tail():
        pltpu.sync_copy(src.at[pl.ds(_RT * (_NS - 1), _N - _RT * (_NS - 1))],
                        dst.at[pl.ds(_RT * (_NS - 1), _N - _RT * (_NS - 1))])


def _deg_body(dst2, ones_h, zeros128, out, idx_v, ones_v, sem, deg_sh):
    c = lax.axis_index("c")
    s = lax.axis_index("s")
    wid = s * _NC + c
    _row_slab_copy(s, zeros128, deg_sh)
    pltpu.sync_copy(ones_h, ones_v)
    pltpu.sync_copy(dst2.at[pl.ds(wid * _NCH, _NCH)], idx_v)
    plsc.subcore_barrier()

    def body(k8, carry):
        descs = [
            pltpu.async_copy(ones_v, deg_sh.at[idx_v.at[k8 * 8 + b]], sem,
                             add=True)
            for b in range(8)
        ]
        for d in descs:
            d.wait()
        return carry

    lax.fori_loop(0, _NCH // 8, body, 0)
    plsc.subcore_barrier()
    _row_slab_copy(s, deg_sh, out.at[c])


_deg_call = pl.kernel(
    _deg_body,
    out_type=jax.ShapeDtypeStruct((_NC, _N, _D), jnp.float32),
    mesh=_sc_mesh,
    scratch_types=[
        pltpu.VMEM((_NCH, _CH), jnp.int32),
        pltpu.VMEM((_CH, _D), jnp.float32),
        pltpu.SemaphoreType.DMA,
        pltpu.VMEM_SHARED((_N, _D), jnp.float32),
    ],
)



def _agg_body(src2, dst2, xs, zeros128, out, isrc_v, idst_v, rows_a, rows_b,
              sem_a, sem_b, agg_sh):
    c = lax.axis_index("c")
    s = lax.axis_index("s")
    wid = s * _NC + c
    _row_slab_copy(s, zeros128, agg_sh)
    plsc.subcore_barrier()

    def half(h, carry):
        base = wid * _NCH + h * _HNCH
        pltpu.sync_copy(src2.at[pl.ds(base, _HNCH)], isrc_v)
        pltpu.sync_copy(dst2.at[pl.ds(base, _HNCH)], idst_v)
        pltpu.async_copy(xs.at[isrc_v.at[0]], rows_a, sem_a)

        def body(k, carry2):
            k2 = 2 * k
            pltpu.async_copy(xs.at[isrc_v.at[k2 + 1]], rows_b, sem_b)
            pltpu.make_async_copy(xs.at[isrc_v.at[k2]], rows_a, sem_a).wait()
            pltpu.sync_copy(rows_a, agg_sh.at[idst_v.at[k2]], add=True)

            @pl.when(k2 + 2 < _HNCH)
            def _next():
                pltpu.async_copy(xs.at[isrc_v.at[k2 + 2]], rows_a, sem_a)

            pltpu.make_async_copy(xs.at[isrc_v.at[k2 + 1]], rows_b,
                                  sem_b).wait()
            pltpu.sync_copy(rows_b, agg_sh.at[idst_v.at[k2 + 1]], add=True)
            return carry2

        lax.fori_loop(0, _HNCH // 2, body, 0)
        return carry

    lax.fori_loop(0, _NCH // _HNCH, half, 0)
    plsc.subcore_barrier()
    _row_slab_copy(s, agg_sh, out.at[c])


_agg_call = pl.kernel(
    _agg_body,
    out_type=jax.ShapeDtypeStruct((_NC, _N, _D), jnp.float32),
    mesh=_sc_mesh,
    scratch_types=[
        pltpu.VMEM((_HNCH, _CH), jnp.int32),
        pltpu.VMEM((_HNCH, _CH), jnp.int32),
        pltpu.VMEM((_CH, _D), jnp.float32),
        pltpu.VMEM((_CH, _D), jnp.float32),
        pltpu.SemaphoreType.DMA,
        pltpu.SemaphoreType.DMA,
        pltpu.VMEM_SHARED((_N, _D), jnp.float32),
    ],
)



def _xs_body(x_ref, d0_ref, d1_ref, xs_ref):
    deg = jnp.maximum(d0_ref[...][:, :1] + d1_ref[...][:, :1], 1.0)
    xs_ref[...] = x_ref[...] * lax.rsqrt(deg)


def _xs_scale(x, d0, d1):
    return pl.pallas_call(
        _xs_body,
        grid=(_NB,),
        in_specs=[
            pl.BlockSpec((_B, _D), lambda i: (i, 0)),
            pl.BlockSpec((_B, _D), lambda i: (i, 0)),
            pl.BlockSpec((_B, _D), lambda i: (i, 0)),
        ],
        out_specs=pl.BlockSpec((_B, _D), lambda i: (i, 0)),
        out_shape=jax.ShapeDtypeStruct((_N, _D), jnp.float32),
    )(x, d0, d1)



def _mlp_block(x, W_ref, b_ref, a_ref):
    h = x
    for j in range(3):
        h = jnp.dot(h, W_ref[j], preferred_element_type=jnp.float32) \
            + b_ref[j:j + 1, :]
        a = a_ref[j:j + 1, :]
        h = jnp.where(h >= 0, h, a * h)
    return h + jnp.dot(x, W_ref[3], preferred_element_type=jnp.float32) \
        + b_ref[3:4, :]


def _enc_body(s0, s1, d0, d1, bm, encW, encb, LW, Lb, La, zl_ref, g_ref):
    i = pl.program_id(0)

    @pl.when(i == 0)
    def _init():
        g_ref[...] = jnp.zeros((_G, _D), jnp.float32)

    deg = jnp.maximum(d0[...][:, :1] + d1[...][:, :1], 1.0)
    rdeg = lax.rsqrt(deg)
    agg = (s0[...] + s1[...]) * rdeg
    z = jnp.maximum(
        jnp.dot(agg, encW[...], preferred_element_type=jnp.float32)
        + encb[...], 0.0)
    colid = lax.broadcasted_iota(jnp.int32, (_B, _G), 1)
    oh = (bm[...] == colid).astype(jnp.float32)
    g_ref[...] += lax.dot_general(oh, z, (((0,), (0,)), ((), ())),
                                  preferred_element_type=jnp.float32)
    zl_ref[...] = _mlp_block(z, LW, Lb, La)


def _enc_call(s0, s1, d0, d1, bm, encW, encb, LW, Lb, La):
    return pl.pallas_call(
        _enc_body,
        grid=(_NB,),
        in_specs=[
            pl.BlockSpec((_B, _D), lambda i: (i, 0)),
            pl.BlockSpec((_B, _D), lambda i: (i, 0)),
            pl.BlockSpec((_B, _D), lambda i: (i, 0)),
            pl.BlockSpec((_B, _D), lambda i: (i, 0)),
            pl.BlockSpec((_B, _G), lambda i: (i, 0)),
            pl.BlockSpec((_D, _D), lambda i: (0, 0)),
            pl.BlockSpec((1, _D), lambda i: (0, 0)),
            pl.BlockSpec((4, _D, _D), lambda i: (0, 0, 0)),
            pl.BlockSpec((4, _D), lambda i: (0, 0)),
            pl.BlockSpec((3, _D), lambda i: (0, 0)),
        ],
        out_specs=[
            pl.BlockSpec((_B, _D), lambda i: (i, 0)),
            pl.BlockSpec((_G, _D), lambda i: (0, 0)),
        ],
        out_shape=[
            jax.ShapeDtypeStruct((_N, _D), jnp.float32),
            jax.ShapeDtypeStruct((_G, _D), jnp.float32),
        ],
    )(s0, s1, d0, d1, bm, encW, encb, LW, Lb, La)



def _loss_body(zl, g, GW, Gb, Ga, bm, s1_ref, s2_ref, p1_ref, p2_ref, gg_s):
    i = pl.program_id(0)

    @pl.when(i == 0)
    def _init():
        gg_s[...] = _mlp_block(g[...], GW, Gb, Ga)
        s1_ref[...] = jnp.zeros((1, 1), jnp.float32)
        s2_ref[...] = jnp.zeros((1, 1), jnp.float32)
        p1_ref[...] = jnp.zeros((1, 1), jnp.float32)
        p2_ref[...] = jnp.zeros((1, 1), jnp.float32)

    r = lax.dot_general(zl[...], gg_s[...], (((1,), (1,)), ((), ())),
                        preferred_element_type=jnp.float32)
    colid = lax.broadcasted_iota(jnp.int32, (_B, _G), 1)
    pos = bm[...] == colid
    sp = jnp.maximum(-r, 0.0) + jnp.log1p(jnp.exp(-jnp.abs(r)))
    zero = jnp.zeros_like(r)
    s1_ref[...] += jnp.sum(sp, keepdims=True)
    s2_ref[...] += jnp.sum(r, keepdims=True)
    p1_ref[...] += jnp.sum(jnp.where(pos, sp, zero), keepdims=True)
    p2_ref[...] += jnp.sum(jnp.where(pos, r, zero), keepdims=True)


def _loss_call(zl, g, GW, Gb, Ga, bm):
    return pl.pallas_call(
        _loss_body,
        grid=(_NB,),
        in_specs=[
            pl.BlockSpec((_B, _D), lambda i: (i, 0)),
            pl.BlockSpec((_G, _D), lambda i: (0, 0)),
            pl.BlockSpec((4, _D, _D), lambda i: (0, 0, 0)),
            pl.BlockSpec((4, _D), lambda i: (0, 0)),
            pl.BlockSpec((3, _D), lambda i: (0, 0)),
            pl.BlockSpec((_B, _G), lambda i: (i, 0)),
        ],
        out_specs=[pl.BlockSpec((1, 1), lambda i: (0, 0))] * 4,
        out_shape=[jax.ShapeDtypeStruct((1, 1), jnp.float32)] * 4,
        scratch_shapes=[pltpu.VMEM((_G, _D), jnp.float32)],
    )(zl, g, GW, Gb, Ga, bm)



def _stack_mlp(p):
    W = jnp.stack([p["fc1"]["W"], p["fc2"]["W"], p["fc3"]["W"], p["sc"]["W"]])
    b = jnp.stack([p["fc1"]["b"], p["fc2"]["b"], p["fc3"]["b"], p["sc"]["b"]])
    a = jnp.stack([jnp.broadcast_to(p["a1"], (_D,)),
                   jnp.broadcast_to(p["a2"], (_D,)),
                   jnp.broadcast_to(p["a3"], (_D,))])
    return W, b, a


def _branch_loss(enc_p, Lwba, Gwba, x, edge_index, batch, ones128, zeros128):
    src2 = edge_index[0].reshape(_E // _CH, _CH)
    dst2 = edge_index[1].reshape(_E // _CH, _CH)
    deg2 = _deg_call(dst2, ones128, zeros128)
    d0, d1 = deg2[0], deg2[1]
    xs = _xs_scale(x, d0, d1)
    s2o = _agg_call(src2, dst2, xs, zeros128)
    bm = jnp.broadcast_to(batch[:, None], (_N, _G))
    encb = enc_p["b"].reshape(1, _D)
    zl, g = _enc_call(s2o[0], s2o[1], d0, d1, bm, enc_p["W"], encb, *Lwba)
    s1, s2, p1, p2 = [o[0, 0] for o in _loss_call(zl, g, *Gwba, bm)]

    e_pos = (_N * _LOG2 - p1) / _N
    e_neg = ((s1 + s2 - _N * _G * _LOG2) - (p1 + p2 - _N * _LOG2)) \
        / (_N * (_G - 1))
    return 2.0 * (e_neg - e_pos)


def kernel(x1, x2, x3, edge_index1, edge_index2, edge_index3,
           batch1, batch2, batch3, params):
    ones128 = jnp.ones((_CH, _D), jnp.float32)
    zeros128 = jnp.zeros((_N, _D), jnp.float32)
    Lwba = _stack_mlp(params["local"])
    Gwba = _stack_mlp(params["global"])
    l1 = _branch_loss(params["enc1"], Lwba, Gwba, x1, edge_index1, batch1,
                      ones128, zeros128)
    l2 = _branch_loss(params["enc2"], Lwba, Gwba, x2, edge_index2, batch2,
                      ones128, zeros128)
    l3 = _branch_loss(params["enc3"], Lwba, Gwba, x3, edge_index3, batch3,
                      ones128, zeros128)
    return l1 + l2 + l3

# --- scband reference (transcript-rebuilt; emitter-appended) ---
"""Pipeline reference for scband-hgcl-16501264351453 (READ-ONLY COPY).

The authoritative reference and input builder live on the scoring server;
editing this copy changes nothing except your own understanding.
"""

import jax, jax.numpy as jnp
import numpy as np

N = 10000
E = 320000
D = 128
G = 64


def _linear_params(k, din, dout):
    kw, kb = jax.random.split(k)
    lim = 1.0 / np.sqrt(din)
    return {"W": jax.random.uniform(kw, (din, dout), jnp.float32, -lim, lim),
            "b": jax.random.uniform(kb, (dout,), jnp.float32, -lim, lim)}


def _mlp_params(k, d):
    k1, k2, k3, k4 = jax.random.split(k, 4)
    return {"fc1": _linear_params(k1, d, d), "fc2": _linear_params(k2, d, d),
            "fc3": _linear_params(k3, d, d), "sc": _linear_params(k4, d, d),
            "a1": jnp.full((1,), 0.25, jnp.float32),
            "a2": jnp.full((1,), 0.25, jnp.float32),
            "a3": jnp.full((1,), 0.25, jnp.float32)}


def setup_inputs(seed: int = 0):
    key = jax.random.key(seed)
    ks = jax.random.split(key, 12)
    inp = {}
    inp["x1"] = jax.random.normal(ks[0], (N, D), jnp.float32)
    inp["x2"] = jax.random.normal(ks[1], (N, D), jnp.float32)
    inp["x3"] = jax.random.normal(ks[2], (N, D), jnp.float32)
    inp["edge_index1"] = jax.random.randint(ks[3], (2, E), 0, N, dtype=jnp.int32)
    inp["edge_index2"] = jax.random.randint(ks[4], (2, E), 0, N, dtype=jnp.int32)
    inp["edge_index3"] = jax.random.randint(ks[5], (2, E), 0, N, dtype=jnp.int32)
    inp["batch1"] = jnp.sort(jax.random.randint(ks[6], (N,), 0, G, dtype=jnp.int32))
    inp["batch2"] = jnp.sort(jax.random.randint(ks[7], (N,), 0, G, dtype=jnp.int32))
    inp["batch3"] = jnp.sort(jax.random.randint(ks[8], (N,), 0, G, dtype=jnp.int32))
    kp = jax.random.split(ks[9], 5)
    inp["params"] = {"enc1": _linear_params(kp[0], D, D),
                     "enc2": _linear_params(kp[1], D, D),
                     "enc3": _linear_params(kp[2], D, D),
                     "local": _mlp_params(kp[3], D),
                     "global": _mlp_params(kp[4], D)}
    return inp


def _prelu(x, a):
    return jnp.where(x >= 0, x, a * x)


def _mlp(p, x):
    h = _prelu(x @ p["fc1"]["W"] + p["fc1"]["b"], p["a1"])
    h = _prelu(h @ p["fc2"]["W"] + p["fc2"]["b"], p["a2"])
    h = _prelu(h @ p["fc3"]["W"] + p["fc3"]["b"], p["a3"])
    return h + (x @ p["sc"]["W"] + p["sc"]["b"])


def _gcn_encoder(p, x, edge_index, edge_weight, batch):
    src = edge_index[0]
    dst = edge_index[1]
    deg = jax.ops.segment_sum(edge_weight, dst, num_segments=N)
    deg = jnp.clip(deg, 1.0, None)
    norm = edge_weight * jax.lax.rsqrt(deg[src] * deg[dst])
    agg = jax.ops.segment_sum(x[src] * norm[:, None], dst, num_segments=N)
    z = jax.nn.relu(agg @ p["W"] + p["b"])
    g = jax.ops.segment_sum(z, batch, num_segments=G)
    return z, g


def _local_global_loss(z, g, batch):
    # InfoGraph JSD local-global mutual information estimator
    res = z @ g.T  # [N, G]
    pos_mask = (batch[:, None] == jnp.arange(G)[None, :]).astype(jnp.float32)
    neg_mask = 1.0 - pos_mask
    log2 = float(np.log(2.0))
    e_pos = log2 - jax.nn.softplus(-res)
    e_neg = jax.nn.softplus(-res) + res - log2
    E_pos = jnp.sum(e_pos * pos_mask) / jnp.clip(jnp.sum(pos_mask), 1.0, None)
    E_neg = jnp.sum(e_neg * neg_mask) / jnp.clip(jnp.sum(neg_mask), 1.0, None)
    return E_neg - E_pos


def _branch(enc_p, local_p, global_p, x, edge_index, batch):
    # aug1 / aug2 are identity augmentors: (x, edge_index, ones edge_weight)
    ew = jnp.ones((edge_index.shape[1],), jnp.float32)
    z1, g1 = _gcn_encoder(enc_p, x, edge_index, ew, batch)
    z2, g2 = _gcn_encoder(enc_p, x, edge_index, ew, batch)
    z1 = _mlp(local_p, z1)
    z2 = _mlp(local_p, z2)
    g1 = _mlp(global_p, g1)
    g2 = _mlp(global_p, g2)
    return _local_global_loss(z1, g2, batch) + _local_global_loss(z2, g1, batch)


def reference(x1, x2, x3, edge_index1, edge_index2, edge_index3, batch1, batch2, batch3, params):
    loss1 = _branch(params["enc1"], params["local"], params["global"], x1, edge_index1, batch1)
    loss2 = _branch(params["enc2"], params["local"], params["global"], x2, edge_index2, batch2)
    loss3 = _branch(params["enc3"], params["local"], params["global"], x3, edge_index3, batch3)
    return loss1 + loss2 + loss3

if __name__ == "__main__":
    import jax
    _d = setup_inputs()
    print(jax.jit(kernel)(*tuple(_d.values())))

</pallas_src>

<mosaic_0001>
#map = affine_map<(d0, d1) -> (0, 0)>
#map1 = affine_map<(d0, d1) -> (0, 0, 0)>
module attributes {stable_mosaic.version = 14 : i64} {
  func.func @_agg_body(%arg0: i32, %arg1: i32, %arg2: memref<2560x125xi32, #tpu.memory_space<hbm>>, %arg3: memref<2560x125xi32, #tpu.memory_space<hbm>>, %arg4: memref<10000x128xf32, #tpu.memory_space<hbm>>, %arg5: memref<10000x128xf32, #tpu.memory_space<hbm>>, %arg6: memref<2x10000x128xf32, #tpu.memory_space<hbm>>, %arg7: memref<40x125xi32, #tpu.memory_space<vmem>>, %arg8: memref<40x125xi32, #tpu.memory_space<vmem>>, %arg9: memref<125x128xf32, #tpu.memory_space<vmem>>, %arg10: memref<125x128xf32, #tpu.memory_space<vmem>>, %arg11: memref<!tpu.dma_semaphore, #tpu.memory_space<semaphore_mem>>, %arg12: memref<!tpu.dma_semaphore, #tpu.memory_space<semaphore_mem>>, %arg13: memref<10000x128xf32, #tpu.memory_space<vmem_shared>>) attributes {dimension_semantics = [#tpu.dimension_semantics<core_parallel>, #tpu.dimension_semantics<subcore_parallel>], iteration_bounds = array<i64: 2, 16>, scalar_prefetch = 0 : i64, scratch_operands = 7 : i64, tpu.core_type = #tpu.core_type<sc_vector_subcore>, window_params = [{transform_indices = #map}, {transform_indices = #map}, {transform_indices = #map}, {transform_indices = #map}, {transform_indices = #map1}]} {
    %mul3A = arith.constant 2 : i32
    %mul3A_0 = arith.muli %arg1, %mul3A : i32
    %add3A = arith.addi %mul3A_0, %arg0 : i32
    %lt3A = arith.constant 15 : i32
    %lt3A_1 = arith.cmpi slt, %arg1, %lt3A : i32
    %convert_element_type3A = arith.extui %lt3A_1 : i1 to i32
    %cond3A = arith.constant 0 : i32
    %cond3A_2 = arith.cmpi ne, %convert_element_type3A, %cond3A : i32
    scf.if %cond3A_2 {
      %mul3A_23 = arith.constant 640 : i32
      %mul3A_24 = arith.muli %arg1, %mul3A_23 : i32
      %mul3A_25 = arith.constant 640 : i32
      %mul3A_26 = arith.muli %arg1, %mul3A_25 : i32
      "tpu.region"() ({
        %run_scoped3A = tpu.sem_alloc : memref<!tpu.dma_semaphore, #tpu.memory_space<semaphore_mem>>
        %dma_start3A = arith.constant 0 : i32
        %dma_start3A_27 = tpu.memref_slice %arg13[%mul3A_26, %dma_start3A] : memref<10000x128xf32, #tpu.memory_space<vmem_shared>> -> memref<640x128xf32, #tpu.memory_space<vmem_shared>>
        %dma_start3A_28 = arith.constant 0 : i32
        %dma_start3A_29 = tpu.memref_slice %arg5[%mul3A_24, %dma_start3A_28] : memref<10000x128xf32, #tpu.memory_space<hbm>> -> memref<640x128xf32, #tpu.memory_space<hbm>>
        tpu.enqueue_dma source(%dma_start3A_29 : memref<640x128xf32, #tpu.memory_space<hbm>>) target(%dma_start3A_27 : memref<640x128xf32, #tpu.memory_space<vmem_shared>>) target_semaphore(%run_scoped3A : memref<!tpu.dma_semaphore, #tpu.memory_space<semaphore_mem>>)
        %dma_wait3A = arith.constant 0 : i32
        %dma_wait3A_30 = tpu.memref_slice %arg13[%mul3A_26, %dma_wait3A] : memref<10000x128xf32, #tpu.memory_space<vmem_shared>> -> memref<640x128xf32, #tpu.memory_space<vmem_shared>>
        %dma_wait3A_31 = arith.constant 0 : i32
        %dma_wait3A_32 = tpu.memref_slice %arg5[%mul3A_24, %dma_wait3A_31] : memref<10000x128xf32, #tpu.memory_space<hbm>> -> memref<640x128xf32, #tpu.memory_space<hbm>>
        tpu.wait_dma2 semaphore(%run_scoped3A : memref<!tpu.dma_semaphore, #tpu.memory_space<semaphore_mem>>) src(%dma_wait3A_32 : memref<640x128xf32, #tpu.memory_space<hbm>>) dst(%dma_wait3A_30 : memref<640x128xf32, #tpu.memory_space<vmem_shared>>)
        tpu.yield
      }) : () -> ()
    } else {
    }
    %eq3A = arith.constant 15 : i32
    %eq3A_3 = arith.cmpi eq, %arg1, %eq3A : i32
    %convert_element_type3A_4 = arith.extui %eq3A_3 : i1 to i32
    %cond3A_5 = arith.constant 0 : i32
    %cond3A_6 = arith.cmpi ne, %convert_element_type3A_4, %cond3A_5 : i32
    scf.if %cond3A_6 {
      "tpu.region"() ({
        %run_scoped3A = tpu.sem_alloc : memref<!tpu.dma_semaphore, #tpu.memory_space<semaphore_mem>>
        %dma_start3A = arith.constant 9600 : i32
        %dma_start3A_23 = arith.constant 0 : i32
        %dma_start3A_24 = tpu.memref_slice %arg13[%dma_start3A, %dma_start3A_23] : memref<10000x128xf32, #tpu.memory_space<vmem_shared>> -> memref<400x128xf32, #tpu.memory_space<vmem_shared>>
        %dma_start3A_25 = arith.constant 9600 : i32
        %dma_start3A_26 = arith.constant 0 : i32
        %dma_start3A_27 = tpu.memref_slice %arg5[%dma_start3A_25, %dma_start3A_26] : memref<10000x128xf32, #tpu.memory_space<hbm>> -> memref<400x128xf32, #tpu.memory_space<hbm>>
        tpu.enqueue_dma source(%dma_start3A_27 : memref<400x128xf32, #tpu.memory_space<hbm>>) target(%dma_start3A_24 : memref<400x128xf32, #tpu.memory_space<vmem_shared>>) target_semaphore(%run_scoped3A : memref<!tpu.dma_semaphore, #tpu.memory_space<semaphore_mem>>)
        %dma_wait3A = arith.constant 9600 : i32
        %dma_wait3A_28 = arith.constant 0 : i32
        %dma_wait3A_29 = tpu.memref_slice %arg13[%dma_wait3A, %dma_wait3A_28] : memref<10000x128xf32, #tpu.memory_space<vmem_shared>> -> memref<400x128xf32, #tpu.memory_space<vmem_shared>>
        %dma_wait3A_30 = arith.constant 9600 : i32
        %dma_wait3A_31 = arith.constant 0 : i32
        %dma_wait3A_32 = tpu.memref_slice %arg5[%dma_wait3A_30, %dma_wait3A_31] : memref<10000x128xf32, #tpu.memory_space<hbm>> -> memref<400x128xf32, #tpu.memory_space<hbm>>
        tpu.wait_dma2 semaphore(%run_scoped3A : memref<!tpu.dma_semaphore, #tpu.memory_space<semaphore_mem>>) src(%dma_wait3A_32 : memref<400x128xf32, #tpu.memory_space<hbm>>) dst(%dma_wait3A_29 : memref<400x128xf32, #tpu.memory_space<vmem_shared>>)
        tpu.yield
      }) : () -> ()
    } else {
    }
    %barrier3A = arith.constant 0 : index
    tpu.barrier barrier_id(%barrier3A)
    %scan3A = arith.constant 0 : i32
    %scan3A_7 = arith.constant 0 : i32
    %scan3A_8 = arith.constant 2 : i32
    %scan3A_9 = arith.addi %scan3A_7, %scan3A_8 : i32
    %scan3A_10 = arith.constant 1 : i32
    scf.for %scan3A_23 = %scan3A_7 to %scan3A_9 step %scan3A_10  : i32 {
      %mul3A_24 = arith.constant 80 : i32
      %mul3A_25 = arith.muli %add3A, %mul3A_24 : i32
      %mul3A_26 = arith.constant 40 : i32
      %mul3A_27 = arith.muli %scan3A_23, %mul3A_26 : i32
      %add3A_28 = arith.addi %mul3A_25, %mul3A_27 : i32
      "tpu.region"() ({
        %run_scoped3A = tpu.sem_alloc : memref<!tpu.dma_semaphore, #tpu.memory_space<semaphore_mem>>
        %dma_start3A_41 = arith.constant 0 : i32
        %dma_start3A_42 = tpu.memref_slice %arg2[%add3A_28, %dma_start3A_41] : memref<2560x125xi32, #tpu.memory_space<hbm>> -> memref<40x125xi32, #tpu.memory_space<hbm>>
        %dma_start3A_43 = arith.constant 0 : i32
        %dma_start3A_44 = tpu.memref_slice %arg2[%add3A_28, %dma_start3A_43] : memref<2560x125xi32, #tpu.memory_space<hbm>> -> memref<40x125xi32, #tpu.memory_space<hbm>>
        tpu.enqueue_dma source(%dma_start3A_44 : memref<40x125xi32, #tpu.memory_space<hbm>>) target(%arg7 : memref<40x125xi32, #tpu.memory_space<vmem>>) target_semaphore(%run_scoped3A : memref<!tpu.dma_semaphore, #tpu.memory_space<semaphore_mem>>)
        %dma_wait3A = arith.constant 0 : i32
        %dma_wait3A_45 = tpu.memref_slice %arg2[%add3A_28, %dma_wait3A] : memref<2560x125xi32, #tpu.memory_space<hbm>> -> memref<40x125xi32, #tpu.memory_space<hbm>>
        %dma_wait3A_46 = arith.constant 0 : i32
        %dma_wait3A_47 = tpu.memref_slice %arg2[%add3A_28, %dma_wait3A_46] : memref<2560x125xi32, #tpu.memory_space<hbm>> -> memref<40x125xi32, #tpu.memory_space<hbm>>
        tpu.wait_dma2 semaphore(%run_scoped3A : memref<!tpu.dma_semaphore, #tpu.memory_space<semaphore_mem>>) src(%dma_wait3A_47 : memref<40x125xi32, #tpu.memory_space<hbm>>) dst(%arg7 : memref<40x125xi32, #tpu.memory_space<vmem>>)
        tpu.yield
      }) : () -> ()
      "tpu.region"() ({
        %run_scoped3A = tpu.sem_alloc : memref<!tpu.dma_semaphore, #tpu.memory_space<semaphore_mem>>
        %dma_start3A_41 = arith.constant 0 : i32
        %dma_start3A_42 = tpu.memref_slice %arg3[%add3A_28, %dma_start3A_41] : memref<2560x125xi32, #tpu.memory_space<hbm>> -> memref<40x125xi32, #tpu.memory_space<hbm>>
        %dma_start3A_43 = arith.constant 0 : i32
        %dma_start3A_44 = tpu.memref_slice %arg3[%add3A_28, %dma_start3A_43] : memref<2560x125xi32, #tpu.memory_space<hbm>> -> memref<40x125xi32, #tpu.memory_space<hbm>>
        tpu.enqueue_dma source(%dma_start3A_44 : memref<40x125xi32, #tpu.memory_space<hbm>>) target(%arg8 : memref<40x125xi32, #tpu.memory_space<vmem>>) target_semaphore(%run_scoped3A : memref<!tpu.dma_semaphore, #tpu.memory_space<semaphore_mem>>)
        %dma_wait3A = arith.constant 0 : i32
        %dma_wait3A_45 = tpu.memref_slice %arg3[%add3A_28, %dma_wait3A] : memref<2560x125xi32, #tpu.memory_space<hbm>> -> memref<40x125xi32, #tpu.memory_space<hbm>>
        %dma_wait3A_46 = arith.constant 0 : i32
        %dma_wait3A_47 = tpu.memref_slice %arg3[%add3A_28, %dma_wait3A_46] : memref<2560x125xi32, #tpu.memory_space<hbm>> -> memref<40x125xi32, #tpu.memory_space<hbm>>
        tpu.wait_dma2 semaphore(%run_scoped3A : memref<!tpu.dma_semaphore, #tpu.memory_space<semaphore_mem>>) src(%dma_wait3A_47 : memref<40x125xi32, #tpu.memory_space<hbm>>) dst(%arg8 : memref<40x125xi32, #tpu.memory_space<vmem>>)
        tpu.yield
      }) : () -> ()
      %dma_start3A = arith.constant 0 : i32
      %dma_start3A_29 = arith.constant 0 : i32
      %dma_start3A_30 = tpu.memref_slice %arg7[%dma_start3A, %dma_start3A_29] : memref<40x125xi32, #tpu.memory_space<vmem>> -> memref<1x125xi32, #tpu.memory_space<vmem>>
      %dma_start3A_31 = tpu.memref_squeeze %dma_start3A_30 : memref<1x125xi32, #tpu.memory_space<vmem>> -> memref<125xi32, #tpu.memory_space<vmem>>
      %dma_start3A_32 = arith.constant 0 : i32
      %dma_start3A_33 = arith.constant 0 : i32
      %dma_start3A_34 = tpu.memref_slice %arg4[%dma_start3A_32, %dma_start3A_33] : memref<10000x128xf32, #tpu.memory_space<hbm>> -> memref<10000x128xf32, #tpu.memory_space<hbm>>
      tpu.enqueue_indirect_dma source(%dma_start3A_34 : memref<10000x128xf32, #tpu.memory_space<hbm>>) target(%arg9 : memref<125x128xf32, #tpu.memory_space<vmem>>) offsets(%dma_start3A_31 : memref<125xi32, #tpu.memory_space<vmem>>) semaphore(%arg11 : memref<!tpu.dma_semaphore, #tpu.memory_space<semaphore_mem>>)
      %scan3A_35 = arith.constant 0 : i32
      %scan3A_36 = arith.constant 0 : i32
      %scan3A_37 = arith.constant 20 : i32
      %scan3A_38 = arith.addi %scan3A_36, %scan3A_37 : i32
      %scan3A_39 = arith.constant 1 : i32
      scf.for %scan3A_41 = %scan3A_36 to %scan3A_38 step %scan3A_39  : i32 {
        %mul3A_42 = arith.constant 2 : i32
        %mul3A_43 = arith.muli %mul3A_42, %scan3A_41 : i32
        %add3A_44 = arith.constant 1 : i32
        %add3A_45 = arith.addi %mul3A_43, %add3A_44 : i32
        %dma_start3A_46 = arith.constant 0 : i32
        %dma_start3A_47 = tpu.memref_slice %arg7[%add3A_45, %dma_start3A_46] : memref<40x125xi32, #tpu.memory_space<vmem>> -> memref<1x125xi32, #tpu.memory_space<vmem>>
        %dma_start3A_48 = tpu.memref_squeeze %dma_start3A_47 : memref<1x125xi32, #tpu.memory_space<vmem>> -> memref<125xi32, #tpu.memory_space<vmem>>
        %dma_start3A_49 = arith.constant 0 : i32
        %dma_start3A_50 = arith.constant 0 : i32
        %dma_start3A_51 = tpu.memref_slice %arg4[%dma_start3A_49, %dma_start3A_50] : memref<10000x128xf32, #tpu.memory_space<hbm>> -> memref<10000x128xf32, #tpu.memory_space<hbm>>
        tpu.enqueue_indirect_dma source(%dma_start3A_51 : memref<10000x128xf32, #tpu.memory_space<hbm>>) target(%arg10 : memref<125x128xf32, #tpu.memory_space<vmem>>) offsets(%dma_start3A_48 : memref<125xi32, #tpu.memory_space<vmem>>) semaphore(%arg12 : memref<!tpu.dma_semaphore, #tpu.memory_space<semaphore_mem>>)
        %dma_wait3A = arith.constant 0 : i32
        %dma_wait3A_52 = tpu.memref_slice %arg7[%mul3A_43, %dma_wait3A] : memref<40x125xi32, #tpu.memory_space<vmem>> -> memref<1x125xi32, #tpu.memory_space<vmem>>
        %dma_wait3A_53 = tpu.memref_squeeze %dma_wait3A_52 : memref<1x125xi32, #tpu.memory_space<vmem>> -> memref<125xi32, #tpu.memory_space<vmem>>
        %dma_wait3A_54 = arith.constant 0 : i32
        %dma_wait3A_55 = arith.constant 0 : i32
        %dma_wait3A_56 = tpu.memref_slice %arg4[%dma_wait3A_54, %dma_wait3A_55] : memref<10000x128xf32, #tpu.memory_space<hbm>> -> memref<10000x128xf32, #tpu.memory_space<hbm>>
        tpu.wait_indirect_dma semaphore(%arg11 : memref<!tpu.dma_semaphore, #tpu.memory_space<semaphore_mem>>) src(%dma_wait3A_56 : memref<10000x128xf32, #tpu.memory_space<hbm>>) dst(%arg9 : memref<125x128xf32, #tpu.memory_space<vmem>>)
        "tpu.region"() ({
          %run_scoped3A = tpu.sem_alloc : memref<!tpu.dma_semaphore, #tpu.memory_space<semaphore_mem>>
          %dma_start3A_74 = arith.constant 0 : i32
          %dma_start3A_75 = tpu.memref_slice %arg8[%mul3A_43, %dma_start3A_74] : memref<40x125xi32, #tpu.memory_space<vmem>> -> memref<1x125xi32, #tpu.memory_space<vmem>>
          %dma_start3A_76 = tpu.memref_squeeze %dma_start3A_75 : memref<1x125xi32, #tpu.memory_space<vmem>> -> memref<125xi32, #tpu.memory_space<vmem>>
          %dma_start3A_77 = arith.constant 0 : i32
          %dma_start3A_78 = arith.constant 0 : i32
          %dma_start3A_79 = tpu.memref_slice %arg13[%dma_start3A_77, %dma_start3A_78] : memref<10000x128xf32, #tpu.memory_space<vmem_shared>> -> memref<10000x128xf32, #tpu.memory_space<vmem_shared>>
          tpu.enqueue_indirect_dma source(%arg9 : memref<125x128xf32, #tpu.memory_space<vmem>>) target(%dma_start3A_79 : memref<10000x128xf32, #tpu.memory_space<vmem_shared>>) offsets(%dma_start3A_76 : memref<125xi32, #tpu.memory_space<vmem>>) semaphore(%run_scoped3A : memref<!tpu.dma_semaphore, #tpu.memory_space<semaphore_mem>>) {add = true}
          %dma_wait3A_80 = arith.constant 0 : i32
          %dma_wait3A_81 = tpu.memref_slice %arg8[%mul3A_43, %dma_wait3A_80] : memref<40x125xi32, #tpu.memory_space<vmem>> -> memref<1x125xi32, #tpu.memory_space<vmem>>
          %dma_wait3A_82 = tpu.memref_squeeze %dma_wait3A_81 : memref<1x125xi32, #tpu.memory_space<vmem>> -> memref<125xi32, #tpu.memory_space<vmem>>
          %dma_wait3A_83 = arith.constant 0 : i32
          %dma_wait3A_84 = arith.constant 0 : i32
          %dma_wait3A_85 = tpu.memref_slice %arg13[%dma_wait3A_83, %dma_wait3A_84] : memref<10000x128xf32, #tpu.memory_space<vmem_shared>> -> memref<10000x128xf32, #tpu.memory_space<vmem_shared>>
          tpu.wait_indirect_dma semaphore(%run_scoped3A : memref<!tpu.dma_semaphore, #tpu.memory_space<semaphore_mem>>) src(%arg9 : memref<125x128xf32, #tpu.memory_space<vmem>>) dst(%dma_wait3A_85 : memref<10000x128xf32, #tpu.memory_space<vmem_shared>>)
          tpu.yield
        }) : () -> ()
        %add3A_57 = arith.constant 2 : i32
        %add3A_58 = arith.addi %mul3A_43, %add3A_57 : i32
        %lt3A_59 = arith.constant 40 : i32
        %lt3A_60 = arith.cmpi slt, %add3A_58, %lt3A_59 : i32
        %convert_element_type3A_61 = arith.extui %lt3A_60 : i1 to i32
        %cond3A_62 = arith.constant 0 : i32
        %cond3A_63 = arith.cmpi ne, %convert_element_type3A_61, %cond3A_62 : i32
        scf.if %cond3A_63 {
          %add3A_74 = arith.constant 2 : i32
          %add3A_75 = arith.addi %mul3A_43, %add3A_74 : i32
          %dma_start3A_76 = arith.constant 0 : i32
          %dma_start3A_77 = tpu.memref_slice %arg7[%add3A_75, %dma_start3A_76] : memref<40x125xi32, #tpu.memory_space<vmem>> -> memref<1x125xi32, #tpu.memory_space<vmem>>
          %dma_start3A_78 = tpu.memref_squeeze %dma_start3A_77 : memref<1x125xi32, #tpu.memory_space<vmem>> -> memref<125xi32, #tpu.memory_space<vmem>>
          %dma_start3A_79 = arith.constant 0 : i32
          %dma_start3A_80 = arith.constant 0 : i32
          %dma_start3A_81 = tpu.memref_slice %arg4[%dma_start3A_79, %dma_start3A_80] : memref<10000x128xf32, #tpu.memory_space<hbm>> -> memref<10000x128xf32, #tpu.memory_space<hbm>>
          tpu.enqueue_indirect_dma source(%dma_start3A_81 : memref<10000x128xf32, #tpu.memory_space<hbm>>) target(%arg9 : memref<125x128xf32, #tpu.memory_space<vmem>>) offsets(%dma_start3A_78 : memref<125xi32, #tpu.memory_space<vmem>>) semaphore(%arg11 : memref<!tpu.dma_semaphore, #tpu.memory_space<semaphore_mem>>)
        } else {
        }
        %add3A_64 = arith.constant 1 : i32
        %add3A_65 = arith.addi %mul3A_43, %add3A_64 : i32
        %dma_wait3A_66 = arith.constant 0 : i32
        %dma_wait3A_67 = tpu.memref_slice %arg7[%add3A_65, %dma_wait3A_66] : memref<40x125xi32, #tpu.memory_space<vmem>> -> memref<1x125xi32, #tpu.memory_space<vmem>>
        %dma_wait3A_68 = tpu.memref_squeeze %dma_wait3A_67 : memref<1x125xi32, #tpu.memory_space<vmem>> -> memref<125xi32, #tpu.memory_space<vmem>>
        %dma_wait3A_69 = arith.constant 0 : i32
        %dma_wait3A_70 = arith.constant 0 : i32
        %dma_wait3A_71 = tpu.memref_slice %arg4[%dma_wait3A_69, %dma_wait3A_70] : memref<10000x128xf32, #tpu.memory_space<hbm>> -> memref<10000x128xf32, #tpu.memory_space<hbm>>
        tpu.wait_indirect_dma semaphore(%arg12 : memref<!tpu.dma_semaphore, #tpu.memory_space<semaphore_mem>>) src(%dma_wait3A_71 : memref<10000x128xf32, #tpu.memory_space<hbm>>) dst(%arg10 : memref<125x128xf32, #tpu.memory_space<vmem>>)
        %add3A_72 = arith.constant 1 : i32
        %add3A_73 = arith.addi %mul3A_43, %add3A_72 : i32
        "tpu.region"() ({
          %run_scoped3A = tpu.sem_alloc : memref<!tpu.dma_semaphore, #tpu.memory_space<semaphore_mem>>
          %dma_start3A_74 = arith.constant 0 : i32
          %dma_start3A_75 = tpu.memref_slice %arg8[%add3A_73, %dma_start3A_74] : memref<40x125xi32, #tpu.memory_space<vmem>> -> memref<1x125xi32, #tpu.memory_space<vmem>>
          %dma_start3A_76 = tpu.memref_squeeze %dma_start3A_75 : memref<1x125xi32, #tpu.memory_space<vmem>> -> memref<125xi32, #tpu.memory_space<vmem>>
          %dma_start3A_77 = arith.constant 0 : i32
          %dma_start3A_78 = arith.constant 0 : i32
          %dma_start3A_79 = tpu.memref_slice %arg13[%dma_start3A_77, %dma_start3A_78] : memref<10000x128xf32, #tpu.memory_space<vmem_shared>> -> memref<10000x128xf32, #tpu.memory_space<vmem_shared>>
          tpu.enqueue_indirect_dma source(%arg10 : memref<125x128xf32, #tpu.memory_space<vmem>>) target(%dma_start3A_79 : memref<10000x128xf32, #tpu.memory_space<vmem_shared>>) offsets(%dma_start3A_76 : memref<125xi32, #tpu.memory_space<vmem>>) semaphore(%run_scoped3A : memref<!tpu.dma_semaphore, #tpu.memory_space<semaphore_mem>>) {add = true}
          %dma_wait3A_80 = arith.constant 0 : i32
          %dma_wait3A_81 = tpu.memref_slice %arg8[%add3A_73, %dma_wait3A_80] : memref<40x125xi32, #tpu.memory_space<vmem>> -> memref<1x125xi32, #tpu.memory_space<vmem>>
          %dma_wait3A_82 = tpu.memref_squeeze %dma_wait3A_81 : memref<1x125xi32, #tpu.memory_space<vmem>> -> memref<125xi32, #tpu.memory_space<vmem>>
          %dma_wait3A_83 = arith.constant 0 : i32
          %dma_wait3A_84 = arith.constant 0 : i32
          %dma_wait3A_85 = tpu.memref_slice %arg13[%dma_wait3A_83, %dma_wait3A_84] : memref<10000x128xf32, #tpu.memory_space<vmem_shared>> -> memref<10000x128xf32, #tpu.memory_space<vmem_shared>>
          tpu.wait_indirect_dma semaphore(%run_scoped3A : memref<!tpu.dma_semaphore, #tpu.memory_space<semaphore_mem>>) src(%arg10 : memref<125x128xf32, #tpu.memory_space<vmem>>) dst(%dma_wait3A_85 : memref<10000x128xf32, #tpu.memory_space<vmem_shared>>)
          tpu.yield
        }) : () -> ()
      }
      %scan3A_40 = arith.constant 20 : i32
    }
    %scan3A_11 = arith.constant 2 : i32
    %barrier3A_12 = arith.constant 0 : index
    tpu.barrier barrier_id(%barrier3A_12)
    %lt3A_13 = arith.constant 15 : i32
    %lt3A_14 = arith.cmpi slt, %arg1, %lt3A_13 : i32
    %convert_element_type3A_15 = arith.extui %lt3A_14 : i1 to i32
    %cond3A_16 = arith.constant 0 : i32
    %cond3A_17 = arith.cmpi ne, %convert_element_type3A_15, %cond3A_16 : i32
    scf.if %cond3A_17 {
      %mul3A_23 = arith.constant 640 : i32
      %mul3A_24 = arith.muli %arg1, %mul3A_23 : i32
      %mul3A_25 = arith.constant 640 : i32
      %mul3A_26 = arith.muli %arg1, %mul3A_25 : i32
      "tpu.region"() ({
        %run_scoped3A = tpu.sem_alloc : memref<!tpu.dma_semaphore, #tpu.memory_space<semaphore_mem>>
        %dma_start3A = arith.constant 0 : i32
        %dma_start3A_27 = arith.constant 0 : i32
        %dma_start3A_28 = tpu.memref_slice %arg6[%arg0, %dma_start3A, %dma_start3A_27] : memref<2x10000x128xf32, #tpu.memory_space<hbm>> -> memref<1x10000x128xf32, #tpu.memory_space<hbm>>
        %dma_start3A_29 = tpu.memref_squeeze %dma_start3A_28 : memref<1x10000x128xf32, #tpu.memory_space<hbm>> -> memref<10000x128xf32, #tpu.memory_space<hbm>>
        %dma_start3A_30 = arith.constant 0 : i32
        %dma_start3A_31 = tpu.memref_slice %dma_start3A_29[%mul3A_26, %dma_start3A_30] : memref<10000x128xf32, #tpu.memory_space<hbm>> -> memref<640x128xf32, #tpu.memory_space<hbm>>
        %dma_start3A_32 = arith.constant 0 : i32
        %dma_start3A_33 = tpu.memref_slice %arg13[%mul3A_24, %dma_start3A_32] : memref<10000x128xf32, #tpu.memory_space<vmem_shared>> -> memref<640x128xf32, #tpu.memory_space<vmem_shared>>
        tpu.enqueue_dma source(%dma_start3A_33 : memref<640x128xf32, #tpu.memory_space<vmem_shared>>) target(%dma_start3A_31 : memref<640x128xf32, #tpu.memory_space<hbm>>) target_semaphore(%run_scoped3A : memref<!tpu.dma_semaphore, #tpu.memory_space<semaphore_mem>>)
        %dma_wait3A = arith.constant 0 : i32
        %dma_wait3A_34 = arith.constant 0 : i32
        %dma_wait3A_35 = tpu.memref_slice %arg6[%arg0, %dma_wait3A, %dma_wait3A_34] : memref<2x10000x128xf32, #tpu.memory_space<hbm>> -> memref<1x10000x128xf32, #tpu.memory_space<hbm>>
        %dma_wait3A_36 = tpu.memref_squeeze %dma_wait3A_35 : memref<1x10000x128xf32, #tpu.memory_space<hbm>> -> memref<10000x128xf32, #tpu.memory_space<hbm>>
        %dma_wait3A_37 = arith.constant 0 : i32
        %dma_wait3A_38 = tpu.memref_slice %dma_wait3A_36[%mul3A_26, %dma_wait3A_37] : memref<10000x128xf32, #tpu.memory_space<hbm>> -> memref<640x128xf32, #tpu.memory_space<hbm>>
        %dma_wait3A_39 = arith.constant 0 : i32
        %dma_wait3A_40 = tpu.memref_slice %arg13[%mul3A_24, %dma_wait3A_39] : memref<10000x128xf32, #tpu.memory_space<vmem_shared>> -> memref<640x128xf32, #tpu.memory_space<vmem_shared>>
        tpu.wait_dma2 semaphore(%run_scoped3A : memref<!tpu.dma_semaphore, #tpu.memory_space<semaphore_mem>>) src(%dma_wait3A_40 : memref<640x128xf32, #tpu.memory_space<vmem_shared>>) dst(%dma_wait3A_38 : memref<640x128xf32, #tpu.memory_space<hbm>>)
        tpu.yield
      }) : () -> ()
    } else {
    }
    %eq3A_18 = arith.constant 15 : i32
    %eq3A_19 = arith.cmpi eq, %arg1, %eq3A_18 : i32
    %convert_element_type3A_20 = arith.extui %eq3A_19 : i1 to i32
    %cond3A_21 = arith.constant 0 : i32
    %cond3A_22 = arith.cmpi ne, %convert_element_type3A_20, %cond3A_21 : i32
    scf.if %cond3A_22 {
      "tpu.region"() ({
        %run_scoped3A = tpu.sem_alloc : memref<!tpu.dma_semaphore, #tpu.memory_space<semaphore_mem>>
        %dma_start3A = arith.constant 0 : i32
        %dma_start3A_23 = arith.constant 0 : i32
        %dma_start3A_24 = tpu.memref_slice %arg6[%arg0, %dma_start3A, %dma_start3A_23] : memref<2x10000x128xf32, #tpu.memory_space<hbm>> -> memref<1x10000x128xf32, #tpu.memory_space<hbm>>
        %dma_start3A_25 = tpu.memref_squeeze %dma_start3A_24 : memref<1x10000x128xf32, #tpu.memory_space<hbm>> -> memref<10000x128xf32, #tpu.memory_space<hbm>>
        %dma_start3A_26 = arith.constant 9600 : i32
        %dma_start3A_27 = arith.constant 0 : i32
        %dma_start3A_28 = tpu.memref_slice %dma_start3A_25[%dma_start3A_26, %dma_start3A_27] : memref<10000x128xf32, #tpu.memory_space<hbm>> -> memref<400x128xf32, #tpu.memory_space<hbm>>
        %dma_start3A_29 = arith.constant 9600 : i32
        %dma_start3A_30 = arith.constant 0 : i32
        %dma_start3A_31 = tpu.memref_slice %arg13[%dma_start3A_29, %dma_start3A_30] : memref<10000x128xf32, #tpu.memory_space<vmem_shared>> -> memref<400x128xf32, #tpu.memory_space<vmem_shared>>
        tpu.enqueue_dma source(%dma_start3A_31 : memref<400x128xf32, #tpu.memory_space<vmem_shared>>) target(%dma_start3A_28 : memref<400x128xf32, #tpu.memory_space<hbm>>) target_semaphore(%run_scoped3A : memref<!tpu.dma_semaphore, #tpu.memory_space<semaphore_mem>>)
        %dma_wait3A = arith.constant 0 : i32
        %dma_wait3A_32 = arith.constant 0 : i32
        %dma_wait3A_33 = tpu.memref_slice %arg6[%arg0, %dma_wait3A, %dma_wait3A_32] : memref<2x10000x128xf32, #tpu.memory_space<hbm>> -> memref<1x10000x128xf32, #tpu.memory_space<hbm>>
        %dma_wait3A_34 = tpu.memref_squeeze %dma_wait3A_33 : memref<1x10000x128xf32, #tpu.memory_space<hbm>> -> memref<10000x128xf32, #tpu.memory_space<hbm>>
        %dma_wait3A_35 = arith.constant 9600 : i32
        %dma_wait3A_36 = arith.constant 0 : i32
        %dma_wait3A_37 = tpu.memref_slice %dma_wait3A_34[%dma_wait3A_35, %dma_wait3A_36] : memref<10000x128xf32, #tpu.memory_space<hbm>> -> memref<400x128xf32, #tpu.memory_space<hbm>>
        %dma_wait3A_38 = arith.constant 9600 : i32
        %dma_wait3A_39 = arith.constant 0 : i32
        %dma_wait3A_40 = tpu.memref_slice %arg13[%dma_wait3A_38, %dma_wait3A_39] : memref<10000x128xf32, #tpu.memory_space<vmem_shared>> -> memref<400x128xf32, #tpu.memory_space<vmem_shared>>
        tpu.wait_dma2 semaphore(%run_scoped3A : memref<!tpu.dma_semaphore, #tpu.memory_space<semaphore_mem>>) src(%dma_wait3A_40 : memref<400x128xf32, #tpu.memory_space<vmem_shared>>) dst(%dma_wait3A_37 : memref<400x128xf32, #tpu.memory_space<hbm>>)
        tpu.yield
      }) : () -> ()
    } else {
    }
    return
  }
}

#map = affine_map<(d0, d1) -> (0, 0)>
#map1 = affine_map<(d0, d1) -> (0, 0, 0)>
module attributes {stable_mosaic.version = 14 : i64} {
  func.func @_deg_body(%arg0: i32, %arg1: i32, %arg2: memref<2560x125xi32, #tpu.memory_space<hbm>>, %arg3: memref<125x128xf32, #tpu.memory_space<hbm>>, %arg4: memref<10000x128xf32, #tpu.memory_space<hbm>>, %arg5: memref<2x10000x128xf32, #tpu.memory_space<hbm>>, %arg6: memref<80x125xi32, #tpu.memory_space<vmem>>, %arg7: memref<125x128xf32, #tpu.memory_space<vmem>>, %arg8: memref<!tpu.dma_semaphore, #tpu.memory_space<semaphore_mem>>, %arg9: memref<10000x128xf32, #tpu.memory_space<vmem_shared>>) attributes {dimension_semantics = [#tpu.dimension_semantics<core_parallel>, #tpu.dimension_semantics<subcore_parallel>], iteration_bounds = array<i64: 2, 16>, scalar_prefetch = 0 : i64, scratch_operands = 4 : i64, tpu.core_type = #tpu.core_type<sc_vector_subcore>, window_params = [{transform_indices = #map}, {transform_indices = #map}, {transform_indices = #map}, {transform_indices = #map1}]} {
    %mul3A = arith.constant 2 : i32
    %mul3A_0 = arith.muli %arg1, %mul3A : i32
    %add3A = arith.addi %mul3A_0, %arg0 : i32
    %lt3A = arith.constant 15 : i32
    %lt3A_1 = arith.cmpi slt, %arg1, %lt3A : i32
    %convert_element_type3A = arith.extui %lt3A_1 : i1 to i32
    %cond3A = arith.constant 0 : i32
    %cond3A_2 = arith.cmpi ne, %convert_element_type3A, %cond3A : i32
    scf.if %cond3A_2 {
      %mul3A_25 = arith.constant 640 : i32
      %mul3A_26 = arith.muli %arg1, %mul3A_25 : i32
      %mul3A_27 = arith.constant 640 : i32
      %mul3A_28 = arith.muli %arg1, %mul3A_27 : i32
      "tpu.region"() ({
        %run_scoped3A = tpu.sem_alloc : memref<!tpu.dma_semaphore, #tpu.memory_space<semaphore_mem>>
        %dma_start3A = arith.constant 0 : i32
        %dma_start3A_29 = tpu.memref_slice %arg9[%mul3A_28, %dma_start3A] : memref<10000x128xf32, #tpu.memory_space<vmem_shared>> -> memref<640x128xf32, #tpu.memory_space<vmem_shared>>
        %dma_start3A_30 = arith.constant 0 : i32
        %dma_start3A_31 = tpu.memref_slice %arg4[%mul3A_26, %dma_start3A_30] : memref<10000x128xf32, #tpu.memory_space<hbm>> -> memref<640x128xf32, #tpu.memory_space<hbm>>
        tpu.enqueue_dma source(%dma_start3A_31 : memref<640x128xf32, #tpu.memory_space<hbm>>) target(%dma_start3A_29 : memref<640x128xf32, #tpu.memory_space<vmem_shared>>) target_semaphore(%run_scoped3A : memref<!tpu.dma_semaphore, #tpu.memory_space<semaphore_mem>>)
        %dma_wait3A = arith.constant 0 : i32
        %dma_wait3A_32 = tpu.memref_slice %arg9[%mul3A_28, %dma_wait3A] : memref<10000x128xf32, #tpu.memory_space<vmem_shared>> -> memref<640x128xf32, #tpu.memory_space<vmem_shared>>
        %dma_wait3A_33 = arith.constant 0 : i32
        %dma_wait3A_34 = tpu.memref_slice %arg4[%mul3A_26, %dma_wait3A_33] : memref<10000x128xf32, #tpu.memory_space<hbm>> -> memref<640x128xf32, #tpu.memory_space<hbm>>
        tpu.wait_dma2 semaphore(%run_scoped3A : memref<!tpu.dma_semaphore, #tpu.memory_space<semaphore_mem>>) src(%dma_wait3A_34 : memref<640x128xf32, #tpu.memory_space<hbm>>) dst(%dma_wait3A_32 : memref<640x128xf32, #tpu.memory_space<vmem_shared>>)
        tpu.yield
      }) : () -> ()
    } else {
    }
    %eq3A = arith.constant 15 : i32
    %eq3A_3 = arith.cmpi eq, %arg1, %eq3A : i32
    %convert_element_type3A_4 = arith.extui %eq3A_3 : i1 to i32
    %cond3A_5 = arith.constant 0 : i32
    %cond3A_6 = arith.cmpi ne, %convert_element_type3A_4, %cond3A_5 : i32
    scf.if %cond3A_6 {
      "tpu.region"() ({
        %run_scoped3A = tpu.sem_alloc : memref<!tpu.dma_semaphore, #tpu.memory_space<semaphore_mem>>
        %dma_start3A = arith.constant 9600 : i32
        %dma_start3A_25 = arith.constant 0 : i32
        %dma_start3A_26 = tpu.memref_slice %arg9[%dma_start3A, %dma_start3A_25] : memref<10000x128xf32, #tpu.memory_space<vmem_shared>> -> memref<400x128xf32, #tpu.memory_space<vmem_shared>>
        %dma_start3A_27 = arith.constant 9600 : i32
        %dma_start3A_28 = arith.constant 0 : i32
        %dma_start3A_29 = tpu.memref_slice %arg4[%dma_start3A_27, %dma_start3A_28] : memref<10000x128xf32, #tpu.memory_space<hbm>> -> memref<400x128xf32, #tpu.memory_space<hbm>>
        tpu.enqueue_dma source(%dma_start3A_29 : memref<400x128xf32, #tpu.memory_space<hbm>>) target(%dma_start3A_26 : memref<400x128xf32, #tpu.memory_space<vmem_shared>>) target_semaphore(%run_scoped3A : memref<!tpu.dma_semaphore, #tpu.memory_space<semaphore_mem>>)
        %dma_wait3A = arith.constant 9600 : i32
        %dma_wait3A_30 = arith.constant 0 : i32
        %dma_wait3A_31 = tpu.memref_slice %arg9[%dma_wait3A, %dma_wait3A_30] : memref<10000x128xf32, #tpu.memory_space<vmem_shared>> -> memref<400x128xf32, #tpu.memory_space<vmem_shared>>
        %dma_wait3A_32 = arith.constant 9600 : i32
        %dma_wait3A_33 = arith.constant 0 : i32
        %dma_wait3A_34 = tpu.memref_slice %arg4[%dma_wait3A_32, %dma_wait3A_33] : memref<10000x128xf32, #tpu.memory_space<hbm>> -> memref<400x128xf32, #tpu.memory_space<hbm>>
        tpu.wait_dma2 semaphore(%run_scoped3A : memref<!tpu.dma_semaphore, #tpu.memory_space<semaphore_mem>>) src(%dma_wait3A_34 : memref<400x128xf32, #tpu.memory_space<hbm>>) dst(%dma_wait3A_31 : memref<400x128xf32, #tpu.memory_space<vmem_shared>>)
        tpu.yield
      }) : () -> ()
    } else {
    }
    "tpu.region"() ({
      %run_scoped3A = tpu.sem_alloc : memref<!tpu.dma_semaphore, #tpu.memory_space<semaphore_mem>>
      tpu.enqueue_dma source(%arg3 : memref<125x128xf32, #tpu.memory_space<hbm>>) target(%arg7 : memref<125x128xf32, #tpu.memory_space<vmem>>) target_semaphore(%run_scoped3A : memref<!tpu.dma_semaphore, #tpu.memory_space<semaphore_mem>>)
      tpu.wait_dma2 semaphore(%run_scoped3A : memref<!tpu.dma_semaphore, #tpu.memory_space<semaphore_mem>>) src(%arg3 : memref<125x128xf32, #tpu.memory_space<hbm>>) dst(%arg7 : memref<125x128xf32, #tpu.memory_space<vmem>>)
      tpu.yield
    }) : () -> ()
    %mul3A_7 = arith.constant 80 : i32
    %mul3A_8 = arith.muli %add3A, %mul3A_7 : i32
    "tpu.region"() ({
      %run_scoped3A = tpu.sem_alloc : memref<!tpu.dma_semaphore, #tpu.memory_space<semaphore_mem>>
      %dma_start3A = arith.constant 0 : i32
      %dma_start3A_25 = tpu.memref_slice %arg2[%mul3A_8, %dma_start3A] : memref<2560x125xi32, #tpu.memory_space<hbm>> -> memref<80x125xi32, #tpu.memory_space<hbm>>
      %dma_start3A_26 = arith.constant 0 : i32
      %dma_start3A_27 = tpu.memref_slice %arg2[%mul3A_8, %dma_start3A_26] : memref<2560x125xi32, #tpu.memory_space<hbm>> -> memref<80x125xi32, #tpu.memory_space<hbm>>
      tpu.enqueue_dma source(%dma_start3A_27 : memref<80x125xi32, #tpu.memory_space<hbm>>) target(%arg6 : memref<80x125xi32, #tpu.memory_space<vmem>>) target_semaphore(%run_scoped3A : memref<!tpu.dma_semaphore, #tpu.memory_space<semaphore_mem>>)
      %dma_wait3A = arith.constant 0 : i32
      %dma_wait3A_28 = tpu.memref_slice %arg2[%mul3A_8, %dma_wait3A] : memref<2560x125xi32, #tpu.memory_space<hbm>> -> memref<80x125xi32, #tpu.memory_space<hbm>>
      %dma_wait3A_29 = arith.constant 0 : i32
      %dma_wait3A_30 = tpu.memref_slice %arg2[%mul3A_8, %dma_wait3A_29] : memref<2560x125xi32, #tpu.memory_space<hbm>> -> memref<80x125xi32, #tpu.memory_space<hbm>>
      tpu.wait_dma2 semaphore(%run_scoped3A : memref<!tpu.dma_semaphore, #tpu.memory_space<semaphore_mem>>) src(%dma_wait3A_30 : memref<80x125xi32, #tpu.memory_space<hbm>>) dst(%arg6 : memref<80x125xi32, #tpu.memory_space<vmem>>)
      tpu.yield
    }) : () -> ()
    %barrier3A = arith.constant 0 : index
    tpu.barrier barrier_id(%barrier3A)
    %scan3A = arith.constant 0 : i32
    %scan3A_9 = arith.constant 0 : i32
    %scan3A_10 = arith.constant 10 : i32
    %scan3A_11 = arith.addi %scan3A_9, %scan3A_10 : i32
    %scan3A_12 = arith.constant 1 : i32
    scf.for %scan3A_25 = %scan3A_9 to %scan3A_11 step %scan3A_12  : i32 {
      %mul3A_26 = arith.constant 8 : i32
      %mul3A_27 = arith.muli %scan3A_25, %mul3A_26 : i32
      %add3A_28 = arith.constant 0 : i32
      %add3A_29 = arith.addi %mul3A_27, %add3A_28 : i32
      %dma_start3A = arith.constant 0 : i32
      %dma_start3A_30 = tpu.memref_slice %arg6[%add3A_29, %dma_start3A] : memref<80x125xi32, #tpu.memory_space<vmem>> -> memref<1x125xi32, #tpu.memory_space<vmem>>
      %dma_start3A_31 = tpu.memref_squeeze %dma_start3A_30 : memref<1x125xi32, #tpu.memory_space<vmem>> -> memref<125xi32, #tpu.memory_space<vmem>>
      %dma_start3A_32 = arith.constant 0 : i32
      %dma_start3A_33 = arith.constant 0 : i32
      %dma_start3A_34 = tpu.memref_slice %arg9[%dma_start3A_32, %dma_start3A_33] : memref<10000x128xf32, #tpu.memory_space<vmem_shared>> -> memref<10000x128xf32, #tpu.memory_space<vmem_shared>>
      tpu.enqueue_indirect_dma source(%arg7 : memref<125x128xf32, #tpu.memory_space<vmem>>) target(%dma_start3A_34 : memref<10000x128xf32, #tpu.memory_space<vmem_shared>>) offsets(%dma_start3A_31 : memref<125xi32, #tpu.memory_space<vmem>>) semaphore(%arg8 : memref<!tpu.dma_semaphore, #tpu.memory_space<semaphore_mem>>) {add = true}
      %mul3A_35 = arith.constant 8 : i32
      %mul3A_36 = arith.muli %scan3A_25, %mul3A_35 : i32
      %add3A_37 = arith.constant 1 : i32
      %add3A_38 = arith.addi %mul3A_36, %add3A_37 : i32
      %dma_start3A_39 = arith.constant 0 : i32
      %dma_start3A_40 = tpu.memref_slice %arg6[%add3A_38, %dma_start3A_39] : memref<80x125xi32, #tpu.memory_space<vmem>> -> memref<1x125xi32, #tpu.memory_space<vmem>>
      %dma_start3A_41 = tpu.memref_squeeze %dma_start3A_40 : memref<1x125xi32, #tpu.memory_space<vmem>> -> memref<125xi32, #tpu.memory_space<vmem>>
      %dma_start3A_42 = arith.constant 0 : i32
      %dma_start3A_43 = arith.constant 0 : i32
      %dma_start3A_44 = tpu.memref_slice %arg9[%dma_start3A_42, %dma_start3A_43] : memref<10000x128xf32, #tpu.memory_space<vmem_shared>> -> memref<10000x128xf32, #tpu.memory_space<vmem_shared>>
      tpu.enqueue_indirect_dma source(%arg7 : memref<125x128xf32, #tpu.memory_space<vmem>>) target(%dma_start3A_44 : memref<10000x128xf32, #tpu.memory_space<vmem_shared>>) offsets(%dma_start3A_41 : memref<125xi32, #tpu.memory_space<vmem>>) semaphore(%arg8 : memref<!tpu.dma_semaphore, #tpu.memory_space<semaphore_mem>>) {add = true}
      %mul3A_45 = arith.constant 8 : i32
      %mul3A_46 = arith.muli %scan3A_25, %mul3A_45 : i32
      %add3A_47 = arith.constant 2 : i32
      %add3A_48 = arith.addi %mul3A_46, %add3A_47 : i32
      %dma_start3A_49 = arith.constant 0 : i32
      %dma_start3A_50 = tpu.memref_slice %arg6[%add3A_48, %dma_start3A_49] : memref<80x125xi32, #tpu.memory_space<vmem>> -> memref<1x125xi32, #tpu.memory_space<vmem>>
      %dma_start3A_51 = tpu.memref_squeeze %dma_start3A_50 : memref<1x125xi32, #tpu.memory_space<vmem>> -> memref<125xi32, #tpu.memory_space<vmem>>
      %dma_start3A_52 = arith.constant 0 : i32
      %dma_start3A_53 = arith.constant 0 : i32
      %dma_start3A_54 = tpu.memref_slice %arg9[%dma_start3A_52, %dma_start3A_53] : memref<10000x128xf32, #tpu.memory_space<vmem_shared>> -> memref<10000x128xf32, #tpu.memory_space<vmem_shared>>
      tpu.enqueue_indirect_dma source(%arg7 : memref<125x128xf32, #tpu.memory_space<vmem>>) target(%dma_start3A_54 : memref<10000x128xf32, #tpu.memory_space<vmem_shared>>) offsets(%dma_start3A_51 : memref<125xi32, #tpu.memory_space<vmem>>) semaphore(%arg8 : memref<!tpu.dma_semaphore, #tpu.memory_space<semaphore_mem>>) {add = true}
      %mul3A_55 = arith.constant 8 : i32
      %mul3A_56 = arith.muli %scan3A_25, %mul3A_55 : i32
      %add3A_57 = arith.constant 3 : i32
      %add3A_58 = arith.addi %mul3A_56, %add3A_57 : i32
      %dma_start3A_59 = arith.constant 0 : i32
      %dma_start3A_60 = tpu.memref_slice %arg6[%add3A_58, %dma_start3A_59] : memref<80x125xi32, #tpu.memory_space<vmem>> -> memref<1x125xi32, #tpu.memory_space<vmem>>
      %dma_start3A_61 = tpu.memref_squeeze %dma_start3A_60 : memref<1x125xi32, #tpu.memory_space<vmem>> -> memref<125xi32, #tpu.memory_space<vmem>>
      %dma_start3A_62 = arith.constant 0 : i32
      %dma_start3A_63 = arith.constant 0 : i32
      %dma_start3A_64 = tpu.memref_slice %arg9[%dma_start3A_62, %dma_start3A_63] : memref<10000x128xf32, #tpu.memory_space<vmem_shared>> -> memref<10000x128xf32, #tpu.memory_space<vmem_shared>>
      tpu.enqueue_indirect_dma source(%arg7 : memref<125x128xf32, #tpu.memory_space<vmem>>) target(%dma_start3A_64 : memref<10000x128xf32, #tpu.memory_space<vmem_shared>>) offsets(%dma_start3A_61 : memref<125xi32, #tpu.memory_space<vmem>>) semaphore(%arg8 : memref<!tpu.dma_semaphore, #tpu.memory_space<semaphore_mem>>) {add = true}
      %mul3A_65 = arith.constant 8 : i32
      %mul3A_66 = arith.muli %scan3A_25, %mul3A_65 : i32
      %add3A_67 = arith.constant 4 : i32
      %add3A_68 = arith.addi %mul3A_66, %add3A_67 : i32
      %dma_start3A_69 = arith.constant 0 : i32
      %dma_start3A_70 = tpu.memref_slice %arg6[%add3A_68, %dma_start3A_69] : memref<80x125xi32, #tpu.memory_space<vmem>> -> memref<1x125xi32, #tpu.memory_space<vmem>>
      %dma_start3A_71 = tpu.memref_squeeze %dma_start3A_70 : memref<1x125xi32, #tpu.memory_space<vmem>> -> memref<125xi32, #tpu.memory_space<vmem>>
      %dma_start3A_72 = arith.constant 0 : i32
      %dma_start3A_73 = arith.constant 0 : i32
      %dma_start3A_74 = tpu.memref_slice %arg9[%dma_start3A_72, %dma_start3A_73] : memref<10000x128xf32, #tpu.memory_space<vmem_shared>> -> memref<10000x128xf32, #tpu.memory_space<vmem_shared>>
      tpu.enqueue_indirect_dma source(%arg7 : memref<125x128xf32, #tpu.memory_space<vmem>>) target(%dma_start3A_74 : memref<10000x128xf32, #tpu.memory_space<vmem_shared>>) offsets(%dma_start3A_71 : memref<125xi32, #tpu.memory_space<vmem>>) semaphore(%arg8 : memref<!tpu.dma_semaphore, #tpu.memory_space<semaphore_mem>>) {add = true}
      %mul3A_75 = arith.constant 8 : i32
      %mul3A_76 = arith.muli %scan3A_25, %mul3A_75 : i32
      %add3A_77 = arith.constant 5 : i32
      %add3A_78 = arith.addi %mul3A_76, %add3A_77 : i32
      %dma_start3A_79 = arith.constant 0 : i32
      %dma_start3A_80 = tpu.memref_slice %arg6[%add3A_78, %dma_start3A_79] : memref<80x125xi32, #tpu.memory_space<vmem>> -> memref<1x125xi32, #tpu.memory_space<vmem>>
      %dma_start3A_81 = tpu.memref_squeeze %dma_start3A_80 : memref<1x125xi32, #tpu.memory_space<vmem>> -> memref<125xi32, #tpu.memory_space<vmem>>
      %dma_start3A_82 = arith.constant 0 : i32
      %dma_start3A_83 = arith.constant 0 : i32
      %dma_start3A_84 = tpu.memref_slice %arg9[%dma_start3A_82, %dma_start3A_83] : memref<10000x128xf32, #tpu.memory_space<vmem_shared>> -> memref<10000x128xf32, #tpu.memory_space<vmem_shared>>
      tpu.enqueue_indirect_dma source(%arg7 : memref<125x128xf32, #tpu.memory_space<vmem>>) target(%dma_start3A_84 : memref<10000x128xf32, #tpu.memory_space<vmem_shared>>) offsets(%dma_start3A_81 : memref<125xi32, #tpu.memory_space<vmem>>) semaphore(%arg8 : memref<!tpu.dma_semaphore, #tpu.memory_space<semaphore_mem>>) {add = true}
      %mul3A_85 = arith.constant 8 : i32
      %mul3A_86 = arith.muli %scan3A_25, %mul3A_85 : i32
      %add3A_87 = arith.constant 6 : i32
      %add3A_88 = arith.addi %mul3A_86, %add3A_87 : i32
      %dma_start3A_89 = arith.constant 0 : i32
      %dma_start3A_90 = tpu.memref_slice %arg6[%add3A_88, %dma_start3A_89] : memref<80x125xi32, #tpu.memory_space<vmem>> -> memref<1x125xi32, #tpu.memory_space<vmem>>
      %dma_start3A_91 = tpu.memref_squeeze %dma_start3A_90 : memref<1x125xi32, #tpu.memory_space<vmem>> -> memref<125xi32, #tpu.memory_space<vmem>>
      %dma_start3A_92 = arith.constant 0 : i32
      %dma_start3A_93 = arith.constant 0 : i32
      %dma_start3A_94 = tpu.memref_slice %arg9[%dma_start3A_92, %dma_start3A_93] : memref<10000x128xf32, #tpu.memory_space<vmem_shared>> -> memref<10000x128xf32, #tpu.memory_space<vmem_shared>>
      tpu.enqueue_indirect_dma source(%arg7 : memref<125x128xf32, #tpu.memory_space<vmem>>) target(%dma_start3A_94 : memref<10000x128xf32, #tpu.memory_space<vmem_shared>>) offsets(%dma_start3A_91 : memref<125xi32, #tpu.memory_space<vmem>>) semaphore(%arg8 : memref<!tpu.dma_semaphore, #tpu.memory_space<semaphore_mem>>) {add = true}
      %mul3A_95 = arith.constant 8 : i32
      %mul3A_96 = arith.muli %scan3A_25, %mul3A_95 : i32
      %add3A_97 = arith.constant 7 : i32
      %add3A_98 = arith.addi %mul3A_96, %add3A_97 : i32
      %dma_start3A_99 = arith.constant 0 : i32
      %dma_start3A_100 = tpu.memref_slice %arg6[%add3A_98, %dma_start3A_99] : memref<80x125xi32, #tpu.memory_space<vmem>> -> memref<1x125xi32, #tpu.memory_space<vmem>>
      %dma_start3A_101 = tpu.memref_squeeze %dma_start3A_100 : memref<1x125xi32, #tpu.memory_space<vmem>> -> memref<125xi32, #tpu.memory_space<vmem>>
      %dma_start3A_102 = arith.constant 0 : i32
      %dma_start3A_103 = arith.constant 0 : i32
      %dma_start3A_104 = tpu.memref_slice %arg9[%dma_start3A_102, %dma_start3A_103] : memref<10000x128xf32, #tpu.memory_space<vmem_shared>> -> memref<10000x128xf32, #tpu.memory_space<vmem_shared>>
      tpu.enqueue_indirect_dma source(%arg7 : memref<125x128xf32, #tpu.memory_space<vmem>>) target(%dma_start3A_104 : memref<10000x128xf32, #tpu.memory_space<vmem_shared>>) offsets(%dma_start3A_101 : memref<125xi32, #tpu.memory_space<vmem>>) semaphore(%arg8 : memref<!tpu.dma_semaphore, #tpu.memory_space<semaphore_mem>>) {add = true}
      %dma_wait3A = arith.constant 0 : i32
      %dma_wait3A_105 = tpu.memref_slice %arg6[%add3A_29, %dma_wait3A] : memref<80x125xi32, #tpu.memory_space<vmem>> -> memref<1x125xi32, #tpu.memory_space<vmem>>
      %dma_wait3A_106 = tpu.memref_squeeze %dma_wait3A_105 : memref<1x125xi32, #tpu.memory_space<vmem>> -> memref<125xi32, #tpu.memory_space<vmem>>
      %dma_wait3A_107 = arith.constant 0 : i32
      %dma_wait3A_108 = arith.constant 0 : i32
      %dma_wait3A_109 = tpu.memref_slice %arg9[%dma_wait3A_107, %dma_wait3A_108] : memref<10000x128xf32, #tpu.memory_space<vmem_shared>> -> memref<10000x128xf32, #tpu.memory_space<vmem_shared>>
      tpu.wait_indirect_dma semaphore(%arg8 : memref<!tpu.dma_semaphore, #tpu.memory_space<semaphore_mem>>) src(%arg7 : memref<125x128xf32, #tpu.memory_space<vmem>>) dst(%dma_wait3A_109 : memref<10000x128xf32, #tpu.memory_space<vmem_shared>>)
      %dma_wait3A_110 = arith.constant 0 : i32
      %dma_wait3A_111 = tpu.memref_slice %arg6[%add3A_38, %dma_wait3A_110] : memref<80x125xi32, #tpu.memory_space<vmem>> -> memref<1x125xi32, #tpu.memory_space<vmem>>
      %dma_wait3A_112 = tpu.memref_squeeze %dma_wait3A_111 : memref<1x125xi32, #tpu.memory_space<vmem>> -> memref<125xi32, #tpu.memory_space<vmem>>
      %dma_wait3A_113 = arith.constant 0 : i32
      %dma_wait3A_114 = arith.constant 0 : i32
      %dma_wait3A_115 = tpu.memref_slice %arg9[%dma_wait3A_113, %dma_wait3A_114] : memref<10000x128xf32, #tpu.memory_space<vmem_shared>> -> memref<10000x128xf32, #tpu.memory_space<vmem_shared>>
      tpu.wait_indirect_dma semaphore(%arg8 : memref<!tpu.dma_semaphore, #tpu.memory_space<semaphore_mem>>) src(%arg7 : memref<125x128xf32, #tpu.memory_space<vmem>>) dst(%dma_wait3A_115 : memref<10000x128xf32, #tpu.memory_space<vmem_shared>>)
      %dma_wait3A_116 = arith.constant 0 : i32
      %dma_wait3A_117 = tpu.memref_slice %arg6[%add3A_48, %dma_wait3A_116] : memref<80x125xi32, #tpu.memory_space<vmem>> -> memref<1x125xi32, #tpu.memory_space<vmem>>
      %dma_wait3A_118 = tpu.memref_squeeze %dma_wait3A_117 : memref<1x125xi32, #tpu.memory_space<vmem>> -> memref<125xi32, #tpu.memory_space<vmem>>
      %dma_wait3A_119 = arith.constant 0 : i32
      %dma_wait3A_120 = arith.constant 0 : i32
      %dma_wait3A_121 = tpu.memref_slice %arg9[%dma_wait3A_119, %dma_wait3A_120] : memref<10000x128xf32, #tpu.memory_space<vmem_shared>> -> memref<10000x128xf32, #tpu.memory_space<vmem_shared>>
      tpu.wait_indirect_dma semaphore(%arg8 : memref<!tpu.dma_semaphore, #tpu.memory_space<semaphore_mem>>) src(%arg7 : memref<125x128xf32, #tpu.memory_space<vmem>>) dst(%dma_wait3A_121 : memref<10000x128xf32, #tpu.memory_space<vmem_shared>>)
      %dma_wait3A_122 = arith.constant 0 : i32
      %dma_wait3A_123 = tpu.memref_slice %arg6[%add3A_58, %dma_wait3A_122] : memref<80x125xi32, #tpu.memory_space<vmem>> -> memref<1x125xi32, #tpu.memory_space<vmem>>
      %dma_wait3A_124 = tpu.memref_squeeze %dma_wait3A_123 : memref<1x125xi32, #tpu.memory_space<vmem>> -> memref<125xi32, #tpu.memory_space<vmem>>
      %dma_wait3A_125 = arith.constant 0 : i32
      %dma_wait3A_126 = arith.constant 0 : i32
      %dma_wait3A_127 = tpu.memref_slice %arg9[%dma_wait3A_125, %dma_wait3A_126] : memref<10000x128xf32, #tpu.memory_space<vmem_shared>> -> memref<10000x128xf32, #tpu.memory_space<vmem_shared>>
      tpu.wait_indirect_dma semaphore(%arg8 : memref<!tpu.dma_semaphore, #tpu.memory_space<semaphore_mem>>) src(%arg7 : memref<125x128xf32, #tpu.memory_space<vmem>>) dst(%dma_wait3A_127 : memref<10000x128xf32, #tpu.memory_space<vmem_shared>>)
      %dma_wait3A_128 = arith.constant 0 : i32
      %dma_wait3A_129 = tpu.memref_slice %arg6[%add3A_68, %dma_wait3A_128] : memref<80x125xi32, #tpu.memory_space<vmem>> -> memref<1x125xi32, #tpu.memory_space<vmem>>
      %dma_wait3A_130 = tpu.memref_squeeze %dma_wait3A_129 : memref<1x125xi32, #tpu.memory_space<vmem>> -> memref<125xi32, #tpu.memory_space<vmem>>
      %dma_wait3A_131 = arith.constant 0 : i32
      %dma_wait3A_132 = arith.constant 0 : i32
      %dma_wait3A_133 = tpu.memref_slice %arg9[%dma_wait3A_131, %dma_wait3A_132] : memref<10000x128xf32, #tpu.memory_space<vmem_shared>> -> memref<10000x128xf32, #tpu.memory_space<vmem_shared>>
      tpu.wait_indirect_dma semaphore(%arg8 : memref<!tpu.dma_semaphore, #tpu.memory_space<semaphore_mem>>) src(%arg7 : memref<125x128xf32, #tpu.memory_space<vmem>>) dst(%dma_wait3A_133 : memref<10000x128xf32, #tpu.memory_space<vmem_shared>>)
      %dma_wait3A_134 = arith.constant 0 : i32
      %dma_wait3A_135 = tpu.memref_slice %arg6[%add3A_78, %dma_wait3A_134] : memref<80x125xi32, #tpu.memory_space<vmem>> -> memref<1x125xi32, #tpu.memory_space<vmem>>
      %dma_wait3A_136 = tpu.memref_squeeze %dma_wait3A_135 : memref<1x125xi32, #tpu.memory_space<vmem>> -> memref<125xi32, #tpu.memory_space<vmem>>
      %dma_wait3A_137 = arith.constant 0 : i32
      %dma_wait3A_138 = arith.constant 0 : i32
      %dma_wait3A_139 = tpu.memref_slice %arg9[%dma_wait3A_137, %dma_wait3A_138] : memref<10000x128xf32, #tpu.memory_space<vmem_shared>> -> memref<10000x128xf32, #tpu.memory_space<vmem_shared>>
      tpu.wait_indirect_dma semaphore(%arg8 : memref<!tpu.dma_semaphore, #tpu.memory_space<semaphore_mem>>) src(%arg7 : memref<125x128xf32, #tpu.memory_space<vmem>>) dst(%dma_wait3A_139 : memref<10000x128xf32, #tpu.memory_space<vmem_shared>>)
      %dma_wait3A_140 = arith.constant 0 : i32
      %dma_wait3A_141 = tpu.memref_slice %arg6[%add3A_88, %dma_wait3A_140] : memref<80x125xi32, #tpu.memory_space<vmem>> -> memref<1x125xi32, #tpu.memory_space<vmem>>
      %dma_wait3A_142 = tpu.memref_squeeze %dma_wait3A_141 : memref<1x125xi32, #tpu.memory_space<vmem>> -> memref<125xi32, #tpu.memory_space<vmem>>
      %dma_wait3A_143 = arith.constant 0 : i32
      %dma_wait3A_144 = arith.constant 0 : i32
      %dma_wait3A_145 = tpu.memref_slice %arg9[%dma_wait3A_143, %dma_wait3A_144] : memref<10000x128xf32, #tpu.memory_space<vmem_shared>> -> memref<10000x128xf32, #tpu.memory_space<vmem_shared>>
      tpu.wait_indirect_dma semaphore(%arg8 : memref<!tpu.dma_semaphore, #tpu.memory_space<semaphore_mem>>) src(%arg7 : memref<125x128xf32, #tpu.memory_space<vmem>>) dst(%dma_wait3A_145 : memref<10000x128xf32, #tpu.memory_space<vmem_shared>>)
      %dma_wait3A_146 = arith.constant 0 : i32
      %dma_wait3A_147 = tpu.memref_slice %arg6[%add3A_98, %dma_wait3A_146] : memref<80x125xi32, #tpu.memory_space<vmem>> -> memref<1x125xi32, #tpu.memory_space<vmem>>
      %dma_wait3A_148 = tpu.memref_squeeze %dma_wait3A_147 : memref<1x125xi32, #tpu.memory_space<vmem>> -> memref<125xi32, #tpu.memory_space<vmem>>
      %dma_wait3A_149 = arith.constant 0 : i32
      %dma_wait3A_150 = arith.constant 0 : i32
      %dma_wait3A_151 = tpu.memref_slice %arg9[%dma_wait3A_149, %dma_wait3A_150] : memref<10000x128xf32, #tpu.memory_space<vmem_shared>> -> memref<10000x128xf32, #tpu.memory_space<vmem_shared>>
      tpu.wait_indirect_dma semaphore(%arg8 : memref<!tpu.dma_semaphore, #tpu.memory_space<semaphore_mem>>) src(%arg7 : memref<125x128xf32, #tpu.memory_space<vmem>>) dst(%dma_wait3A_151 : memref<10000x128xf32, #tpu.memory_space<vmem_shared>>)
    }
    %scan3A_13 = arith.constant 10 : i32
    %barrier3A_14 = arith.constant 0 : index
    tpu.barrier barrier_id(%barrier3A_14)
    %lt3A_15 = arith.constant 15 : i32
    %lt3A_16 = arith.cmpi slt, %arg1, %lt3A_15 : i32
    %convert_element_type3A_17 = arith.extui %lt3A_16 : i1 to i32
    %cond3A_18 = arith.constant 0 : i32
    %cond3A_19 = arith.cmpi ne, %convert_element_type3A_17, %cond3A_18 : i32
    scf.if %cond3A_19 {
      %mul3A_25 = arith.constant 640 : i32
      %mul3A_26 = arith.muli %arg1, %mul3A_25 : i32
      %mul3A_27 = arith.constant 640 : i32
      %mul3A_28 = arith.muli %arg1, %mul3A_27 : i32
      "tpu.region"() ({
        %run_scoped3A = tpu.sem_alloc : memref<!tpu.dma_semaphore, #tpu.memory_space<semaphore_mem>>
        %dma_start3A = arith.constant 0 : i32
        %dma_start3A_29 = arith.constant 0 : i32
        %dma_start3A_30 = tpu.memref_slice %arg5[%arg0, %dma_start3A, %dma_start3A_29] : memref<2x10000x128xf32, #tpu.memory_space<hbm>> -> memref<1x10000x128xf32, #tpu.memory_space<hbm>>
        %dma_start3A_31 = tpu.memref_squeeze %dma_start3A_30 : memref<1x10000x128xf32, #tpu.memory_space<hbm>> -> memref<10000x128xf32, #tpu.memory_space<hbm>>
        %dma_start3A_32 = arith.constant 0 : i32
        %dma_start3A_33 = tpu.memref_slice %dma_start3A_31[%mul3A_28, %dma_start3A_32] : memref<10000x128xf32, #tpu.memory_space<hbm>> -> memref<640x128xf32, #tpu.memory_space<hbm>>
        %dma_start3A_34 = arith.constant 0 : i32
        %dma_start3A_35 = tpu.memref_slice %arg9[%mul3A_26, %dma_start3A_34] : memref<10000x128xf32, #tpu.memory_space<vmem_shared>> -> memref<640x128xf32, #tpu.memory_space<vmem_shared>>
        tpu.enqueue_dma source(%dma_start3A_35 : memref<640x128xf32, #tpu.memory_space<vmem_shared>>) target(%dma_start3A_33 : memref<640x128xf32, #tpu.memory_space<hbm>>) target_semaphore(%run_scoped3A : memref<!tpu.dma_semaphore, #tpu.memory_space<semaphore_mem>>)
        %dma_wait3A = arith.constant 0 : i32
        %dma_wait3A_36 = arith.constant 0 : i32
        %dma_wait3A_37 = tpu.memref_slice %arg5[%arg0, %dma_wait3A, %dma_wait3A_36] : memref<2x10000x128xf32, #tpu.memory_space<hbm>> -> memref<1x10000x128xf32, #tpu.memory_space<hbm>>
        %dma_wait3A_38 = tpu.memref_squeeze %dma_wait3A_37 : memref<1x10000x128xf32, #tpu.memory_space<hbm>> -> memref<10000x128xf32, #tpu.memory_space<hbm>>
        %dma_wait3A_39 = arith.constant 0 : i32
        %dma_wait3A_40 = tpu.memref_slice %dma_wait3A_38[%mul3A_28, %dma_wait3A_39] : memref<10000x128xf32, #tpu.memory_space<hbm>> -> memref<640x128xf32, #tpu.memory_space<hbm>>
        %dma_wait3A_41 = arith.constant 0 : i32
        %dma_wait3A_42 = tpu.memref_slice %arg9[%mul3A_26, %dma_wait3A_41] : memref<10000x128xf32, #tpu.memory_space<vmem_shared>> -> memref<640x128xf32, #tpu.memory_space<vmem_shared>>
        tpu.wait_dma2 semaphore(%run_scoped3A : memref<!tpu.dma_semaphore, #tpu.memory_space<semaphore_mem>>) src(%dma_wait3A_42 : memref<640x128xf32, #tpu.memory_space<vmem_shared>>) dst(%dma_wait3A_40 : memref<640x128xf32, #tpu.memory_space<hbm>>)
        tpu.yield
      }) : () -> ()
    } else {
    }
    %eq3A_20 = arith.constant 15 : i32
    %eq3A_21 = arith.cmpi eq, %arg1, %eq3A_20 : i32
    %convert_element_type3A_22 = arith.extui %eq3A_21 : i1 to i32
    %cond3A_23 = arith.constant 0 : i32
    %cond3A_24 = arith.cmpi ne, %convert_element_type3A_22, %cond3A_23 : i32
    scf.if %cond3A_24 {
      "tpu.region"() ({
        %run_scoped3A = tpu.sem_alloc : memref<!tpu.dma_semaphore, #tpu.memory_space<semaphore_mem>>
        %dma_start3A = arith.constant 0 : i32
        %dma_start3A_25 = arith.constant 0 : i32
        %dma_start3A_26 = tpu.memref_slice %arg5[%arg0, %dma_start3A, %dma_start3A_25] : memref<2x10000x128xf32, #tpu.memory_space<hbm>> -> memref<1x10000x128xf32, #tpu.memory_space<hbm>>
        %dma_start3A_27 = tpu.memref_squeeze %dma_start3A_26 : memref<1x10000x128xf32, #tpu.memory_space<hbm>> -> memref<10000x128xf32, #tpu.memory_space<hbm>>
        %dma_start3A_28 = arith.constant 9600 : i32
        %dma_start3A_29 = arith.constant 0 : i32
        %dma_start3A_30 = tpu.memref_slice %dma_start3A_27[%dma_start3A_28, %dma_start3A_29] : memref<10000x128xf32, #tpu.memory_space<hbm>> -> memref<400x128xf32, #tpu.memory_space<hbm>>
        %dma_start3A_31 = arith.constant 9600 : i32
        %dma_start3A_32 = arith.constant 0 : i32
        %dma_start3A_33 = tpu.memref_slice %arg9[%dma_start3A_31, %dma_start3A_32] : memref<10000x128xf32, #tpu.memory_space<vmem_shared>> -> memref<400x128xf32, #tpu.memory_space<vmem_shared>>
        tpu.enqueue_dma source(%dma_start3A_33 : memref<400x128xf32, #tpu.memory_space<vmem_shared>>) target(%dma_start3A_30 : memref<400x128xf32, #tpu.memory_space<hbm>>) target_semaphore(%run_scoped3A : memref<!tpu.dma_semaphore, #tpu.memory_space<semaphore_mem>>)
        %dma_wait3A = arith.constant 0 : i32
        %dma_wait3A_34 = arith.constant 0 : i32
        %dma_wait3A_35 = tpu.memref_slice %arg5[%arg0, %dma_wait3A, %dma_wait3A_34] : memref<2x10000x128xf32, #tpu.memory_space<hbm>> -> memref<1x10000x128xf32, #tpu.memory_space<hbm>>
        %dma_wait3A_36 = tpu.memref_squeeze %dma_wait3A_35 : memref<1x10000x128xf32, #tpu.memory_space<hbm>> -> memref<10000x128xf32, #tpu.memory_space<hbm>>
        %dma_wait3A_37 = arith.constant 9600 : i32
        %dma_wait3A_38 = arith.constant 0 : i32
        %dma_wait3A_39 = tpu.memref_slice %dma_wait3A_36[%dma_wait3A_37, %dma_wait3A_38] : memref<10000x128xf32, #tpu.memory_space<hbm>> -> memref<400x128xf32, #tpu.memory_space<hbm>>
        %dma_wait3A_40 = arith.constant 9600 : i32
        %dma_wait3A_41 = arith.constant 0 : i32
        %dma_wait3A_42 = tpu.memref_slice %arg9[%dma_wait3A_40, %dma_wait3A_41] : memref<10000x128xf32, #tpu.memory_space<vmem_shared>> -> memref<400x128xf32, #tpu.memory_space<vmem_shared>>
        tpu.wait_dma2 semaphore(%run_scoped3A : memref<!tpu.dma_semaphore, #tpu.memory_space<semaphore_mem>>) src(%dma_wait3A_42 : memref<400x128xf32, #tpu.memory_space<vmem_shared>>) dst(%dma_wait3A_39 : memref<400x128xf32, #tpu.memory_space<hbm>>)
        tpu.yield
      }) : () -> ()
    } else {
    }
    return
  }
}

#map = affine_map<(d0, d1) -> (0, 0)>
#map1 = affine_map<(d0, d1) -> (0, 0, 0)>
module attributes {stable_mosaic.version = 14 : i64} {
  func.func @_deg_body(%arg0: i32, %arg1: i32, %arg2: memref<2560x125xi32, #tpu.memory_space<hbm>>, %arg3: memref<125x128xf32, #tpu.memory_space<hbm>>, %arg4: memref<10000x128xf32, #tpu.memory_space<hbm>>, %arg5: memref<2x10000x128xf32, #tpu.memory_space<hbm>>, %arg6: memref<80x125xi32, #tpu.memory_space<vmem>>, %arg7: memref<125x128xf32, #tpu.memory_space<vmem>>, %arg8: memref<!tpu.dma_semaphore, #tpu.memory_space<semaphore_mem>>, %arg9: memref<10000x128xf32, #tpu.memory_space<vmem_shared>>) attributes {dimension_semantics = [#tpu.dimension_semantics<core_parallel>, #tpu.dimension_semantics<subcore_parallel>], iteration_bounds = array<i64: 2, 16>, scalar_prefetch = 0 : i64, scratch_operands = 4 : i64, tpu.core_type = #tpu.core_type<sc_vector_subcore>, window_params = [{transform_indices = #map}, {transform_indices = #map}, {transform_indices = #map}, {transform_indices = #map1}]} {
    %mul3A = arith.constant 2 : i32
    %mul3A_0 = arith.muli %arg1, %mul3A : i32
    %add3A = arith.addi %mul3A_0, %arg0 : i32
    %lt3A = arith.constant 15 : i32
    %lt3A_1 = arith.cmpi slt, %arg1, %lt3A : i32
    %convert_element_type3A = arith.extui %lt3A_1 : i1 to i32
    %cond3A = arith.constant 0 : i32
    %cond3A_2 = arith.cmpi ne, %convert_element_type3A, %cond3A : i32
    scf.if %cond3A_2 {
      %mul3A_25 = arith.constant 640 : i32
      %mul3A_26 = arith.muli %arg1, %mul3A_25 : i32
      %mul3A_27 = arith.constant 640 : i32
      %mul3A_28 = arith.muli %arg1, %mul3A_27 : i32
      "tpu.region"() ({
        %run_scoped3A = tpu.sem_alloc : memref<!tpu.dma_semaphore, #tpu.memory_space<semaphore_mem>>
        %dma_start3A = arith.constant 0 : i32
        %dma_start3A_29 = tpu.memref_slice %arg9[%mul3A_28, %dma_start3A] : memref<10000x128xf32, #tpu.memory_space<vmem_shared>> -> memref<640x128xf32, #tpu.memory_space<vmem_shared>>
        %dma_start3A_30 = arith.constant 0 : i32
        %dma_start3A_31 = tpu.memref_slice %arg4[%mul3A_26, %dma_start3A_30] : memref<10000x128xf32, #tpu.memory_space<hbm>> -> memref<640x128xf32, #tpu.memory_space<hbm>>
        tpu.enqueue_dma source(%dma_start3A_31 : memref<640x128xf32, #tpu.memory_space<hbm>>) target(%dma_start3A_29 : memref<640x128xf32, #tpu.memory_space<vmem_shared>>) target_semaphore(%run_scoped3A : memref<!tpu.dma_semaphore, #tpu.memory_space<semaphore_mem>>)
        %dma_wait3A = arith.constant 0 : i32
        %dma_wait3A_32 = tpu.memref_slice %arg9[%mul3A_28, %dma_wait3A] : memref<10000x128xf32, #tpu.memory_space<vmem_shared>> -> memref<640x128xf32, #tpu.memory_space<vmem_shared>>
        %dma_wait3A_33 = arith.constant 0 : i32
        %dma_wait3A_34 = tpu.memref_slice %arg4[%mul3A_26, %dma_wait3A_33] : memref<10000x128xf32, #tpu.memory_space<hbm>> -> memref<640x128xf32, #tpu.memory_space<hbm>>
        tpu.wait_dma2 semaphore(%run_scoped3A : memref<!tpu.dma_semaphore, #tpu.memory_space<semaphore_mem>>) src(%dma_wait3A_34 : memref<640x128xf32, #tpu.memory_space<hbm>>) dst(%dma_wait3A_32 : memref<640x128xf32, #tpu.memory_space<vmem_shared>>)
        tpu.yield
      }) : () -> ()
    } else {
    }
    %eq3A = arith.constant 15 : i32
    %eq3A_3 = arith.cmpi eq, %arg1, %eq3A : i32
    %convert_element_type3A_4 = arith.extui %eq3A_3 : i1 to i32
    %cond3A_5 = arith.constant 0 : i32
    %cond3A_6 = arith.cmpi ne, %convert_element_type3A_4, %cond3A_5 : i32
    scf.if %cond3A_6 {
      "tpu.region"() ({
        %run_scoped3A = tpu.sem_alloc : memref<!tpu.dma_semaphore, #tpu.memory_space<semaphore_mem>>
        %dma_start3A = arith.constant 9600 : i32
        %dma_start3A_25 = arith.constant 0 : i32
        %dma_start3A_26 = tpu.memref_slice %arg9[%dma_start3A, %dma_start3A_25] : memref<10000x128xf32, #tpu.memory_space<vmem_shared>> -> memref<400x128xf32, #tpu.memory_space<vmem_shared>>
        %dma_start3A_27 = arith.constant 9600 : i32
        %dma_start3A_28 = arith.constant 0 : i32
        %dma_start3A_29 = tpu.memref_slice %arg4[%dma_start3A_27, %dma_start3A_28] : memref<10000x128xf32, #tpu.memory_space<hbm>> -> memref<400x128xf32, #tpu.memory_space<hbm>>
        tpu.enqueue_dma source(%dma_start3A_29 : memref<400x128xf32, #tpu.memory_space<hbm>>) target(%dma_start3A_26 : memref<400x128xf32, #tpu.memory_space<vmem_shared>>) target_semaphore(%run_scoped3A : memref<!tpu.dma_semaphore, #tpu.memory_space<semaphore_mem>>)
        %dma_wait3A = arith.constant 9600 : i32
        %dma_wait3A_30 = arith.constant 0 : i32
        %dma_wait3A_31 = tpu.memref_slice %arg9[%dma_wait3A, %dma_wait3A_30] : memref<10000x128xf32, #tpu.memory_space<vmem_shared>> -> memref<400x128xf32, #tpu.memory_space<vmem_shared>>
        %dma_wait3A_32 = arith.constant 9600 : i32
        %dma_wait3A_33 = arith.constant 0 : i32
        %dma_wait3A_34 = tpu.memref_slice %arg4[%dma_wait3A_32, %dma_wait3A_33] : memref<10000x128xf32, #tpu.memory_space<hbm>> -> memref<400x128xf32, #tpu.memory_space<hbm>>
        tpu.wait_dma2 semaphore(%run_scoped3A : memref<!tpu.dma_semaphore, #tpu.memory_space<semaphore_mem>>) src(%dma_wait3A_34 : memref<400x128xf32, #tpu.memory_space<hbm>>) dst(%dma_wait3A_31 : memref<400x128xf32, #tpu.memory_space<vmem_shared>>)
        tpu.yield
      }) : () -> ()
    } else {
    }
    "tpu.region"() ({
      %run_scoped3A = tpu.sem_alloc : memref<!tpu.dma_semaphore, #tpu.memory_space<semaphore_mem>>
      tpu.enqueue_dma source(%arg3 : memref<125x128xf32, #tpu.memory_space<hbm>>) target(%arg7 : memref<125x128xf32, #tpu.memory_space<vmem>>) target_semaphore(%run_scoped3A : memref<!tpu.dma_semaphore, #tpu.memory_space<semaphore_mem>>)
      tpu.wait_dma2 semaphore(%run_scoped3A : memref<!tpu.dma_semaphore, #tpu.memory_space<semaphore_mem>>) src(%arg3 : memref<125x128xf32, #tpu.memory_space<hbm>>) dst(%arg7 : memref<125x128xf32, #tpu.memory_space<vmem>>)
      tpu.yield
    }) : () -> ()
    %mul3A_7 = arith.constant 80 : i32
    %mul3A_8 = arith.muli %add3A, %mul3A_7 : i32
    "tpu.region"() ({
      %run_scoped3A = tpu.sem_alloc : memref<!tpu.dma_semaphore, #tpu.memory_space<semaphore_mem>>
      %dma_start3A = arith.constant 0 : i32
      %dma_start3A_25 = tpu.memref_slice %arg2[%mul3A_8, %dma_start3A] : memref<2560x125xi32, #tpu.memory_space<hbm>> -> memref<80x125xi32, #tpu.memory_space<hbm>>
      %dma_start3A_26 = arith.constant 0 : i32
      %dma_start3A_27 = tpu.memref_slice %arg2[%mul3A_8, %dma_start3A_26] : memref<2560x125xi32, #tpu.memory_space<hbm>> -> memref<80x125xi32, #tpu.memory_space<hbm>>
      tpu.enqueue_dma source(%dma_start3A_27 : memref<80x125xi32, #tpu.memory_space<hbm>>) target(%arg6 : memref<80x125xi32, #tpu.memory_space<vmem>>) target_semaphore(%run_scoped3A : memref<!tpu.dma_semaphore, #tpu.memory_space<semaphore_mem>>)
      %dma_wait3A = arith.constant 0 : i32
      %dma_wait3A_28 = tpu.memref_slice %arg2[%mul3A_8, %dma_wait3A] : memref<2560x125xi32, #tpu.memory_space<hbm>> -> memref<80x125xi32, #tpu.memory_space<hbm>>
      %dma_wait3A_29 = arith.constant 0 : i32
      %dma_wait3A_30 = tpu.memref_slice %arg2[%mul3A_8, %dma_wait3A_29] : memref<2560x125xi32, #tpu.memory_space<hbm>> -> memref<80x125xi32, #tpu.memory_space<hbm>>
      tpu.wait_dma2 semaphore(%run_scoped3A : memref<!tpu.dma_semaphore, #tpu.memory_space<semaphore_mem>>) src(%dma_wait3A_30 : memref<80x125xi32, #tpu.memory_space<hbm>>) dst(%arg6 : memref<80x125xi32, #tpu.memory_space<vmem>>)
      tpu.yield
    }) : () -> ()
    %barrier3A = arith.constant 0 : index
    tpu.barrier barrier_id(%barrier3A)
    %scan3A = arith.constant 0 : i32
    %scan3A_9 = arith.constant 0 : i32
    %scan3A_10 = arith.constant 10 : i32
    %scan3A_11 = arith.addi %scan3A_9, %scan3A_10 : i32
    %scan3A_12 = arith.constant 1 : i32
    scf.for %scan3A_25 = %scan3A_9 to %scan3A_11 step %scan3A_12  : i32 {
      %mul3A_26 = arith.constant 8 : i32
      %mul3A_27 = arith.muli %scan3A_25, %mul3A_26 : i32
      %add3A_28 = arith.constant 0 : i32
      %add3A_29 = arith.addi %mul3A_27, %add3A_28 : i32
      %dma_start3A = arith.constant 0 : i32
      %dma_start3A_30 = tpu.memref_slice %arg6[%add3A_29, %dma_start3A] : memref<80x125xi32, #tpu.memory_space<vmem>> -> memref<1x125xi32, #tpu.memory_space<vmem>>
      %dma_start3A_31 = tpu.memref_squeeze %dma_start3A_30 : memref<1x125xi32, #tpu.memory_space<vmem>> -> memref<125xi32, #tpu.memory_space<vmem>>
      %dma_start3A_32 = arith.constant 0 : i32
      %dma_start3A_33 = arith.constant 0 : i32
      %dma_start3A_34 = tpu.memref_slice %arg9[%dma_start3A_32, %dma_start3A_33] : memref<10000x128xf32, #tpu.memory_space<vmem_shared>> -> memref<10000x128xf32, #tpu.memory_space<vmem_shared>>
      tpu.enqueue_indirect_dma source(%arg7 : memref<125x128xf32, #tpu.memory_space<vmem>>) target(%dma_start3A_34 : memref<10000x128xf32, #tpu.memory_space<vmem_shared>>) offsets(%dma_start3A_31 : memref<125xi32, #tpu.memory_space<vmem>>) semaphore(%arg8 : memref<!tpu.dma_semaphore, #tpu.memory_space<semaphore_mem>>) {add = true}
      %mul3A_35 = arith.constant 8 : i32
      %mul3A_36 = arith.muli %scan3A_25, %mul3A_35 : i32
      %add3A_37 = arith.constant 1 : i32
      %add3A_38 = arith.addi %mul3A_36, %add3A_37 : i32
      %dma_start3A_39 = arith.constant 0 : i32
      %dma_start3A_40 = tpu.memref_slice %arg6[%add3A_38, %dma_start3A_39] : memref<80x125xi32, #tpu.memory_space<vmem>> -> memref<1x125xi32, #tpu.memory_space<vmem>>
      %dma_start3A_41 = tpu.memref_squeeze %dma_start3A_40 : memref<1x125xi32, #tpu.memory_space<vmem>> -> memref<125xi32, #tpu.memory_space<vmem>>
      %dma_start3A_42 = arith.constant 0 : i32
      %dma_start3A_43 = arith.constant 0 : i32
      %dma_start3A_44 = tpu.memref_slice %arg9[%dma_start3A_42, %dma_start3A_43] : memref<10000x128xf32, #tpu.memory_space<vmem_shared>> -> memref<10000x128xf32, #tpu.memory_space<vmem_shared>>
      tpu.enqueue_indirect_dma source(%arg7 : memref<125x128xf32, #tpu.memory_space<vmem>>) target(%dma_start3A_44 : memref<10000x128xf32, #tpu.memory_space<vmem_shared>>) offsets(%dma_start3A_41 : memref<125xi32, #tpu.memory_space<vmem>>) semaphore(%arg8 : memref<!tpu.dma_semaphore, #tpu.memory_space<semaphore_mem>>) {add = true}
      %mul3A_45 = arith.constant 8 : i32
      %mul3A_46 = arith.muli %scan3A_25, %mul3A_45 : i32
      %add3A_47 = arith.constant 2 : i32
      %add3A_48 = arith.addi %mul3A_46, %add3A_47 : i32
      %dma_start3A_49 = arith.constant 0 : i32
      %dma_start3A_50 = tpu.memref_slice %arg6[%add3A_48, %dma_start3A_49] : memref<80x125xi32, #tpu.memory_space<vmem>> -> memref<1x125xi32, #tpu.memory_space<vmem>>
      %dma_start3A_51 = tpu.memref_squeeze %dma_start3A_50 : memref<1x125xi32, #tpu.memory_space<vmem>> -> memref<125xi32, #tpu.memory_space<vmem>>
      %dma_start3A_52 = arith.constant 0 : i32
      %dma_start3A_53 = arith.constant 0 : i32
      %dma_start3A_54 = tpu.memref_slice %arg9[%dma_start3A_52, %dma_start3A_53] : memref<10000x128xf32, #tpu.memory_space<vmem_shared>> -> memref<10000x128xf32, #tpu.memory_space<vmem_shared>>
      tpu.enqueue_indirect_dma source(%arg7 : memref<125x128xf32, #tpu.memory_space<vmem>>) target(%dma_start3A_54 : memref<10000x128xf32, #tpu.memory_space<vmem_shared>>) offsets(%dma_start3A_51 : memref<125xi32, #tpu.memory_space<vmem>>) semaphore(%arg8 : memref<!tpu.dma_semaphore, #tpu.memory_space<semaphore_mem>>) {add = true}
      %mul3A_55 = arith.constant 8 : i32
      %mul3A_56 = arith.muli %scan3A_25, %mul3A_55 : i32
      %add3A_57 = arith.constant 3 : i32
      %add3A_58 = arith.addi %mul3A_56, %add3A_57 : i32
      %dma_start3A_59 = arith.constant 0 : i32
      %dma_start3A_60 = tpu.memref_slice %arg6[%add3A_58, %dma_start3A_59] : memref<80x125xi32, #tpu.memory_space<vmem>> -> memref<1x125xi32, #tpu.memory_space<vmem>>
      %dma_start3A_61 = tpu.memref_squeeze %dma_start3A_60 : memref<1x125xi32, #tpu.memory_space<vmem>> -> memref<125xi32, #tpu.memory_space<vmem>>
      %dma_start3A_62 = arith.constant 0 : i32
      %dma_start3A_63 = arith.constant 0 : i32
      %dma_start3A_64 = tpu.memref_slice %arg9[%dma_start3A_62, %dma_start3A_63] : memref<10000x128xf32, #tpu.memory_space<vmem_shared>> -> memref<10000x128xf32, #tpu.memory_space<vmem_shared>>
      tpu.enqueue_indirect_dma source(%arg7 : memref<125x128xf32, #tpu.memory_space<vmem>>) target(%dma_start3A_64 : memref<10000x128xf32, #tpu.memory_space<vmem_shared>>) offsets(%dma_start3A_61 : memref<125xi32, #tpu.memory_space<vmem>>) semaphore(%arg8 : memref<!tpu.dma_semaphore, #tpu.memory_space<semaphore_mem>>) {add = true}
      %mul3A_65 = arith.constant 8 : i32
      %mul3A_66 = arith.muli %scan3A_25, %mul3A_65 : i32
      %add3A_67 = arith.constant 4 : i32
      %add3A_68 = arith.addi %mul3A_66, %add3A_67 : i32
      %dma_start3A_69 = arith.constant 0 : i32
      %dma_start3A_70 = tpu.memref_slice %arg6[%add3A_68, %dma_start3A_69] : memref<80x125xi32, #tpu.memory_space<vmem>> -> memref<1x125xi32, #tpu.memory_space<vmem>>
      %dma_start3A_71 = tpu.memref_squeeze %dma_start3A_70 : memref<1x125xi32, #tpu.memory_space<vmem>> -> memref<125xi32, #tpu.memory_space<vmem>>
      %dma_start3A_72 = arith.constant 0 : i32
      %dma_start3A_73 = arith.constant 0 : i32
      %dma_start3A_74 = tpu.memref_slice %arg9[%dma_start3A_72, %dma_start3A_73] : memref<10000x128xf32, #tpu.memory_space<vmem_shared>> -> memref<10000x128xf32, #tpu.memory_space<vmem_shared>>
      tpu.enqueue_indirect_dma source(%arg7 : memref<125x128xf32, #tpu.memory_space<vmem>>) target(%dma_start3A_74 : memref<10000x128xf32, #tpu.memory_space<vmem_shared>>) offsets(%dma_start3A_71 : memref<125xi32, #tpu.memory_space<vmem>>) semaphore(%arg8 : memref<!tpu.dma_semaphore, #tpu.memory_space<semaphore_mem>>) {add = true}
      %mul3A_75 = arith.constant 8 : i32
      %mul3A_76 = arith.muli %scan3A_25, %mul3A_75 : i32
      %add3A_77 = arith.constant 5 : i32
      %add3A_78 = arith.addi %mul3A_76, %add3A_77 : i32
      %dma_start3A_79 = arith.constant 0 : i32
      %dma_start3A_80 = tpu.memref_slice %arg6[%add3A_78, %dma_start3A_79] : memref<80x125xi32, #tpu.memory_space<vmem>> -> memref<1x125xi32, #tpu.memory_space<vmem>>
      %dma_start3A_81 = tpu.memref_squeeze %dma_start3A_80 : memref<1x125xi32, #tpu.memory_space<vmem>> -> memref<125xi32, #tpu.memory_space<vmem>>
      %dma_start3A_82 = arith.constant 0 : i32
      %dma_start3A_83 = arith.constant 0 : i32
      %dma_start3A_84 = tpu.memref_slice %arg9[%dma_start3A_82, %dma_start3A_83] : memref<10000x128xf32, #tpu.memory_space<vmem_shared>> -> memref<10000x128xf32, #tpu.memory_space<vmem_shared>>
      tpu.enqueue_indirect_dma source(%arg7 : memref<125x128xf32, #tpu.memory_space<vmem>>) target(%dma_start3A_84 : memref<10000x128xf32, #tpu.memory_space<vmem_shared>>) offsets(%dma_start3A_81 : memref<125xi32, #tpu.memory_space<vmem>>) semaphore(%arg8 : memref<!tpu.dma_semaphore, #tpu.memory_space<semaphore_mem>>) {add = true}
      %mul3A_85 = arith.constant 8 : i32
      %mul3A_86 = arith.muli %scan3A_25, %mul3A_85 : i32
      %add3A_87 = arith.constant 6 : i32
      %add3A_88 = arith.addi %mul3A_86, %add3A_87 : i32
      %dma_start3A_89 = arith.constant 0 : i32
      %dma_start3A_90 = tpu.memref_slice %arg6[%add3A_88, %dma_start3A_89] : memref<80x125xi32, #tpu.memory_space<vmem>> -> memref<1x125xi32, #tpu.memory_space<vmem>>
      %dma_start3A_91 = tpu.memref_squeeze %dma_start3A_90 : memref<1x125xi32, #tpu.memory_space<vmem>> -> memref<125xi32, #tpu.memory_space<vmem>>
      %dma_start3A_92 = arith.constant 0 : i32
      %dma_start3A_93 = arith.constant 0 : i32
      %dma_start3A_94 = tpu.memref_slice %arg9[%dma_start3A_92, %dma_start3A_93] : memref<10000x128xf32, #tpu.memory_space<vmem_shared>> -> memref<10000x128xf32, #tpu.memory_space<vmem_shared>>
      tpu.enqueue_indirect_dma source(%arg7 : memref<125x128xf32, #tpu.memory_space<vmem>>) target(%dma_start3A_94 : memref<10000x128xf32, #tpu.memory_space<vmem_shared>>) offsets(%dma_start3A_91 : memref<125xi32, #tpu.memory_space<vmem>>) semaphore(%arg8 : memref<!tpu.dma_semaphore, #tpu.memory_space<semaphore_mem>>) {add = true}
      %mul3A_95 = arith.constant 8 : i32
      %mul3A_96 = arith.muli %scan3A_25, %mul3A_95 : i32
      %add3A_97 = arith.constant 7 : i32
      %add3A_98 = arith.addi %mul3A_96, %add3A_97 : i32
      %dma_start3A_99 = arith.constant 0 : i32
      %dma_start3A_100 = tpu.memref_slice %arg6[%add3A_98, %dma_start3A_99] : memref<80x125xi32, #tpu.memory_space<vmem>> -> memref<1x125xi32, #tpu.memory_space<vmem>>
      %dma_start3A_101 = tpu.memref_squeeze %dma_start3A_100 : memref<1x125xi32, #tpu.memory_space<vmem>> -> memref<125xi32, #tpu.memory_space<vmem>>
      %dma_start3A_102 = arith.constant 0 : i32
      %dma_start3A_103 = arith.constant 0 : i32
      %dma_start3A_104 = tpu.memref_slice %arg9[%dma_start3A_102, %dma_start3A_103] : memref<10000x128xf32, #tpu.memory_space<vmem_shared>> -> memref<10000x128xf32, #tpu.memory_space<vmem_shared>>
      tpu.enqueue_indirect_dma source(%arg7 : memref<125x128xf32, #tpu.memory_space<vmem>>) target(%dma_start3A_104 : memref<10000x128xf32, #tpu.memory_space<vmem_shared>>) offsets(%dma_start3A_101 : memref<125xi32, #tpu.memory_space<vmem>>) semaphore(%arg8 : memref<!tpu.dma_semaphore, #tpu.memory_space<semaphore_mem>>) {add = true}
      %dma_wait3A = arith.constant 0 : i32
      %dma_wait3A_105 = tpu.memref_slice %arg6[%add3A_29, %dma_wait3A] : memref<80x125xi32, #tpu.memory_space<vmem>> -> memref<1x125xi32, #tpu.memory_space<vmem>>
      %dma_wait3A_106 = tpu.memref_squeeze %dma_wait3A_105 : memref<1x125xi32, #tpu.memory_space<vmem>> -> memref<125xi32, #tpu.memory_space<vmem>>
      %dma_wait3A_107 = arith.constant 0 : i32
      %dma_wait3A_108 = arith.constant 0 : i32
      %dma_wait3A_109 = tpu.memref_slice %arg9[%dma_wait3A_107, %dma_wait3A_108] : memref<10000x128xf32, #tpu.memory_space<vmem_shared>> -> memref<10000x128xf32, #tpu.memory_space<vmem_shared>>
      tpu.wait_indirect_dma semaphore(%arg8 : memref<!tpu.dma_semaphore, #tpu.memory_space<semaphore_mem>>) src(%arg7 : memref<125x128xf32, #tpu.memory_space<vmem>>) dst(%dma_wait3A_109 : memref<10000x128xf32, #tpu.memory_space<vmem_shared>>)
      %dma_wait3A_110 = arith.constant 0 : i32
      %dma_wait3A_111 = tpu.memref_slice %arg6[%add3A_38, %dma_wait3A_110] : memref<80x125xi32, #tpu.memory_space<vmem>> -> memref<1x125xi32, #tpu.memory_space<vmem>>
      %dma_wait3A_112 = tpu.memref_squeeze %dma_wait3A_111 : memref<1x125xi32, #tpu.memory_space<vmem>> -> memref<125xi32, #tpu.memory_space<vmem>>
      %dma_wait3A_113 = arith.constant 0 : i32
      %dma_wait3A_114 = arith.constant 0 : i32
      %dma_wait3A_115 = tpu.memref_slice %arg9[%dma_wait3A_113, %dma_wait3A_114] : memref<10000x128xf32, #tpu.memory_space<vmem_shared>> -> memref<10000x128xf32, #tpu.memory_space<vmem_shared>>
      tpu.wait_indirect_dma semaphore(%arg8 : memref<!tpu.dma_semaphore, #tpu.memory_space<semaphore_mem>>) src(%arg7 : memref<125x128xf32, #tpu.memory_space<vmem>>) dst(%dma_wait3A_115 : memref<10000x128xf32, #tpu.memory_space<vmem_shared>>)
      %dma_wait3A_116 = arith.constant 0 : i32
      %dma_wait3A_117 = tpu.memref_slice %arg6[%add3A_48, %dma_wait3A_116] : memref<80x125xi32, #tpu.memory_space<vmem>> -> memref<1x125xi32, #tpu.memory_space<vmem>>
      %dma_wait3A_118 = tpu.memref_squeeze %dma_wait3A_117 : memref<1x125xi32, #tpu.memory_space<vmem>> -> memref<125xi32, #tpu.memory_space<vmem>>
      %dma_wait3A_119 = arith.constant 0 : i32
      %dma_wait3A_120 = arith.constant 0 : i32
      %dma_wait3A_121 = tpu.memref_slice %arg9[%dma_wait3A_119, %dma_wait3A_120] : memref<10000x128xf32, #tpu.memory_space<vmem_shared>> -> memref<10000x128xf32, #tpu.memory_space<vmem_shared>>
      tpu.wait_indirect_dma semaphore(%arg8 : memref<!tpu.dma_semaphore, #tpu.memory_space<semaphore_mem>>) src(%arg7 : memref<125x128xf32, #tpu.memory_space<vmem>>) dst(%dma_wait3A_121 : memref<10000x128xf32, #tpu.memory_space<vmem_shared>>)
      %dma_wait3A_122 = arith.constant 0 : i32
      %dma_wait3A_123 = tpu.memref_slice %arg6[%add3A_58, %dma_wait3A_122] : memref<80x125xi32, #tpu.memory_space<vmem>> -> memref<1x125xi32, #tpu.memory_space<vmem>>
      %dma_wait3A_124 = tpu.memref_squeeze %dma_wait3A_123 : memref<1x125xi32, #tpu.memory_space<vmem>> -> memref<125xi32, #tpu.memory_space<vmem>>
      %dma_wait3A_125 = arith.constant 0 : i32
      %dma_wait3A_126 = arith.constant 0 : i32
      %dma_wait3A_127 = tpu.memref_slice %arg9[%dma_wait3A_125, %dma_wait3A_126] : memref<10000x128xf32, #tpu.memory_space<vmem_shared>> -> memref<10000x128xf32, #tpu.memory_space<vmem_shared>>
      tpu.wait_indirect_dma semaphore(%arg8 : memref<!tpu.dma_semaphore, #tpu.memory_space<semaphore_mem>>) src(%arg7 : memref<125x128xf32, #tpu.memory_space<vmem>>) dst(%dma_wait3A_127 : memref<10000x128xf32, #tpu.memory_space<vmem_shared>>)
      %dma_wait3A_128 = arith.constant 0 : i32
      %dma_wait3A_129 = tpu.memref_slice %arg6[%add3A_68, %dma_wait3A_128] : memref<80x125xi32, #tpu.memory_space<vmem>> -> memref<1x125xi32, #tpu.memory_space<vmem>>
      %dma_wait3A_130 = tpu.memref_squeeze %dma_wait3A_129 : memref<1x125xi32, #tpu.memory_space<vmem>> -> memref<125xi32, #tpu.memory_space<vmem>>
      %dma_wait3A_131 = arith.constant 0 : i32
      %dma_wait3A_132 = arith.constant 0 : i32
      %dma_wait3A_133 = tpu.memref_slice %arg9[%dma_wait3A_131, %dma_wait3A_132] : memref<10000x128xf32, #tpu.memory_space<vmem_shared>> -> memref<10000x128xf32, #tpu.memory_space<vmem_shared>>
      tpu.wait_indirect_dma semaphore(%arg8 : memref<!tpu.dma_semaphore, #tpu.memory_space<semaphore_mem>>) src(%arg7 : memref<125x128xf32, #tpu.memory_space<vmem>>) dst(%dma_wait3A_133 : memref<10000x128xf32, #tpu.memory_space<vmem_shared>>)
      %dma_wait3A_134 = arith.constant 0 : i32
      %dma_wait3A_135 = tpu.memref_slice %arg6[%add3A_78, %dma_wait3A_134] : memref<80x125xi32, #tpu.memory_space<vmem>> -> memref<1x125xi32, #tpu.memory_space<vmem>>
      %dma_wait3A_136 = tpu.memref_squeeze %dma_wait3A_135 : memref<1x125xi32, #tpu.memory_space<vmem>> -> memref<125xi32, #tpu.memory_space<vmem>>
      %dma_wait3A_137 = arith.constant 0 : i32
      %dma_wait3A_138 = arith.constant 0 : i32
      %dma_wait3A_139 = tpu.memref_slice %arg9[%dma_wait3A_137, %dma_wait3A_138] : memref<10000x128xf32, #tpu.memory_space<vmem_shared>> -> memref<10000x128xf32, #tpu.memory_space<vmem_shared>>
      tpu.wait_indirect_dma semaphore(%arg8 : memref<!tpu.dma_semaphore, #tpu.memory_space<semaphore_mem>>) src(%arg7 : memref<125x128xf32, #tpu.memory_space<vmem>>) dst(%dma_wait3A_139 : memref<10000x128xf32, #tpu.memory_space<vmem_shared>>)
      %dma_wait3A_140 = arith.constant 0 : i32
      %dma_wait3A_141 = tpu.memref_slice %arg6[%add3A_88, %dma_wait3A_140] : memref<80x125xi32, #tpu.memory_space<vmem>> -> memref<1x125xi32, #tpu.memory_space<vmem>>
      %dma_wait3A_142 = tpu.memref_squeeze %dma_wait3A_141 : memref<1x125xi32, #tpu.memory_space<vmem>> -> memref<125xi32, #tpu.memory_space<vmem>>
      %dma_wait3A_143 = arith.constant 0 : i32
      %dma_wait3A_144 = arith.constant 0 : i32
      %dma_wait3A_145 = tpu.memref_slice %arg9[%dma_wait3A_143, %dma_wait3A_144] : memref<10000x128xf32, #tpu.memory_space<vmem_shared>> -> memref<10000x128xf32, #tpu.memory_space<vmem_shared>>
      tpu.wait_indirect_dma semaphore(%arg8 : memref<!tpu.dma_semaphore, #tpu.memory_space<semaphore_mem>>) src(%arg7 : memref<125x128xf32, #tpu.memory_space<vmem>>) dst(%dma_wait3A_145 : memref<10000x128xf32, #tpu.memory_space<vmem_shared>>)
      %dma_wait3A_146 = arith.constant 0 : i32
      %dma_wait3A_147 = tpu.memref_slice %arg6[%add3A_98, %dma_wait3A_146] : memref<80x125xi32, #tpu.memory_space<vmem>> -> memref<1x125xi32, #tpu.memory_space<vmem>>
      %dma_wait3A_148 = tpu.memref_squeeze %dma_wait3A_147 : memref<1x125xi32, #tpu.memory_space<vmem>> -> memref<125xi32, #tpu.memory_space<vmem>>
      %dma_wait3A_149 = arith.constant 0 : i32
      %dma_wait3A_150 = arith.constant 0 : i32
      %dma_wait3A_151 = tpu.memref_slice %arg9[%dma_wait3A_149, %dma_wait3A_150] : memref<10000x128xf32, #tpu.memory_space<vmem_shared>> -> memref<10000x128xf32, #tpu.memory_space<vmem_shared>>
      tpu.wait_indirect_dma semaphore(%arg8 : memref<!tpu.dma_semaphore, #tpu.memory_space<semaphore_mem>>) src(%arg7 : memref<125x128xf32, #tpu.memory_space<vmem>>) dst(%dma_wait3A_151 : memref<10000x128xf32, #tpu.memory_space<vmem_shared>>)
    }
    %scan3A_13 = arith.constant 10 : i32
    %barrier3A_14 = arith.constant 0 : index
    tpu.barrier barrier_id(%barrier3A_14)
    %lt3A_15 = arith.constant 15 : i32
    %lt3A_16 = arith.cmpi slt, %arg1, %lt3A_15 : i32
    %convert_element_type3A_17 = arith.extui %lt3A_16 : i1 to i32
    %cond3A_18 = arith.constant 0 : i32
    %cond3A_19 = arith.cmpi ne, %convert_element_type3A_17, %cond3A_18 : i32
    scf.if %cond3A_19 {
      %mul3A_25 = arith.constant 640 : i32
      %mul3A_26 = arith.muli %arg1, %mul3A_25 : i32
      %mul3A_27 = arith.constant 640 : i32
      %mul3A_28 = arith.muli %arg1, %mul3A_27 : i32
      "tpu.region"() ({
        %run_scoped3A = tpu.sem_alloc : memref<!tpu.dma_semaphore, #tpu.memory_space<semaphore_mem>>
        %dma_start3A = arith.constant 0 : i32
        %dma_start3A_29 = arith.constant 0 : i32
        %dma_start3A_30 = tpu.memref_slice %arg5[%arg0, %dma_start3A, %dma_start3A_29] : memref<2x10000x128xf32, #tpu.memory_space<hbm>> -> memref<1x10000x128xf32, #tpu.memory_space<hbm>>
        %dma_start3A_31 = tpu.memref_squeeze %dma_start3A_30 : memref<1x10000x128xf32, #tpu.memory_space<hbm>> -> memref<10000x128xf32, #tpu.memory_space<hbm>>
        %dma_start3A_32 = arith.constant 0 : i32
        %dma_start3A_33 = tpu.memref_slice %dma_start3A_31[%mul3A_28, %dma_start3A_32] : memref<10000x128xf32, #tpu.memory_space<hbm>> -> memref<640x128xf32, #tpu.memory_space<hbm>>
        %dma_start3A_34 = arith.constant 0 : i32
        %dma_start3A_35 = tpu.memref_slice %arg9[%mul3A_26, %dma_start3A_34] : memref<10000x128xf32, #tpu.memory_space<vmem_shared>> -> memref<640x128xf32, #tpu.memory_space<vmem_shared>>
        tpu.enqueue_dma source(%dma_start3A_35 : memref<640x128xf32, #tpu.memory_space<vmem_shared>>) target(%dma_start3A_33 : memref<640x128xf32, #tpu.memory_space<hbm>>) target_semaphore(%run_scoped3A : memref<!tpu.dma_semaphore, #tpu.memory_space<semaphore_mem>>)
        %dma_wait3A = arith.constant 0 : i32
        %dma_wait3A_36 = arith.constant 0 : i32
        %dma_wait3A_37 = tpu.memref_slice %arg5[%arg0, %dma_wait3A, %dma_wait3A_36] : memref<2x10000x128xf32, #tpu.memory_space<hbm>> -> memref<1x10000x128xf32, #tpu.memory_space<hbm>>
        %dma_wait3A_38 = tpu.memref_squeeze %dma_wait3A_37 : memref<1x10000x128xf32, #tpu.memory_space<hbm>> -> memref<10000x128xf32, #tpu.memory_space<hbm>>
        %dma_wait3A_39 = arith.constant 0 : i32
        %dma_wait3A_40 = tpu.memref_slice %dma_wait3A_38[%mul3A_28, %dma_wait3A_39] : memref<10000x128xf32, #tpu.memory_space<hbm>> -> memref<640x128xf32, #tpu.memory_space<hbm>>
        %dma_wait3A_41 = arith.constant 0 : i32
        %dma_wait3A_42 = tpu.memref_slice %arg9[%mul3A_26, %dma_wait3A_41] : memref<10000x128xf32, #tpu.memory_space<vmem_shared>> -> memref<640x128xf32, #tpu.memory_space<vmem_shared>>
        tpu.wait_dma2 semaphore(%run_scoped3A : memref<!tpu.dma_semaphore, #tpu.memory_space<semaphore_mem>>) src(%dma_wait3A_42 : memref<640x128xf32, #tpu.memory_space<vmem_shared>>) dst(%dma_wait3A_40 : memref<640x128xf32, #tpu.memory_space<hbm>>)
        tpu.yield
      }) : () -> ()
    } else {
    }
    %eq3A_20 = arith.constant 15 : i32
    %eq3A_21 = arith.cmpi eq, %arg1, %eq3A_20 : i32
    %convert_element_type3A_22 = arith.extui %eq3A_21 : i1 to i32
    %cond3A_23 = arith.constant 0 : i32
    %cond3A_24 = arith.cmpi ne, %convert_element_type3A_22, %cond3A_23 : i32
    scf.if %cond3A_24 {
      "tpu.region"() ({
        %run_scoped3A = tpu.sem_alloc : memref<!tpu.dma_semaphore, #tpu.memory_space<semaphore_mem>>
        %dma_start3A = arith.constant 0 : i32
        %dma_start3A_25 = arith.constant 0 : i32
        %dma_start3A_26 = tpu.memref_slice %arg5[%arg0, %dma_start3A, %dma_start3A_25] : memref<2x10000x128xf32, #tpu.memory_space<hbm>> -> memref<1x10000x128xf32, #tpu.memory_space<hbm>>
        %dma_start3A_27 = tpu.memref_squeeze %dma_start3A_26 : memref<1x10000x128xf32, #tpu.memory_space<hbm>> -> memref<10000x128xf32, #tpu.memory_space<hbm>>
        %dma_start3A_28 = arith.constant 9600 : i32
        %dma_start3A_29 = arith.constant 0 : i32
        %dma_start3A_30 = tpu.memref_slice %dma_start3A_27[%dma_start3A_28, %dma_start3A_29] : memref<10000x128xf32, #tpu.memory_space<hbm>> -> memref<400x128xf32, #tpu.memory_space<hbm>>
        %dma_start3A_31 = arith.constant 9600 : i32
        %dma_start3A_32 = arith.constant 0 : i32
        %dma_start3A_33 = tpu.memref_slice %arg9[%dma_start3A_31, %dma_start3A_32] : memref<10000x128xf32, #tpu.memory_space<vmem_shared>> -> memref<400x128xf32, #tpu.memory_space<vmem_shared>>
        tpu.enqueue_dma source(%dma_start3A_33 : memref<400x128xf32, #tpu.memory_space<vmem_shared>>) target(%dma_start3A_30 : memref<400x128xf32, #tpu.memory_space<hbm>>) target_semaphore(%run_scoped3A : memref<!tpu.dma_semaphore, #tpu.memory_space<semaphore_mem>>)
        %dma_wait3A = arith.constant 0 : i32
        %dma_wait3A_34 = arith.constant 0 : i32
        %dma_wait3A_35 = tpu.memref_slice %arg5[%arg0, %dma_wait3A, %dma_wait3A_34] : memref<2x10000x128xf32, #tpu.memory_space<hbm>> -> memref<1x10000x128xf32, #tpu.memory_space<hbm>>
        %dma_wait3A_36 = tpu.memref_squeeze %dma_wait3A_35 : memref<1x10000x128xf32, #tpu.memory_space<hbm>> -> memref<10000x128xf32, #tpu.memory_space<hbm>>
        %dma_wait3A_37 = arith.constant 9600 : i32
        %dma_wait3A_38 = arith.constant 0 : i32
        %dma_wait3A_39 = tpu.memref_slice %dma_wait3A_36[%dma_wait3A_37, %dma_wait3A_38] : memref<10000x128xf32, #tpu.memory_space<hbm>> -> memref<400x128xf32, #tpu.memory_space<hbm>>
        %dma_wait3A_40 = arith.constant 9600 : i32
        %dma_wait3A_41 = arith.constant 0 : i32
        %dma_wait3A_42 = tpu.memref_slice %arg9[%dma_wait3A_40, %dma_wait3A_41] : memref<10000x128xf32, #tpu.memory_space<vmem_shared>> -> memref<400x128xf32, #tpu.memory_space<vmem_shared>>
        tpu.wait_dma2 semaphore(%run_scoped3A : memref<!tpu.dma_semaphore, #tpu.memory_space<semaphore_mem>>) src(%dma_wait3A_42 : memref<400x128xf32, #tpu.memory_space<vmem_shared>>) dst(%dma_wait3A_39 : memref<400x128xf32, #tpu.memory_space<hbm>>)
        tpu.yield
      }) : () -> ()
    } else {
    }
    return
  }
}

#map = affine_map<(d0, d1) -> (0, 0)>
#map1 = affine_map<(d0, d1) -> (0, 0, 0)>
module attributes {stable_mosaic.version = 14 : i64} {
  func.func @_deg_body(%arg0: i32, %arg1: i32, %arg2: memref<2560x125xi32, #tpu.memory_space<hbm>>, %arg3: memref<125x128xf32, #tpu.memory_space<hbm>>, %arg4: memref<10000x128xf32, #tpu.memory_space<hbm>>, %arg5: memref<2x10000x128xf32, #tpu.memory_space<hbm>>, %arg6: memref<80x125xi32, #tpu.memory_space<vmem>>, %arg7: memref<125x128xf32, #tpu.memory_space<vmem>>, %arg8: memref<!tpu.dma_semaphore, #tpu.memory_space<semaphore_mem>>, %arg9: memref<10000x128xf32, #tpu.memory_space<vmem_shared>>) attributes {dimension_semantics = [#tpu.dimension_semantics<core_parallel>, #tpu.dimension_semantics<subcore_parallel>], iteration_bounds = array<i64: 2, 16>, scalar_prefetch = 0 : i64, scratch_operands = 4 : i64, tpu.core_type = #tpu.core_type<sc_vector_subcore>, window_params = [{transform_indices = #map}, {transform_indices = #map}, {transform_indices = #map}, {transform_indices = #map1}]} {
    %mul3A = arith.constant 2 : i32
    %mul3A_0 = arith.muli %arg1, %mul3A : i32
    %add3A = arith.addi %mul3A_0, %arg0 : i32
    %lt3A = arith.constant 15 : i32
    %lt3A_1 = arith.cmpi slt, %arg1, %lt3A : i32
    %convert_element_type3A = arith.extui %lt3A_1 : i1 to i32
    %cond3A = arith.constant 0 : i32
    %cond3A_2 = arith.cmpi ne, %convert_element_type3A, %cond3A : i32
    scf.if %cond3A_2 {
      %mul3A_25 = arith.constant 640 : i32
      %mul3A_26 = arith.muli %arg1, %mul3A_25 : i32
      %mul3A_27 = arith.constant 640 : i32
      %mul3A_28 = arith.muli %arg1, %mul3A_27 : i32
      "tpu.region"() ({
        %run_scoped3A = tpu.sem_alloc : memref<!tpu.dma_semaphore, #tpu.memory_space<semaphore_mem>>
        %dma_start3A = arith.constant 0 : i32
        %dma_start3A_29 = tpu.memref_slice %arg9[%mul3A_28, %dma_start3A] : memref<10000x128xf32, #tpu.memory_space<vmem_shared>> -> memref<640x128xf32, #tpu.memory_space<vmem_shared>>
        %dma_start3A_30 = arith.constant 0 : i32
        %dma_start3A_31 = tpu.memref_slice %arg4[%mul3A_26, %dma_start3A_30] : memref<10000x128xf32, #tpu.memory_space<hbm>> -> memref<640x128xf32, #tpu.memory_space<hbm>>
        tpu.enqueue_dma source(%dma_start3A_31 : memref<640x128xf32, #tpu.memory_space<hbm>>) target(%dma_start3A_29 : memref<640x128xf32, #tpu.memory_space<vmem_shared>>) target_semaphore(%run_scoped3A : memref<!tpu.dma_semaphore, #tpu.memory_space<semaphore_mem>>)
        %dma_wait3A = arith.constant 0 : i32
        %dma_wait3A_32 = tpu.memref_slice %arg9[%mul3A_28, %dma_wait3A] : memref<10000x128xf32, #tpu.memory_space<vmem_shared>> -> memref<640x128xf32, #tpu.memory_space<vmem_shared>>
        %dma_wait3A_33 = arith.constant 0 : i32
        %dma_wait3A_34 = tpu.memref_slice %arg4[%mul3A_26, %dma_wait3A_33] : memref<10000x128xf32, #tpu.memory_space<hbm>> -> memref<640x128xf32, #tpu.memory_space<hbm>>
        tpu.wait_dma2 semaphore(%run_scoped3A : memref<!tpu.dma_semaphore, #tpu.memory_space<semaphore_mem>>) src(%dma_wait3A_34 : memref<640x128xf32, #tpu.memory_space<hbm>>) dst(%dma_wait3A_32 : memref<640x128xf32, #tpu.memory_space<vmem_shared>>)
        tpu.yield
      }) : () -> ()
    } else {
    }
    %eq3A = arith.constant 15 : i32
    %eq3A_3 = arith.cmpi eq, %arg1, %eq3A : i32
    %convert_element_type3A_4 = arith.extui %eq3A_3 : i1 to i32
    %cond3A_5 = arith.constant 0 : i32
    %cond3A_6 = arith.cmpi ne, %convert_element_type3A_4, %cond3A_5 : i32
    scf.if %cond3A_6 {
      "tpu.region"() ({
        %run_scoped3A = tpu.sem_alloc : memref<!tpu.dma_semaphore, #tpu.memory_space<semaphore_mem>>
        %dma_start3A = arith.constant 9600 : i32
        %dma_start3A_25 = arith.constant 0 : i32
        %dma_start3A_26 = tpu.memref_slice %arg9[%dma_start3A, %dma_start3A_25] : memref<10000x128xf32, #tpu.memory_space<vmem_shared>> -> memref<400x128xf32, #tpu.memory_space<vmem_shared>>
        %dma_start3A_27 = arith.constant 9600 : i32
        %dma_start3A_28 = arith.constant 0 : i32
        %dma_start3A_29 = tpu.memref_slice %arg4[%dma_start3A_27, %dma_start3A_28] : memref<10000x128xf32, #tpu.memory_space<hbm>> -> memref<400x128xf32, #tpu.memory_space<hbm>>
        tpu.enqueue_dma source(%dma_start3A_29 : memref<400x128xf32, #tpu.memory_space<hbm>>) target(%dma_start3A_26 : memref<400x128xf32, #tpu.memory_space<vmem_shared>>) target_semaphore(%run_scoped3A : memref<!tpu.dma_semaphore, #tpu.memory_space<semaphore_mem>>)
        %dma_wait3A = arith.constant 9600 : i32
        %dma_wait3A_30 = arith.constant 0 : i32
        %dma_wait3A_31 = tpu.memref_slice %arg9[%dma_wait3A, %dma_wait3A_30] : memref<10000x128xf32, #tpu.memory_space<vmem_shared>> -> memref<400x128xf32, #tpu.memory_space<vmem_shared>>
        %dma_wait3A_32 = arith.constant 9600 : i32
        %dma_wait3A_33 = arith.constant 0 : i32
        %dma_wait3A_34 = tpu.memref_slice %arg4[%dma_wait3A_32, %dma_wait3A_33] : memref<10000x128xf32, #tpu.memory_space<hbm>> -> memref<400x128xf32, #tpu.memory_space<hbm>>
        tpu.wait_dma2 semaphore(%run_scoped3A : memref<!tpu.dma_semaphore, #tpu.memory_space<semaphore_mem>>) src(%dma_wait3A_34 : memref<400x128xf32, #tpu.memory_space<hbm>>) dst(%dma_wait3A_31 : memref<400x128xf32, #tpu.memory_space<vmem_shared>>)
        tpu.yield
      }) : () -> ()
    } else {
    }
    "tpu.region"() ({
      %run_scoped3A = tpu.sem_alloc : memref<!tpu.dma_semaphore, #tpu.memory_space<semaphore_mem>>
      tpu.enqueue_dma source(%arg3 : memref<125x128xf32, #tpu.memory_space<hbm>>) target(%arg7 : memref<125x128xf32, #tpu.memory_space<vmem>>) target_semaphore(%run_scoped3A : memref<!tpu.dma_semaphore, #tpu.memory_space<semaphore_mem>>)
      tpu.wait_dma2 semaphore(%run_scoped3A : memref<!tpu.dma_semaphore, #tpu.memory_space<semaphore_mem>>) src(%arg3 : memref<125x128xf32, #tpu.memory_space<hbm>>) dst(%arg7 : memref<125x128xf32, #tpu.memory_space<vmem>>)
      tpu.yield
    }) : () -> ()
    %mul3A_7 = arith.constant 80 : i32
    %mul3A_8 = arith.muli %add3A, %mul3A_7 : i32
    "tpu.region"() ({
      %run_scoped3A = tpu.sem_alloc : memref<!tpu.dma_semaphore, #tpu.memory_space<semaphore_mem>>
      %dma_start3A = arith.constant 0 : i32
      %dma_start3A_25 = tpu.memref_slice %arg2[%mul3A_8, %dma_start3A] : memref<2560x125xi32, #tpu.memory_space<hbm>> -> memref<80x125xi32, #tpu.memory_space<hbm>>
      %dma_start3A_26 = arith.constant 0 : i32
      %dma_start3A_27 = tpu.memref_slice %arg2[%mul3A_8, %dma_start3A_26] : memref<2560x125xi32, #tpu.memory_space<hbm>> -> memref<80x125xi32, #tpu.memory_space<hbm>>
      tpu.enqueue_dma source(%dma_start3A_27 : memref<80x125xi32, #tpu.memory_space<hbm>>) target(%arg6 : memref<80x125xi32, #tpu.memory_space<vmem>>) target_semaphore(%run_scoped3A : memref<!tpu.dma_semaphore, #tpu.memory_space<semaphore_mem>>)
      %dma_wait3A = arith.constant 0 : i32
      %dma_wait3A_28 = tpu.memref_slice %arg2[%mul3A_8, %dma_wait3A] : memref<2560x125xi32, #tpu.memory_space<hbm>> -> memref<80x125xi32, #tpu.memory_space<hbm>>
      %dma_wait3A_29 = arith.constant 0 : i32
      %dma_wait3A_30 = tpu.memref_slice %arg2[%mul3A_8, %dma_wait3A_29] : memref<2560x125xi32, #tpu.memory_space<hbm>> -> memref<80x125xi32, #tpu.memory_space<hbm>>
      tpu.wait_dma2 semaphore(%run_scoped3A : memref<!tpu.dma_semaphore, #tpu.memory_space<semaphore_mem>>) src(%dma_wait3A_30 : memref<80x125xi32, #tpu.memory_space<hbm>>) dst(%arg6 : memref<80x125xi32, #tpu.memory_space<vmem>>)
      tpu.yield
    }) : () -> ()
    %barrier3A = arith.constant 0 : index
    tpu.barrier barrier_id(%barrier3A)
    %scan3A = arith.constant 0 : i32
    %scan3A_9 = arith.constant 0 : i32
    %scan3A_10 = arith.constant 10 : i32
    %scan3A_11 = arith.addi %scan3A_9, %scan3A_10 : i32
    %scan3A_12 = arith.constant 1 : i32
    scf.for %scan3A_25 = %scan3A_9 to %scan3A_11 step %scan3A_12  : i32 {
      %mul3A_26 = arith.constant 8 : i32
      %mul3A_27 = arith.muli %scan3A_25, %mul3A_26 : i32
      %add3A_28 = arith.constant 0 : i32
      %add3A_29 = arith.addi %mul3A_27, %add3A_28 : i32
      %dma_start3A = arith.constant 0 : i32
      %dma_start3A_30 = tpu.memref_slice %arg6[%add3A_29, %dma_start3A] : memref<80x125xi32, #tpu.memory_space<vmem>> -> memref<1x125xi32, #tpu.memory_space<vmem>>
      %dma_start3A_31 = tpu.memref_squeeze %dma_start3A_30 : memref<1x125xi32, #tpu.memory_space<vmem>> -> memref<125xi32, #tpu.memory_space<vmem>>
      %dma_start3A_32 = arith.constant 0 : i32
      %dma_start3A_33 = arith.constant 0 : i32
      %dma_start3A_34 = tpu.memref_slice %arg9[%dma_start3A_32, %dma_start3A_33] : memref<10000x128xf32, #tpu.memory_space<vmem_shared>> -> memref<10000x128xf32, #tpu.memory_space<vmem_shared>>
      tpu.enqueue_indirect_dma source(%arg7 : memref<125x128xf32, #tpu.memory_space<vmem>>) target(%dma_start3A_34 : memref<10000x128xf32, #tpu.memory_space<vmem_shared>>) offsets(%dma_start3A_31 : memref<125xi32, #tpu.memory_space<vmem>>) semaphore(%arg8 : memref<!tpu.dma_semaphore, #tpu.memory_space<semaphore_mem>>) {add = true}
      %mul3A_35 = arith.constant 8 : i32
      %mul3A_36 = arith.muli %scan3A_25, %mul3A_35 : i32
      %add3A_37 = arith.constant 1 : i32
      %add3A_38 = arith.addi %mul3A_36, %add3A_37 : i32
      %dma_start3A_39 = arith.constant 0 : i32
      %dma_start3A_40 = tpu.memref_slice %arg6[%add3A_38, %dma_start3A_39] : memref<80x125xi32, #tpu.memory_space<vmem>> -> memref<1x125xi32, #tpu.memory_space<vmem>>
      %dma_start3A_41 = tpu.memref_squeeze %dma_start3A_40 : memref<1x125xi32, #tpu.memory_space<vmem>> -> memref<125xi32, #tpu.memory_space<vmem>>
      %dma_start3A_42 = arith.constant 0 : i32
      %dma_start3A_43 = arith.constant 0 : i32
      %dma_start3A_44 = tpu.memref_slice %arg9[%dma_start3A_42, %dma_start3A_43] : memref<10000x128xf32, #tpu.memory_space<vmem_shared>> -> memref<10000x128xf32, #tpu.memory_space<vmem_shared>>
      tpu.enqueue_indirect_dma source(%arg7 : memref<125x128xf32, #tpu.memory_space<vmem>>) target(%dma_start3A_44 : memref<10000x128xf32, #tpu.memory_space<vmem_shared>>) offsets(%dma_start3A_41 : memref<125xi32, #tpu.memory_space<vmem>>) semaphore(%arg8 : memref<!tpu.dma_semaphore, #tpu.memory_space<semaphore_mem>>) {add = true}
      %mul3A_45 = arith.constant 8 : i32
      %mul3A_46 = arith.muli %scan3A_25, %mul3A_45 : i32
      %add3A_47 = arith.constant 2 : i32
      %add3A_48 = arith.addi %mul3A_46, %add3A_47 : i32
      %dma_start3A_49 = arith.constant 0 : i32
      %dma_start3A_50 = tpu.memref_slice %arg6[%add3A_48, %dma_start3A_49] : memref<80x125xi32, #tpu.memory_space<vmem>> -> memref<1x125xi32, #tpu.memory_space<vmem>>
      %dma_start3A_51 = tpu.memref_squeeze %dma_start3A_50 : memref<1x125xi32, #tpu.memory_space<vmem>> -> memref<125xi32, #tpu.memory_space<vmem>>
      %dma_start3A_52 = arith.constant 0 : i32
      %dma_start3A_53 = arith.constant 0 : i32
      %dma_start3A_54 = tpu.memref_slice %arg9[%dma_start3A_52, %dma_start3A_53] : memref<10000x128xf32, #tpu.memory_space<vmem_shared>> -> memref<10000x128xf32, #tpu.memory_space<vmem_shared>>
      tpu.enqueue_indirect_dma source(%arg7 : memref<125x128xf32, #tpu.memory_space<vmem>>) target(%dma_start3A_54 : memref<10000x128xf32, #tpu.memory_space<vmem_shared>>) offsets(%dma_start3A_51 : memref<125xi32, #tpu.memory_space<vmem>>) semaphore(%arg8 : memref<!tpu.dma_semaphore, #tpu.memory_space<semaphore_mem>>) {add = true}
      %mul3A_55 = arith.constant 8 : i32
      %mul3A_56 = arith.muli %scan3A_25, %mul3A_55 : i32
      %add3A_57 = arith.constant 3 : i32
      %add3A_58 = arith.addi %mul3A_56, %add3A_57 : i32
      %dma_start3A_59 = arith.constant 0 : i32
      %dma_start3A_60 = tpu.memref_slice %arg6[%add3A_58, %dma_start3A_59] : memref<80x125xi32, #tpu.memory_space<vmem>> -> memref<1x125xi32, #tpu.memory_space<vmem>>
      %dma_start3A_61 = tpu.memref_squeeze %dma_start3A_60 : memref<1x125xi32, #tpu.memory_space<vmem>> -> memref<125xi32, #tpu.memory_space<vmem>>
      %dma_start3A_62 = arith.constant 0 : i32
      %dma_start3A_63 = arith.constant 0 : i32
      %dma_start3A_64 = tpu.memref_slice %arg9[%dma_start3A_62, %dma_start3A_63] : memref<10000x128xf32, #tpu.memory_space<vmem_shared>> -> memref<10000x128xf32, #tpu.memory_space<vmem_shared>>
      tpu.enqueue_indirect_dma source(%arg7 : memref<125x128xf32, #tpu.memory_space<vmem>>) target(%dma_start3A_64 : memref<10000x128xf32, #tpu.memory_space<vmem_shared>>) offsets(%dma_start3A_61 : memref<125xi32, #tpu.memory_space<vmem>>) semaphore(%arg8 : memref<!tpu.dma_semaphore, #tpu.memory_space<semaphore_mem>>) {add = true}
      %mul3A_65 = arith.constant 8 : i32
      %mul3A_66 = arith.muli %scan3A_25, %mul3A_65 : i32
      %add3A_67 = arith.constant 4 : i32
      %add3A_68 = arith.addi %mul3A_66, %add3A_67 : i32
      %dma_start3A_69 = arith.constant 0 : i32
      %dma_start3A_70 = tpu.memref_slice %arg6[%add3A_68, %dma_start3A_69] : memref<80x125xi32, #tpu.memory_space<vmem>> -> memref<1x125xi32, #tpu.memory_space<vmem>>
      %dma_start3A_71 = tpu.memref_squeeze %dma_start3A_70 : memref<1x125xi32, #tpu.memory_space<vmem>> -> memref<125xi32, #tpu.memory_space<vmem>>
      %dma_start3A_72 = arith.constant 0 : i32
      %dma_start3A_73 = arith.constant 0 : i32
      %dma_start3A_74 = tpu.memref_slice %arg9[%dma_start3A_72, %dma_start3A_73] : memref<10000x128xf32, #tpu.memory_space<vmem_shared>> -> memref<10000x128xf32, #tpu.memory_space<vmem_shared>>
      tpu.enqueue_indirect_dma source(%arg7 : memref<125x128xf32, #tpu.memory_space<vmem>>) target(%dma_start3A_74 : memref<10000x128xf32, #tpu.memory_space<vmem_shared>>) offsets(%dma_start3A_71 : memref<125xi32, #tpu.memory_space<vmem>>) semaphore(%arg8 : memref<!tpu.dma_semaphore, #tpu.memory_space<semaphore_mem>>) {add = true}
      %mul3A_75 = arith.constant 8 : i32
      %mul3A_76 = arith.muli %scan3A_25, %mul3A_75 : i32
      %add3A_77 = arith.constant 5 : i32
      %add3A_78 = arith.addi %mul3A_76, %add3A_77 : i32
      %dma_start3A_79 = arith.constant 0 : i32
      %dma_start3A_80 = tpu.memref_slice %arg6[%add3A_78, %dma_start3A_79] : memref<80x125xi32, #tpu.memory_space<vmem>> -> memref<1x125xi32, #tpu.memory_space<vmem>>
      %dma_start3A_81 = tpu.memref_squeeze %dma_start3A_80 : memref<1x125xi32, #tpu.memory_space<vmem>> -> memref<125xi32, #tpu.memory_space<vmem>>
      %dma_start3A_82 = arith.constant 0 : i32
      %dma_start3A_83 = arith.constant 0 : i32
      %dma_start3A_84 = tpu.memref_slice %arg9[%dma_start3A_82, %dma_start3A_83] : memref<10000x128xf32, #tpu.memory_space<vmem_shared>> -> memref<10000x128xf32, #tpu.memory_space<vmem_shared>>
      tpu.enqueue_indirect_dma source(%arg7 : memref<125x128xf32, #tpu.memory_space<vmem>>) target(%dma_start3A_84 : memref<10000x128xf32, #tpu.memory_space<vmem_shared>>) offsets(%dma_start3A_81 : memref<125xi32, #tpu.memory_space<vmem>>) semaphore(%arg8 : memref<!tpu.dma_semaphore, #tpu.memory_space<semaphore_mem>>) {add = true}
      %mul3A_85 = arith.constant 8 : i32
      %mul3A_86 = arith.muli %scan3A_25, %mul3A_85 : i32
      %add3A_87 = arith.constant 6 : i32
      %add3A_88 = arith.addi %mul3A_86, %add3A_87 : i32
      %dma_start3A_89 = arith.constant 0 : i32
      %dma_start3A_90 = tpu.memref_slice %arg6[%add3A_88, %dma_start3A_89] : memref<80x125xi32, #tpu.memory_space<vmem>> -> memref<1x125xi32, #tpu.memory_space<vmem>>
      %dma_start3A_91 = tpu.memref_squeeze %dma_start3A_90 : memref<1x125xi32, #tpu.memory_space<vmem>> -> memref<125xi32, #tpu.memory_space<vmem>>
      %dma_start3A_92 = arith.constant 0 : i32
      %dma_start3A_93 = arith.constant 0 : i32
      %dma_start3A_94 = tpu.memref_slice %arg9[%dma_start3A_92, %dma_start3A_93] : memref<10000x128xf32, #tpu.memory_space<vmem_shared>> -> memref<10000x128xf32, #tpu.memory_space<vmem_shared>>
      tpu.enqueue_indirect_dma source(%arg7 : memref<125x128xf32, #tpu.memory_space<vmem>>) target(%dma_start3A_94 : memref<10000x128xf32, #tpu.memory_space<vmem_shared>>) offsets(%dma_start3A_91 : memref<125xi32, #tpu.memory_space<vmem>>) semaphore(%arg8 : memref<!tpu.dma_semaphore, #tpu.memory_space<semaphore_mem>>) {add = true}
      %mul3A_95 = arith.constant 8 : i32
      %mul3A_96 = arith.muli %scan3A_25, %mul3A_95 : i32
      %add3A_97 = arith.constant 7 : i32
      %add3A_98 = arith.addi %mul3A_96, %add3A_97 : i32
      %dma_start3A_99 = arith.constant 0 : i32
      %dma_start3A_100 = tpu.memref_slice %arg6[%add3A_98, %dma_start3A_99] : memref<80x125xi32, #tpu.memory_space<vmem>> -> memref<1x125xi32, #tpu.memory_space<vmem>>
      %dma_start3A_101 = tpu.memref_squeeze %dma_start3A_100 : memref<1x125xi32, #tpu.memory_space<vmem>> -> memref<125xi32, #tpu.memory_space<vmem>>
      %dma_start3A_102 = arith.constant 0 : i32
      %dma_start3A_103 = arith.constant 0 : i32
      %dma_start3A_104 = tpu.memref_slice %arg9[%dma_start3A_102, %dma_start3A_103] : memref<10000x128xf32, #tpu.memory_space<vmem_shared>> -> memref<10000x128xf32, #tpu.memory_space<vmem_shared>>
      tpu.enqueue_indirect_dma source(%arg7 : memref<125x128xf32, #tpu.memory_space<vmem>>) target(%dma_start3A_104 : memref<10000x128xf32, #tpu.memory_space<vmem_shared>>) offsets(%dma_start3A_101 : memref<125xi32, #tpu.memory_space<vmem>>) semaphore(%arg8 : memref<!tpu.dma_semaphore, #tpu.memory_space<semaphore_mem>>) {add = true}
      %dma_wait3A = arith.constant 0 : i32
      %dma_wait3A_105 = tpu.memref_slice %arg6[%add3A_29, %dma_wait3A] : memref<80x125xi32, #tpu.memory_space<vmem>> -> memref<1x125xi32, #tpu.memory_space<vmem>>
      %dma_wait3A_106 = tpu.memref_squeeze %dma_wait3A_105 : memref<1x125xi32, #tpu.memory_space<vmem>> -> memref<125xi32, #tpu.memory_space<vmem>>
      %dma_wait3A_107 = arith.constant 0 : i32
      %dma_wait3A_108 = arith.constant 0 : i32
      %dma_wait3A_109 = tpu.memref_slice %arg9[%dma_wait3A_107, %dma_wait3A_108] : memref<10000x128xf32, #tpu.memory_space<vmem_shared>> -> memref<10000x128xf32, #tpu.memory_space<vmem_shared>>
      tpu.wait_indirect_dma semaphore(%arg8 : memref<!tpu.dma_semaphore, #tpu.memory_space<semaphore_mem>>) src(%arg7 : memref<125x128xf32, #tpu.memory_space<vmem>>) dst(%dma_wait3A_109 : memref<10000x128xf32, #tpu.memory_space<vmem_shared>>)
      %dma_wait3A_110 = arith.constant 0 : i32
      %dma_wait3A_111 = tpu.memref_slice %arg6[%add3A_38, %dma_wait3A_110] : memref<80x125xi32, #tpu.memory_space<vmem>> -> memref<1x125xi32, #tpu.memory_space<vmem>>
      %dma_wait3A_112 = tpu.memref_squeeze %dma_wait3A_111 : memref<1x125xi32, #tpu.memory_space<vmem>> -> memref<125xi32, #tpu.memory_space<vmem>>
      %dma_wait3A_113 = arith.constant 0 : i32
      %dma_wait3A_114 = arith.constant 0 : i32
      %dma_wait3A_115 = tpu.memref_slice %arg9[%dma_wait3A_113, %dma_wait3A_114] : memref<10000x128xf32, #tpu.memory_space<vmem_shared>> -> memref<10000x128xf32, #tpu.memory_space<vmem_shared>>
      tpu.wait_indirect_dma semaphore(%arg8 : memref<!tpu.dma_semaphore, #tpu.memory_space<semaphore_mem>>) src(%arg7 : memref<125x128xf32, #tpu.memory_space<vmem>>) dst(%dma_wait3A_115 : memref<10000x128xf32, #tpu.memory_space<vmem_shared>>)
      %dma_wait3A_116 = arith.constant 0 : i32
      %dma_wait3A_117 = tpu.memref_slice %arg6[%add3A_48, %dma_wait3A_116] : memref<80x125xi32, #tpu.memory_space<vmem>> -> memref<1x125xi32, #tpu.memory_space<vmem>>
      %dma_wait3A_118 = tpu.memref_squeeze %dma_wait3A_117 : memref<1x125xi32, #tpu.memory_space<vmem>> -> memref<125xi32, #tpu.memory_space<vmem>>
      %dma_wait3A_119 = arith.constant 0 : i32
      %dma_wait3A_120 = arith.constant 0 : i32
      %dma_wait3A_121 = tpu.memref_slice %arg9[%dma_wait3A_119, %dma_wait3A_120] : memref<10000x128xf32, #tpu.memory_space<vmem_shared>> -> memref<10000x128xf32, #tpu.memory_space<vmem_shared>>
      tpu.wait_indirect_dma semaphore(%arg8 : memref<!tpu.dma_semaphore, #tpu.memory_space<semaphore_mem>>) src(%arg7 : memref<125x128xf32, #tpu.memory_space<vmem>>) dst(%dma_wait3A_121 : memref<10000x128xf32, #tpu.memory_space<vmem_shared>>)
      %dma_wait3A_122 = arith.constant 0 : i32
      %dma_wait3A_123 = tpu.memref_slice %arg6[%add3A_58, %dma_wait3A_122] : memref<80x125xi32, #tpu.memory_space<vmem>> -> memref<1x125xi32, #tpu.memory_space<vmem>>
      %dma_wait3A_124 = tpu.memref_squeeze %dma_wait3A_123 : memref<1x125xi32, #tpu.memory_space<vmem>> -> memref<125xi32, #tpu.memory_space<vmem>>
      %dma_wait3A_125 = arith.constant 0 : i32
      %dma_wait3A_126 = arith.constant 0 : i32
      %dma_wait3A_127 = tpu.memref_slice %arg9[%dma_wait3A_125, %dma_wait3A_126] : memref<10000x128xf32, #tpu.memory_space<vmem_shared>> -> memref<10000x128xf32, #tpu.memory_space<vmem_shared>>
      tpu.wait_indirect_dma semaphore(%arg8 : memref<!tpu.dma_semaphore, #tpu.memory_space<semaphore_mem>>) src(%arg7 : memref<125x128xf32, #tpu.memory_space<vmem>>) dst(%dma_wait3A_127 : memref<10000x128xf32, #tpu.memory_space<vmem_shared>>)
      %dma_wait3A_128 = arith.constant 0 : i32
      %dma_wait3A_129 = tpu.memref_slice %arg6[%add3A_68, %dma_wait3A_128] : memref<80x125xi32, #tpu.memory_space<vmem>> -> memref<1x125xi32, #tpu.memory_space<vmem>>
      %dma_wait3A_130 = tpu.memref_squeeze %dma_wait3A_129 : memref<1x125xi32, #tpu.memory_space<vmem>> -> memref<125xi32, #tpu.memory_space<vmem>>
      %dma_wait3A_131 = arith.constant 0 : i32
      %dma_wait3A_132 = arith.constant 0 : i32
      %dma_wait3A_133 = tpu.memref_slice %arg9[%dma_wait3A_131, %dma_wait3A_132] : memref<10000x128xf32, #tpu.memory_space<vmem_shared>> -> memref<10000x128xf32, #tpu.memory_space<vmem_shared>>
      tpu.wait_indirect_dma semaphore(%arg8 : memref<!tpu.dma_semaphore, #tpu.memory_space<semaphore_mem>>) src(%arg7 : memref<125x128xf32, #tpu.memory_space<vmem>>) dst(%dma_wait3A_133 : memref<10000x128xf32, #tpu.memory_space<vmem_shared>>)
      %dma_wait3A_134 = arith.constant 0 : i32
      %dma_wait3A_135 = tpu.memref_slice %arg6[%add3A_78, %dma_wait3A_134] : memref<80x125xi32, #tpu.memory_space<vmem>> -> memref<1x125xi32, #tpu.memory_space<vmem>>
      %dma_wait3A_136 = tpu.memref_squeeze %dma_wait3A_135 : memref<1x125xi32, #tpu.memory_space<vmem>> -> memref<125xi32, #tpu.memory_space<vmem>>
      %dma_wait3A_137 = arith.constant 0 : i32
      %dma_wait3A_138 = arith.constant 0 : i32
      %dma_wait3A_139 = tpu.memref_slice %arg9[%dma_wait3A_137, %dma_wait3A_138] : memref<10000x128xf32, #tpu.memory_space<vmem_shared>> -> memref<10000x128xf32, #tpu.memory_space<vmem_shared>>
      tpu.wait_indirect_dma semaphore(%arg8 : memref<!tpu.dma_semaphore, #tpu.memory_space<semaphore_mem>>) src(%arg7 : memref<125x128xf32, #tpu.memory_space<vmem>>) dst(%dma_wait3A_139 : memref<10000x128xf32, #tpu.memory_space<vmem_shared>>)
      %dma_wait3A_140 = arith.constant 0 : i32
      %dma_wait3A_141 = tpu.memref_slice %arg6[%add3A_88, %dma_wait3A_140] : memref<80x125xi32, #tpu.memory_space<vmem>> -> memref<1x125xi32, #tpu.memory_space<vmem>>
      %dma_wait3A_142 = tpu.memref_squeeze %dma_wait3A_141 : memref<1x125xi32, #tpu.memory_space<vmem>> -> memref<125xi32, #tpu.memory_space<vmem>>
      %dma_wait3A_143 = arith.constant 0 : i32
      %dma_wait3A_144 = arith.constant 0 : i32
      %dma_wait3A_145 = tpu.memref_slice %arg9[%dma_wait3A_143, %dma_wait3A_144] : memref<10000x128xf32, #tpu.memory_space<vmem_shared>> -> memref<10000x128xf32, #tpu.memory_space<vmem_shared>>
      tpu.wait_indirect_dma semaphore(%arg8 : memref<!tpu.dma_semaphore, #tpu.memory_space<semaphore_mem>>) src(%arg7 : memref<125x128xf32, #tpu.memory_space<vmem>>) dst(%dma_wait3A_145 : memref<10000x128xf32, #tpu.memory_space<vmem_shared>>)
      %dma_wait3A_146 = arith.constant 0 : i32
      %dma_wait3A_147 = tpu.memref_slice %arg6[%add3A_98, %dma_wait3A_146] : memref<80x125xi32, #tpu.memory_space<vmem>> -> memref<1x125xi32, #tpu.memory_space<vmem>>
      %dma_wait3A_148 = tpu.memref_squeeze %dma_wait3A_147 : memref<1x125xi32, #tpu.memory_space<vmem>> -> memref<125xi32, #tpu.memory_space<vmem>>
      %dma_wait3A_149 = arith.constant 0 : i32
      %dma_wait3A_150 = arith.constant 0 : i32
      %dma_wait3A_151 = tpu.memref_slice %arg9[%dma_wait3A_149, %dma_wait3A_150] : memref<10000x128xf32, #tpu.memory_space<vmem_shared>> -> memref<10000x128xf32, #tpu.memory_space<vmem_shared>>
      tpu.wait_indirect_dma semaphore(%arg8 : memref<!tpu.dma_semaphore, #tpu.memory_space<semaphore_mem>>) src(%arg7 : memref<125x128xf32, #tpu.memory_space<vmem>>) dst(%dma_wait3A_151 : memref<10000x128xf32, #tpu.memory_space<vmem_shared>>)
    }
    %scan3A_13 = arith.constant 10 : i32
    %barrier3A_14 = arith.constant 0 : index
    tpu.barrier barrier_id(%barrier3A_14)
    %lt3A_15 = arith.constant 15 : i32
    %lt3A_16 = arith.cmpi slt, %arg1, %lt3A_15 : i32
    %convert_element_type3A_17 = arith.extui %lt3A_16 : i1 to i32
    %cond3A_18 = arith.constant 0 : i32
    %cond3A_19 = arith.cmpi ne, %convert_element_type3A_17, %cond3A_18 : i32
    scf.if %cond3A_19 {
      %mul3A_25 = arith.constant 640 : i32
      %mul3A_26 = arith.muli %arg1, %mul3A_25 : i32
      %mul3A_27 = arith.constant 640 : i32
      %mul3A_28 = arith.muli %arg1, %mul3A_27 : i32
      "tpu.region"() ({
        %run_scoped3A = tpu.sem_alloc : memref<!tpu.dma_semaphore, #tpu.memory_space<semaphore_mem>>
        %dma_start3A = arith.constant 0 : i32
        %dma_start3A_29 = arith.constant 0 : i32
        %dma_start3A_30 = tpu.memref_slice %arg5[%arg0, %dma_start3A, %dma_start3A_29] : memref<2x10000x128xf32, #tpu.memory_space<hbm>> -> memref<1x10000x128xf32, #tpu.memory_space<hbm>>
        %dma_start3A_31 = tpu.memref_squeeze %dma_start3A_30 : memref<1x10000x128xf32, #tpu.memory_space<hbm>> -> memref<10000x128xf32, #tpu.memory_space<hbm>>
        %dma_start3A_32 = arith.constant 0 : i32
        %dma_start3A_33 = tpu.memref_slice %dma_start3A_31[%mul3A_28, %dma_start3A_32] : memref<10000x128xf32, #tpu.memory_space<hbm>> -> memref<640x128xf32, #tpu.memory_space<hbm>>
        %dma_start3A_34 = arith.constant 0 : i32
        %dma_start3A_35 = tpu.memref_slice %arg9[%mul3A_26, %dma_start3A_34] : memref<10000x128xf32, #tpu.memory_space<vmem_shared>> -> memref<640x128xf32, #tpu.memory_space<vmem_shared>>
        tpu.enqueue_dma source(%dma_start3A_35 : memref<640x128xf32, #tpu.memory_space<vmem_shared>>) target(%dma_start3A_33 : memref<640x128xf32, #tpu.memory_space<hbm>>) target_semaphore(%run_scoped3A : memref<!tpu.dma_semaphore, #tpu.memory_space<semaphore_mem>>)
        %dma_wait3A = arith.constant 0 : i32
        %dma_wait3A_36 = arith.constant 0 : i32
        %dma_wait3A_37 = tpu.memref_slice %arg5[%arg0, %dma_wait3A, %dma_wait3A_36] : memref<2x10000x128xf32, #tpu.memory_space<hbm>> -> memref<1x10000x128xf32, #tpu.memory_space<hbm>>
        %dma_wait3A_38 = tpu.memref_squeeze %dma_wait3A_37 : memref<1x10000x128xf32, #tpu.memory_space<hbm>> -> memref<10000x128xf32, #tpu.memory_space<hbm>>
        %dma_wait3A_39 = arith.constant 0 : i32
        %dma_wait3A_40 = tpu.memref_slice %dma_wait3A_38[%mul3A_28, %dma_wait3A_39] : memref<10000x128xf32, #tpu.memory_space<hbm>> -> memref<640x128xf32, #tpu.memory_space<hbm>>
        %dma_wait3A_41 = arith.constant 0 : i32
        %dma_wait3A_42 = tpu.memref_slice %arg9[%mul3A_26, %dma_wait3A_41] : memref<10000x128xf32, #tpu.memory_space<vmem_shared>> -> memref<640x128xf32, #tpu.memory_space<vmem_shared>>
        tpu.wait_dma2 semaphore(%run_scoped3A : memref<!tpu.dma_semaphore, #tpu.memory_space<semaphore_mem>>) src(%dma_wait3A_42 : memref<640x128xf32, #tpu.memory_space<vmem_shared>>) dst(%dma_wait3A_40 : memref<640x128xf32, #tpu.memory_space<hbm>>)
        tpu.yield
      }) : () -> ()
    } else {
    }
    %eq3A_20 = arith.constant 15 : i32
    %eq3A_21 = arith.cmpi eq, %arg1, %eq3A_20 : i32
    %convert_element_type3A_22 = arith.extui %eq3A_21 : i1 to i32
    %cond3A_23 = arith.constant 0 : i32
    %cond3A_24 = arith.cmpi ne, %convert_element_type3A_22, %cond3A_23 : i32
    scf.if %cond3A_24 {
      "tpu.region"() ({
        %run_scoped3A = tpu.sem_alloc : memref<!tpu.dma_semaphore, #tpu.memory_space<semaphore_mem>>
        %dma_start3A = arith.constant 0 : i32
        %dma_start3A_25 = arith.constant 0 : i32
        %dma_start3A_26 = tpu.memref_slice %arg5[%arg0, %dma_start3A, %dma_start3A_25] : memref<2x10000x128xf32, #tpu.memory_space<hbm>> -> memref<1x10000x128xf32, #tpu.memory_space<hbm>>
        %dma_start3A_27 = tpu.memref_squeeze %dma_start3A_26 : memref<1x10000x128xf32, #tpu.memory_space<hbm>> -> memref<10000x128xf32, #tpu.memory_space<hbm>>
        %dma_start3A_28 = arith.constant 9600 : i32
        %dma_start3A_29 = arith.constant 0 : i32
        %dma_start3A_30 = tpu.memref_slice %dma_start3A_27[%dma_start3A_28, %dma_start3A_29] : memref<10000x128xf32, #tpu.memory_space<hbm>> -> memref<400x128xf32, #tpu.memory_space<hbm>>
        %dma_start3A_31 = arith.constant 9600 : i32
        %dma_start3A_32 = arith.constant 0 : i32
        %dma_start3A_33 = tpu.memref_slice %arg9[%dma_start3A_31, %dma_start3A_32] : memref<10000x128xf32, #tpu.memory_space<vmem_shared>> -> memref<400x128xf32, #tpu.memory_space<vmem_shared>>
        tpu.enqueue_dma source(%dma_start3A_33 : memref<400x128xf32, #tpu.memory_space<vmem_shared>>) target(%dma_start3A_30 : memref<400x128xf32, #tpu.memory_space<hbm>>) target_semaphore(%run_scoped3A : memref<!tpu.dma_semaphore, #tpu.memory_space<semaphore_mem>>)
        %dma_wait3A = arith.constant 0 : i32
        %dma_wait3A_34 = arith.constant 0 : i32
        %dma_wait3A_35 = tpu.memref_slice %arg5[%arg0, %dma_wait3A, %dma_wait3A_34] : memref<2x10000x128xf32, #tpu.memory_space<hbm>> -> memref<1x10000x128xf32, #tpu.memory_space<hbm>>
        %dma_wait3A_36 = tpu.memref_squeeze %dma_wait3A_35 : memref<1x10000x128xf32, #tpu.memory_space<hbm>> -> memref<10000x128xf32, #tpu.memory_space<hbm>>
        %dma_wait3A_37 = arith.constant 9600 : i32
        %dma_wait3A_38 = arith.constant 0 : i32
        %dma_wait3A_39 = tpu.memref_slice %dma_wait3A_36[%dma_wait3A_37, %dma_wait3A_38] : memref<10000x128xf32, #tpu.memory_space<hbm>> -> memref<400x128xf32, #tpu.memory_space<hbm>>
        %dma_wait3A_40 = arith.constant 9600 : i32
        %dma_wait3A_41 = arith.constant 0 : i32
        %dma_wait3A_42 = tpu.memref_slice %arg9[%dma_wait3A_40, %dma_wait3A_41] : memref<10000x128xf32, #tpu.memory_space<vmem_shared>> -> memref<400x128xf32, #tpu.memory_space<vmem_shared>>
        tpu.wait_dma2 semaphore(%run_scoped3A : memref<!tpu.dma_semaphore, #tpu.memory_space<semaphore_mem>>) src(%dma_wait3A_42 : memref<400x128xf32, #tpu.memory_space<vmem_shared>>) dst(%dma_wait3A_39 : memref<400x128xf32, #tpu.memory_space<hbm>>)
        tpu.yield
      }) : () -> ()
    } else {
    }
    return
  }
}

#map = affine_map<(d0, d1) -> (0, 0)>
#map1 = affine_map<(d0, d1) -> (0, 0, 0)>
module attributes {stable_mosaic.version = 14 : i64} {
  func.func @_agg_body(%arg0: i32, %arg1: i32, %arg2: memref<2560x125xi32, #tpu.memory_space<hbm>>, %arg3: memref<2560x125xi32, #tpu.memory_space<hbm>>, %arg4: memref<10000x128xf32, #tpu.memory_space<hbm>>, %arg5: memref<10000x128xf32, #tpu.memory_space<hbm>>, %arg6: memref<2x10000x128xf32, #tpu.memory_space<hbm>>, %arg7: memref<40x125xi32, #tpu.memory_space<vmem>>, %arg8: memref<40x125xi32, #tpu.memory_space<vmem>>, %arg9: memref<125x128xf32, #tpu.memory_space<vmem>>, %arg10: memref<125x128xf32, #tpu.memory_space<vmem>>, %arg11: memref<!tpu.dma_semaphore, #tpu.memory_space<semaphore_mem>>, %arg12: memref<!tpu.dma_semaphore, #tpu.memory_space<semaphore_mem>>, %arg13: memref<10000x128xf32, #tpu.memory_space<vmem_shared>>) attributes {dimension_semantics = [#tpu.dimension_semantics<core_parallel>, #tpu.dimension_semantics<subcore_parallel>], iteration_bounds = array<i64: 2, 16>, scalar_prefetch = 0 : i64, scratch_operands = 7 : i64, tpu.core_type = #tpu.core_type<sc_vector_subcore>, window_params = [{transform_indices = #map}, {transform_indices = #map}, {transform_indices = #map}, {transform_indices = #map}, {transform_indices = #map1}]} {
    %mul3A = arith.constant 2 : i32
    %mul3A_0 = arith.muli %arg1, %mul3A : i32
    %add3A = arith.addi %mul3A_0, %arg0 : i32
    %lt3A = arith.constant 15 : i32
    %lt3A_1 = arith.cmpi slt, %arg1, %lt3A : i32
    %convert_element_type3A = arith.extui %lt3A_1 : i1 to i32
    %cond3A = arith.constant 0 : i32
    %cond3A_2 = arith.cmpi ne, %convert_element_type3A, %cond3A : i32
    scf.if %cond3A_2 {
      %mul3A_23 = arith.constant 640 : i32
      %mul3A_24 = arith.muli %arg1, %mul3A_23 : i32
      %mul3A_25 = arith.constant 640 : i32
      %mul3A_26 = arith.muli %arg1, %mul3A_25 : i32
      "tpu.region"() ({
        %run_scoped3A = tpu.sem_alloc : memref<!tpu.dma_semaphore, #tpu.memory_space<semaphore_mem>>
        %dma_start3A = arith.constant 0 : i32
        %dma_start3A_27 = tpu.memref_slice %arg13[%mul3A_26, %dma_start3A] : memref<10000x128xf32, #tpu.memory_space<vmem_shared>> -> memref<640x128xf32, #tpu.memory_space<vmem_shared>>
        %dma_start3A_28 = arith.constant 0 : i32
        %dma_start3A_29 = tpu.memref_slice %arg5[%mul3A_24, %dma_start3A_28] : memref<10000x128xf32, #tpu.memory_space<hbm>> -> memref<640x128xf32, #tpu.memory_space<hbm>>
        tpu.enqueue_dma source(%dma_start3A_29 : memref<640x128xf32, #tpu.memory_space<hbm>>) target(%dma_start3A_27 : memref<640x128xf32, #tpu.memory_space<vmem_shared>>) target_semaphore(%run_scoped3A : memref<!tpu.dma_semaphore, #tpu.memory_space<semaphore_mem>>)
        %dma_wait3A = arith.constant 0 : i32
        %dma_wait3A_30 = tpu.memref_slice %arg13[%mul3A_26, %dma_wait3A] : memref<10000x128xf32, #tpu.memory_space<vmem_shared>> -> memref<640x128xf32, #tpu.memory_space<vmem_shared>>
        %dma_wait3A_31 = arith.constant 0 : i32
        %dma_wait3A_32 = tpu.memref_slice %arg5[%mul3A_24, %dma_wait3A_31] : memref<10000x128xf32, #tpu.memory_space<hbm>> -> memref<640x128xf32, #tpu.memory_space<hbm>>
        tpu.wait_dma2 semaphore(%run_scoped3A : memref<!tpu.dma_semaphore, #tpu.memory_space<semaphore_mem>>) src(%dma_wait3A_32 : memref<640x128xf32, #tpu.memory_space<hbm>>) dst(%dma_wait3A_30 : memref<640x128xf32, #tpu.memory_space<vmem_shared>>)
        tpu.yield
      }) : () -> ()
    } else {
    }
    %eq3A = arith.constant 15 : i32
    %eq3A_3 = arith.cmpi eq, %arg1, %eq3A : i32
    %convert_element_type3A_4 = arith.extui %eq3A_3 : i1 to i32
    %cond3A_5 = arith.constant 0 : i32
    %cond3A_6 = arith.cmpi ne, %convert_element_type3A_4, %cond3A_5 : i32
    scf.if %cond3A_6 {
      "tpu.region"() ({
        %run_scoped3A = tpu.sem_alloc : memref<!tpu.dma_semaphore, #tpu.memory_space<semaphore_mem>>
        %dma_start3A = arith.constant 9600 : i32
        %dma_start3A_23 = arith.constant 0 : i32
        %dma_start3A_24 = tpu.memref_slice %arg13[%dma_start3A, %dma_start3A_23] : memref<10000x128xf32, #tpu.memory_space<vmem_shared>> -> memref<400x128xf32, #tpu.memory_space<vmem_shared>>
        %dma_start3A_25 = arith.constant 9600 : i32
        %dma_start3A_26 = arith.constant 0 : i32
        %dma_start3A_27 = tpu.memref_slice %arg5[%dma_start3A_25, %dma_start3A_26] : memref<10000x128xf32, #tpu.memory_space<hbm>> -> memref<400x128xf32, #tpu.memory_space<hbm>>
        tpu.enqueue_dma source(%dma_start3A_27 : memref<400x128xf32, #tpu.memory_space<hbm>>) target(%dma_start3A_24 : memref<400x128xf32, #tpu.memory_space<vmem_shared>>) target_semaphore(%run_scoped3A : memref<!tpu.dma_semaphore, #tpu.memory_space<semaphore_mem>>)
        %dma_wait3A = arith.constant 9600 : i32
        %dma_wait3A_28 = arith.constant 0 : i32
        %dma_wait3A_29 = tpu.memref_slice %arg13[%dma_wait3A, %dma_wait3A_28] : memref<10000x128xf32, #tpu.memory_space<vmem_shared>> -> memref<400x128xf32, #tpu.memory_space<vmem_shared>>
        %dma_wait3A_30 = arith.constant 9600 : i32
        %dma_wait3A_31 = arith.constant 0 : i32
        %dma_wait3A_32 = tpu.memref_slice %arg5[%dma_wait3A_30, %dma_wait3A_31] : memref<10000x128xf32, #tpu.memory_space<hbm>> -> memref<400x128xf32, #tpu.memory_space<hbm>>
        tpu.wait_dma2 semaphore(%run_scoped3A : memref<!tpu.dma_semaphore, #tpu.memory_space<semaphore_mem>>) src(%dma_wait3A_32 : memref<400x128xf32, #tpu.memory_space<hbm>>) dst(%dma_wait3A_29 : memref<400x128xf32, #tpu.memory_space<vmem_shared>>)
        tpu.yield
      }) : () -> ()
    } else {
    }
    %barrier3A = arith.constant 0 : index
    tpu.barrier barrier_id(%barrier3A)
    %scan3A = arith.constant 0 : i32
    %scan3A_7 = arith.constant 0 : i32
    %scan3A_8 = arith.constant 2 : i32
    %scan3A_9 = arith.addi %scan3A_7, %scan3A_8 : i32
    %scan3A_10 = arith.constant 1 : i32
    scf.for %scan3A_23 = %scan3A_7 to %scan3A_9 step %scan3A_10  : i32 {
      %mul3A_24 = arith.constant 80 : i32
      %mul3A_25 = arith.muli %add3A, %mul3A_24 : i32
      %mul3A_26 = arith.constant 40 : i32
      %mul3A_27 = arith.muli %scan3A_23, %mul3A_26 : i32
      %add3A_28 = arith.addi %mul3A_25, %mul3A_27 : i32
      "tpu.region"() ({
        %run_scoped3A = tpu.sem_alloc : memref<!tpu.dma_semaphore, #tpu.memory_space<semaphore_mem>>
        %dma_start3A_41 = arith.constant 0 : i32
        %dma_start3A_42 = tpu.memref_slice %arg2[%add3A_28, %dma_start3A_41] : memref<2560x125xi32, #tpu.memory_space<hbm>> -> memref<40x125xi32, #tpu.memory_space<hbm>>
        %dma_start3A_43 = arith.constant 0 : i32
        %dma_start3A_44 = tpu.memref_slice %arg2[%add3A_28, %dma_start3A_43] : memref<2560x125xi32, #tpu.memory_space<hbm>> -> memref<40x125xi32, #tpu.memory_space<hbm>>
        tpu.enqueue_dma source(%dma_start3A_44 : memref<40x125xi32, #tpu.memory_space<hbm>>) target(%arg7 : memref<40x125xi32, #tpu.memory_space<vmem>>) target_semaphore(%run_scoped3A : memref<!tpu.dma_semaphore, #tpu.memory_space<semaphore_mem>>)
        %dma_wait3A = arith.constant 0 : i32
        %dma_wait3A_45 = tpu.memref_slice %arg2[%add3A_28, %dma_wait3A] : memref<2560x125xi32, #tpu.memory_space<hbm>> -> memref<40x125xi32, #tpu.memory_space<hbm>>
        %dma_wait3A_46 = arith.constant 0 : i32
        %dma_wait3A_47 = tpu.memref_slice %arg2[%add3A_28, %dma_wait3A_46] : memref<2560x125xi32, #tpu.memory_space<hbm>> -> memref<40x125xi32, #tpu.memory_space<hbm>>
        tpu.wait_dma2 semaphore(%run_scoped3A : memref<!tpu.dma_semaphore, #tpu.memory_space<semaphore_mem>>) src(%dma_wait3A_47 : memref<40x125xi32, #tpu.memory_space<hbm>>) dst(%arg7 : memref<40x125xi32, #tpu.memory_space<vmem>>)
        tpu.yield
      }) : () -> ()
      "tpu.region"() ({
        %run_scoped3A = tpu.sem_alloc : memref<!tpu.dma_semaphore, #tpu.memory_space<semaphore_mem>>
        %dma_start3A_41 = arith.constant 0 : i32
        %dma_start3A_42 = tpu.memref_slice %arg3[%add3A_28, %dma_start3A_41] : memref<2560x125xi32, #tpu.memory_space<hbm>> -> memref<40x125xi32, #tpu.memory_space<hbm>>
        %dma_start3A_43 = arith.constant 0 : i32
        %dma_start3A_44 = tpu.memref_slice %arg3[%add3A_28, %dma_start3A_43] : memref<2560x125xi32, #tpu.memory_space<hbm>> -> memref<40x125xi32, #tpu.memory_space<hbm>>
        tpu.enqueue_dma source(%dma_start3A_44 : memref<40x125xi32, #tpu.memory_space<hbm>>) target(%arg8 : memref<40x125xi32, #tpu.memory_space<vmem>>) target_semaphore(%run_scoped3A : memref<!tpu.dma_semaphore, #tpu.memory_space<semaphore_mem>>)
        %dma_wait3A = arith.constant 0 : i32
        %dma_wait3A_45 = tpu.memref_slice %arg3[%add3A_28, %dma_wait3A] : memref<2560x125xi32, #tpu.memory_space<hbm>> -> memref<40x125xi32, #tpu.memory_space<hbm>>
        %dma_wait3A_46 = arith.constant 0 : i32
        %dma_wait3A_47 = tpu.memref_slice %arg3[%add3A_28, %dma_wait3A_46] : memref<2560x125xi32, #tpu.memory_space<hbm>> -> memref<40x125xi32, #tpu.memory_space<hbm>>
        tpu.wait_dma2 semaphore(%run_scoped3A : memref<!tpu.dma_semaphore, #tpu.memory_space<semaphore_mem>>) src(%dma_wait3A_47 : memref<40x125xi32, #tpu.memory_space<hbm>>) dst(%arg8 : memref<40x125xi32, #tpu.memory_space<vmem>>)
        tpu.yield
      }) : () -> ()
      %dma_start3A = arith.constant 0 : i32
      %dma_start3A_29 = arith.constant 0 : i32
      %dma_start3A_30 = tpu.memref_slice %arg7[%dma_start3A, %dma_start3A_29] : memref<40x125xi32, #tpu.memory_space<vmem>> -> memref<1x125xi32, #tpu.memory_space<vmem>>
      %dma_start3A_31 = tpu.memref_squeeze %dma_start3A_30 : memref<1x125xi32, #tpu.memory_space<vmem>> -> memref<125xi32, #tpu.memory_space<vmem>>
      %dma_start3A_32 = arith.constant 0 : i32
      %dma_start3A_33 = arith.constant 0 : i32
      %dma_start3A_34 = tpu.memref_slice %arg4[%dma_start3A_32, %dma_start3A_33] : memref<10000x128xf32, #tpu.memory_space<hbm>> -> memref<10000x128xf32, #tpu.memory_space<hbm>>
      tpu.enqueue_indirect_dma source(%dma_start3A_34 : memref<10000x128xf32, #tpu.memory_space<hbm>>) target(%arg9 : memref<125x128xf32, #tpu.memory_space<vmem>>) offsets(%dma_start3A_31 : memref<125xi32, #tpu.memory_space<vmem>>) semaphore(%arg11 : memref<!tpu.dma_semaphore, #tpu.memory_space<semaphore_mem>>)
      %scan3A_35 = arith.constant 0 : i32
      %scan3A_36 = arith.constant 0 : i32
      %scan3A_37 = arith.constant 20 : i32
      %scan3A_38 = arith.addi %scan3A_36, %scan3A_37 : i32
      %scan3A_39 = arith.constant 1 : i32
      scf.for %scan3A_41 = %scan3A_36 to %scan3A_38 step %scan3A_39  : i32 {
        %mul3A_42 = arith.constant 2 : i32
        %mul3A_43 = arith.muli %mul3A_42, %scan3A_41 : i32
        %add3A_44 = arith.constant 1 : i32
        %add3A_45 = arith.addi %mul3A_43, %add3A_44 : i32
        %dma_start3A_46 = arith.constant 0 : i32
        %dma_start3A_47 = tpu.memref_slice %arg7[%add3A_45, %dma_start3A_46] : memref<40x125xi32, #tpu.memory_space<vmem>> -> memref<1x125xi32, #tpu.memory_space<vmem>>
        %dma_start3A_48 = tpu.memref_squeeze %dma_start3A_47 : memref<1x125xi32, #tpu.memory_space<vmem>> -> memref<125xi32, #tpu.memory_space<vmem>>
        %dma_start3A_49 = arith.constant 0 : i32
        %dma_start3A_50 = arith.constant 0 : i32
        %dma_start3A_51 = tpu.memref_slice %arg4[%dma_start3A_49, %dma_start3A_50] : memref<10000x128xf32, #tpu.memory_space<hbm>> -> memref<10000x128xf32, #tpu.memory_space<hbm>>
        tpu.enqueue_indirect_dma source(%dma_start3A_51 : memref<10000x128xf32, #tpu.memory_space<hbm>>) target(%arg10 : memref<125x128xf32, #tpu.memory_space<vmem>>) offsets(%dma_start3A_48 : memref<125xi32, #tpu.memory_space<vmem>>) semaphore(%arg12 : memref<!tpu.dma_semaphore, #tpu.memory_space<semaphore_mem>>)
        %dma_wait3A = arith.constant 0 : i32
        %dma_wait3A_52 = tpu.memref_slice %arg7[%mul3A_43, %dma_wait3A] : memref<40x125xi32, #tpu.memory_space<vmem>> -> memref<1x125xi32, #tpu.memory_space<vmem>>
        %dma_wait3A_53 = tpu.memref_squeeze %dma_wait3A_52 : memref<1x125xi32, #tpu.memory_space<vmem>> -> memref<125xi32, #tpu.memory_space<vmem>>
        %dma_wait3A_54 = arith.constant 0 : i32
        %dma_wait3A_55 = arith.constant 0 : i32
        %dma_wait3A_56 = tpu.memref_slice %arg4[%dma_wait3A_54, %dma_wait3A_55] : memref<10000x128xf32, #tpu.memory_space<hbm>> -> memref<10000x128xf32, #tpu.memory_space<hbm>>
        tpu.wait_indirect_dma semaphore(%arg11 : memref<!tpu.dma_semaphore, #tpu.memory_space<semaphore_mem>>) src(%dma_wait3A_56 : memref<10000x128xf32, #tpu.memory_space<hbm>>) dst(%arg9 : memref<125x128xf32, #tpu.memory_space<vmem>>)
        "tpu.region"() ({
          %run_scoped3A = tpu.sem_alloc : memref<!tpu.dma_semaphore, #tpu.memory_space<semaphore_mem>>
          %dma_start3A_74 = arith.constant 0 : i32
          %dma_start3A_75 = tpu.memref_slice %arg8[%mul3A_43, %dma_start3A_74] : memref<40x125xi32, #tpu.memory_space<vmem>> -> memref<1x125xi32, #tpu.memory_space<vmem>>
          %dma_start3A_76 = tpu.memref_squeeze %dma_start3A_75 : memref<1x125xi32, #tpu.memory_space<vmem>> -> memref<125xi32, #tpu.memory_space<vmem>>
          %dma_start3A_77 = arith.constant 0 : i32
          %dma_start3A_78 = arith.constant 0 : i32
          %dma_start3A_79 = tpu.memref_slice %arg13[%dma_start3A_77, %dma_start3A_78] : memref<10000x128xf32, #tpu.memory_space<vmem_shared>> -> memref<10000x128xf32, #tpu.memory_space<vmem_shared>>
          tpu.enqueue_indirect_dma source(%arg9 : memref<125x128xf32, #tpu.memory_space<vmem>>) target(%dma_start3A_79 : memref<10000x128xf32, #tpu.memory_space<vmem_shared>>) offsets(%dma_start3A_76 : memref<125xi32, #tpu.memory_space<vmem>>) semaphore(%run_scoped3A : memref<!tpu.dma_semaphore, #tpu.memory_space<semaphore_mem>>) {add = true}
          %dma_wait3A_80 = arith.constant 0 : i32
          %dma_wait3A_81 = tpu.memref_slice %arg8[%mul3A_43, %dma_wait3A_80] : memref<40x125xi32, #tpu.memory_space<vmem>> -> memref<1x125xi32, #tpu.memory_space<vmem>>
          %dma_wait3A_82 = tpu.memref_squeeze %dma_wait3A_81 : memref<1x125xi32, #tpu.memory_space<vmem>> -> memref<125xi32, #tpu.memory_space<vmem>>
          %dma_wait3A_83 = arith.constant 0 : i32
          %dma_wait3A_84 = arith.constant 0 : i32
          %dma_wait3A_85 = tpu.memref_slice %arg13[%dma_wait3A_83, %dma_wait3A_84] : memref<10000x128xf32, #tpu.memory_space<vmem_shared>> -> memref<10000x128xf32, #tpu.memory_space<vmem_shared>>
          tpu.wait_indirect_dma semaphore(%run_scoped3A : memref<!tpu.dma_semaphore, #tpu.memory_space<semaphore_mem>>) src(%arg9 : memref<125x128xf32, #tpu.memory_space<vmem>>) dst(%dma_wait3A_85 : memref<10000x128xf32, #tpu.memory_space<vmem_shared>>)
          tpu.yield
        }) : () -> ()
        %add3A_57 = arith.constant 2 : i32
        %add3A_58 = arith.addi %mul3A_43, %add3A_57 : i32
        %lt3A_59 = arith.constant 40 : i32
        %lt3A_60 = arith.cmpi slt, %add3A_58, %lt3A_59 : i32
        %convert_element_type3A_61 = arith.extui %lt3A_60 : i1 to i32
        %cond3A_62 = arith.constant 0 : i32
        %cond3A_63 = arith.cmpi ne, %convert_element_type3A_61, %cond3A_62 : i32
        scf.if %cond3A_63 {
          %add3A_74 = arith.constant 2 : i32
          %add3A_75 = arith.addi %mul3A_43, %add3A_74 : i32
          %dma_start3A_76 = arith.constant 0 : i32
          %dma_start3A_77 = tpu.memref_slice %arg7[%add3A_75, %dma_start3A_76] : memref<40x125xi32, #tpu.memory_space<vmem>> -> memref<1x125xi32, #tpu.memory_space<vmem>>
          %dma_start3A_78 = tpu.memref_squeeze %dma_start3A_77 : memref<1x125xi32, #tpu.memory_space<vmem>> -> memref<125xi32, #tpu.memory_space<vmem>>
          %dma_start3A_79 = arith.constant 0 : i32
          %dma_start3A_80 = arith.constant 0 : i32
          %dma_start3A_81 = tpu.memref_slice %arg4[%dma_start3A_79, %dma_start3A_80] : memref<10000x128xf32, #tpu.memory_space<hbm>> -> memref<10000x128xf32, #tpu.memory_space<hbm>>
          tpu.enqueue_indirect_dma source(%dma_start3A_81 : memref<10000x128xf32, #tpu.memory_space<hbm>>) target(%arg9 : memref<125x128xf32, #tpu.memory_space<vmem>>) offsets(%dma_start3A_78 : memref<125xi32, #tpu.memory_space<vmem>>) semaphore(%arg11 : memref<!tpu.dma_semaphore, #tpu.memory_space<semaphore_mem>>)
        } else {
        }
        %add3A_64 = arith.constant 1 : i32
        %add3A_65 = arith.addi %mul3A_43, %add3A_64 : i32
        %dma_wait3A_66 = arith.constant 0 : i32
        %dma_wait3A_67 = tpu.memref_slice %arg7[%add3A_65, %dma_wait3A_66] : memref<40x125xi32, #tpu.memory_space<vmem>> -> memref<1x125xi32, #tpu.memory_space<vmem>>
        %dma_wait3A_68 = tpu.memref_squeeze %dma_wait3A_67 : memref<1x125xi32, #tpu.memory_space<vmem>> -> memref<125xi32, #tpu.memory_space<vmem>>
        %dma_wait3A_69 = arith.constant 0 : i32
        %dma_wait3A_70 = arith.constant 0 : i32
        %dma_wait3A_71 = tpu.memref_slice %arg4[%dma_wait3A_69, %dma_wait3A_70] : memref<10000x128xf32, #tpu.memory_space<hbm>> -> memref<10000x128xf32, #tpu.memory_space<hbm>>
        tpu.wait_indirect_dma semaphore(%arg12 : memref<!tpu.dma_semaphore, #tpu.memory_space<semaphore_mem>>) src(%dma_wait3A_71 : memref<10000x128xf32, #tpu.memory_space<hbm>>) dst(%arg10 : memref<125x128xf32, #tpu.memory_space<vmem>>)
        %add3A_72 = arith.constant 1 : i32
        %add3A_73 = arith.addi %mul3A_43, %add3A_72 : i32
        "tpu.region"() ({
          %run_scoped3A = tpu.sem_alloc : memref<!tpu.dma_semaphore, #tpu.memory_space<semaphore_mem>>
          %dma_start3A_74 = arith.constant 0 : i32
          %dma_start3A_75 = tpu.memref_slice %arg8[%add3A_73, %dma_start3A_74] : memref<40x125xi32, #tpu.memory_space<vmem>> -> memref<1x125xi32, #tpu.memory_space<vmem>>
          %dma_start3A_76 = tpu.memref_squeeze %dma_start3A_75 : memref<1x125xi32, #tpu.memory_space<vmem>> -> memref<125xi32, #tpu.memory_space<vmem>>
          %dma_start3A_77 = arith.constant 0 : i32
          %dma_start3A_78 = arith.constant 0 : i32
          %dma_start3A_79 = tpu.memref_slice %arg13[%dma_start3A_77, %dma_start3A_78] : memref<10000x128xf32, #tpu.memory_space<vmem_shared>> -> memref<10000x128xf32, #tpu.memory_space<vmem_shared>>
          tpu.enqueue_indirect_dma source(%arg10 : memref<125x128xf32, #tpu.memory_space<vmem>>) target(%dma_start3A_79 : memref<10000x128xf32, #tpu.memory_space<vmem_shared>>) offsets(%dma_start3A_76 : memref<125xi32, #tpu.memory_space<vmem>>) semaphore(%run_scoped3A : memref<!tpu.dma_semaphore, #tpu.memory_space<semaphore_mem>>) {add = true}
          %dma_wait3A_80 = arith.constant 0 : i32
          %dma_wait3A_81 = tpu.memref_slice %arg8[%add3A_73, %dma_wait3A_80] : memref<40x125xi32, #tpu.memory_space<vmem>> -> memref<1x125xi32, #tpu.memory_space<vmem>>
          %dma_wait3A_82 = tpu.memref_squeeze %dma_wait3A_81 : memref<1x125xi32, #tpu.memory_space<vmem>> -> memref<125xi32, #tpu.memory_space<vmem>>
          %dma_wait3A_83 = arith.constant 0 : i32
          %dma_wait3A_84 = arith.constant 0 : i32
          %dma_wait3A_85 = tpu.memref_slice %arg13[%dma_wait3A_83, %dma_wait3A_84] : memref<10000x128xf32, #tpu.memory_space<vmem_shared>> -> memref<10000x128xf32, #tpu.memory_space<vmem_shared>>
          tpu.wait_indirect_dma semaphore(%run_scoped3A : memref<!tpu.dma_semaphore, #tpu.memory_space<semaphore_mem>>) src(%arg10 : memref<125x128xf32, #tpu.memory_space<vmem>>) dst(%dma_wait3A_85 : memref<10000x128xf32, #tpu.memory_space<vmem_shared>>)
          tpu.yield
        }) : () -> ()
      }
      %scan3A_40 = arith.constant 20 : i32
    }
    %scan3A_11 = arith.constant 2 : i32
    %barrier3A_12 = arith.constant 0 : index
    tpu.barrier barrier_id(%barrier3A_12)
    %lt3A_13 = arith.constant 15 : i32
    %lt3A_14 = arith.cmpi slt, %arg1, %lt3A_13 : i32
    %convert_element_type3A_15 = arith.extui %lt3A_14 : i1 to i32
    %cond3A_16 = arith.constant 0 : i32
    %cond3A_17 = arith.cmpi ne, %convert_element_type3A_15, %cond3A_16 : i32
    scf.if %cond3A_17 {
      %mul3A_23 = arith.constant 640 : i32
      %mul3A_24 = arith.muli %arg1, %mul3A_23 : i32
      %mul3A_25 = arith.constant 640 : i32
      %mul3A_26 = arith.muli %arg1, %mul3A_25 : i32
      "tpu.region"() ({
        %run_scoped3A = tpu.sem_alloc : memref<!tpu.dma_semaphore, #tpu.memory_space<semaphore_mem>>
        %dma_start3A = arith.constant 0 : i32
        %dma_start3A_27 = arith.constant 0 : i32
        %dma_start3A_28 = tpu.memref_slice %arg6[%arg0, %dma_start3A, %dma_start3A_27] : memref<2x10000x128xf32, #tpu.memory_space<hbm>> -> memref<1x10000x128xf32, #tpu.memory_space<hbm>>
        %dma_start3A_29 = tpu.memref_squeeze %dma_start3A_28 : memref<1x10000x128xf32, #tpu.memory_space<hbm>> -> memref<10000x128xf32, #tpu.memory_space<hbm>>
        %dma_start3A_30 = arith.constant 0 : i32
        %dma_start3A_31 = tpu.memref_slice %dma_start3A_29[%mul3A_26, %dma_start3A_30] : memref<10000x128xf32, #tpu.memory_space<hbm>> -> memref<640x128xf32, #tpu.memory_space<hbm>>
        %dma_start3A_32 = arith.constant 0 : i32
        %dma_start3A_33 = tpu.memref_slice %arg13[%mul3A_24, %dma_start3A_32] : memref<10000x128xf32, #tpu.memory_space<vmem_shared>> -> memref<640x128xf32, #tpu.memory_space<vmem_shared>>
        tpu.enqueue_dma source(%dma_start3A_33 : memref<640x128xf32, #tpu.memory_space<vmem_shared>>) target(%dma_start3A_31 : memref<640x128xf32, #tpu.memory_space<hbm>>) target_semaphore(%run_scoped3A : memref<!tpu.dma_semaphore, #tpu.memory_space<semaphore_mem>>)
        %dma_wait3A = arith.constant 0 : i32
        %dma_wait3A_34 = arith.constant 0 : i32
        %dma_wait3A_35 = tpu.memref_slice %arg6[%arg0, %dma_wait3A, %dma_wait3A_34] : memref<2x10000x128xf32, #tpu.memory_space<hbm>> -> memref<1x10000x128xf32, #tpu.memory_space<hbm>>
        %dma_wait3A_36 = tpu.memref_squeeze %dma_wait3A_35 : memref<1x10000x128xf32, #tpu.memory_space<hbm>> -> memref<10000x128xf32, #tpu.memory_space<hbm>>
        %dma_wait3A_37 = arith.constant 0 : i32
        %dma_wait3A_38 = tpu.memref_slice %dma_wait3A_36[%mul3A_26, %dma_wait3A_37] : memref<10000x128xf32, #tpu.memory_space<hbm>> -> memref<640x128xf32, #tpu.memory_space<hbm>>
        %dma_wait3A_39 = arith.constant 0 : i32
        %dma_wait3A_40 = tpu.memref_slice %arg13[%mul3A_24, %dma_wait3A_39] : memref<10000x128xf32, #tpu.memory_space<vmem_shared>> -> memref<640x128xf32, #tpu.memory_space<vmem_shared>>
        tpu.wait_dma2 semaphore(%run_scoped3A : memref<!tpu.dma_semaphore, #tpu.memory_space<semaphore_mem>>) src(%dma_wait3A_40 : memref<640x128xf32, #tpu.memory_space<vmem_shared>>) dst(%dma_wait3A_38 : memref<640x128xf32, #tpu.memory_space<hbm>>)
        tpu.yield
      }) : () -> ()
    } else {
    }
    %eq3A_18 = arith.constant 15 : i32
    %eq3A_19 = arith.cmpi eq, %arg1, %eq3A_18 : i32
    %convert_element_type3A_20 = arith.extui %eq3A_19 : i1 to i32
    %cond3A_21 = arith.constant 0 : i32
    %cond3A_22 = arith.cmpi ne, %convert_element_type3A_20, %cond3A_21 : i32
    scf.if %cond3A_22 {
      "tpu.region"() ({
        %run_scoped3A = tpu.sem_alloc : memref<!tpu.dma_semaphore, #tpu.memory_space<semaphore_mem>>
        %dma_start3A = arith.constant 0 : i32
        %dma_start3A_23 = arith.constant 0 : i32
        %dma_start3A_24 = tpu.memref_slice %arg6[%arg0, %dma_start3A, %dma_start3A_23] : memref<2x10000x128xf32, #tpu.memory_space<hbm>> -> memref<1x10000x128xf32, #tpu.memory_space<hbm>>
        %dma_start3A_25 = tpu.memref_squeeze %dma_start3A_24 : memref<1x10000x128xf32, #tpu.memory_space<hbm>> -> memref<10000x128xf32, #tpu.memory_space<hbm>>
        %dma_start3A_26 = arith.constant 9600 : i32
        %dma_start3A_27 = arith.constant 0 : i32
        %dma_start3A_28 = tpu.memref_slice %dma_start3A_25[%dma_start3A_26, %dma_start3A_27] : memref<10000x128xf32, #tpu.memory_space<hbm>> -> memref<400x128xf32, #tpu.memory_space<hbm>>
        %dma_start3A_29 = arith.constant 9600 : i32
        %dma_start3A_30 = arith.constant 0 : i32
        %dma_start3A_31 = tpu.memref_slice %arg13[%dma_start3A_29, %dma_start3A_30] : memref<10000x128xf32, #tpu.memory_space<vmem_shared>> -> memref<400x128xf32, #tpu.memory_space<vmem_shared>>
        tpu.enqueue_dma source(%dma_start3A_31 : memref<400x128xf32, #tpu.memory_space<vmem_shared>>) target(%dma_start3A_28 : memref<400x128xf32, #tpu.memory_space<hbm>>) target_semaphore(%run_scoped3A : memref<!tpu.dma_semaphore, #tpu.memory_space<semaphore_mem>>)
        %dma_wait3A = arith.constant 0 : i32
        %dma_wait3A_32 = arith.constant 0 : i32
        %dma_wait3A_33 = tpu.memref_slice %arg6[%arg0, %dma_wait3A, %dma_wait3A_32] : memref<2x10000x128xf32, #tpu.memory_space<hbm>> -> memref<1x10000x128xf32, #tpu.memory_space<hbm>>
        %dma_wait3A_34 = tpu.memref_squeeze %dma_wait3A_33 : memref<1x10000x128xf32, #tpu.memory_space<hbm>> -> memref<10000x128xf32, #tpu.memory_space<hbm>>
        %dma_wait3A_35 = arith.constant 9600 : i32
        %dma_wait3A_36 = arith.constant 0 : i32
        %dma_wait3A_37 = tpu.memref_slice %dma_wait3A_34[%dma_wait3A_35, %dma_wait3A_36] : memref<10000x128xf32, #tpu.memory_space<hbm>> -> memref<400x128xf32, #tpu.memory_space<hbm>>
        %dma_wait3A_38 = arith.constant 9600 : i32
        %dma_wait3A_39 = arith.constant 0 : i32
        %dma_wait3A_40 = tpu.memref_slice %arg13[%dma_wait3A_38, %dma_wait3A_39] : memref<10000x128xf32, #tpu.memory_space<vmem_shared>> -> memref<400x128xf32, #tpu.memory_space<vmem_shared>>
        tpu.wait_dma2 semaphore(%run_scoped3A : memref<!tpu.dma_semaphore, #tpu.memory_space<semaphore_mem>>) src(%dma_wait3A_40 : memref<400x128xf32, #tpu.memory_space<vmem_shared>>) dst(%dma_wait3A_37 : memref<400x128xf32, #tpu.memory_space<hbm>>)
        tpu.yield
      }) : () -> ()
    } else {
    }
    return
  }
}

#map = affine_map<(d0, d1) -> (0, 0)>
#map1 = affine_map<(d0, d1) -> (0, 0, 0)>
module attributes {stable_mosaic.version = 14 : i64} {
  func.func @_agg_body(%arg0: i32, %arg1: i32, %arg2: memref<2560x125xi32, #tpu.memory_space<hbm>>, %arg3: memref<2560x125xi32, #tpu.memory_space<hbm>>, %arg4: memref<10000x128xf32, #tpu.memory_space<hbm>>, %arg5: memref<10000x128xf32, #tpu.memory_space<hbm>>, %arg6: memref<2x10000x128xf32, #tpu.memory_space<hbm>>, %arg7: memref<40x125xi32, #tpu.memory_space<vmem>>, %arg8: memref<40x125xi32, #tpu.memory_space<vmem>>, %arg9: memref<125x128xf32, #tpu.memory_space<vmem>>, %arg10: memref<125x128xf32, #tpu.memory_space<vmem>>, %arg11: memref<!tpu.dma_semaphore, #tpu.memory_space<semaphore_mem>>, %arg12: memref<!tpu.dma_semaphore, #tpu.memory_space<semaphore_mem>>, %arg13: memref<10000x128xf32, #tpu.memory_space<vmem_shared>>) attributes {dimension_semantics = [#tpu.dimension_semantics<core_parallel>, #tpu.dimension_semantics<subcore_parallel>], iteration_bounds = array<i64: 2, 16>, scalar_prefetch = 0 : i64, scratch_operands = 7 : i64, tpu.core_type = #tpu.core_type<sc_vector_subcore>, window_params = [{transform_indices = #map}, {transform_indices = #map}, {transform_indices = #map}, {transform_indices = #map}, {transform_indices = #map1}]} {
    %mul3A = arith.constant 2 : i32
    %mul3A_0 = arith.muli %arg1, %mul3A : i32
    %add3A = arith.addi %mul3A_0, %arg0 : i32
    %lt3A = arith.constant 15 : i32
    %lt3A_1 = arith.cmpi slt, %arg1, %lt3A : i32
    %convert_element_type3A = arith.extui %lt3A_1 : i1 to i32
    %cond3A = arith.constant 0 : i32
    %cond3A_2 = arith.cmpi ne, %convert_element_type3A, %cond3A : i32
    scf.if %cond3A_2 {
      %mul3A_23 = arith.constant 640 : i32
      %mul3A_24 = arith.muli %arg1, %mul3A_23 : i32
      %mul3A_25 = arith.constant 640 : i32
      %mul3A_26 = arith.muli %arg1, %mul3A_25 : i32
      "tpu.region"() ({
        %run_scoped3A = tpu.sem_alloc : memref<!tpu.dma_semaphore, #tpu.memory_space<semaphore_mem>>
        %dma_start3A = arith.constant 0 : i32
        %dma_start3A_27 = tpu.memref_slice %arg13[%mul3A_26, %dma_start3A] : memref<10000x128xf32, #tpu.memory_space<vmem_shared>> -> memref<640x128xf32, #tpu.memory_space<vmem_shared>>
        %dma_start3A_28 = arith.constant 0 : i32
        %dma_start3A_29 = tpu.memref_slice %arg5[%mul3A_24, %dma_start3A_28] : memref<10000x128xf32, #tpu.memory_space<hbm>> -> memref<640x128xf32, #tpu.memory_space<hbm>>
        tpu.enqueue_dma source(%dma_start3A_29 : memref<640x128xf32, #tpu.memory_space<hbm>>) target(%dma_start3A_27 : memref<640x128xf32, #tpu.memory_space<vmem_shared>>) target_semaphore(%run_scoped3A : memref<!tpu.dma_semaphore, #tpu.memory_space<semaphore_mem>>)
        %dma_wait3A = arith.constant 0 : i32
        %dma_wait3A_30 = tpu.memref_slice %arg13[%mul3A_26, %dma_wait3A] : memref<10000x128xf32, #tpu.memory_space<vmem_shared>> -> memref<640x128xf32, #tpu.memory_space<vmem_shared>>
        %dma_wait3A_31 = arith.constant 0 : i32
        %dma_wait3A_32 = tpu.memref_slice %arg5[%mul3A_24, %dma_wait3A_31] : memref<10000x128xf32, #tpu.memory_space<hbm>> -> memref<640x128xf32, #tpu.memory_space<hbm>>
        tpu.wait_dma2 semaphore(%run_scoped3A : memref<!tpu.dma_semaphore, #tpu.memory_space<semaphore_mem>>) src(%dma_wait3A_32 : memref<640x128xf32, #tpu.memory_space<hbm>>) dst(%dma_wait3A_30 : memref<640x128xf32, #tpu.memory_space<vmem_shared>>)
        tpu.yield
      }) : () -> ()
    } else {
    }
    %eq3A = arith.constant 15 : i32
    %eq3A_3 = arith.cmpi eq, %arg1, %eq3A : i32
    %convert_element_type3A_4 = arith.extui %eq3A_3 : i1 to i32
    %cond3A_5 = arith.constant 0 : i32
    %cond3A_6 = arith.cmpi ne, %convert_element_type3A_4, %cond3A_5 : i32
    scf.if %cond3A_6 {
      "tpu.region"() ({
        %run_scoped3A = tpu.sem_alloc : memref<!tpu.dma_semaphore, #tpu.memory_space<semaphore_mem>>
        %dma_start3A = arith.constant 9600 : i32
        %dma_start3A_23 = arith.constant 0 : i32
        %dma_start3A_24 = tpu.memref_slice %arg13[%dma_start3A, %dma_start3A_23] : memref<10000x128xf32, #tpu.memory_space<vmem_shared>> -> memref<400x128xf32, #tpu.memory_space<vmem_shared>>
        %dma_start3A_25 = arith.constant 9600 : i32
        %dma_start3A_26 = arith.constant 0 : i32
        %dma_start3A_27 = tpu.memref_slice %arg5[%dma_start3A_25, %dma_start3A_26] : memref<10000x128xf32, #tpu.memory_space<hbm>> -> memref<400x128xf32, #tpu.memory_space<hbm>>
        tpu.enqueue_dma source(%dma_start3A_27 : memref<400x128xf32, #tpu.memory_space<hbm>>) target(%dma_start3A_24 : memref<400x128xf32, #tpu.memory_space<vmem_shared>>) target_semaphore(%run_scoped3A : memref<!tpu.dma_semaphore, #tpu.memory_space<semaphore_mem>>)
        %dma_wait3A = arith.constant 9600 : i32
        %dma_wait3A_28 = arith.constant 0 : i32
        %dma_wait3A_29 = tpu.memref_slice %arg13[%dma_wait3A, %dma_wait3A_28] : memref<10000x128xf32, #tpu.memory_space<vmem_shared>> -> memref<400x128xf32, #tpu.memory_space<vmem_shared>>
        %dma_wait3A_30 = arith.constant 9600 : i32
        %dma_wait3A_31 = arith.constant 0 : i32
        %dma_wait3A_32 = tpu.memref_slice %arg5[%dma_wait3A_30, %dma_wait3A_31] : memref<10000x128xf32, #tpu.memory_space<hbm>> -> memref<400x128xf32, #tpu.memory_space<hbm>>
        tpu.wait_dma2 semaphore(%run_scoped3A : memref<!tpu.dma_semaphore, #tpu.memory_space<semaphore_mem>>) src(%dma_wait3A_32 : memref<400x128xf32, #tpu.memory_space<hbm>>) dst(%dma_wait3A_29 : memref<400x128xf32, #tpu.memory_space<vmem_shared>>)
        tpu.yield
      }) : () -> ()
    } else {
    }
    %barrier3A = arith.constant 0 : index
    tpu.barrier barrier_id(%barrier3A)
    %scan3A = arith.constant 0 : i32
    %scan3A_7 = arith.constant 0 : i32
    %scan3A_8 = arith.constant 2 : i32
    %scan3A_9 = arith.addi %scan3A_7, %scan3A_8 : i32
    %scan3A_10 = arith.constant 1 : i32
    scf.for %scan3A_23 = %scan3A_7 to %scan3A_9 step %scan3A_10  : i32 {
      %mul3A_24 = arith.constant 80 : i32
      %mul3A_25 = arith.muli %add3A, %mul3A_24 : i32
      %mul3A_26 = arith.constant 40 : i32
      %mul3A_27 = arith.muli %scan3A_23, %mul3A_26 : i32
      %add3A_28 = arith.addi %mul3A_25, %mul3A_27 : i32
      "tpu.region"() ({
        %run_scoped3A = tpu.sem_alloc : memref<!tpu.dma_semaphore, #tpu.memory_space<semaphore_mem>>
        %dma_start3A_41 = arith.constant 0 : i32
        %dma_start3A_42 = tpu.memref_slice %arg2[%add3A_28, %dma_start3A_41] : memref<2560x125xi32, #tpu.memory_space<hbm>> -> memref<40x125xi32, #tpu.memory_space<hbm>>
        %dma_start3A_43 = arith.constant 0 : i32
        %dma_start3A_44 = tpu.memref_slice %arg2[%add3A_28, %dma_start3A_43] : memref<2560x125xi32, #tpu.memory_space<hbm>> -> memref<40x125xi32, #tpu.memory_space<hbm>>
        tpu.enqueue_dma source(%dma_start3A_44 : memref<40x125xi32, #tpu.memory_space<hbm>>) target(%arg7 : memref<40x125xi32, #tpu.memory_space<vmem>>) target_semaphore(%run_scoped3A : memref<!tpu.dma_semaphore, #tpu.memory_space<semaphore_mem>>)
        %dma_wait3A = arith.constant 0 : i32
        %dma_wait3A_45 = tpu.memref_slice %arg2[%add3A_28, %dma_wait3A] : memref<2560x125xi32, #tpu.memory_space<hbm>> -> memref<40x125xi32, #tpu.memory_space<hbm>>
        %dma_wait3A_46 = arith.constant 0 : i32
        %dma_wait3A_47 = tpu.memref_slice %arg2[%add3A_28, %dma_wait3A_46] : memref<2560x125xi32, #tpu.memory_space<hbm>> -> memref<40x125xi32, #tpu.memory_space<hbm>>
        tpu.wait_dma2 semaphore(%run_scoped3A : memref<!tpu.dma_semaphore, #tpu.memory_space<semaphore_mem>>) src(%dma_wait3A_47 : memref<40x125xi32, #tpu.memory_space<hbm>>) dst(%arg7 : memref<40x125xi32, #tpu.memory_space<vmem>>)
        tpu.yield
      }) : () -> ()
      "tpu.region"() ({
        %run_scoped3A = tpu.sem_alloc : memref<!tpu.dma_semaphore, #tpu.memory_space<semaphore_mem>>
        %dma_start3A_41 = arith.constant 0 : i32
        %dma_start3A_42 = tpu.memref_slice %arg3[%add3A_28, %dma_start3A_41] : memref<2560x125xi32, #tpu.memory_space<hbm>> -> memref<40x125xi32, #tpu.memory_space<hbm>>
        %dma_start3A_43 = arith.constant 0 : i32
        %dma_start3A_44 = tpu.memref_slice %arg3[%add3A_28, %dma_start3A_43] : memref<2560x125xi32, #tpu.memory_space<hbm>> -> memref<40x125xi32, #tpu.memory_space<hbm>>
        tpu.enqueue_dma source(%dma_start3A_44 : memref<40x125xi32, #tpu.memory_space<hbm>>) target(%arg8 : memref<40x125xi32, #tpu.memory_space<vmem>>) target_semaphore(%run_scoped3A : memref<!tpu.dma_semaphore, #tpu.memory_space<semaphore_mem>>)
        %dma_wait3A = arith.constant 0 : i32
        %dma_wait3A_45 = tpu.memref_slice %arg3[%add3A_28, %dma_wait3A] : memref<2560x125xi32, #tpu.memory_space<hbm>> -> memref<40x125xi32, #tpu.memory_space<hbm>>
        %dma_wait3A_46 = arith.constant 0 : i32
        %dma_wait3A_47 = tpu.memref_slice %arg3[%add3A_28, %dma_wait3A_46] : memref<2560x125xi32, #tpu.memory_space<hbm>> -> memref<40x125xi32, #tpu.memory_space<hbm>>
        tpu.wait_dma2 semaphore(%run_scoped3A : memref<!tpu.dma_semaphore, #tpu.memory_space<semaphore_mem>>) src(%dma_wait3A_47 : memref<40x125xi32, #tpu.memory_space<hbm>>) dst(%arg8 : memref<40x125xi32, #tpu.memory_space<vmem>>)
        tpu.yield
      }) : () -> ()
      %dma_start3A = arith.constant 0 : i32
      %dma_start3A_29 = arith.constant 0 : i32
      %dma_start3A_30 = tpu.memref_slice %arg7[%dma_start3A, %dma_start3A_29] : memref<40x125xi32, #tpu.memory_space<vmem>> -> memref<1x125xi32, #tpu.memory_space<vmem>>
      %dma_start3A_31 = tpu.memref_squeeze %dma_start3A_30 : memref<1x125xi32, #tpu.memory_space<vmem>> -> memref<125xi32, #tpu.memory_space<vmem>>
      %dma_start3A_32 = arith.constant 0 : i32
      %dma_start3A_33 = arith.constant 0 : i32
      %dma_start3A_34 = tpu.memref_slice %arg4[%dma_start3A_32, %dma_start3A_33] : memref<10000x128xf32, #tpu.memory_space<hbm>> -> memref<10000x128xf32, #tpu.memory_space<hbm>>
      tpu.enqueue_indirect_dma source(%dma_start3A_34 : memref<10000x128xf32, #tpu.memory_space<hbm>>) target(%arg9 : memref<125x128xf32, #tpu.memory_space<vmem>>) offsets(%dma_start3A_31 : memref<125xi32, #tpu.memory_space<vmem>>) semaphore(%arg11 : memref<!tpu.dma_semaphore, #tpu.memory_space<semaphore_mem>>)
      %scan3A_35 = arith.constant 0 : i32
      %scan3A_36 = arith.constant 0 : i32
      %scan3A_37 = arith.constant 20 : i32
      %scan3A_38 = arith.addi %scan3A_36, %scan3A_37 : i32
      %scan3A_39 = arith.constant 1 : i32
      scf.for %scan3A_41 = %scan3A_36 to %scan3A_38 step %scan3A_39  : i32 {
        %mul3A_42 = arith.constant 2 : i32
        %mul3A_43 = arith.muli %mul3A_42, %scan3A_41 : i32
        %add3A_44 = arith.constant 1 : i32
        %add3A_45 = arith.addi %mul3A_43, %add3A_44 : i32
        %dma_start3A_46 = arith.constant 0 : i32
        %dma_start3A_47 = tpu.memref_slice %arg7[%add3A_45, %dma_start3A_46] : memref<40x125xi32, #tpu.memory_space<vmem>> -> memref<1x125xi32, #tpu.memory_space<vmem>>
        %dma_start3A_48 = tpu.memref_squeeze %dma_start3A_47 : memref<1x125xi32, #tpu.memory_space<vmem>> -> memref<125xi32, #tpu.memory_space<vmem>>
        %dma_start3A_49 = arith.constant 0 : i32
        %dma_start3A_50 = arith.constant 0 : i32
        %dma_start3A_51 = tpu.memref_slice %arg4[%dma_start3A_49, %dma_start3A_50] : memref<10000x128xf32, #tpu.memory_space<hbm>> -> memref<10000x128xf32, #tpu.memory_space<hbm>>
        tpu.enqueue_indirect_dma source(%dma_start3A_51 : memref<10000x128xf32, #tpu.memory_space<hbm>>) target(%arg10 : memref<125x128xf32, #tpu.memory_space<vmem>>) offsets(%dma_start3A_48 : memref<125xi32, #tpu.memory_space<vmem>>) semaphore(%arg12 : memref<!tpu.dma_semaphore, #tpu.memory_space<semaphore_mem>>)
        %dma_wait3A = arith.constant 0 : i32
        %dma_wait3A_52 = tpu.memref_slice %arg7[%mul3A_43, %dma_wait3A] : memref<40x125xi32, #tpu.memory_space<vmem>> -> memref<1x125xi32, #tpu.memory_space<vmem>>
        %dma_wait3A_53 = tpu.memref_squeeze %dma_wait3A_52 : memref<1x125xi32, #tpu.memory_space<vmem>> -> memref<125xi32, #tpu.memory_space<vmem>>
        %dma_wait3A_54 = arith.constant 0 : i32
        %dma_wait3A_55 = arith.constant 0 : i32
        %dma_wait3A_56 = tpu.memref_slice %arg4[%dma_wait3A_54, %dma_wait3A_55] : memref<10000x128xf32, #tpu.memory_space<hbm>> -> memref<10000x128xf32, #tpu.memory_space<hbm>>
        tpu.wait_indirect_dma semaphore(%arg11 : memref<!tpu.dma_semaphore, #tpu.memory_space<semaphore_mem>>) src(%dma_wait3A_56 : memref<10000x128xf32, #tpu.memory_space<hbm>>) dst(%arg9 : memref<125x128xf32, #tpu.memory_space<vmem>>)
        "tpu.region"() ({
          %run_scoped3A = tpu.sem_alloc : memref<!tpu.dma_semaphore, #tpu.memory_space<semaphore_mem>>
          %dma_start3A_74 = arith.constant 0 : i32
          %dma_start3A_75 = tpu.memref_slice %arg8[%mul3A_43, %dma_start3A_74] : memref<40x125xi32, #tpu.memory_space<vmem>> -> memref<1x125xi32, #tpu.memory_space<vmem>>
          %dma_start3A_76 = tpu.memref_squeeze %dma_start3A_75 : memref<1x125xi32, #tpu.memory_space<vmem>> -> memref<125xi32, #tpu.memory_space<vmem>>
          %dma_start3A_77 = arith.constant 0 : i32
          %dma_start3A_78 = arith.constant 0 : i32
          %dma_start3A_79 = tpu.memref_slice %arg13[%dma_start3A_77, %dma_start3A_78] : memref<10000x128xf32, #tpu.memory_space<vmem_shared>> -> memref<10000x128xf32, #tpu.memory_space<vmem_shared>>
          tpu.enqueue_indirect_dma source(%arg9 : memref<125x128xf32, #tpu.memory_space<vmem>>) target(%dma_start3A_79 : memref<10000x128xf32, #tpu.memory_space<vmem_shared>>) offsets(%dma_start3A_76 : memref<125xi32, #tpu.memory_space<vmem>>) semaphore(%run_scoped3A : memref<!tpu.dma_semaphore, #tpu.memory_space<semaphore_mem>>) {add = true}
          %dma_wait3A_80 = arith.constant 0 : i32
          %dma_wait3A_81 = tpu.memref_slice %arg8[%mul3A_43, %dma_wait3A_80] : memref<40x125xi32, #tpu.memory_space<vmem>> -> memref<1x125xi32, #tpu.memory_space<vmem>>
          %dma_wait3A_82 = tpu.memref_squeeze %dma_wait3A_81 : memref<1x125xi32, #tpu.memory_space<vmem>> -> memref<125xi32, #tpu.memory_space<vmem>>
          %dma_wait3A_83 = arith.constant 0 : i32
          %dma_wait3A_84 = arith.constant 0 : i32
          %dma_wait3A_85 = tpu.memref_slice %arg13[%dma_wait3A_83, %dma_wait3A_84] : memref<10000x128xf32, #tpu.memory_space<vmem_shared>> -> memref<10000x128xf32, #tpu.memory_space<vmem_shared>>
          tpu.wait_indirect_dma semaphore(%run_scoped3A : memref<!tpu.dma_semaphore, #tpu.memory_space<semaphore_mem>>) src(%arg9 : memref<125x128xf32, #tpu.memory_space<vmem>>) dst(%dma_wait3A_85 : memref<10000x128xf32, #tpu.memory_space<vmem_shared>>)
          tpu.yield
        }) : () -> ()
        %add3A_57 = arith.constant 2 : i32
        %add3A_58 = arith.addi %mul3A_43, %add3A_57 : i32
        %lt3A_59 = arith.constant 40 : i32
        %lt3A_60 = arith.cmpi slt, %add3A_58, %lt3A_59 : i32
        %convert_element_type3A_61 = arith.extui %lt3A_60 : i1 to i32
        %cond3A_62 = arith.constant 0 : i32
        %cond3A_63 = arith.cmpi ne, %convert_element_type3A_61, %cond3A_62 : i32
        scf.if %cond3A_63 {
          %add3A_74 = arith.constant 2 : i32
          %add3A_75 = arith.addi %mul3A_43, %add3A_74 : i32
          %dma_start3A_76 = arith.constant 0 : i32
          %dma_start3A_77 = tpu.memref_slice %arg7[%add3A_75, %dma_start3A_76] : memref<40x125xi32, #tpu.memory_space<vmem>> -> memref<1x125xi32, #tpu.memory_space<vmem>>
          %dma_start3A_78 = tpu.memref_squeeze %dma_start3A_77 : memref<1x125xi32, #tpu.memory_space<vmem>> -> memref<125xi32, #tpu.memory_space<vmem>>
          %dma_start3A_79 = arith.constant 0 : i32
          %dma_start3A_80 = arith.constant 0 : i32
          %dma_start3A_81 = tpu.memref_slice %arg4[%dma_start3A_79, %dma_start3A_80] : memref<10000x128xf32, #tpu.memory_space<hbm>> -> memref<10000x128xf32, #tpu.memory_space<hbm>>
          tpu.enqueue_indirect_dma source(%dma_start3A_81 : memref<10000x128xf32, #tpu.memory_space<hbm>>) target(%arg9 : memref<125x128xf32, #tpu.memory_space<vmem>>) offsets(%dma_start3A_78 : memref<125xi32, #tpu.memory_space<vmem>>) semaphore(%arg11 : memref<!tpu.dma_semaphore, #tpu.memory_space<semaphore_mem>>)
        } else {
        }
        %add3A_64 = arith.constant 1 : i32
        %add3A_65 = arith.addi %mul3A_43, %add3A_64 : i32
        %dma_wait3A_66 = arith.constant 0 : i32
        %dma_wait3A_67 = tpu.memref_slice %arg7[%add3A_65, %dma_wait3A_66] : memref<40x125xi32, #tpu.memory_space<vmem>> -> memref<1x125xi32, #tpu.memory_space<vmem>>
        %dma_wait3A_68 = tpu.memref_squeeze %dma_wait3A_67 : memref<1x125xi32, #tpu.memory_space<vmem>> -> memref<125xi32, #tpu.memory_space<vmem>>
        %dma_wait3A_69 = arith.constant 0 : i32
        %dma_wait3A_70 = arith.constant 0 : i32
        %dma_wait3A_71 = tpu.memref_slice %arg4[%dma_wait3A_69, %dma_wait3A_70] : memref<10000x128xf32, #tpu.memory_space<hbm>> -> memref<10000x128xf32, #tpu.memory_space<hbm>>
        tpu.wait_indirect_dma semaphore(%arg12 : memref<!tpu.dma_semaphore, #tpu.memory_space<semaphore_mem>>) src(%dma_wait3A_71 : memref<10000x128xf32, #tpu.memory_space<hbm>>) dst(%arg10 : memref<125x128xf32, #tpu.memory_space<vmem>>)
        %add3A_72 = arith.constant 1 : i32
        %add3A_73 = arith.addi %mul3A_43, %add3A_72 : i32
        "tpu.region"() ({
          %run_scoped3A = tpu.sem_alloc : memref<!tpu.dma_semaphore, #tpu.memory_space<semaphore_mem>>
          %dma_start3A_74 = arith.constant 0 : i32
          %dma_start3A_75 = tpu.memref_slice %arg8[%add3A_73, %dma_start3A_74] : memref<40x125xi32, #tpu.memory_space<vmem>> -> memref<1x125xi32, #tpu.memory_space<vmem>>
          %dma_start3A_76 = tpu.memref_squeeze %dma_start3A_75 : memref<1x125xi32, #tpu.memory_space<vmem>> -> memref<125xi32, #tpu.memory_space<vmem>>
          %dma_start3A_77 = arith.constant 0 : i32
          %dma_start3A_78 = arith.constant 0 : i32
          %dma_start3A_79 = tpu.memref_slice %arg13[%dma_start3A_77, %dma_start3A_78] : memref<10000x128xf32, #tpu.memory_space<vmem_shared>> -> memref<10000x128xf32, #tpu.memory_space<vmem_shared>>
          tpu.enqueue_indirect_dma source(%arg10 : memref<125x128xf32, #tpu.memory_space<vmem>>) target(%dma_start3A_79 : memref<10000x128xf32, #tpu.memory_space<vmem_shared>>) offsets(%dma_start3A_76 : memref<125xi32, #tpu.memory_space<vmem>>) semaphore(%run_scoped3A : memref<!tpu.dma_semaphore, #tpu.memory_space<semaphore_mem>>) {add = true}
          %dma_wait3A_80 = arith.constant 0 : i32
          %dma_wait3A_81 = tpu.memref_slice %arg8[%add3A_73, %dma_wait3A_80] : memref<40x125xi32, #tpu.memory_space<vmem>> -> memref<1x125xi32, #tpu.memory_space<vmem>>
          %dma_wait3A_82 = tpu.memref_squeeze %dma_wait3A_81 : memref<1x125xi32, #tpu.memory_space<vmem>> -> memref<125xi32, #tpu.memory_space<vmem>>
          %dma_wait3A_83 = arith.constant 0 : i32
          %dma_wait3A_84 = arith.constant 0 : i32
          %dma_wait3A_85 = tpu.memref_slice %arg13[%dma_wait3A_83, %dma_wait3A_84] : memref<10000x128xf32, #tpu.memory_space<vmem_shared>> -> memref<10000x128xf32, #tpu.memory_space<vmem_shared>>
          tpu.wait_indirect_dma semaphore(%run_scoped3A : memref<!tpu.dma_semaphore, #tpu.memory_space<semaphore_mem>>) src(%arg10 : memref<125x128xf32, #tpu.memory_space<vmem>>) dst(%dma_wait3A_85 : memref<10000x128xf32, #tpu.memory_space<vmem_shared>>)
          tpu.yield
        }) : () -> ()
      }
      %scan3A_40 = arith.constant 20 : i32
    }
    %scan3A_11 = arith.constant 2 : i32
    %barrier3A_12 = arith.constant 0 : index
    tpu.barrier barrier_id(%barrier3A_12)
    %lt3A_13 = arith.constant 15 : i32
    %lt3A_14 = arith.cmpi slt, %arg1, %lt3A_13 : i32
    %convert_element_type3A_15 = arith.extui %lt3A_14 : i1 to i32
    %cond3A_16 = arith.constant 0 : i32
    %cond3A_17 = arith.cmpi ne, %convert_element_type3A_15, %cond3A_16 : i32
    scf.if %cond3A_17 {
      %mul3A_23 = arith.constant 640 : i32
      %mul3A_24 = arith.muli %arg1, %mul3A_23 : i32
      %mul3A_25 = arith.constant 640 : i32
      %mul3A_26 = arith.muli %arg1, %mul3A_25 : i32
      "tpu.region"() ({
        %run_scoped3A = tpu.sem_alloc : memref<!tpu.dma_semaphore, #tpu.memory_space<semaphore_mem>>
        %dma_start3A = arith.constant 0 : i32
        %dma_start3A_27 = arith.constant 0 : i32
        %dma_start3A_28 = tpu.memref_slice %arg6[%arg0, %dma_start3A, %dma_start3A_27] : memref<2x10000x128xf32, #tpu.memory_space<hbm>> -> memref<1x10000x128xf32, #tpu.memory_space<hbm>>
        %dma_start3A_29 = tpu.memref_squeeze %dma_start3A_28 : memref<1x10000x128xf32, #tpu.memory_space<hbm>> -> memref<10000x128xf32, #tpu.memory_space<hbm>>
        %dma_start3A_30 = arith.constant 0 : i32
        %dma_start3A_31 = tpu.memref_slice %dma_start3A_29[%mul3A_26, %dma_start3A_30] : memref<10000x128xf32, #tpu.memory_space<hbm>> -> memref<640x128xf32, #tpu.memory_space<hbm>>
        %dma_start3A_32 = arith.constant 0 : i32
        %dma_start3A_33 = tpu.memref_slice %arg13[%mul3A_24, %dma_start3A_32] : memref<10000x128xf32, #tpu.memory_space<vmem_shared>> -> memref<640x128xf32, #tpu.memory_space<vmem_shared>>
        tpu.enqueue_dma source(%dma_start3A_33 : memref<640x128xf32, #tpu.memory_space<vmem_shared>>) target(%dma_start3A_31 : memref<640x128xf32, #tpu.memory_space<hbm>>) target_semaphore(%run_scoped3A : memref<!tpu.dma_semaphore, #tpu.memory_space<semaphore_mem>>)
        %dma_wait3A = arith.constant 0 : i32
        %dma_wait3A_34 = arith.constant 0 : i32
        %dma_wait3A_35 = tpu.memref_slice %arg6[%arg0, %dma_wait3A, %dma_wait3A_34] : memref<2x10000x128xf32, #tpu.memory_space<hbm>> -> memref<1x10000x128xf32, #tpu.memory_space<hbm>>
        %dma_wait3A_36 = tpu.memref_squeeze %dma_wait3A_35 : memref<1x10000x128xf32, #tpu.memory_space<hbm>> -> memref<10000x128xf32, #tpu.memory_space<hbm>>
        %dma_wait3A_37 = arith.constant 0 : i32
        %dma_wait3A_38 = tpu.memref_slice %dma_wait3A_36[%mul3A_26, %dma_wait3A_37] : memref<10000x128xf32, #tpu.memory_space<hbm>> -> memref<640x128xf32, #tpu.memory_space<hbm>>
        %dma_wait3A_39 = arith.constant 0 : i32
        %dma_wait3A_40 = tpu.memref_slice %arg13[%mul3A_24, %dma_wait3A_39] : memref<10000x128xf32, #tpu.memory_space<vmem_shared>> -> memref<640x128xf32, #tpu.memory_space<vmem_shared>>
        tpu.wait_dma2 semaphore(%run_scoped3A : memref<!tpu.dma_semaphore, #tpu.memory_space<semaphore_mem>>) src(%dma_wait3A_40 : memref<640x128xf32, #tpu.memory_space<vmem_shared>>) dst(%dma_wait3A_38 : memref<640x128xf32, #tpu.memory_space<hbm>>)
        tpu.yield
      }) : () -> ()
    } else {
    }
    %eq3A_18 = arith.constant 15 : i32
    %eq3A_19 = arith.cmpi eq, %arg1, %eq3A_18 : i32
    %convert_element_type3A_20 = arith.extui %eq3A_19 : i1 to i32
    %cond3A_21 = arith.constant 0 : i32
    %cond3A_22 = arith.cmpi ne, %convert_element_type3A_20, %cond3A_21 : i32
    scf.if %cond3A_22 {
      "tpu.region"() ({
        %run_scoped3A = tpu.sem_alloc : memref<!tpu.dma_semaphore, #tpu.memory_space<semaphore_mem>>
        %dma_start3A = arith.constant 0 : i32
        %dma_start3A_23 = arith.constant 0 : i32
        %dma_start3A_24 = tpu.memref_slice %arg6[%arg0, %dma_start3A, %dma_start3A_23] : memref<2x10000x128xf32, #tpu.memory_space<hbm>> -> memref<1x10000x128xf32, #tpu.memory_space<hbm>>
        %dma_start3A_25 = tpu.memref_squeeze %dma_start3A_24 : memref<1x10000x128xf32, #tpu.memory_space<hbm>> -> memref<10000x128xf32, #tpu.memory_space<hbm>>
        %dma_start3A_26 = arith.constant 9600 : i32
        %dma_start3A_27 = arith.constant 0 : i32
        %dma_start3A_28 = tpu.memref_slice %dma_start3A_25[%dma_start3A_26, %dma_start3A_27] : memref<10000x128xf32, #tpu.memory_space<hbm>> -> memref<400x128xf32, #tpu.memory_space<hbm>>
        %dma_start3A_29 = arith.constant 9600 : i32
        %dma_start3A_30 = arith.constant 0 : i32
        %dma_start3A_31 = tpu.memref_slice %arg13[%dma_start3A_29, %dma_start3A_30] : memref<10000x128xf32, #tpu.memory_space<vmem_shared>> -> memref<400x128xf32, #tpu.memory_space<vmem_shared>>
        tpu.enqueue_dma source(%dma_start3A_31 : memref<400x128xf32, #tpu.memory_space<vmem_shared>>) target(%dma_start3A_28 : memref<400x128xf32, #tpu.memory_space<hbm>>) target_semaphore(%run_scoped3A : memref<!tpu.dma_semaphore, #tpu.memory_space<semaphore_mem>>)
        %dma_wait3A = arith.constant 0 : i32
        %dma_wait3A_32 = arith.constant 0 : i32
        %dma_wait3A_33 = tpu.memref_slice %arg6[%arg0, %dma_wait3A, %dma_wait3A_32] : memref<2x10000x128xf32, #tpu.memory_space<hbm>> -> memref<1x10000x128xf32, #tpu.memory_space<hbm>>
        %dma_wait3A_34 = tpu.memref_squeeze %dma_wait3A_33 : memref<1x10000x128xf32, #tpu.memory_space<hbm>> -> memref<10000x128xf32, #tpu.memory_space<hbm>>
        %dma_wait3A_35 = arith.constant 9600 : i32
        %dma_wait3A_36 = arith.constant 0 : i32
        %dma_wait3A_37 = tpu.memref_slice %dma_wait3A_34[%dma_wait3A_35, %dma_wait3A_36] : memref<10000x128xf32, #tpu.memory_space<hbm>> -> memref<400x128xf32, #tpu.memory_space<hbm>>
        %dma_wait3A_38 = arith.constant 9600 : i32
        %dma_wait3A_39 = arith.constant 0 : i32
        %dma_wait3A_40 = tpu.memref_slice %arg13[%dma_wait3A_38, %dma_wait3A_39] : memref<10000x128xf32, #tpu.memory_space<vmem_shared>> -> memref<400x128xf32, #tpu.memory_space<vmem_shared>>
        tpu.wait_dma2 semaphore(%run_scoped3A : memref<!tpu.dma_semaphore, #tpu.memory_space<semaphore_mem>>) src(%dma_wait3A_40 : memref<400x128xf32, #tpu.memory_space<vmem_shared>>) dst(%dma_wait3A_37 : memref<400x128xf32, #tpu.memory_space<hbm>>)
        tpu.yield
      }) : () -> ()
    } else {
    }
    return
  }
}

module attributes {stable_mosaic.version = 14 : i64} {
  func.func @_xs_body(%arg0: i32, %arg1: memref<1000x128xf32, #tpu.memory_space<vmem>>, %arg2: memref<1000x128xf32, #tpu.memory_space<vmem>>, %arg3: memref<1000x128xf32, #tpu.memory_space<vmem>>, %arg4: memref<1000x128xf32, #tpu.memory_space<vmem>>) attributes {dimension_semantics = [#tpu.dimension_semantics<arbitrary>], iteration_bounds = array<i64: 10>, scalar_prefetch = 0 : i64, scratch_operands = 0 : i64, tpu.core_type = #tpu.core_type<tc>, window_params = [{transform_indices = @transform_0, window_bounds = array<i64: 1000, 128>}, {transform_indices = @transform_1, window_bounds = array<i64: 1000, 128>}, {transform_indices = @transform_2, window_bounds = array<i64: 1000, 128>}, {transform_indices = @transform_3, window_bounds = array<i64: 1000, 128>}]} {
    %get3A = arith.constant 0 : index
    %get3A_0 = arith.constant 0 : index
    %get3A_1 = vector.load %arg2[%get3A, %get3A_0] : memref<1000x128xf32, #tpu.memory_space<vmem>>, vector<1000x128xf32>
    %slice3A = vector.extract_strided_slice %get3A_1 {offsets = [0, 0], sizes = [1000, 1], strides = [1, 1]} : vector<1000x128xf32> to vector<1000x1xf32>
    %get3A_2 = arith.constant 0 : index
    %get3A_3 = arith.constant 0 : index
    %get3A_4 = vector.load %arg3[%get3A_2, %get3A_3] : memref<1000x128xf32, #tpu.memory_space<vmem>>, vector<1000x128xf32>
    %slice3A_5 = vector.extract_strided_slice %get3A_4 {offsets = [0, 0], sizes = [1000, 1], strides = [1, 1]} : vector<1000x128xf32> to vector<1000x1xf32>
    %add3A = arith.addf %slice3A, %slice3A_5 : vector<1000x1xf32>
    %max3A = arith.constant 1.000000e+00 : f32
    %max3A_6 = vector.broadcast %max3A : f32 to vector<1000x1xf32>
    %max3A_7 = arith.maximumf %add3A, %max3A_6 : vector<1000x1xf32>
    %get3A_8 = arith.constant 0 : index
    %get3A_9 = arith.constant 0 : index
    %get3A_10 = vector.load %arg1[%get3A_8, %get3A_9] : memref<1000x128xf32, #tpu.memory_space<vmem>>, vector<1000x128xf32>
    %rsqrt3A = math.rsqrt %max3A_7 : vector<1000x1xf32>
    %mul3A = vector.broadcast %rsqrt3A : vector<1000x1xf32> to vector<1000x128xf32>
    %mul3A_11 = arith.mulf %get3A_10, %mul3A : vector<1000x128xf32>
    %swap3A = arith.constant 0 : index
    %swap3A_12 = arith.constant 0 : index
    %swap3A_13 = vector.load %arg4[%swap3A, %swap3A_12] : memref<1000x128xf32, #tpu.memory_space<vmem>>, vector<1000x128xf32>
    tpu.vector_store %arg4[%swap3A, %swap3A_12], %mul3A_11 {strides = array<i32>} : memref<1000x128xf32, #tpu.memory_space<vmem>>, vector<1000x128xf32>,
    return
  }
  func.func @transform_0(%arg0: i32) -> (i32, i32) {
    %c0_i32 = arith.constant 0 : i32
    %c0_i32_0 = arith.constant 0 : i32
    return %arg0, %c0_i32 : i32, i32
  }
  func.func @transform_1(%arg0: i32) -> (i32, i32) {
    %c0_i32 = arith.constant 0 : i32
    %c0_i32_0 = arith.constant 0 : i32
    return %arg0, %c0_i32 : i32, i32
  }
  func.func @transform_2(%arg0: i32) -> (i32, i32) {
    %c0_i32 = arith.constant 0 : i32
    %c0_i32_0 = arith.constant 0 : i32
    return %arg0, %c0_i32 : i32, i32
  }
  func.func @transform_3(%arg0: i32) -> (i32, i32) {
    %c0_i32 = arith.constant 0 : i32
    %c0_i32_0 = arith.constant 0 : i32
    return %arg0, %c0_i32 : i32, i32
  }
}

module attributes {stable_mosaic.version = 14 : i64} {
  func.func @_enc_body(%arg0: i32, %arg1: memref<1000x128xf32, #tpu.memory_space<vmem>>, %arg2: memref<1000x128xf32, #tpu.memory_space<vmem>>, %arg3: memref<1000x128xf32, #tpu.memory_space<vmem>>, %arg4: memref<1000x128xf32, #tpu.memory_space<vmem>>, %arg5: memref<1000x64xi32, #tpu.memory_space<vmem>>, %arg6: memref<128x128xf32, #tpu.memory_space<vmem>>, %arg7: memref<1x128xf32, #tpu.memory_space<vmem>>, %arg8: memref<4x128x128xf32, #tpu.memory_space<vmem>>, %arg9: memref<4x128xf32, #tpu.memory_space<vmem>>, %arg10: memref<3x128xf32, #tpu.memory_space<vmem>>, %arg11: memref<1000x128xf32, #tpu.memory_space<vmem>>, %arg12: memref<64x128xf32, #tpu.memory_space<vmem>>) attributes {dimension_semantics = [#tpu.dimension_semantics<arbitrary>], iteration_bounds = array<i64: 10>, scalar_prefetch = 0 : i64, scratch_operands = 0 : i64, tpu.core_type = #tpu.core_type<tc>, window_params = [{transform_indices = @transform_0, window_bounds = array<i64: 1000, 128>}, {transform_indices = @transform_1, window_bounds = array<i64: 1000, 128>}, {transform_indices = @transform_2, window_bounds = array<i64: 1000, 128>}, {transform_indices = @transform_3, window_bounds = array<i64: 1000, 128>}, {transform_indices = @transform_4, window_bounds = array<i64: 1000, 64>}, {pipeline_mode = #tpu.pipeline_mode<synchronous>, transform_indices = @transform_5, window_bounds = array<i64: 128, 128>}, {pipeline_mode = #tpu.pipeline_mode<synchronous>, transform_indices = @transform_6, window_bounds = array<i64: 1, 128>}, {pipeline_mode = #tpu.pipeline_mode<synchronous>, transform_indices = @transform_7, window_bounds = array<i64: 4, 128, 128>}, {pipeline_mode = #tpu.pipeline_mode<synchronous>, transform_indices = @transform_8, window_bounds = array<i64: 4, 128>}, {pipeline_mode = #tpu.pipeline_mode<synchronous>, transform_indices = @transform_9, window_bounds = array<i64: 3, 128>}, {transform_indices = @transform_10, window_bounds = array<i64: 1000, 128>}, {pipeline_mode = #tpu.pipeline_mode<synchronous>, transform_indices = @transform_11, window_bounds = array<i64: 64, 128>}]} {
    %eq3A = arith.constant 0 : i32
    %eq3A_0 = arith.cmpi eq, %arg0, %eq3A : i32
    %convert_element_type3A = arith.extui %eq3A_0 : i1 to i32
    %cond3A = arith.constant 0 : i32
    %cond3A_1 = arith.cmpi ne, %convert_element_type3A, %cond3A : i32
    scf.if %cond3A_1 {
      %broadcast_in_dim3A = arith.constant 0.000000e+00 : f32
      %broadcast_in_dim3A_121 = vector.broadcast %broadcast_in_dim3A : f32 to vector<64x128xf32>
      %swap3A_122 = arith.constant 0 : index
      %swap3A_123 = arith.constant 0 : index
      %swap3A_124 = vector.load %arg12[%swap3A_122, %swap3A_123] : memref<64x128xf32, #tpu.memory_space<vmem>>, vector<64x128xf32>
      tpu.vector_store %arg12[%swap3A_122, %swap3A_123], %broadcast_in_dim3A_121 {strides = array<i32>} : memref<64x128xf32, #tpu.memory_space<vmem>>, vector<64x128xf32>,
    } else {
    }
    %get3A = arith.constant 0 : index
    %get3A_2 = arith.constant 0 : index
    %get3A_3 = vector.load %arg3[%get3A, %get3A_2] : memref<1000x128xf32, #tpu.memory_space<vmem>>, vector<1000x128xf32>
    %slice3A = vector.extract_strided_slice %get3A_3 {offsets = [0, 0], sizes = [1000, 1], strides = [1, 1]} : vector<1000x128xf32> to vector<1000x1xf32>
    %get3A_4 = arith.constant 0 : index
    %get3A_5 = arith.constant 0 : index
    %get3A_6 = vector.load %arg4[%get3A_4, %get3A_5] : memref<1000x128xf32, #tpu.memory_space<vmem>>, vector<1000x128xf32>
    %slice3A_7 = vector.extract_strided_slice %get3A_6 {offsets = [0, 0], sizes = [1000, 1], strides = [1, 1]} : vector<1000x128xf32> to vector<1000x1xf32>
    %add3A = arith.addf %slice3A, %slice3A_7 : vector<1000x1xf32>
    %max3A = arith.constant 1.000000e+00 : f32
    %max3A_8 = vector.broadcast %max3A : f32 to vector<1000x1xf32>
    %max3A_9 = arith.maximumf %add3A, %max3A_8 : vector<1000x1xf32>
    %rsqrt3A = math.rsqrt %max3A_9 : vector<1000x1xf32>
    %get3A_10 = arith.constant 0 : index
    %get3A_11 = arith.constant 0 : index
    %get3A_12 = vector.load %arg1[%get3A_10, %get3A_11] : memref<1000x128xf32, #tpu.memory_space<vmem>>, vector<1000x128xf32>
    %get3A_13 = arith.constant 0 : index
    %get3A_14 = arith.constant 0 : index
    %get3A_15 = vector.load %arg2[%get3A_13, %get3A_14] : memref<1000x128xf32, #tpu.memory_space<vmem>>, vector<1000x128xf32>
    %add3A_16 = arith.addf %get3A_12, %get3A_15 : vector<1000x128xf32>
    %mul3A = vector.broadcast %rsqrt3A : vector<1000x1xf32> to vector<1000x128xf32>
    %mul3A_17 = arith.mulf %add3A_16, %mul3A : vector<1000x128xf32>
    %get3A_18 = arith.constant 0 : index
    %get3A_19 = arith.constant 0 : index
    %get3A_20 = vector.load %arg6[%get3A_18, %get3A_19] : memref<128x128xf32, #tpu.memory_space<vmem>>, vector<128x128xf32>
    %dot_general3A = arith.constant dense<0.000000e+00> : vector<1000x128xf32>
    %dot_general3A_21 = tpu.matmul %mul3A_17, %get3A_20, %dot_general3A {dimension_numbers = #tpu.dot_dimension_numbers<[1], [0], [0], [1], [0, 0, 1, 1], [], []>, transpose_lhs_hint = false} : vector<1000x128xf32>, vector<128x128xf32>, vector<1000x128xf32> -> vector<1000x128xf32>
    %get3A_22 = arith.constant 0 : index
    %get3A_23 = arith.constant 0 : index
    %get3A_24 = vector.load %arg7[%get3A_22, %get3A_23] : memref<1x128xf32, #tpu.memory_space<vmem>>, vector<1x128xf32>
    %add3A_25 = vector.broadcast %get3A_24 : vector<1x128xf32> to vector<1000x128xf32>
    %add3A_26 = arith.addf %dot_general3A_21, %add3A_25 : vector<1000x128xf32>
    %max3A_27 = arith.constant 0.000000e+00 : f32
    %max3A_28 = vector.broadcast %max3A_27 : f32 to vector<1000x128xf32>
    %max3A_29 = arith.maximumf %add3A_26, %max3A_28 : vector<1000x128xf32>
    %iota3A = tpu.iota {dimensions = array<i32: 1>} : vector<1000x64xi32>
    %get3A_30 = arith.constant 0 : index
    %get3A_31 = arith.constant 0 : index
    %get3A_32 = vector.load %arg5[%get3A_30, %get3A_31] : memref<1000x64xi32, #tpu.memory_space<vmem>>, vector<1000x64xi32>
    %eq3A_33 = arith.cmpi eq, %get3A_32, %iota3A : vector<1000x64xi32>
    %convert_element_type3A_34 = arith.extui %eq3A_33 : vector<1000x64xi1> to vector<1000x64xi32>
    %convert_element_type3A_35 = arith.sitofp %convert_element_type3A_34 : vector<1000x64xi32> to vector<1000x64xf32>
    %get3A_36 = arith.constant 0 : index
    %get3A_37 = arith.constant 0 : index
    %get3A_38 = vector.load %arg12[%get3A_36, %get3A_37] : memref<64x128xf32, #tpu.memory_space<vmem>>, vector<64x128xf32>
    %dot_general3A_39 = arith.constant dense<0.000000e+00> : vector<64x128xf32>
    %dot_general3A_40 = tpu.matmul %convert_element_type3A_35, %max3A_29, %dot_general3A_39 {dimension_numbers = #tpu.dot_dimension_numbers<[0], [0], [1], [1], [0, 1, 1, 1], [], []>, transpose_lhs_hint = false} : vector<1000x64xf32>, vector<1000x128xf32>, vector<64x128xf32> -> vector<64x128xf32>
    %add3A_41 = arith.addf %get3A_38, %dot_general3A_40 : vector<64x128xf32>
    %swap3A = arith.constant 0 : index
    %swap3A_42 = arith.constant 0 : index
    %swap3A_43 = vector.load %arg12[%swap3A, %swap3A_42] : memref<64x128xf32, #tpu.memory_space<vmem>>, vector<64x128xf32>
    tpu.vector_store %arg12[%swap3A, %swap3A_42], %add3A_41 {strides = array<i32>} : memref<64x128xf32, #tpu.memory_space<vmem>>, vector<64x128xf32>,
    %get3A_44 = arith.constant 0 : index
    %get3A_45 = arith.constant 0 : index
    %get3A_46 = arith.constant 0 : index
    %get3A_47 = vector.load %arg8[%get3A_44, %get3A_45, %get3A_46] : memref<4x128x128xf32, #tpu.memory_space<vmem>>, vector<1x128x128xf32>
    %get3A_48 = vector.shape_cast %get3A_47 : vector<1x128x128xf32> to vector<128x128xf32>
    %dot_general3A_49 = arith.constant dense<0.000000e+00> : vector<1000x128xf32>
    %dot_general3A_50 = tpu.matmul %max3A_29, %get3A_48, %dot_general3A_49 {dimension_numbers = #tpu.dot_dimension_numbers<[1], [0], [0], [1], [0, 0, 1, 1], [], []>, transpose_lhs_hint = false} : vector<1000x128xf32>, vector<128x128xf32>, vector<1000x128xf32> -> vector<1000x128xf32>
    %get3A_51 = arith.constant 0 : index
    %get3A_52 = arith.constant 0 : index
    %get3A_53 = vector.load %arg9[%get3A_51, %get3A_52] : memref<4x128xf32, #tpu.memory_space<vmem>>, vector<1x128xf32>
    %add3A_54 = vector.broadcast %get3A_53 : vector<1x128xf32> to vector<1000x128xf32>
    %add3A_55 = arith.addf %dot_general3A_50, %add3A_54 : vector<1000x128xf32>
    %get3A_56 = arith.constant 0 : index
    %get3A_57 = arith.constant 0 : index
    %get3A_58 = vector.load %arg10[%get3A_56, %get3A_57] : memref<3x128xf32, #tpu.memory_space<vmem>>, vector<1x128xf32>
    %ge3A = arith.constant 0.000000e+00 : f32
    %ge3A_59 = vector.broadcast %ge3A : f32 to vector<1000x128xf32>
    %ge3A_60 = arith.cmpf oge, %add3A_55, %ge3A_59 : vector<1000x128xf32>
    %mul3A_61 = vector.broadcast %get3A_58 : vector<1x128xf32> to vector<1000x128xf32>
    %mul3A_62 = arith.mulf %mul3A_61, %add3A_55 : vector<1000x128xf32>
    %select_n3A = arith.select %ge3A_60, %add3A_55, %mul3A_62 : vector<1000x128xi1>, vector<1000x128xf32>
    %get3A_63 = arith.constant 1 : index
    %get3A_64 = arith.constant 0 : index
    %get3A_65 = arith.constant 0 : index
    %get3A_66 = vector.load %arg8[%get3A_63, %get3A_64, %get3A_65] : memref<4x128x128xf32, #tpu.memory_space<vmem>>, vector<1x128x128xf32>
    %get3A_67 = vector.shape_cast %get3A_66 : vector<1x128x128xf32> to vector<128x128xf32>
    %dot_general3A_68 = arith.constant dense<0.000000e+00> : vector<1000x128xf32>
    %dot_general3A_69 = tpu.matmul %select_n3A, %get3A_67, %dot_general3A_68 {dimension_numbers = #tpu.dot_dimension_numbers<[1], [0], [0], [1], [0, 0, 1, 1], [], []>, transpose_lhs_hint = false} : vector<1000x128xf32>, vector<128x128xf32>, vector<1000x128xf32> -> vector<1000x128xf32>
    %get3A_70 = arith.constant 1 : index
    %get3A_71 = arith.constant 0 : index
    %get3A_72 = vector.load %arg9[%get3A_70, %get3A_71] : memref<4x128xf32, #tpu.memory_space<vmem>>, vector<1x128xf32>
    %add3A_73 = vector.broadcast %get3A_72 : vector<1x128xf32> to vector<1000x128xf32>
    %add3A_74 = arith.addf %dot_general3A_69, %add3A_73 : vector<1000x128xf32>
    %get3A_75 = arith.constant 1 : index
    %get3A_76 = arith.constant 0 : index
    %get3A_77 = vector.load %arg10[%get3A_75, %get3A_76] : memref<3x128xf32, #tpu.memory_space<vmem>>, vector<1x128xf32>
    %ge3A_78 = arith.constant 0.000000e+00 : f32
    %ge3A_79 = vector.broadcast %ge3A_78 : f32 to vector<1000x128xf32>
    %ge3A_80 = arith.cmpf oge, %add3A_74, %ge3A_79 : vector<1000x128xf32>
    %mul3A_81 = vector.broadcast %get3A_77 : vector<1x128xf32> to vector<1000x128xf32>
    %mul3A_82 = arith.mulf %mul3A_81, %add3A_74 : vector<1000x128xf32>
    %select_n3A_83 = arith.select %ge3A_80, %add3A_74, %mul3A_82 : vector<1000x128xi1>, vector<1000x128xf32>
    %get3A_84 = arith.constant 2 : index
    %get3A_85 = arith.constant 0 : index
    %get3A_86 = arith.constant 0 : index
    %get3A_87 = vector.load %arg8[%get3A_84, %get3A_85, %get3A_86] : memref<4x128x128xf32, #tpu.memory_space<vmem>>, vector<1x128x128xf32>
    %get3A_88 = vector.shape_cast %get3A_87 : vector<1x128x128xf32> to vector<128x128xf32>
    %dot_general3A_89 = arith.constant dense<0.000000e+00> : vector<1000x128xf32>
    %dot_general3A_90 = tpu.matmul %select_n3A_83, %get3A_88, %dot_general3A_89 {dimension_numbers = #tpu.dot_dimension_numbers<[1], [0], [0], [1], [0, 0, 1, 1], [], []>, transpose_lhs_hint = false} : vector<1000x128xf32>, vector<128x128xf32>, vector<1000x128xf32> -> vector<1000x128xf32>
    %get3A_91 = arith.constant 2 : index
    %get3A_92 = arith.constant 0 : index
    %get3A_93 = vector.load %arg9[%get3A_91, %get3A_92] : memref<4x128xf32, #tpu.memory_space<vmem>>, vector<1x128xf32>
    %add3A_94 = vector.broadcast %get3A_93 : vector<1x128xf32> to vector<1000x128xf32>
    %add3A_95 = arith.addf %dot_general3A_90, %add3A_94 : vector<1000x128xf32>
    %get3A_96 = arith.constant 2 : index
    %get3A_97 = arith.constant 0 : index
    %get3A_98 = vector.load %arg10[%get3A_96, %get3A_97] : memref<3x128xf32, #tpu.memory_space<vmem>>, vector<1x128xf32>
    %ge3A_99 = arith.constant 0.000000e+00 : f32
    %ge3A_100 = vector.broadcast %ge3A_99 : f32 to vector<1000x128xf32>
    %ge3A_101 = arith.cmpf oge, %add3A_95, %ge3A_100 : vector<1000x128xf32>
    %mul3A_102 = vector.broadcast %get3A_98 : vector<1x128xf32> to vector<1000x128xf32>
    %mul3A_103 = arith.mulf %mul3A_102, %add3A_95 : vector<1000x128xf32>
    %select_n3A_104 = arith.select %ge3A_101, %add3A_95, %mul3A_103 : vector<1000x128xi1>, vector<1000x128xf32>
    %get3A_105 = arith.constant 3 : index
    %get3A_106 = arith.constant 0 : index
    %get3A_107 = arith.constant 0 : index
    %get3A_108 = vector.load %arg8[%get3A_105, %get3A_106, %get3A_107] : memref<4x128x128xf32, #tpu.memory_space<vmem>>, vector<1x128x128xf32>
    %get3A_109 = vector.shape_cast %get3A_108 : vector<1x128x128xf32> to vector<128x128xf32>
    %dot_general3A_110 = arith.constant dense<0.000000e+00> : vector<1000x128xf32>
    %dot_general3A_111 = tpu.matmul %max3A_29, %get3A_109, %dot_general3A_110 {dimension_numbers = #tpu.dot_dimension_numbers<[1], [0], [0], [1], [0, 0, 1, 1], [], []>, transpose_lhs_hint = false} : vector<1000x128xf32>, vector<128x128xf32>, vector<1000x128xf32> -> vector<1000x128xf32>
    %add3A_112 = arith.addf %select_n3A_104, %dot_general3A_111 : vector<1000x128xf32>
    %get3A_113 = arith.constant 3 : index
    %get3A_114 = arith.constant 0 : index
    %get3A_115 = vector.load %arg9[%get3A_113, %get3A_114] : memref<4x128xf32, #tpu.memory_space<vmem>>, vector<1x128xf32>
    %add3A_116 = vector.broadcast %get3A_115 : vector<1x128xf32> to vector<1000x128xf32>
    %add3A_117 = arith.addf %add3A_112, %add3A_116 : vector<1000x128xf32>
    %swap3A_118 = arith.constant 0 : index
    %swap3A_119 = arith.constant 0 : index
    %swap3A_120 = vector.load %arg11[%swap3A_118, %swap3A_119] : memref<1000x128xf32, #tpu.memory_space<vmem>>, vector<1000x128xf32>
    tpu.vector_store %arg11[%swap3A_118, %swap3A_119], %add3A_117 {strides = array<i32>} : memref<1000x128xf32, #tpu.memory_space<vmem>>, vector<1000x128xf32>,
    return
  }
  func.func @transform_0(%arg0: i32) -> (i32, i32) {
    %c0_i32 = arith.constant 0 : i32
    %c0_i32_0 = arith.constant 0 : i32
    return %arg0, %c0_i32 : i32, i32
  }
  func.func @transform_1(%arg0: i32) -> (i32, i32) {
    %c0_i32 = arith.constant 0 : i32
    %c0_i32_0 = arith.constant 0 : i32
    return %arg0, %c0_i32 : i32, i32
  }
  func.func @transform_2(%arg0: i32) -> (i32, i32) {
    %c0_i32 = arith.constant 0 : i32
    %c0_i32_0 = arith.constant 0 : i32
    return %arg0, %c0_i32 : i32, i32
  }
  func.func @transform_3(%arg0: i32) -> (i32, i32) {
    %c0_i32 = arith.constant 0 : i32
    %c0_i32_0 = arith.constant 0 : i32
    return %arg0, %c0_i32 : i32, i32
  }
  func.func @transform_4(%arg0: i32) -> (i32, i32) {
    %c0_i32 = arith.constant 0 : i32
    %c0_i32_0 = arith.constant 0 : i32
    return %arg0, %c0_i32 : i32, i32
  }
  func.func @transform_5(%arg0: i32) -> (i32, i32) {
    %c0_i32 = arith.constant 0 : i32
    %c0_i32_0 = arith.constant 0 : i32
    %c0_i32_1 = arith.constant 0 : i32
    return %c0_i32, %c0_i32_0 : i32, i32
  }
  func.func @transform_6(%arg0: i32) -> (i32, i32) {
    %c0_i32 = arith.constant 0 : i32
    %c0_i32_0 = arith.constant 0 : i32
    %c0_i32_1 = arith.constant 0 : i32
    return %c0_i32, %c0_i32_0 : i32, i32
  }
  func.func @transform_7(%arg0: i32) -> (i32, i32, i32) {
    %c0_i32 = arith.constant 0 : i32
    %c0_i32_0 = arith.constant 0 : i32
    %c0_i32_1 = arith.constant 0 : i32
    %c0_i32_2 = arith.constant 0 : i32
    return %c0_i32, %c0_i32_0, %c0_i32_1 : i32, i32, i32
  }
  func.func @transform_8(%arg0: i32) -> (i32, i32) {
    %c0_i32 = arith.constant 0 : i32
    %c0_i32_0 = arith.constant 0 : i32
    %c0_i32_1 = arith.constant 0 : i32
    return %c0_i32, %c0_i32_0 : i32, i32
  }
  func.func @transform_9(%arg0: i32) -> (i32, i32) {
    %c0_i32 = arith.constant 0 : i32
    %c0_i32_0 = arith.constant 0 : i32
    %c0_i32_1 = arith.constant 0 : i32
    return %c0_i32, %c0_i32_0 : i32, i32
  }
  func.func @transform_10(%arg0: i32) -> (i32, i32) {
    %c0_i32 = arith.constant 0 : i32
    %c0_i32_0 = arith.constant 0 : i32
    return %arg0, %c0_i32 : i32, i32
  }
  func.func @transform_11(%arg0: i32) -> (i32, i32) {
    %c0_i32 = arith.constant 0 : i32
    %c0_i32_0 = arith.constant 0 : i32
    %c0_i32_1 = arith.constant 0 : i32
    return %c0_i32, %c0_i32_0 : i32, i32
  }
}

module attributes {stable_mosaic.version = 14 : i64} {
  func.func @_loss_body(%arg0: i32, %arg1: memref<1000x128xf32, #tpu.memory_space<vmem>>, %arg2: memref<64x128xf32, #tpu.memory_space<vmem>>, %arg3: memref<4x128x128xf32, #tpu.memory_space<vmem>>, %arg4: memref<4x128xf32, #tpu.memory_space<vmem>>, %arg5: memref<3x128xf32, #tpu.memory_space<vmem>>, %arg6: memref<1000x64xi32, #tpu.memory_space<vmem>>, %arg7: memref<1x1xf32, #tpu.memory_space<vmem>>, %arg8: memref<1x1xf32, #tpu.memory_space<vmem>>, %arg9: memref<1x1xf32, #tpu.memory_space<vmem>>, %arg10: memref<1x1xf32, #tpu.memory_space<vmem>>, %arg11: memref<64x128xf32, #tpu.memory_space<vmem>>) attributes {dimension_semantics = [#tpu.dimension_semantics<arbitrary>], iteration_bounds = array<i64: 10>, scalar_prefetch = 0 : i64, scratch_operands = 1 : i64, tpu.core_type = #tpu.core_type<tc>, window_params = [{transform_indices = @transform_0, window_bounds = array<i64: 1000, 128>}, {pipeline_mode = #tpu.pipeline_mode<synchronous>, transform_indices = @transform_1, window_bounds = array<i64: 64, 128>}, {pipeline_mode = #tpu.pipeline_mode<synchronous>, transform_indices = @transform_2, window_bounds = array<i64: 4, 128, 128>}, {pipeline_mode = #tpu.pipeline_mode<synchronous>, transform_indices = @transform_3, window_bounds = array<i64: 4, 128>}, {pipeline_mode = #tpu.pipeline_mode<synchronous>, transform_indices = @transform_4, window_bounds = array<i64: 3, 128>}, {transform_indices = @transform_5, window_bounds = array<i64: 1000, 64>}, {pipeline_mode = #tpu.pipeline_mode<synchronous>, transform_indices = @transform_6, window_bounds = array<i64: 1, 1>}, {pipeline_mode = #tpu.pipeline_mode<synchronous>, transform_indices = @transform_7, window_bounds = array<i64: 1, 1>}, {pipeline_mode = #tpu.pipeline_mode<synchronous>, transform_indices = @transform_8, window_bounds = array<i64: 1, 1>}, {pipeline_mode = #tpu.pipeline_mode<synchronous>, transform_indices = @transform_9, window_bounds = array<i64: 1, 1>}]} {
    %eq3A = arith.constant 0 : i32
    %eq3A_0 = arith.cmpi eq, %arg0, %eq3A : i32
    %convert_element_type3A = arith.extui %eq3A_0 : i1 to i32
    %cond3A = arith.constant 0 : i32
    %cond3A_1 = arith.cmpi ne, %convert_element_type3A, %cond3A : i32
    scf.if %cond3A_1 {
      %get3A_71 = arith.constant 0 : index
      %get3A_72 = arith.constant 0 : index
      %get3A_73 = vector.load %arg2[%get3A_71, %get3A_72] : memref<64x128xf32, #tpu.memory_space<vmem>>, vector<64x128xf32>
      %get3A_74 = arith.constant 0 : index
      %get3A_75 = arith.constant 0 : index
      %get3A_76 = arith.constant 0 : index
      %get3A_77 = vector.load %arg3[%get3A_74, %get3A_75, %get3A_76] : memref<4x128x128xf32, #tpu.memory_space<vmem>>, vector<1x128x128xf32>
      %get3A_78 = vector.shape_cast %get3A_77 : vector<1x128x128xf32> to vector<128x128xf32>
      %dot_general3A_79 = arith.constant dense<0.000000e+00> : vector<64x128xf32>
      %dot_general3A_80 = tpu.matmul %get3A_73, %get3A_78, %dot_general3A_79 {dimension_numbers = #tpu.dot_dimension_numbers<[1], [0], [0], [1], [0, 0, 1, 1], [], []>, transpose_lhs_hint = false} : vector<64x128xf32>, vector<128x128xf32>, vector<64x128xf32> -> vector<64x128xf32>
      %get3A_81 = arith.constant 0 : index
      %get3A_82 = arith.constant 0 : index
      %get3A_83 = vector.load %arg4[%get3A_81, %get3A_82] : memref<4x128xf32, #tpu.memory_space<vmem>>, vector<1x128xf32>
      %add3A_84 = vector.broadcast %get3A_83 : vector<1x128xf32> to vector<64x128xf32>
      %add3A_85 = arith.addf %dot_general3A_80, %add3A_84 : vector<64x128xf32>
      %get3A_86 = arith.constant 0 : index
      %get3A_87 = arith.constant 0 : index
      %get3A_88 = vector.load %arg5[%get3A_86, %get3A_87] : memref<3x128xf32, #tpu.memory_space<vmem>>, vector<1x128xf32>
      %ge3A = arith.constant 0.000000e+00 : f32
      %ge3A_89 = vector.broadcast %ge3A : f32 to vector<64x128xf32>
      %ge3A_90 = arith.cmpf oge, %add3A_85, %ge3A_89 : vector<64x128xf32>
      %mul3A = vector.broadcast %get3A_88 : vector<1x128xf32> to vector<64x128xf32>
      %mul3A_91 = arith.mulf %mul3A, %add3A_85 : vector<64x128xf32>
      %select_n3A_92 = arith.select %ge3A_90, %add3A_85, %mul3A_91 : vector<64x128xi1>, vector<64x128xf32>
      %get3A_93 = arith.constant 1 : index
      %get3A_94 = arith.constant 0 : index
      %get3A_95 = arith.constant 0 : index
      %get3A_96 = vector.load %arg3[%get3A_93, %get3A_94, %get3A_95] : memref<4x128x128xf32, #tpu.memory_space<vmem>>, vector<1x128x128xf32>
      %get3A_97 = vector.shape_cast %get3A_96 : vector<1x128x128xf32> to vector<128x128xf32>
      %dot_general3A_98 = arith.constant dense<0.000000e+00> : vector<64x128xf32>
      %dot_general3A_99 = tpu.matmul %select_n3A_92, %get3A_97, %dot_general3A_98 {dimension_numbers = #tpu.dot_dimension_numbers<[1], [0], [0], [1], [0, 0, 1, 1], [], []>, transpose_lhs_hint = false} : vector<64x128xf32>, vector<128x128xf32>, vector<64x128xf32> -> vector<64x128xf32>
      %get3A_100 = arith.constant 1 : index
      %get3A_101 = arith.constant 0 : index
      %get3A_102 = vector.load %arg4[%get3A_100, %get3A_101] : memref<4x128xf32, #tpu.memory_space<vmem>>, vector<1x128xf32>
      %add3A_103 = vector.broadcast %get3A_102 : vector<1x128xf32> to vector<64x128xf32>
      %add3A_104 = arith.addf %dot_general3A_99, %add3A_103 : vector<64x128xf32>
      %get3A_105 = arith.constant 1 : index
      %get3A_106 = arith.constant 0 : index
      %get3A_107 = vector.load %arg5[%get3A_105, %get3A_106] : memref<3x128xf32, #tpu.memory_space<vmem>>, vector<1x128xf32>
      %ge3A_108 = arith.constant 0.000000e+00 : f32
      %ge3A_109 = vector.broadcast %ge3A_108 : f32 to vector<64x128xf32>
      %ge3A_110 = arith.cmpf oge, %add3A_104, %ge3A_109 : vector<64x128xf32>
      %mul3A_111 = vector.broadcast %get3A_107 : vector<1x128xf32> to vector<64x128xf32>
      %mul3A_112 = arith.mulf %mul3A_111, %add3A_104 : vector<64x128xf32>
      %select_n3A_113 = arith.select %ge3A_110, %add3A_104, %mul3A_112 : vector<64x128xi1>, vector<64x128xf32>
      %get3A_114 = arith.constant 2 : index
      %get3A_115 = arith.constant 0 : index
      %get3A_116 = arith.constant 0 : index
      %get3A_117 = vector.load %arg3[%get3A_114, %get3A_115, %get3A_116] : memref<4x128x128xf32, #tpu.memory_space<vmem>>, vector<1x128x128xf32>
      %get3A_118 = vector.shape_cast %get3A_117 : vector<1x128x128xf32> to vector<128x128xf32>
      %dot_general3A_119 = arith.constant dense<0.000000e+00> : vector<64x128xf32>
      %dot_general3A_120 = tpu.matmul %select_n3A_113, %get3A_118, %dot_general3A_119 {dimension_numbers = #tpu.dot_dimension_numbers<[1], [0], [0], [1], [0, 0, 1, 1], [], []>, transpose_lhs_hint = false} : vector<64x128xf32>, vector<128x128xf32>, vector<64x128xf32> -> vector<64x128xf32>
      %get3A_121 = arith.constant 2 : index
      %get3A_122 = arith.constant 0 : index
      %get3A_123 = vector.load %arg4[%get3A_121, %get3A_122] : memref<4x128xf32, #tpu.memory_space<vmem>>, vector<1x128xf32>
      %add3A_124 = vector.broadcast %get3A_123 : vector<1x128xf32> to vector<64x128xf32>
      %add3A_125 = arith.addf %dot_general3A_120, %add3A_124 : vector<64x128xf32>
      %get3A_126 = arith.constant 2 : index
      %get3A_127 = arith.constant 0 : index
      %get3A_128 = vector.load %arg5[%get3A_126, %get3A_127] : memref<3x128xf32, #tpu.memory_space<vmem>>, vector<1x128xf32>
      %ge3A_129 = arith.constant 0.000000e+00 : f32
      %ge3A_130 = vector.broadcast %ge3A_129 : f32 to vector<64x128xf32>
      %ge3A_131 = arith.cmpf oge, %add3A_125, %ge3A_130 : vector<64x128xf32>
      %mul3A_132 = vector.broadcast %get3A_128 : vector<1x128xf32> to vector<64x128xf32>
      %mul3A_133 = arith.mulf %mul3A_132, %add3A_125 : vector<64x128xf32>
      %select_n3A_134 = arith.select %ge3A_131, %add3A_125, %mul3A_133 : vector<64x128xi1>, vector<64x128xf32>
      %get3A_135 = arith.constant 3 : index
      %get3A_136 = arith.constant 0 : index
      %get3A_137 = arith.constant 0 : index
      %get3A_138 = vector.load %arg3[%get3A_135, %get3A_136, %get3A_137] : memref<4x128x128xf32, #tpu.memory_space<vmem>>, vector<1x128x128xf32>
      %get3A_139 = vector.shape_cast %get3A_138 : vector<1x128x128xf32> to vector<128x128xf32>
      %dot_general3A_140 = arith.constant dense<0.000000e+00> : vector<64x128xf32>
      %dot_general3A_141 = tpu.matmul %get3A_73, %get3A_139, %dot_general3A_140 {dimension_numbers = #tpu.dot_dimension_numbers<[1], [0], [0], [1], [0, 0, 1, 1], [], []>, transpose_lhs_hint = false} : vector<64x128xf32>, vector<128x128xf32>, vector<64x128xf32> -> vector<64x128xf32>
      %add3A_142 = arith.addf %select_n3A_134, %dot_general3A_141 : vector<64x128xf32>
      %get3A_143 = arith.constant 3 : index
      %get3A_144 = arith.constant 0 : index
      %get3A_145 = vector.load %arg4[%get3A_143, %get3A_144] : memref<4x128xf32, #tpu.memory_space<vmem>>, vector<1x128xf32>
      %add3A_146 = vector.broadcast %get3A_145 : vector<1x128xf32> to vector<64x128xf32>
      %add3A_147 = arith.addf %add3A_142, %add3A_146 : vector<64x128xf32>
      %swap3A_148 = arith.constant 0 : index
      %swap3A_149 = arith.constant 0 : index
      %swap3A_150 = vector.load %arg11[%swap3A_148, %swap3A_149] : memref<64x128xf32, #tpu.memory_space<vmem>>, vector<64x128xf32>
      tpu.vector_store %arg11[%swap3A_148, %swap3A_149], %add3A_147 {strides = array<i32>} : memref<64x128xf32, #tpu.memory_space<vmem>>, vector<64x128xf32>,
      %broadcast_in_dim3A_151 = arith.constant 0.000000e+00 : f32
      %broadcast_in_dim3A_152 = vector.broadcast %broadcast_in_dim3A_151 : f32 to vector<1x1xf32>
      %swap3A_153 = arith.constant 0 : index
      %swap3A_154 = arith.constant 0 : index
      %swap3A_155 = vector.load %arg7[%swap3A_153, %swap3A_154] : memref<1x1xf32, #tpu.memory_space<vmem>>, vector<1x1xf32>
      tpu.vector_store %arg7[%swap3A_153, %swap3A_154], %broadcast_in_dim3A_152 {strides = array<i32>} : memref<1x1xf32, #tpu.memory_space<vmem>>, vector<1x1xf32>,
      %broadcast_in_dim3A_156 = arith.constant 0.000000e+00 : f32
      %broadcast_in_dim3A_157 = vector.broadcast %broadcast_in_dim3A_156 : f32 to vector<1x1xf32>
      %swap3A_158 = arith.constant 0 : index
      %swap3A_159 = arith.constant 0 : index
      %swap3A_160 = vector.load %arg8[%swap3A_158, %swap3A_159] : memref<1x1xf32, #tpu.memory_space<vmem>>, vector<1x1xf32>
      tpu.vector_store %arg8[%swap3A_158, %swap3A_159], %broadcast_in_dim3A_157 {strides = array<i32>} : memref<1x1xf32, #tpu.memory_space<vmem>>, vector<1x1xf32>,
      %broadcast_in_dim3A_161 = arith.constant 0.000000e+00 : f32
      %broadcast_in_dim3A_162 = vector.broadcast %broadcast_in_dim3A_161 : f32 to vector<1x1xf32>
      %swap3A_163 = arith.constant 0 : index
      %swap3A_164 = arith.constant 0 : index
      %swap3A_165 = vector.load %arg9[%swap3A_163, %swap3A_164] : memref<1x1xf32, #tpu.memory_space<vmem>>, vector<1x1xf32>
      tpu.vector_store %arg9[%swap3A_163, %swap3A_164], %broadcast_in_dim3A_162 {strides = array<i32>} : memref<1x1xf32, #tpu.memory_space<vmem>>, vector<1x1xf32>,
      %broadcast_in_dim3A_166 = arith.constant 0.000000e+00 : f32
      %broadcast_in_dim3A_167 = vector.broadcast %broadcast_in_dim3A_166 : f32 to vector<1x1xf32>
      %swap3A_168 = arith.constant 0 : index
      %swap3A_169 = arith.constant 0 : index
      %swap3A_170 = vector.load %arg10[%swap3A_168, %swap3A_169] : memref<1x1xf32, #tpu.memory_space<vmem>>, vector<1x1xf32>
      tpu.vector_store %arg10[%swap3A_168, %swap3A_169], %broadcast_in_dim3A_167 {strides = array<i32>} : memref<1x1xf32, #tpu.memory_space<vmem>>, vector<1x1xf32>,
    } else {
    }
    %get3A = arith.constant 0 : index
    %get3A_2 = arith.constant 0 : index
    %get3A_3 = vector.load %arg1[%get3A, %get3A_2] : memref<1000x128xf32, #tpu.memory_space<vmem>>, vector<1000x128xf32>
    %get3A_4 = arith.constant 0 : index
    %get3A_5 = arith.constant 0 : index
    %get3A_6 = vector.load %arg11[%get3A_4, %get3A_5] : memref<64x128xf32, #tpu.memory_space<vmem>>, vector<64x128xf32>
    %dot_general3A = arith.constant dense<0.000000e+00> : vector<1000x64xf32>
    %dot_general3A_7 = tpu.matmul %get3A_3, %get3A_6, %dot_general3A {dimension_numbers = #tpu.dot_dimension_numbers<[1], [1], [0], [0], [0, 0, 1, 0], [], []>, transpose_lhs_hint = false} : vector<1000x128xf32>, vector<64x128xf32>, vector<1000x64xf32> -> vector<1000x64xf32>
    %iota3A = tpu.iota {dimensions = array<i32: 1>} : vector<1000x64xi32>
    %get3A_8 = arith.constant 0 : index
    %get3A_9 = arith.constant 0 : index
    %get3A_10 = vector.load %arg6[%get3A_8, %get3A_9] : memref<1000x64xi32, #tpu.memory_space<vmem>>, vector<1000x64xi32>
    %eq3A_11 = arith.cmpi eq, %get3A_10, %iota3A : vector<1000x64xi32>
    %neg3A = arith.constant 0.000000e+00 : f32
    %neg3A_12 = vector.broadcast %neg3A : f32 to vector<1000x64xf32>
    %neg3A_13 = arith.subf %neg3A_12, %dot_general3A_7 : vector<1000x64xf32>
    %max3A = arith.constant 0.000000e+00 : f32
    %max3A_14 = vector.broadcast %max3A : f32 to vector<1000x64xf32>
    %max3A_15 = arith.maximumf %neg3A_13, %max3A_14 : vector<1000x64xf32>
    %abs3A = math.absf %dot_general3A_7 : vector<1000x64xf32>
    %neg3A_16 = arith.constant 0.000000e+00 : f32
    %neg3A_17 = vector.broadcast %neg3A_16 : f32 to vector<1000x64xf32>
    %neg3A_18 = arith.subf %neg3A_17, %abs3A : vector<1000x64xf32>
    %exp3A = math.exp %neg3A_18 : vector<1000x64xf32>
    %log1p3A = math.log1p %exp3A : vector<1000x64xf32>
    %add3A = arith.addf %max3A_15, %log1p3A : vector<1000x64xf32>
    %broadcast_in_dim3A = arith.constant 0.000000e+00 : f32
    %broadcast_in_dim3A_19 = vector.broadcast %broadcast_in_dim3A : f32 to vector<1000x64xf32>
    %get3A_20 = arith.constant 0 : index
    %get3A_21 = arith.constant 0 : index
    %get3A_22 = vector.load %arg7[%get3A_20, %get3A_21] : memref<1x1xf32, #tpu.memory_space<vmem>>, vector<1x1xf32>
    %reduce_sum3A = vector.shape_cast %add3A : vector<1000x64xf32> to vector<1x1000x64xf32>
    %reduce_sum3A_23 = arith.constant dense<0.000000e+00> : vector<1xf32>
    %reduce_sum3A_24 = vector.multi_reduction <add>, %reduce_sum3A, %reduce_sum3A_23 [1, 2] : vector<1x1000x64xf32> to vector<1xf32>
    %reduce_sum3A_25 = vector.shape_cast %reduce_sum3A_24 : vector<1xf32> to vector<1x1x1xf32>
    %reduce_sum3A_26 = vector.extract %reduce_sum3A_25[0, 0, 0] : f32 from vector<1x1x1xf32>
    %broadcast_in_dim3A_27 = vector.broadcast %reduce_sum3A_26 : f32 to vector<1x1xf32>
    %add3A_28 = arith.addf %get3A_22, %broadcast_in_dim3A_27 : vector<1x1xf32>
    %swap3A = arith.constant 0 : index
    %swap3A_29 = arith.constant 0 : index
    %swap3A_30 = vector.load %arg7[%swap3A, %swap3A_29] : memref<1x1xf32, #tpu.memory_space<vmem>>, vector<1x1xf32>
    tpu.vector_store %arg7[%swap3A, %swap3A_29], %add3A_28 {strides = array<i32>} : memref<1x1xf32, #tpu.memory_space<vmem>>, vector<1x1xf32>,
    %get3A_31 = arith.constant 0 : index
    %get3A_32 = arith.constant 0 : index
    %get3A_33 = vector.load %arg8[%get3A_31, %get3A_32] : memref<1x1xf32, #tpu.memory_space<vmem>>, vector<1x1xf32>
    %reduce_sum3A_34 = vector.shape_cast %dot_general3A_7 : vector<1000x64xf32> to vector<1x1000x64xf32>
    %reduce_sum3A_35 = arith.constant dense<0.000000e+00> : vector<1xf32>
    %reduce_sum3A_36 = vector.multi_reduction <add>, %reduce_sum3A_34, %reduce_sum3A_35 [1, 2] : vector<1x1000x64xf32> to vector<1xf32>
    %reduce_sum3A_37 = vector.shape_cast %reduce_sum3A_36 : vector<1xf32> to vector<1x1x1xf32>
    %reduce_sum3A_38 = vector.extract %reduce_sum3A_37[0, 0, 0] : f32 from vector<1x1x1xf32>
    %broadcast_in_dim3A_39 = vector.broadcast %reduce_sum3A_38 : f32 to vector<1x1xf32>
    %add3A_40 = arith.addf %get3A_33, %broadcast_in_dim3A_39 : vector<1x1xf32>
    %swap3A_41 = arith.constant 0 : index
    %swap3A_42 = arith.constant 0 : index
    %swap3A_43 = vector.load %arg8[%swap3A_41, %swap3A_42] : memref<1x1xf32, #tpu.memory_space<vmem>>, vector<1x1xf32>
    tpu.vector_store %arg8[%swap3A_41, %swap3A_42], %add3A_40 {strides = array<i32>} : memref<1x1xf32, #tpu.memory_space<vmem>>, vector<1x1xf32>,
    %get3A_44 = arith.constant 0 : index
    %get3A_45 = arith.constant 0 : index
    %get3A_46 = vector.load %arg9[%get3A_44, %get3A_45] : memref<1x1xf32, #tpu.memory_space<vmem>>, vector<1x1xf32>
    %select_n3A = arith.select %eq3A_11, %add3A, %broadcast_in_dim3A_19 : vector<1000x64xi1>, vector<1000x64xf32>
    %reduce_sum3A_47 = vector.shape_cast %select_n3A : vector<1000x64xf32> to vector<1x1000x64xf32>
    %reduce_sum3A_48 = arith.constant dense<0.000000e+00> : vector<1xf32>
    %reduce_sum3A_49 = vector.multi_reduction <add>, %reduce_sum3A_47, %reduce_sum3A_48 [1, 2] : vector<1x1000x64xf32> to vector<1xf32>
    %reduce_sum3A_50 = vector.shape_cast %reduce_sum3A_49 : vector<1xf32> to vector<1x1x1xf32>
    %reduce_sum3A_51 = vector.extract %reduce_sum3A_50[0, 0, 0] : f32 from vector<1x1x1xf32>
    %broadcast_in_dim3A_52 = vector.broadcast %reduce_sum3A_51 : f32 to vector<1x1xf32>
    %add3A_53 = arith.addf %get3A_46, %broadcast_in_dim3A_52 : vector<1x1xf32>
    %swap3A_54 = arith.constant 0 : index
    %swap3A_55 = arith.constant 0 : index
    %swap3A_56 = vector.load %arg9[%swap3A_54, %swap3A_55] : memref<1x1xf32, #tpu.memory_space<vmem>>, vector<1x1xf32>
    tpu.vector_store %arg9[%swap3A_54, %swap3A_55], %add3A_53 {strides = array<i32>} : memref<1x1xf32, #tpu.memory_space<vmem>>, vector<1x1xf32>,
    %get3A_57 = arith.constant 0 : index
    %get3A_58 = arith.constant 0 : index
    %get3A_59 = vector.load %arg10[%get3A_57, %get3A_58] : memref<1x1xf32, #tpu.memory_space<vmem>>, vector<1x1xf32>
    %select_n3A_60 = arith.select %eq3A_11, %dot_general3A_7, %broadcast_in_dim3A_19 : vector<1000x64xi1>, vector<1000x64xf32>
    %reduce_sum3A_61 = vector.shape_cast %select_n3A_60 : vector<1000x64xf32> to vector<1x1000x64xf32>
    %reduce_sum3A_62 = arith.constant dense<0.000000e+00> : vector<1xf32>
    %reduce_sum3A_63 = vector.multi_reduction <add>, %reduce_sum3A_61, %reduce_sum3A_62 [1, 2] : vector<1x1000x64xf32> to vector<1xf32>
    %reduce_sum3A_64 = vector.shape_cast %reduce_sum3A_63 : vector<1xf32> to vector<1x1x1xf32>
    %reduce_sum3A_65 = vector.extract %reduce_sum3A_64[0, 0, 0] : f32 from vector<1x1x1xf32>
    %broadcast_in_dim3A_66 = vector.broadcast %reduce_sum3A_65 : f32 to vector<1x1xf32>
    %add3A_67 = arith.addf %get3A_59, %broadcast_in_dim3A_66 : vector<1x1xf32>
    %swap3A_68 = arith.constant 0 : index
    %swap3A_69 = arith.constant 0 : index
    %swap3A_70 = vector.load %arg10[%swap3A_68, %swap3A_69] : memref<1x1xf32, #tpu.memory_space<vmem>>, vector<1x1xf32>
    tpu.vector_store %arg10[%swap3A_68, %swap3A_69], %add3A_67 {strides = array<i32>} : memref<1x1xf32, #tpu.memory_space<vmem>>, vector<1x1xf32>,
    return
  }
  func.func @transform_0(%arg0: i32) -> (i32, i32) {
    %c0_i32 = arith.constant 0 : i32
    %c0_i32_0 = arith.constant 0 : i32
    return %arg0, %c0_i32 : i32, i32
  }
  func.func @transform_1(%arg0: i32) -> (i32, i32) {
    %c0_i32 = arith.constant 0 : i32
    %c0_i32_0 = arith.constant 0 : i32
    %c0_i32_1 = arith.constant 0 : i32
    return %c0_i32, %c0_i32_0 : i32, i32
  }
  func.func @transform_2(%arg0: i32) -> (i32, i32, i32) {
    %c0_i32 = arith.constant 0 : i32
    %c0_i32_0 = arith.constant 0 : i32
    %c0_i32_1 = arith.constant 0 : i32
    %c0_i32_2 = arith.constant 0 : i32
    return %c0_i32, %c0_i32_0, %c0_i32_1 : i32, i32, i32
  }
  func.func @transform_3(%arg0: i32) -> (i32, i32) {
    %c0_i32 = arith.constant 0 : i32
    %c0_i32_0 = arith.constant 0 : i32
    %c0_i32_1 = arith.constant 0 : i32
    return %c0_i32, %c0_i32_0 : i32, i32
  }
  func.func @transform_4(%arg0: i32) -> (i32, i32) {
    %c0_i32 = arith.constant 0 : i32
    %c0_i32_0 = arith.constant 0 : i32
    %c0_i32_1 = arith.constant 0 : i32
    return %c0_i32, %c0_i32_0 : i32, i32
  }
  func.func @transform_5(%arg0: i32) -> (i32, i32) {
    %c0_i32 = arith.constant 0 : i32
    %c0_i32_0 = arith.constant 0 : i32
    return %arg0, %c0_i32 : i32, i32
  }
  func.func @transform_6(%arg0: i32) -> (i32, i32) {
    %c0_i32 = arith.constant 0 : i32
    %c0_i32_0 = arith.constant 0 : i32
    %c0_i32_1 = arith.constant 0 : i32
    return %c0_i32, %c0_i32_0 : i32, i32
  }
  func.func @transform_7(%arg0: i32) -> (i32, i32) {
    %c0_i32 = arith.constant 0 : i32
    %c0_i32_0 = arith.constant 0 : i32
    %c0_i32_1 = arith.constant 0 : i32
    return %c0_i32, %c0_i32_0 : i32, i32
  }
  func.func @transform_8(%arg0: i32) -> (i32, i32) {
    %c0_i32 = arith.constant 0 : i32
    %c0_i32_0 = arith.constant 0 : i32
    %c0_i32_1 = arith.constant 0 : i32
    return %c0_i32, %c0_i32_0 : i32, i32
  }
  func.func @transform_9(%arg0: i32) -> (i32, i32) {
    %c0_i32 = arith.constant 0 : i32
    %c0_i32_0 = arith.constant 0 : i32
    %c0_i32_1 = arith.constant 0 : i32
    return %c0_i32, %c0_i32_0 : i32, i32
  }
}

</mosaic_0001>

<sc_bundles>
// kernel: kernel.17.cloned.1.call-start
scs
__scs_entry_jumppad:
0x0: {  	(pc) =	sbr.rel $0x88, $3  }
0x1: {  	(tag) =	ssettag $0x0;
	lr =	simm.s32 $0x1  }
0x2: {  	[smem:$0x3F7C] =	sst lr;
	_ =	strace $0xD0000000  }
0x3: {  	_ = 	snop  }
0x4: {  	_ = 	snop  }
0x5: {  	_ = 	snop  }
0x6: {  	_ = 	snop  }
0x7: {  	_ = 	snop  }
__scs_overlays_trampoline_lowered:
0x8: {  	[smem:$0x3F8B] =	sst s0  }
0x9: {  	[smem:$0x3F8C] =	sst s1  }
0xa: {  	[smem:$0x3F8D] =	sst s2  }
0xb: {  	[smem:$0x3F8E] =	sst s3  }
0xc: {  	[smem:$0x3F8F] =	sst s4  }
0xd: {  	[smem:$0x3F90] =	sst s5  }
0xe: {  	[smem:$0x3F91] =	sst s6  }
0xf: {  	[smem:$0x3F92] =	sst s7  }
0x10: {  	[smem:$0x3F93] =	sst s8  }
0x11: {  	[smem:$0x3F94] =	sst s9;
	s0 =	simm.s32 @!p0 $0x0  }
0x12: {  	s1 =	sld [smem:$0x3F7A];
	s0 =	simm.s32 @p0 $0x1  }
0x13: {  	[smem:$0x3F95] =	sst s0;
	s0 =	simm.s32 @!p1 $0x0  }
0x14: {  	s2 =	sld [smem:$0x3F79];
	s0 =	simm.s32 @p1 $0x1  }
0x15: {  	[smem:$0x3F96] =	sst s0;
	s0 =	simm.s32 @!p2 $0x0  }
0x16: {  	s3 =	sld [smem:$0x3FDB];
	s0 =	simm.s32 @p2 $0x1  }
0x17: {  	s4 =	simm.s32 $0x1BF5;
	[smem:$0x3F98] =	sst s0  }
0x18: {  	s0 =	sld [smem:$0x3F7B];
	_ =	swait.ge [sflag:s4], $0x0  }
0x19: {  	s7 =	sld [smem:$0x3F7C]  }
0x1a: {  	s8 =	sadd.s32 $0xFFFFE003, lr  }
0x1b: {  	s9 =	sadd.s32 $0xFFFFFEF7, lr;
	s5 =	simm.s32 $0xFFFFFFFF;
	p2 =	slt.u32 s8, $0xFFFFF086  }
0x1c: {  	p1 =	slt.u32 s9, $0xF7A;
	s5 =	simm.s32 @!p2 $0x0  }
0x1d: {  	s5 =	simm.s32 @p1 $0x1;
	p0 =	seq.s32 s7, s2  }
0x1e: {  	s7 =	smul.u32 @!p0 $0xF7A, s2;
	p2 =	seq.s32 @!p0 s5, $0x0  }
0x1f: {  	s9 =	smul.u32 $0xF7A, s1;
	s8 =	simm.s32 @!p0 $0x1BF5;
	p2 =	por !p2, p0  }
0x20: {  	[sflag:s8] =	ssyncset.s32 @!p0 $0xFFFFF086;
	s6 =	sadd.s32 @!p0 s3, s7;
	s7 =	simm.s32 @!p0 $0x108  }
0x21: {  	s3 =	sadd.s32 s3, s9;
	s6 =	sadd.s32 @!p0 $0x88, s6;
	s7 =	simm.s32 @p2 $0x1082  }
0x22: {  	[simem:s7], [sflag:s8] =	dma.local @!p0 [hbm:s6], $0xF7A  }
0x23: {  	s9 =	sor.u32 $0xD0000000, s2;
	s6 =	simm.s32 $0x108;
	_ =	swait.ge @!p0 [sflag:s8], $0x0  }
0x24: {  	s3 =	sadd.s32 $0x88, s3;
	s6 =	simm.s32 @!p1 $0x1082;
	[sflag:s4] =	ssyncset.s32 $0xFFFFF086  }
0x25: {  	[simem:s6], [sflag:s4] =	dma.local [hbm:s3], $0xF7A  }
0x26: {  	[smem:$0x3F7C] =	sst s1;
	(tag) =	ssettag s2;
	_ =	strace s9  }
0x27: {  	s1 =	sld [smem:$0x3F8C]  }
0x28: {  	s2 =	sld [smem:$0x3F8D]  }
0x29: {  	s4 =	sld [smem:$0x3F8F]  }
0x2a: {  	p0 =	seq.s32 s5, $0x0;
	s5 =	sld [smem:$0x3F90]  }
0x2b: {  	s6 =	sld [smem:$0x3F91]  }
0x2c: {  	s7 =	sld [smem:$0x3F92]  }
0x2d: {  	s3 =	simm.s32 $0x108;
	s8 =	sld [smem:$0x3F93]  }
0x2e: {  	s3 =	simm.s32 @!p0 $0x1082;
	s9 =	sld [smem:$0x3F94]  }
0x2f: {  	lr =	sadd.s32 s0, s3;
	s0 =	sld [smem:$0x3F8B]  }
0x30: {  	s3 =	sld [smem:$0x3F8E]  }
0x31: {  	[smem:$0x3F97] =	sst s10  }
0x32: {  	s10 =	sld [smem:$0x3F95];
	_ =	sdelay $0x3  }
0x33: {  	p0 =	seq.s32 s10, $0x1;
	s10 =	sld [smem:$0x3F97];
	_ =	sdelay $0x3  }
0x34: {  	[smem:$0x3F97] =	sst s10  }
0x35: {  	s10 =	sld [smem:$0x3F96];
	_ =	sdelay $0x3  }
0x36: {  	p1 =	seq.s32 s10, $0x1;
	s10 =	sld [smem:$0x3F97];
	_ =	sdelay $0x3  }
0x37: {  	[smem:$0x3F97] =	sst s10  }
0x38: {  	s10 =	sld [smem:$0x3F98]  }
0x39: {  	_ = 	snop;
	(pc) =	sbr.ind lr, $3  }
0x3a: {  	_ = 	snop  }
0x3b: {  	_ = 	snop  }
0x3c: {  	p2 =	seq.s32 s10, $0x1;
	s10 =	sld [smem:$0x3F97]  }
0x3d: {  	_ =	shalt  }
0x3e: {  	_ =	shalt  }
0x3f: {  	_ =	shalt  }
0x40: {  	_ =	shalt  }
0x41: {  	_ =	shalt  }
0x42: {  	_ =	shalt  }
0x43: {  	_ =	shalt  }
0x44: {  	_ =	shalt  }
0x45: {  	_ =	shalt  }
0x46: {  	_ =	shalt  }
0x47: {  	_ =	shalt  }
0x48: {  	_ =	shalt  }
0x49: {  	_ =	shalt  }
0x4a: {  	_ =	shalt  }
0x4b: {  	_ =	shalt  }
0x4c: {  	_ =	shalt  }
0x4d: {  	_ =	shalt  }
0x4e: {  	_ =	shalt  }
0x4f: {  	_ =	shalt  }
0x50: {  	_ =	shalt  }
0x51: {  	_ =	shalt  }
0x52: {  	_ =	shalt  }
0x53: {  	_ =	shalt  }
0x54: {  	_ =	shalt  }
0x55: {  	_ =	shalt  }
0x56: {  	_ =	shalt  }
0x57: {  	_ =	shalt  }
0x58: {  	_ =	shalt  }
0x59: {  	_ =	shalt  }
0x5a: {  	_ =	shalt  }
0x5b: {  	_ =	shalt  }
0x5c: {  	_ =	shalt  }
0x5d: {  	_ =	shalt  }
0x5e: {  	_ =	shalt  }
0x5f: {  	_ =	shalt  }
0x60: {  	_ =	shalt  }
0x61: {  	_ =	shalt  }
0x62: {  	_ =	shalt  }
0x63: {  	_ =	shalt  }
0x64: {  	_ =	shalt  }
0x65: {  	_ =	shalt  }
0x66: {  	_ =	shalt  }
0x67: {  	_ =	shalt  }
0x68: {  	_ =	shalt  }
0x69: {  	_ =	shalt  }
0x6a: {  	_ =	shalt  }
0x6b: {  	_ =	shalt  }
0x6c: {  	_ =	shalt  }
0x6d: {  	_ =	shalt  }
0x6e: {  	_ =	shalt  }
0x6f: {  	_ =	shalt  }
0x70: {  	_ =	shalt  }
0x71: {  	_ =	shalt  }
0x72: {  	_ =	shalt  }
0x73: {  	_ =	shalt  }
0x74: {  	_ =	shalt  }
0x75: {  	_ =	shalt  }
0x76: {  	_ =	shalt  }
0x77: {  	_ =	shalt  }
0x78: {  	_ =	shalt  }
0x79: {  	_ =	shalt  }
0x7a: {  	_ =	shalt  }
0x7b: {  	_ =	shalt  }
0x7c: {  	_ =	shalt  }
0x7d: {  	_ =	shalt  }
0x7e: {  	_ =	shalt  }
0x7f: {  	_ =	shalt  }
0x80: {  	_ =	shalt  }
0x81: {  	_ =	shalt  }
0x82: {  	_ =	shalt  }
0x83: {  	_ =	shalt  }
0x84: {  	_ =	shalt  }
0x85: {  	_ =	shalt  }
0x86: {  	_ =	shalt  }
0x87: {  	_ =	shalt  }
.Lfunc_end0:
.L_simem_size_0:
called_computation_lowered:
.L_overlay_start_0:
0x88: {  	s2 =	sld [smem:$0x3FD9]  }
0x89: {  	s3 =	sld [smem:$0x3FFE];
	_ =	sdelay $0x1  }
0x8a: {  	s1 =	srdreg.scid  }
0x8b: {  	s0 =	sand.u32 $0x1, s1  }
0x8c: {  	s17 =	sshll.u32 s0, $0xA;
	s2 =	sadd.s32 s3, s2  }
0x8d: {  	s2 =	sadd.s32 s2, s17  }
0x8e: {  	[smem:$0x3FA3] =	sst s2  }
0x8f: {  	_ = 	snop  }
0x90: {  	(tm) =	ssettm $0x1  }
0x91: {  	s18 =	sld [smem:$0x3FFB];
	_ =	sdelay $0x3  }
0x92: {  	_ =	strace s18  }
0x93: {  	s2 =	sld [smem:$0x3FFC];
	_ =	sdelay $0x3  }
0x94: {  	_ =	strace s2  }
0x95: {  	s2 =	sld [smem:$0x3FFD];
	_ =	sdelay $0x3  }
0x96: {  	_ =	strace s2  }
0x97: {  	_ =	strace $0x8FFFFFFF  }
0x98: {  	s19 =	sld [smem:$0x3FDB];
	_ =	sdelay $0x1  }
0x99: {  	s20 =	simm.s32 $_scs_section_size  }
0x9a: {  	s4 =	simm.s32 $_size__tile_overlayer_lowered;
	s5 =	simm.s32 $_tile_overlayer_lowered  }
0x9b: {  	s6 =	simm.s32 $0x1BFF;
	s21 =	sshll.u32 s5, $0x1;
	s3 =	sadd.s32 s20, s19  }
0x9c: {  	s22 =	simm.s32 $0x0;
	s4 =	sshll.u32 s4, $0x1;
	s5 =	sadd.s32 s21, s3  }
0x9d: {  	[timem:s22], [sflag:s6] =	dma.local [hbm:s5], s4  }
0x9e: {  	_ =	swait.ge [sflag:s6], s4  }
0x9f: {  	s4 =	ssub.s32 $0x0, s4;
	[sflag:s6] =	ssyncset.done $0x0  }
0xa0: {  	[sflag:s6] =	ssyncadd.s32 s4;
	_ =	sdelay $0x1  }
0xa1: {  	s23 =	simm.s32 $0x1B8B  }
0xa2: {  	_ =	swait.ge [sflag:s23], $0x1  }
0xa3: {  	[sflag:s23] =	ssyncset.done $0x0  }
0xa4: {  	[sflag:s23] =	ssyncadd.s32 $0xFFFFFFFF  }
0xa5: {  	s4 =	sld [smem:$0x0]  }
0xa6: {  	s5 =	sand.u32 $0xFFFFFFFE, s1  }
0xa7: {  	p0 =	sne.s32 s1, s5  }
0xa8: {  	s5 =	sshll.u32 @p0 s5, $0xE  }
0xa9: {  	s5 =	sadd.s32 @p0 $0x11B8D, s5;
	s6 =	sshll.u32 @p0 s4, $0x11  }
0xaa: {  	s5 =	sor.u32 @p0 s6, s5  }
0xab: {  	[sflag:s5] =	ssyncadd.remote.s32 @p0 $0x1;
	_ =	sdelay $0x1  }
0xac: {  	s5 =	simm.s32 @p0 $0x1B8D  }
0xad: {  	_ =	swait.eq @p0 [sflag:s5], $0x1  }
0xae: {  	[sflag:s5] =	ssyncadd.s32 @p0 $0xFFFFFFFF  }
0xaf: {  	s6 =	sshll.u32 @!p0 s1, $0xE  }
0xb0: {  	s6 =	sor.u32 @!p0 $0x4000, s6;
	s5 =	simm.s32 @!p0 $0x1B8D  }
0xb1: {  	s4 =	sshll.u32 @!p0 s4, $0x11;
	s6 =	sadd.s32 @!p0 $0x11B8D, s6;
	_ =	swait.eq @!p0 [sflag:s5], $0x1  }
0xb2: {  	s4 =	sor.u32 @!p0 s4, s6;
	[sflag:s5] =	ssyncadd.s32 @!p0 $0xFFFFFFFF  }
0xb3: {  	s25 =	simm.s32 $0x1B8E;
	s24 =	sld [smem:$0x3FFE];
	[sflag:s4] =	ssyncadd.remote.s32 @!p0 $0x1  }
0xb4: {  	s26 =	simm.s32 $execute0_lowered;
	[smem:$0x3FD2] =	sst s25  }
0xb5: {  	s5 =	sshll.u32 s26, $0x1;
	_ =	strace $0x8000004C;
	[dreg:$0x1] =	wrdreg $0xFFFFFFFF  }
0xb6: {  	s28 =	simm.s32 $_size_execute0_lowered;
	s3 =	sadd.s32 s3, s5;
	[dreg:$0x0] =	wrdreg $0x0  }
0xb7: {  	s5 =	sshll.u32 s28, $0x1;
	[dreg:$0x2] =	wrdreg s3  }
0xb8: {  	[dreg:$0x3] =	wrdreg s5  }
0xb9: {  	[dreg:$0x4] =	wrdreg $0xC0  }
0xba: {  	_ =	task [dreg:s22], $0x5FFFF  }
0xbb: {  	[dreg:$0x1] =	wrdreg $0xFFFFFFFF  }
0xbc: {  	[dreg:$0x0] =	wrdreg $0x60  }
0xbd: {  	[dreg:$0x2] =	wrdreg s24  }
0xbe: {  	[dreg:$0x3] =	wrdreg $0x68000  }
0xbf: {  	[dreg:$0x4] =	wrdreg $0x9  }
0xc0: {  	_ =	task.clear_ibuf [dreg:s22], $0x5FFFF;
	_ =	strace $0x9000004C  }
0xc1: {  	s29 =	simm.s32 $0x9;
	_ =	strace $0x8000004E  }
0xc2: {  	_ =	swait.ge [sflag:s29], $0x1  }
0xc3: {  	[sflag:s29] =	ssyncadd.s32 $0xFFFFFFFF  }
0xc4: {  	_ =	strace $0x9000004E  }
0xc5: {  	_ =	sfence  }
0xc6: {  	s30 =	sld [smem:$0x0];
	_ =	sdelay $0x2  }
0xc7: {  	s31 =	sshll.u32 s1, $0xD;
	s1 =	sshrl.u32 s1, $0x2  }
0xc8: {  	s4 =	sand.u32 $0x4000, s31;
	s1 =	sadd.s32 s1, s30  }
0xc9: {  	s0 =	sor.u32 s4, s0;
	s1 =	sshll.u32 s1, $0x11  }
0xca: {  	s0 =	sor.u32 s1, s0  }
0xcb: {  	s0 =	sadd.s32 $0x8F2B, s0  }
0xcc: {  	[sflag:s0] =	ssyncadd.remote.s32 $0x1  }
0xcd: {  	_ =	sfence.sel $0xFFFF  }
0xce: {  	[dreg:$0x0] =	wrdreg $0xFFFFFFFF;
	(pc) =	sbr.abs _section_cstart, $3  }
0xcf: {  	[dreg:$0x1] =	wrdreg $0xFFFFFFFF  }
0xd0: {  	_ =	task.clear_ibuf [dreg:s22], $0x2FFFF;
	_ =	strace $0x9FFFFFFF  }
0xd1: {  	(tm) =	ssettm $0x7FFFFFFF  }
tec
execute0_lowered:
.L_overlay_start_1:
0x0: {  	(tag) =	ssettag $0x1  }
0x1: {  	s1 =	srdreg.scid  }
0x2: {  	s0 =	stileid.u32;
	s6 =	rddreg [dreg:$0x0]  }
0x3: {  	s2 =	rddreg [dreg:$0x1];
	s3 =	simm.s32 $0x0;
	s13 =	simm.s32 $0x2  }
0x4: {  	s14 =	simm.s32 $0x7D;
	s15 =	simm.s32 $0x1;
	s5 =	sand.u32 $0x1, s1  }
0x5: {  	s31 =	sshll.u32 s0, $0x1;
	s1 =	rddreg [dreg:$0x2];
	s17 =	smul.u32 $0x2800, s0  }
0x6: {  	[smem:$0x7FF] =	sst s3;
	s8 =	smul.u32 $0x50000, s0;
	p0 =	seq.s32 s0, $0xF  }
0x7: {  	s4 =	sor.u32 s5, s31;
	_ =	strace $0x8000004D;
	s9 =	smul.u32 $0x27100, s5  }
0x8: {  	s5 =	ssub.s32 $0x2, s5;
	s4 =	smul.u32 $0x500, s4;
	s10 =	sadd.s32 s17, s6  }
0x9: {  	s11 =	sshrl.u32 s5, $0x1;
	s8 =	sshrl.u32 s8, $0x2;
	s9 =	sadd.s32 s9, s6  }
0xa: {  	s11 =	ssub.s32 s5, s11;
	s12 =	sadd.s32 s8, s2;
	s5 =	sadd.s32 $0x12800, s10  }
0xb: {  	s10 =	sadd.s32 $0x12C000, s2;
	s7 =	sadd.s32 s4, s6;
	s4 =	sadd.s32 $0x39A00, s6  }
0xc: {  	s6 =	sadd.s32 $0x38000, s6;
	s18 =	sadd.s32 $0xEA600, s9;
	s8 =	smax.u32 s11, $0x1  }
0xd: {  	s9 =	sshrl.u32 @p0 s10, $0x3;
	s10 =	sshll.u32 @!p0 s0, $0x6;
	s11 =	sshrl.u32 @!p0 s12, $0x3  }
0xe: {  	s12 =	simm.s32 $0x2800;
	s7 =	sadd.s32 $0xE0600, s7;
	s10 =	sor.u32 @!p0 $0x1C02, s10  }
0xf: {  	s16 =	sadd.s32 @p0 $0x25800, s18;
	s17 =	sadd.s32 @!p0 s17, s18;
	s18 =	simm.s32 $0x0  }
.LBB2_1:
0x10: {  	s19 =	simm.s32 @p0 $0x1FC2  }
0x11: {  	[spmem:s9], [sflag:s19] =	dma.local @p0 [hbm:s6], $0x1900  }
0x12: {  	s19 =	simm.s32 @p0 $0x2  }
0x13: {  	_ =	swait.ge @p0 [sflag:s19], $0x1900  }
0x14: {  	[sflag:s19] =	ssyncset.done @p0 $0x0  }
0x15: {  	[sflag:s19] =	ssyncadd.s32 @p0 $0xFFFFE700;
	s19 =	simm.s32 @!p0 $0x2  }
0x16: {  	[spmem:s11], [sflag:s10] =	dma.local @!p0 [hbm:s5], $0x2800  }
0x17: {  	_ =	swait.ge @!p0 [sflag:s19], $0x2800  }
0x18: {  	[sflag:s19] =	ssyncset.done @!p0 $0x0  }
0x19: {  	[sflag:s19] =	ssyncadd.s32 @!p0 $0xFFFFD800  }
0x1a: {  	[tilespmem:s12], [sflag:$0x2] =	stream.linear.gather [hbm4b:s4+s3], $0x3E80, $0x38;
	[tilespmem:$0x1A080] =	vst v63  }
0x1b: {  	_ =	swait.ge [sflag:s13], $0x3E80  }
0x1c: {  	[sflag:s13] =	ssyncset.done $0x0  }
0x1d: {  	[sflag:s13] =	ssyncadd.s32 $0xFFFFC180  }
0x1e: {  	[tilespmem:s3], [sflag:$0x2] =	stream.linear.gather [hbm4b:s7+s3], $0x2800, $0x38;
	[tilespmem:$0x1A080] =	vst v63  }
0x1f: {  	_ =	swait.ge [sflag:s13], $0x2800  }
0x20: {  	[sflag:s13] =	ssyncset.done $0x0  }
0x21: {  	[sflag:s13] =	ssyncadd.s32 $0xFFFFD800  }
0x22: {  	s23 =	simm.s32 $0x0;
	[bflag:$0x0] =	sbarrier.arrive $0xFFFF  }
0x23: {  	[spmem:s2] =	stream.indirect.scatter.add.f32 [tilespmem:s12], [sflag:$0x1], $0x80, s23, s14, $0xb8;
	[tilespmem:$0x1A080] =	vst v63  }
0x24: {  	s24 =	simm.s32 $0x80  }
0x25: {  	[spmem:s2] =	stream.indirect.scatter.add.f32 [tilespmem:s12], [sflag:$0x1], $0x80, s24, s14, $0xb8;
	[tilespmem:$0x1A080] =	vst v63  }
0x26: {  	s25 =	simm.s32 $0x100  }
0x27: {  	[spmem:s2] =	stream.indirect.scatter.add.f32 [tilespmem:s12], [sflag:$0x1], $0x80, s25, s14, $0xb8;
	[tilespmem:$0x1A080] =	vst v63  }
0x28: {  	s26 =	simm.s32 $0x180  }
0x29: {  	[spmem:s2] =	stream.indirect.scatter.add.f32 [tilespmem:s12], [sflag:$0x1], $0x80, s26, s14, $0xb8;
	[tilespmem:$0x1A080] =	vst v63  }
0x2a: {  	s28 =	simm.s32 $0x200  }
0x2b: {  	[spmem:s2] =	stream.indirect.scatter.add.f32 [tilespmem:s12], [sflag:$0x1], $0x80, s28, s14, $0xb8;
	[tilespmem:$0x1A080] =	vst v63  }
0x2c: {  	s29 =	simm.s32 $0x280  }
0x2d: {  	[spmem:s2] =	stream.indirect.scatter.add.f32 [tilespmem:s12], [sflag:$0x1], $0x80, s29, s14, $0xb8;
	[tilespmem:$0x1A080] =	vst v63  }
0x2e: {  	s30 =	simm.s32 $0x300  }
0x2f: {  	[spmem:s2] =	stream.indirect.scatter.add.f32 [tilespmem:s12], [sflag:$0x1], $0x80, s30, s14, $0xb8;
	[tilespmem:$0x1A080] =	vst v63  }
0x30: {  	s31 =	simm.s32 $0x380  }
0x31: {  	[spmem:s2] =	stream.indirect.scatter.add.f32 [tilespmem:s12], [sflag:$0x1], $0x80, s31, s14, $0xb8;
	[tilespmem:$0x1A080] =	vst v63  }
0x32: {  	_ =	swait.ge [sflag:s15], $0x3E80  }
0x33: {  	[sflag:s15] =	ssyncset.done $0x0  }
0x34: {  	[sflag:s15] =	ssyncadd.s32 $0xFFFFC180  }
0x35: {  	_ =	swait.ge [sflag:s15], $0x3E80  }
0x36: {  	[sflag:s15] =	ssyncset.done $0x0  }
0x37: {  	[sflag:s15] =	ssyncadd.s32 $0xFFFFC180  }
0x38: {  	_ =	swait.ge [sflag:s15], $0x3E80  }
0x39: {  	[sflag:s15] =	ssyncset.done $0x0  }
0x3a: {  	[sflag:s15] =	ssyncadd.s32 $0xFFFFC180  }
0x3b: {  	_ =	swait.ge [sflag:s15], $0x3E80  }
0x3c: {  	[sflag:s15] =	ssyncset.done $0x0  }
0x3d: {  	[sflag:s15] =	ssyncadd.s32 $0xFFFFC180  }
0x3e: {  	_ =	swait.ge [sflag:s15], $0x3E80  }
0x3f: {  	[sflag:s15] =	ssyncset.done $0x0  }
0x40: {  	[sflag:s15] =	ssyncadd.s32 $0xFFFFC180  }
0x41: {  	_ =	swait.ge [sflag:s15], $0x3E80  }
0x42: {  	[sflag:s15] =	ssyncset.done $0x0  }
0x43: {  	[sflag:s15] =	ssyncadd.s32 $0xFFFFC180  }
0x44: {  	_ =	swait.ge [sflag:s15], $0x3E80  }
0x45: {  	[sflag:s15] =	ssyncset.done $0x0  }
0x46: {  	[sflag:s15] =	ssyncadd.s32 $0xFFFFC180  }
0x47: {  	_ =	swait.ge [sflag:s15], $0x3E80  }
0x48: {  	s21 =	simm.s32 $0x2000;
	s19 =	simm.s32 $0x1000;
	[sflag:s15] =	ssyncset.done $0x0  }
.LBB2_2:
0x49: {  	s22 =	sshra.s32 s19, $0x2  }
0x4a: {  	[sflag:s15] =	ssyncadd.s32 $0xFFFFC180;
	s19 =	smov.u32 s21;
	s20 =	sadd.s32 $0x1000, s21  }
0x4b: {  	[spmem:s2] =	stream.indirect.scatter.add.f32 [tilespmem:s12], [sflag:$0x1], $0x80, s22, s14, $0xb8;
	[tilespmem:$0x1A080] =	vst v63  }
0x4c: {  	p1 =	sne.s32 s21, $0x9000;
	s21 =	sadd.s32 $0x80, s22  }
0x4d: {  	[spmem:s2] =	stream.indirect.scatter.add.f32 [tilespmem:s12], [sflag:$0x1], $0x80, s21, s14, $0xb8;
	[tilespmem:$0x1A080] =	vst v63  }
0x4e: {  	s21 =	sadd.s32 $0x100, s22  }
0x4f: {  	[spmem:s2] =	stream.indirect.scatter.add.f32 [tilespmem:s12], [sflag:$0x1], $0x80, s21, s14, $0xb8;
	[tilespmem:$0x1A080] =	vst v63  }
0x50: {  	s21 =	sadd.s32 $0x180, s22  }
0x51: {  	[spmem:s2] =	stream.indirect.scatter.add.f32 [tilespmem:s12], [sflag:$0x1], $0x80, s21, s14, $0xb8;
	[tilespmem:$0x1A080] =	vst v63  }
0x52: {  	s21 =	sadd.s32 $0x200, s22  }
0x53: {  	[spmem:s2] =	stream.indirect.scatter.add.f32 [tilespmem:s12], [sflag:$0x1], $0x80, s21, s14, $0xb8;
	[tilespmem:$0x1A080] =	vst v63  }
0x54: {  	s21 =	sadd.s32 $0x280, s22  }
0x55: {  	[spmem:s2] =	stream.indirect.scatter.add.f32 [tilespmem:s12], [sflag:$0x1], $0x80, s21, s14, $0xb8;
	[tilespmem:$0x1A080] =	vst v63  }
0x56: {  	s21 =	sadd.s32 $0x300, s22  }
0x57: {  	[spmem:s2] =	stream.indirect.scatter.add.f32 [tilespmem:s12], [sflag:$0x1], $0x80, s21, s14, $0xb8;
	[tilespmem:$0x1A080] =	vst v63  }
0x58: {  	s21 =	sadd.s32 $0x380, s22  }
0x59: {  	[spmem:s2] =	stream.indirect.scatter.add.f32 [tilespmem:s12], [sflag:$0x1], $0x80, s21, s14, $0xb8;
	[tilespmem:$0x1A080] =	vst v63  }
0x5a: {  	_ =	swait.ge [sflag:s15], $0x3E80  }
0x5b: {  	[sflag:s15] =	ssyncset.done $0x0  }
0x5c: {  	[sflag:s15] =	ssyncadd.s32 $0xFFFFC180  }
0x5d: {  	_ =	swait.ge [sflag:s15], $0x3E80  }
0x5e: {  	[sflag:s15] =	ssyncset.done $0x0  }
0x5f: {  	[sflag:s15] =	ssyncadd.s32 $0xFFFFC180  }
0x60: {  	_ =	swait.ge [sflag:s15], $0x3E80  }
0x61: {  	[sflag:s15] =	ssyncset.done $0x0  }
0x62: {  	[sflag:s15] =	ssyncadd.s32 $0xFFFFC180  }
0x63: {  	_ =	swait.ge [sflag:s15], $0x3E80  }
0x64: {  	[sflag:s15] =	ssyncset.done $0x0  }
0x65: {  	[sflag:s15] =	ssyncadd.s32 $0xFFFFC180  }
0x66: {  	_ =	swait.ge [sflag:s15], $0x3E80  }
0x67: {  	[sflag:s15] =	ssyncset.done $0x0  }
0x68: {  	[sflag:s15] =	ssyncadd.s32 $0xFFFFC180  }
0x69: {  	_ =	swait.ge [sflag:s15], $0x3E80  }
0x6a: {  	[sflag:s15] =	ssyncset.done $0x0  }
0x6b: {  	[sflag:s15] =	ssyncadd.s32 $0xFFFFC180  }
.Ltmp0:
0x6c: {  	_ =	swait.ge [sflag:s15], $0x3E80;
	(pc) =	sbr.rel @p1 .LBB2_2-.Ltmp0, $4  }
0x6d: {  	[sflag:s15] =	ssyncset.done $0x0  }
0x6e: {  	[sflag:s15] =	ssyncadd.s32 $0xFFFFC180  }
0x6f: {  	_ =	swait.ge [sflag:s15], $0x3E80  }
0x70: {  	s21 =	smov.u32 s20;
	[sflag:s15] =	ssyncset.done $0x0  }
0x71: {  	s19 =	sshra.s32 s19, $0x2;
	[sflag:s15] =	ssyncadd.s32 $0xFFFFC180  }
0x72: {  	[spmem:s2] =	stream.indirect.scatter.add.f32 [tilespmem:s12], [sflag:$0x1], $0x80, s19, s14, $0xb8;
	[tilespmem:$0x1A080] =	vst v63  }
0x73: {  	s20 =	sadd.s32 $0x80, s19  }
0x74: {  	[spmem:s2] =	stream.indirect.scatter.add.f32 [tilespmem:s12], [sflag:$0x1], $0x80, s20, s14, $0xb8;
	[tilespmem:$0x1A080] =	vst v63  }
0x75: {  	s26 =	sadd.s32 $0x100, s19  }
0x76: {  	[spmem:s2] =	stream.indirect.scatter.add.f32 [tilespmem:s12], [sflag:$0x1], $0x80, s26, s14, $0xb8;
	[tilespmem:$0x1A080] =	vst v63  }
0x77: {  	s28 =	sadd.s32 $0x180, s19  }
0x78: {  	[spmem:s2] =	stream.indirect.scatter.add.f32 [tilespmem:s12], [sflag:$0x1], $0x80, s28, s14, $0xb8;
	[tilespmem:$0x1A080] =	vst v63  }
0x79: {  	s29 =	sadd.s32 $0x200, s19  }
0x7a: {  	[spmem:s2] =	stream.indirect.scatter.add.f32 [tilespmem:s12], [sflag:$0x1], $0x80, s29, s14, $0xb8;
	[tilespmem:$0x1A080] =	vst v63  }
0x7b: {  	s30 =	sadd.s32 $0x280, s19  }
0x7c: {  	[spmem:s2] =	stream.indirect.scatter.add.f32 [tilespmem:s12], [sflag:$0x1], $0x80, s30, s14, $0xb8;
	[tilespmem:$0x1A080] =	vst v63  }
0x7d: {  	s31 =	sadd.s32 $0x300, s19  }
0x7e: {  	[spmem:s2] =	stream.indirect.scatter.add.f32 [tilespmem:s12], [sflag:$0x1], $0x80, s31, s14, $0xb8;
	[tilespmem:$0x1A080] =	vst v63  }
0x7f: {  	s19 =	sadd.s32 $0x380, s19  }
0x80: {  	[spmem:s2] =	stream.indirect.scatter.add.f32 [tilespmem:s12], [sflag:$0x1], $0x80, s19, s14, $0xb8;
	[tilespmem:$0x1A080] =	vst v63  }
0x81: {  	_ =	swait.ge [sflag:s15], $0x3E80  }
0x82: {  	[sflag:s15] =	ssyncset.done $0x0  }
0x83: {  	[sflag:s15] =	ssyncadd.s32 $0xFFFFC180  }
0x84: {  	_ =	swait.ge [sflag:s15], $0x3E80  }
0x85: {  	[sflag:s15] =	ssyncset.done $0x0  }
0x86: {  	[sflag:s15] =	ssyncadd.s32 $0xFFFFC180  }
0x87: {  	_ =	swait.ge [sflag:s15], $0x3E80  }
0x88: {  	[sflag:s15] =	ssyncset.done $0x0  }
0x89: {  	[sflag:s15] =	ssyncadd.s32 $0xFFFFC180  }
0x8a: {  	_ =	swait.ge [sflag:s15], $0x3E80  }
0x8b: {  	[sflag:s15] =	ssyncset.done $0x0  }
0x8c: {  	[sflag:s15] =	ssyncadd.s32 $0xFFFFC180  }
0x8d: {  	_ =	swait.ge [sflag:s15], $0x3E80  }
0x8e: {  	[sflag:s15] =	ssyncset.done $0x0  }
0x8f: {  	[sflag:s15] =	ssyncadd.s32 $0xFFFFC180  }
0x90: {  	_ =	swait.ge [sflag:s15], $0x3E80  }
0x91: {  	[sflag:s15] =	ssyncset.done $0x0  }
0x92: {  	[sflag:s15] =	ssyncadd.s32 $0xFFFFC180  }
0x93: {  	_ =	swait.ge [sflag:s15], $0x3E80  }
0x94: {  	[sflag:s15] =	ssyncset.done $0x0  }
0x95: {  	[sflag:s15] =	ssyncadd.s32 $0xFFFFC180  }
0x96: {  	_ =	swait.ge [sflag:s15], $0x3E80  }
0x97: {  	[sflag:s15] =	ssyncset.done $0x0  }
0x98: {  	[sflag:s15] =	ssyncadd.s32 $0xFFFFC180  }
0x99: {  	s19 =	simm.s32 @p0 $0x1FC2;
	[bflag:$0x0] =	sbarrier.arrive $0xFFFF  }
0x9a: {  	[hbm:s16], [sflag:s19] =	dma.local @p0 [spmem:s9], $0x1900  }
0x9b: {  	s19 =	simm.s32 @p0 $0x2  }
0x9c: {  	s18 =	sadd.s32 $0x1, s18;
	_ =	swait.ge @p0 [sflag:s19], $0x1900  }
0x9d: {  	p1 =	sne.s32 s18, s8;
	[sflag:s19] =	ssyncset.done @p0 $0x0  }
.Ltmp1:
0x9e: {  	[sflag:s19] =	ssyncadd.s32 @p0 $0xFFFFE700;
	s19 =	simm.s32 @!p0 $0x2;
	(pc) =	sbr.rel @p1 .LBB2_1-.Ltmp1, $4  }
0x9f: {  	[hbm:s17], [sflag:s10] =	dma.local @!p0 [spmem:s11], $0x2800  }
0xa0: {  	_ =	swait.ge @!p0 [sflag:s19], $0x2800  }
0xa1: {  	[sflag:s19] =	ssyncset.done @!p0 $0x0  }
0xa2: {  	[sflag:s19] =	ssyncadd.s32 @!p0 $0xFFFFD800  }
0xa3: {  	_ =	sfence.sel $0x180000  }
0xa4: {  	[bflag:$0x0] =	sbarrier.arrive $0xFFFF  }
0xa5: {  	p0 =	sne.s32 s0, $0x0;
	_ =	strace $0x9000004D  }
0xa6: {  	s0 =	sadd.s32 @!p0 $0x100000, s1;
	[bflag:$0x2] =	sbarrier.arrive $0xFFFF  }
0xa7: {  	[sflag:s0] =	ssyncadd.tile.s32 @!p0 $0x1;
	_ =	shalt  }
.Lfunc_end2:
_tile_overlayer_lowered:
.L_overlay_start_2:
0xa8: {  	(tag) =	ssettag $0x2  }
0xa9: {  	s0 =	rddreg [dreg:$0x0];
	s2 =	stileid.u32  }
0xaa: {  	s1 =	rddreg [dreg:$0x1];
	p0 =	sne.s32 s2, $0x0  }
0xab: {  	s3 =	rddreg [dreg:$0x2];
	[bflag:$0x3] =	sbarrier.arrive $0xFFFF;
	s2 =	simm.s32 @!p0 $0x1C02  }
0xac: {  	[timem:s3], [sflag:s2] =	dma.local @!p0 [hbm:s0], s1  }
0xad: {  	s0 =	simm.s32 @!p0 $0x2  }
0xae: {  	_ =	swait.ge @!p0 [sflag:s0], s1  }
0xaf: {  	s1 =	ssub.s32 @!p0 $0x0, s1;
	[sflag:s0] =	ssyncset.done @!p0 $0x0  }
0xb0: {  	[sflag:s0] =	ssyncadd.s32 @!p0 s1  }
0xb1: {  	[bflag:$0x3] =	sbarrier.arrive $0xFFFF  }
0xb2: {  	_ =	shalt  }

// kernel: kernel.20.cloned.1.call-start
scs
__scs_entry_jumppad:
0x0: {  	(pc) =	sbr.rel $0x88, $3  }
0x1: {  	(tag) =	ssettag $0x0;
	lr =	simm.s32 $0x1  }
0x2: {  	[smem:$0x3F7C] =	sst lr;
	_ =	strace $0xD0000000  }
0x3: {  	_ = 	snop  }
0x4: {  	_ = 	snop  }
0x5: {  	_ = 	snop  }
0x6: {  	_ = 	snop  }
0x7: {  	_ = 	snop  }
__scs_overlays_trampoline_lowered:
0x8: {  	[smem:$0x3F8B] =	sst s0  }
0x9: {  	[smem:$0x3F8C] =	sst s1  }
0xa: {  	[smem:$0x3F8D] =	sst s2  }
0xb: {  	[smem:$0x3F8E] =	sst s3  }
0xc: {  	[smem:$0x3F8F] =	sst s4  }
0xd: {  	[smem:$0x3F90] =	sst s5  }
0xe: {  	[smem:$0x3F91] =	sst s6  }
0xf: {  	[smem:$0x3F92] =	sst s7  }
0x10: {  	[smem:$0x3F93] =	sst s8  }
0x11: {  	[smem:$0x3F94] =	sst s9;
	s0 =	simm.s32 @!p0 $0x0  }
0x12: {  	s1 =	sld [smem:$0x3F7A];
	s0 =	simm.s32 @p0 $0x1  }
0x13: {  	[smem:$0x3F95] =	sst s0;
	s0 =	simm.s32 @!p1 $0x0  }
0x14: {  	s2 =	sld [smem:$0x3F79];
	s0 =	simm.s32 @p1 $0x1  }
0x15: {  	[smem:$0x3F96] =	sst s0;
	s0 =	simm.s32 @!p2 $0x0  }
0x16: {  	s3 =	sld [smem:$0x3FDB];
	s0 =	simm.s32 @p2 $0x1  }
0x17: {  	s4 =	simm.s32 $0x1BF5;
	[smem:$0x3F98] =	sst s0  }
0x18: {  	s0 =	sld [smem:$0x3F7B];
	_ =	swait.ge [sflag:s4], $0x0  }
0x19: {  	s7 =	sld [smem:$0x3F7C]  }
0x1a: {  	s8 =	sadd.s32 $0xFFFFE003, lr  }
0x1b: {  	s9 =	sadd.s32 $0xFFFFFEF7, lr;
	s5 =	simm.s32 $0xFFFFFFFF;
	p2 =	slt.u32 s8, $0xFFFFF086  }
0x1c: {  	p1 =	slt.u32 s9, $0xF7A;
	s5 =	simm.s32 @!p2 $0x0  }
0x1d: {  	s5 =	simm.s32 @p1 $0x1;
	p0 =	seq.s32 s7, s2  }
0x1e: {  	s7 =	smul.u32 @!p0 $0xF7A, s2;
	p2 =	seq.s32 @!p0 s5, $0x0  }
0x1f: {  	s9 =	smul.u32 $0xF7A, s1;
	s8 =	simm.s32 @!p0 $0x1BF5;
	p2 =	por !p2, p0  }
0x20: {  	[sflag:s8] =	ssyncset.s32 @!p0 $0xFFFFF086;
	s6 =	sadd.s32 @!p0 s3, s7;
	s7 =	simm.s32 @!p0 $0x108  }
0x21: {  	s3 =	sadd.s32 s3, s9;
	s6 =	sadd.s32 @!p0 $0x88, s6;
	s7 =	simm.s32 @p2 $0x1082  }
0x22: {  	[simem:s7], [sflag:s8] =	dma.local @!p0 [hbm:s6], $0xF7A  }
0x23: {  	s9 =	sor.u32 $0xD0000000, s2;
	s6 =	simm.s32 $0x108;
	_ =	swait.ge @!p0 [sflag:s8], $0x0  }
0x24: {  	s3 =	sadd.s32 $0x88, s3;
	s6 =	simm.s32 @!p1 $0x1082;
	[sflag:s4] =	ssyncset.s32 $0xFFFFF086  }
0x25: {  	[simem:s6], [sflag:s4] =	dma.local [hbm:s3], $0xF7A  }
0x26: {  	[smem:$0x3F7C] =	sst s1;
	(tag) =	ssettag s2;
	_ =	strace s9  }
0x27: {  	s1 =	sld [smem:$0x3F8C]  }
0x28: {  	s2 =	sld [smem:$0x3F8D]  }
0x29: {  	s4 =	sld [smem:$0x3F8F]  }
0x2a: {  	p0 =	seq.s32 s5, $0x0;
	s5 =	sld [smem:$0x3F90]  }
0x2b: {  	s6 =	sld [smem:$0x3F91]  }
0x2c: {  	s7 =	sld [smem:$0x3F92]  }
0x2d: {  	s3 =	simm.s32 $0x108;
	s8 =	sld [smem:$0x3F93]  }
0x2e: {  	s3 =	simm.s32 @!p0 $0x1082;
	s9 =	sld [smem:$0x3F94]  }
0x2f: {  	lr =	sadd.s32 s0, s3;
	s0 =	sld [smem:$0x3F8B]  }
0x30: {  	s3 =	sld [smem:$0x3F8E]  }
0x31: {  	[smem:$0x3F97] =	sst s10  }
0x32: {  	s10 =	sld [smem:$0x3F95];
	_ =	sdelay $0x3  }
0x33: {  	p0 =	seq.s32 s10, $0x1;
	s10 =	sld [smem:$0x3F97];
	_ =	sdelay $0x3  }
0x34: {  	[smem:$0x3F97] =	sst s10  }
0x35: {  	s10 =	sld [smem:$0x3F96];
	_ =	sdelay $0x3  }
0x36: {  	p1 =	seq.s32 s10, $0x1;
	s10 =	sld [smem:$0x3F97];
	_ =	sdelay $0x3  }
0x37: {  	[smem:$0x3F97] =	sst s10  }
0x38: {  	s10 =	sld [smem:$0x3F98]  }
0x39: {  	_ = 	snop;
	(pc) =	sbr.ind lr, $3  }
0x3a: {  	_ = 	snop  }
0x3b: {  	_ = 	snop  }
0x3c: {  	p2 =	seq.s32 s10, $0x1;
	s10 =	sld [smem:$0x3F97]  }
0x3d: {  	_ =	shalt  }
0x3e: {  	_ =	shalt  }
0x3f: {  	_ =	shalt  }
0x40: {  	_ =	shalt  }
0x41: {  	_ =	shalt  }
0x42: {  	_ =	shalt  }
0x43: {  	_ =	shalt  }
0x44: {  	_ =	shalt  }
0x45: {  	_ =	shalt  }
0x46: {  	_ =	shalt  }
0x47: {  	_ =	shalt  }
0x48: {  	_ =	shalt  }
0x49: {  	_ =	shalt  }
0x4a: {  	_ =	shalt  }
0x4b: {  	_ =	shalt  }
0x4c: {  	_ =	shalt  }
0x4d: {  	_ =	shalt  }
0x4e: {  	_ =	shalt  }
0x4f: {  	_ =	shalt  }
0x50: {  	_ =	shalt  }
0x51: {  	_ =	shalt  }
0x52: {  	_ =	shalt  }
0x53: {  	_ =	shalt  }
0x54: {  	_ =	shalt  }
0x55: {  	_ =	shalt  }
0x56: {  	_ =	shalt  }
0x57: {  	_ =	shalt  }
0x58: {  	_ =	shalt  }
0x59: {  	_ =	shalt  }
0x5a: {  	_ =	shalt  }
0x5b: {  	_ =	shalt  }
0x5c: {  	_ =	shalt  }
0x5d: {  	_ =	shalt  }
0x5e: {  	_ =	shalt  }
0x5f: {  	_ =	shalt  }
0x60: {  	_ =	shalt  }
0x61: {  	_ =	shalt  }
0x62: {  	_ =	shalt  }
0x63: {  	_ =	shalt  }
0x64: {  	_ =	shalt  }
0x65: {  	_ =	shalt  }
0x66: {  	_ =	shalt  }
0x67: {  	_ =	shalt  }
0x68: {  	_ =	shalt  }
0x69: {  	_ =	shalt  }
0x6a: {  	_ =	shalt  }
0x6b: {  	_ =	shalt  }
0x6c: {  	_ =	shalt  }
0x6d: {  	_ =	shalt  }
0x6e: {  	_ =	shalt  }
0x6f: {  	_ =	shalt  }
0x70: {  	_ =	shalt  }
0x71: {  	_ =	shalt  }
0x72: {  	_ =	shalt  }
0x73: {  	_ =	shalt  }
0x74: {  	_ =	shalt  }
0x75: {  	_ =	shalt  }
0x76: {  	_ =	shalt  }
0x77: {  	_ =	shalt  }
0x78: {  	_ =	shalt  }
0x79: {  	_ =	shalt  }
0x7a: {  	_ =	shalt  }
0x7b: {  	_ =	shalt  }
0x7c: {  	_ =	shalt  }
0x7d: {  	_ =	shalt  }
0x7e: {  	_ =	shalt  }
0x7f: {  	_ =	shalt  }
0x80: {  	_ =	shalt  }
0x81: {  	_ =	shalt  }
0x82: {  	_ =	shalt  }
0x83: {  	_ =	shalt  }
0x84: {  	_ =	shalt  }
0x85: {  	_ =	shalt  }
0x86: {  	_ =	shalt  }
0x87: {  	_ =	shalt  }
.Lfunc_end0:
.L_simem_size_0:
called_computation.1_lowered:
.L_overlay_start_0:
0x88: {  	s2 =	sld [smem:$0x3FD9]  }
0x89: {  	s3 =	sld [smem:$0x3FFE];
	_ =	sdelay $0x1  }
0x8a: {  	s1 =	srdreg.scid  }
0x8b: {  	s0 =	sand.u32 $0x1, s1  }
0x8c: {  	s17 =	sshll.u32 s0, $0xA;
	s2 =	sadd.s32 s3, s2  }
0x8d: {  	s2 =	sadd.s32 s2, s17  }
0x8e: {  	[smem:$0x3FA3] =	sst s2  }
0x8f: {  	_ = 	snop  }
0x90: {  	(tm) =	ssettm $0x1  }
0x91: {  	s18 =	sld [smem:$0x3FFB];
	_ =	sdelay $0x3  }
0x92: {  	_ =	strace s18  }
0x93: {  	s2 =	sld [smem:$0x3FFC];
	_ =	sdelay $0x3  }
0x94: {  	_ =	strace s2  }
0x95: {  	s2 =	sld [smem:$0x3FFD];
	_ =	sdelay $0x3  }
0x96: {  	_ =	strace s2  }
0x97: {  	_ =	strace $0x8FFFFFFF  }
0x98: {  	s19 =	sld [smem:$0x3FDB];
	_ =	sdelay $0x1  }
0x99: {  	s20 =	simm.s32 $_scs_section_size  }
0x9a: {  	s4 =	simm.s32 $_size__tile_overlayer_lowered;
	s5 =	simm.s32 $_tile_overlayer_lowered  }
0x9b: {  	s6 =	simm.s32 $0x1BFF;
	s21 =	sshll.u32 s5, $0x1;
	s3 =	sadd.s32 s20, s19  }
0x9c: {  	s22 =	simm.s32 $0x0;
	s4 =	sshll.u32 s4, $0x1;
	s5 =	sadd.s32 s21, s3  }
0x9d: {  	[timem:s22], [sflag:s6] =	dma.local [hbm:s5], s4  }
0x9e: {  	_ =	swait.ge [sflag:s6], s4  }
0x9f: {  	s4 =	ssub.s32 $0x0, s4;
	[sflag:s6] =	ssyncset.done $0x0  }
0xa0: {  	[sflag:s6] =	ssyncadd.s32 s4;
	_ =	sdelay $0x1  }
0xa1: {  	s23 =	simm.s32 $0x1B8B  }
0xa2: {  	_ =	swait.ge [sflag:s23], $0x1  }
0xa3: {  	[sflag:s23] =	ssyncset.done $0x0  }
0xa4: {  	[sflag:s23] =	ssyncadd.s32 $0xFFFFFFFF  }
0xa5: {  	s4 =	sld [smem:$0x0]  }
0xa6: {  	s5 =	sand.u32 $0xFFFFFFFE, s1  }
0xa7: {  	p0 =	sne.s32 s1, s5  }
0xa8: {  	s5 =	sshll.u32 @p0 s5, $0xE  }
0xa9: {  	s5 =	sadd.s32 @p0 $0x11B8D, s5;
	s6 =	sshll.u32 @p0 s4, $0x11  }
0xaa: {  	s5 =	sor.u32 @p0 s6, s5  }
0xab: {  	[sflag:s5] =	ssyncadd.remote.s32 @p0 $0x1;
	_ =	sdelay $0x1  }
0xac: {  	s5 =	simm.s32 @p0 $0x1B8D  }
0xad: {  	_ =	swait.eq @p0 [sflag:s5], $0x1  }
0xae: {  	[sflag:s5] =	ssyncadd.s32 @p0 $0xFFFFFFFF  }
0xaf: {  	s6 =	sshll.u32 @!p0 s1, $0xE  }
0xb0: {  	s6 =	sor.u32 @!p0 $0x4000, s6;
	s5 =	simm.s32 @!p0 $0x1B8D  }
0xb1: {  	s4 =	sshll.u32 @!p0 s4, $0x11;
	s6 =	sadd.s32 @!p0 $0x11B8D, s6;
	_ =	swait.eq @!p0 [sflag:s5], $0x1  }
0xb2: {  	s4 =	sor.u32 @!p0 s4, s6;
	[sflag:s5] =	ssyncadd.s32 @!p0 $0xFFFFFFFF  }
0xb3: {  	s25 =	simm.s32 $0x1B8E;
	s24 =	sld [smem:$0x3FFE];
	[sflag:s4] =	ssyncadd.remote.s32 @!p0 $0x1  }
0xb4: {  	s26 =	simm.s32 $execute0_lowered;
	[smem:$0x3FD2] =	sst s25  }
0xb5: {  	s5 =	sshll.u32 s26, $0x1;
	_ =	strace $0x80000055;
	[dreg:$0x1] =	wrdreg $0xFFFFFFFF  }
0xb6: {  	s28 =	simm.s32 $_size_execute0_lowered;
	s3 =	sadd.s32 s3, s5;
	[dreg:$0x0] =	wrdreg $0x0  }
0xb7: {  	s5 =	sshll.u32 s28, $0x1;
	[dreg:$0x2] =	wrdreg s3  }
0xb8: {  	[dreg:$0x3] =	wrdreg s5  }
0xb9: {  	[dreg:$0x4] =	wrdreg $0xC0  }
0xba: {  	_ =	task [dreg:s22], $0x5FFFF  }
0xbb: {  	[dreg:$0x1] =	wrdreg $0xFFFFFFFF  }
0xbc: {  	[dreg:$0x0] =	wrdreg $0x60  }
0xbd: {  	[dreg:$0x2] =	wrdreg s24  }
0xbe: {  	[dreg:$0x3] =	wrdreg $0xA8000  }
0xbf: {  	[dreg:$0x4] =	wrdreg $0x9  }
0xc0: {  	_ =	task.clear_ibuf [dreg:s22], $0x5FFFF;
	_ =	strace $0x90000055  }
0xc1: {  	s29 =	simm.s32 $0x9;
	_ =	strace $0x80000057  }
0xc2: {  	_ =	swait.ge [sflag:s29], $0x1  }
0xc3: {  	[sflag:s29] =	ssyncadd.s32 $0xFFFFFFFF  }
0xc4: {  	_ =	strace $0x90000057  }
0xc5: {  	_ =	sfence  }
0xc6: {  	s30 =	sld [smem:$0x0];
	_ =	sdelay $0x2  }
0xc7: {  	s31 =	sshll.u32 s1, $0xD;
	s1 =	sshrl.u32 s1, $0x2  }
0xc8: {  	s4 =	sand.u32 $0x4000, s31;
	s1 =	sadd.s32 s1, s30  }
0xc9: {  	s0 =	sor.u32 s4, s0;
	s1 =	sshll.u32 s1, $0x11  }
0xca: {  	s0 =	sor.u32 s1, s0  }
0xcb: {  	s0 =	sadd.s32 $0x8F2B, s0  }
0xcc: {  	[sflag:s0] =	ssyncadd.remote.s32 $0x1  }
0xcd: {  	_ =	sfence.sel $0xFFFF  }
0xce: {  	[dreg:$0x0] =	wrdreg $0xFFFFFFFF;
	(pc) =	sbr.abs _section_cstart, $3  }
0xcf: {  	[dreg:$0x1] =	wrdreg $0xFFFFFFFF  }
0xd0: {  	_ =	task.clear_ibuf [dreg:s22], $0x2FFFF;
	_ =	strace $0x9FFFFFFF  }
0xd1: {  	(tm) =	ssettm $0x7FFFFFFF  }
tec
execute0_lowered:
.L_overlay_start_1:
0x0: {  	(tag) =	ssettag $0x1  }
0x1: {  	s7 =	rddreg [dreg:$0x0]  }
0x2: {  	s2 =	rddreg [dreg:$0x1]  }
0x3: {  	s3 =	simm.s32 $0x0;
	s0 =	stileid.u32;
	s5 =	srdreg.scid  }
0x4: {  	s19 =	simm.s32 $0x7D;
	s20 =	simm.s32 $0x2800;
	s21 =	simm.s32 $0x6800  }
0x5: {  	s22 =	simm.s32 $0x1;
	s23 =	simm.s32 $0x2;
	s24 =	simm.s32 $0x1380  }
0x6: {  	s25 =	simm.s32 $0x2700;
	s26 =	simm.s32 $0x2780;
	s28 =	simm.s32 $0x0  }
0x7: {  	[smem:$0x7FF] =	sst s3;
	s4 =	smul.u32 $0x2800, s0;
	s6 =	sand.u32 $0x1, s5  }
0x8: {  	s12 =	sadd.s32 $0x6B400, s7;
	s13 =	sadd.s32 $0xE0600, s7;
	s5 =	sadd.s32 $0x27B400, s7  }
0x9: {  	s9 =	smul.u32 $0x50000, s0;
	s15 =	sshll.u32 s0, $0x1;
	p0 =	seq.s32 s0, $0xF  }
0xa: {  	_ =	strace $0x80000056;
	s8 =	smul.u32 $0x27100, s6;
	s11 =	ssub.s32 $0x2, s6  }
0xb: {  	s31 =	sor.u32 s6, s15;
	s15 =	sadd.s32 $0x12C000, s2;
	s18 =	sshll.u32 @!p0 s0, $0x6  }
0xc: {  	s10 =	sadd.s32 s4, s7;
	s14 =	sshrl.u32 s11, $0x1;
	s9 =	sshrl.u32 s9, $0x2  }
0xd: {  	s8 =	sadd.s32 s8, s7;
	s11 =	ssub.s32 s11, s14;
	s16 =	sadd.s32 s9, s2  }
0xe: {  	s6 =	sadd.s32 $0x12800, s10;
	s14 =	smul.u32 $0x500, s31;
	s7 =	sadd.s32 $0x38000, s7  }
0xf: {  	s8 =	sadd.s32 $0x2A2600, s8;
	s9 =	smax.u32 s11, $0x1;
	s16 =	sshrl.u32 @!p0 s16, $0x3  }
0x10: {  	s10 =	sadd.s32 s12, s14;
	s17 =	sadd.s32 $0x280, s14;
	s11 =	sadd.s32 s13, s14  }
0x11: {  	s14 =	sshrl.u32 @p0 s15, $0x3;
	s15 =	sor.u32 @!p0 $0x1C03, s18;
	s18 =	simm.s32 $0x1400  }
0x12: {  	s12 =	sadd.s32 s12, s17;
	s13 =	sadd.s32 s13, s17;
	s17 =	simm.s32 $0x3  }
.LBB2_1:
0x13: {  	s29 =	simm.s32 @p0 $0x1FC3  }
0x14: {  	[spmem:s14], [sflag:s29] =	dma.local @p0 [hbm:s7], $0x1900  }
0x15: {  	s29 =	simm.s32 @p0 $0x3  }
0x16: {  	_ =	swait.ge @p0 [sflag:s29], $0x1900  }
0x17: {  	[sflag:s29] =	ssyncset.done @p0 $0x0  }
0x18: {  	[sflag:s29] =	ssyncadd.s32 @p0 $0xFFFFE700;
	s29 =	simm.s32 @!p0 $0x3  }
0x19: {  	[spmem:s16], [sflag:s15] =	dma.local @!p0 [hbm:s6], $0x2800  }
0x1a: {  	_ =	swait.ge @!p0 [sflag:s29], $0x2800  }
0x1b: {  	[sflag:s29] =	ssyncset.done @!p0 $0x0  }
0x1c: {  	[sflag:s29] =	ssyncadd.s32 @!p0 $0xFFFFD800  }
0x1d: {  	[bflag:$0x0] =	sbarrier.arrive $0xFFFF  }
0x1e: {  	[tilespmem:s3], [sflag:$0x3] =	stream.linear.gather [hbm4b:s10+s3], $0x1400, $0x38;
	[tilespmem:$0x1E080] =	vst v63  }
0x1f: {  	_ =	swait.ge [sflag:s17], $0x1400  }
0x20: {  	[sflag:s17] =	ssyncset.done $0x0  }
0x21: {  	[sflag:s17] =	ssyncadd.s32 $0xFFFFEC00  }
0x22: {  	[tilespmem:s18], [sflag:$0x3] =	stream.linear.gather [hbm4b:s11+s3], $0x1400, $0x38;
	[tilespmem:$0x1E080] =	vst v63  }
0x23: {  	_ =	swait.ge [sflag:s17], $0x1400  }
0x24: {  	[sflag:s17] =	ssyncset.done $0x0  }
0x25: {  	[sflag:s17] =	ssyncadd.s32 $0xFFFFEC00  }
0x26: {  	[tilespmem:s20], [sflag:$0x1] =	stream.indirect.gather [hbm4b:s5+s19], $0x80, s3, s19, $0xb8;
	[tilespmem:$0x1E080] =	vst v63  }
0x27: {  	s29 =	simm.s32 $0x80  }
0x28: {  	[tilespmem:s21], [sflag:$0x2] =	stream.indirect.gather [hbm4b:s5+s19], $0x80, s29, s19, $0xb8;
	[tilespmem:$0x1E080] =	vst v63  }
0x29: {  	_ =	swait.ge [sflag:s22], $0x3E80  }
0x2a: {  	[sflag:s22] =	ssyncset.done $0x0  }
0x2b: {  	s29 =	simm.s32 $0x1400;
	[sflag:s22] =	ssyncadd.s32 $0xFFFFC180  }
0x2c: {  	[spmem:s2] =	stream.indirect.scatter.add.f32 [tilespmem:s20], [sflag:$0x3], $0x80, s29, s19, $0xb8;
	[tilespmem:$0x1E080] =	vst v63  }
0x2d: {  	_ =	swait.ge [sflag:s17], $0x3E80  }
0x2e: {  	[sflag:s17] =	ssyncset.done $0x0  }
0x2f: {  	s29 =	simm.s32 $0x100;
	[sflag:s17] =	ssyncadd.s32 $0xFFFFC180  }
0x30: {  	[tilespmem:s20], [sflag:$0x1] =	stream.indirect.gather [hbm4b:s5+s19], $0x80, s29, s19, $0xb8;
	[tilespmem:$0x1E080] =	vst v63  }
0x31: {  	_ =	swait.ge [sflag:s23], $0x3E80  }
0x32: {  	[sflag:s23] =	ssyncset.done $0x0  }
0x33: {  	s29 =	simm.s32 $0x1480;
	[sflag:s23] =	ssyncadd.s32 $0xFFFFC180  }
0x34: {  	[spmem:s2] =	stream.indirect.scatter.add.f32 [tilespmem:s21], [sflag:$0x3], $0x80, s29, s19, $0xb8;
	[tilespmem:$0x1E080] =	vst v63  }
0x35: {  	_ =	swait.ge [sflag:s17], $0x3E80  }
0x36: {  	s30 =	simm.s32 $0x800;
	s29 =	simm.s32 $0x100;
	[sflag:s17] =	ssyncset.done $0x0  }
.LBB2_2:
0x37: {  	s31 =	sadd.s32 $0x80, s29  }
0x38: {  	[sflag:s17] =	ssyncadd.s32 $0xFFFFC180;
	s0 =	smov.u32 s30;
	s1 =	sadd.s32 $0x400, s30  }
0x39: {  	[tilespmem:s21], [sflag:$0x2] =	stream.indirect.gather [hbm4b:s5+s19], $0x80, s31, s19, $0xb8;
	[tilespmem:$0x1E080] =	vst v63  }
0x3a: {  	p1 =	sne.s32 s30, $0x4800;
	_ =	swait.ge [sflag:s22], $0x3E80  }
0x3b: {  	[sflag:s22] =	ssyncset.done $0x0  }
0x3c: {  	s30 =	sadd.s32 $0x1400, s29;
	[sflag:s22] =	ssyncadd.s32 $0xFFFFC180  }
0x3d: {  	[spmem:s2] =	stream.indirect.scatter.add.f32 [tilespmem:s20], [sflag:$0x3], $0x80, s30, s19, $0xb8;
	[tilespmem:$0x1E080] =	vst v63  }
0x3e: {  	_ =	swait.ge [sflag:s17], $0x3E80  }
0x3f: {  	[sflag:s17] =	ssyncset.done $0x0  }
0x40: {  	s30 =	sadd.s32 $0x100, s29;
	[sflag:s17] =	ssyncadd.s32 $0xFFFFC180  }
0x41: {  	[tilespmem:s20], [sflag:$0x1] =	stream.indirect.gather [hbm4b:s5+s19], $0x80, s30, s19, $0xb8;
	[tilespmem:$0x1E080] =	vst v63  }
0x42: {  	_ =	swait.ge [sflag:s23], $0x3E80  }
.Ltmp0:
0x43: {  	[sflag:s23] =	ssyncset.done $0x0;
	(pc) =	sbr.rel @p1 .LBB2_2-.Ltmp0, $4  }
0x44: {  	s29 =	sadd.s32 $0x1480, s29;
	[sflag:s23] =	ssyncadd.s32 $0xFFFFC180  }
0x45: {  	[spmem:s2] =	stream.indirect.scatter.add.f32 [tilespmem:s21], [sflag:$0x3], $0x80, s29, s19, $0xb8;
	[tilespmem:$0x1E080] =	vst v63  }
0x46: {  	_ =	swait.ge [sflag:s17], $0x3E80  }
0x47: {  	s30 =	smov.u32 s1;
	s29 =	sshra.s32 s0, $0x2;
	[sflag:s17] =	ssyncset.done $0x0  }
0x48: {  	s0 =	sadd.s32 $0x80, s29;
	[sflag:s17] =	ssyncadd.s32 $0xFFFFC180  }
0x49: {  	[tilespmem:s21], [sflag:$0x2] =	stream.indirect.gather [hbm4b:s5+s19], $0x80, s0, s19, $0xb8;
	[tilespmem:$0x1E080] =	vst v63  }
0x4a: {  	_ =	swait.ge [sflag:s22], $0x3E80  }
0x4b: {  	[sflag:s22] =	ssyncset.done $0x0  }
0x4c: {  	s1 =	sadd.s32 $0x1400, s29;
	[sflag:s22] =	ssyncadd.s32 $0xFFFFC180  }
0x4d: {  	[spmem:s2] =	stream.indirect.scatter.add.f32 [tilespmem:s20], [sflag:$0x3], $0x80, s1, s19, $0xb8;
	[tilespmem:$0x1E080] =	vst v63  }
0x4e: {  	_ =	swait.ge [sflag:s17], $0x3E80  }
0x4f: {  	[sflag:s17] =	ssyncset.done $0x0  }
0x50: {  	s31 =	sadd.s32 $0x100, s29;
	[sflag:s17] =	ssyncadd.s32 $0xFFFFC180  }
0x51: {  	[tilespmem:s20], [sflag:$0x1] =	stream.indirect.gather [hbm4b:s5+s19], $0x80, s31, s19, $0xb8;
	[tilespmem:$0x1E080] =	vst v63  }
0x52: {  	_ =	swait.ge [sflag:s23], $0x3E80  }
0x53: {  	[sflag:s23] =	ssyncset.done $0x0  }
0x54: {  	s1 =	sadd.s32 $0x1480, s29;
	[sflag:s23] =	ssyncadd.s32 $0xFFFFC180  }
0x55: {  	[spmem:s2] =	stream.indirect.scatter.add.f32 [tilespmem:s21], [sflag:$0x3], $0x80, s1, s19, $0xb8;
	[tilespmem:$0x1E080] =	vst v63  }
0x56: {  	_ =	swait.ge [sflag:s17], $0x3E80  }
0x57: {  	[sflag:s17] =	ssyncset.done $0x0  }
0x58: {  	[sflag:s17] =	ssyncadd.s32 $0xFFFFC180  }
0x59: {  	[tilespmem:s21], [sflag:$0x2] =	stream.indirect.gather [hbm4b:s5+s19], $0x80, s24, s19, $0xb8;
	[tilespmem:$0x1E080] =	vst v63  }
0x5a: {  	_ =	swait.ge [sflag:s22], $0x3E80  }
0x5b: {  	[sflag:s22] =	ssyncset.done $0x0  }
0x5c: {  	[sflag:s22] =	ssyncadd.s32 $0xFFFFC180  }
0x5d: {  	[spmem:s2] =	stream.indirect.scatter.add.f32 [tilespmem:s20], [sflag:$0x3], $0x80, s25, s19, $0xb8;
	[tilespmem:$0x1E080] =	vst v63  }
0x5e: {  	_ =	swait.ge [sflag:s17], $0x3E80  }
0x5f: {  	[sflag:s17] =	ssyncset.done $0x0  }
0x60: {  	[sflag:s17] =	ssyncadd.s32 $0xFFFFC180  }
0x61: {  	_ =	swait.ge [sflag:s23], $0x3E80  }
0x62: {  	[sflag:s23] =	ssyncset.done $0x0  }
0x63: {  	[sflag:s23] =	ssyncadd.s32 $0xFFFFC180  }
0x64: {  	[spmem:s2] =	stream.indirect.scatter.add.f32 [tilespmem:s21], [sflag:$0x3], $0x80, s26, s19, $0xb8;
	[tilespmem:$0x1E080] =	vst v63  }
0x65: {  	_ =	swait.ge [sflag:s17], $0x3E80  }
0x66: {  	[sflag:s17] =	ssyncset.done $0x0  }
0x67: {  	s31 =	simm.s32 $0x0;
	[sflag:s17] =	ssyncadd.s32 $0xFFFFC180  }
0x68: {  	[tilespmem:s31], [sflag:$0x3] =	stream.linear.gather [hbm4b:s12+s31], $0x1400, $0x38;
	[tilespmem:$0x1E080] =	vst v63  }
0x69: {  	_ =	swait.ge [sflag:s17], $0x1400  }
0x6a: {  	[sflag:s17] =	ssyncset.done $0x0  }
0x6b: {  	[sflag:s17] =	ssyncadd.s32 $0xFFFFEC00  }
0x6c: {  	[tilespmem:s18], [sflag:$0x3] =	stream.linear.gather [hbm4b:s13+s31], $0x1400, $0x38;
	[tilespmem:$0x1E080] =	vst v63  }
0x6d: {  	_ =	swait.ge [sflag:s17], $0x1400  }
0x6e: {  	[sflag:s17] =	ssyncset.done $0x0  }
0x6f: {  	[sflag:s17] =	ssyncadd.s32 $0xFFFFEC00  }
0x70: {  	[tilespmem:s20], [sflag:$0x1] =	stream.indirect.gather [hbm4b:s5+s19], $0x80, s31, s19, $0xb8;
	[tilespmem:$0x1E080] =	vst v63  }
0x71: {  	s1 =	simm.s32 $0x80  }
0x72: {  	[tilespmem:s21], [sflag:$0x2] =	stream.indirect.gather [hbm4b:s5+s19], $0x80, s1, s19, $0xb8;
	[tilespmem:$0x1E080] =	vst v63  }
0x73: {  	_ =	swait.ge [sflag:s22], $0x3E80  }
0x74: {  	[sflag:s22] =	ssyncset.done $0x0  }
0x75: {  	s31 =	simm.s32 $0x1400;
	[sflag:s22] =	ssyncadd.s32 $0xFFFFC180  }
0x76: {  	[spmem:s2] =	stream.indirect.scatter.add.f32 [tilespmem:s20], [sflag:$0x3], $0x80, s31, s19, $0xb8;
	[tilespmem:$0x1E080] =	vst v63  }
0x77: {  	_ =	swait.ge [sflag:s17], $0x3E80  }
0x78: {  	[sflag:s17] =	ssyncset.done $0x0  }
0x79: {  	s1 =	simm.s32 $0x100;
	[sflag:s17] =	ssyncadd.s32 $0xFFFFC180  }
0x7a: {  	[tilespmem:s20], [sflag:$0x1] =	stream.indirect.gather [hbm4b:s5+s19], $0x80, s1, s19, $0xb8;
	[tilespmem:$0x1E080] =	vst v63  }
0x7b: {  	_ =	swait.ge [sflag:s23], $0x3E80  }
0x7c: {  	[sflag:s23] =	ssyncset.done $0x0  }
0x7d: {  	s31 =	simm.s32 $0x1480;
	[sflag:s23] =	ssyncadd.s32 $0xFFFFC180  }
0x7e: {  	[spmem:s2] =	stream.indirect.scatter.add.f32 [tilespmem:s21], [sflag:$0x3], $0x80, s31, s19, $0xb8;
	[tilespmem:$0x1E080] =	vst v63  }
0x7f: {  	_ =	swait.ge [sflag:s17], $0x3E80  }
0x80: {  	s30 =	simm.s32 $0x800;
	s29 =	simm.s32 $0x100;
	[sflag:s17] =	ssyncset.done $0x0  }
.LBB2_4:
0x81: {  	s0 =	sadd.s32 $0x80, s29  }
0x82: {  	[sflag:s17] =	ssyncadd.s32 $0xFFFFC180;
	s1 =	smov.u32 s30;
	s31 =	sadd.s32 $0x400, s30  }
0x83: {  	[tilespmem:s21], [sflag:$0x2] =	stream.indirect.gather [hbm4b:s5+s19], $0x80, s0, s19, $0xb8;
	[tilespmem:$0x1E080] =	vst v63  }
0x84: {  	p1 =	sne.s32 s30, $0x4800;
	_ =	swait.ge [sflag:s22], $0x3E80  }
0x85: {  	[sflag:s22] =	ssyncset.done $0x0  }
0x86: {  	s0 =	sadd.s32 $0x1400, s29;
	[sflag:s22] =	ssyncadd.s32 $0xFFFFC180  }
0x87: {  	[spmem:s2] =	stream.indirect.scatter.add.f32 [tilespmem:s20], [sflag:$0x3], $0x80, s0, s19, $0xb8;
	[tilespmem:$0x1E080] =	vst v63  }
0x88: {  	_ =	swait.ge [sflag:s17], $0x3E80  }
0x89: {  	[sflag:s17] =	ssyncset.done $0x0  }
0x8a: {  	s0 =	sadd.s32 $0x100, s29;
	[sflag:s17] =	ssyncadd.s32 $0xFFFFC180  }
0x8b: {  	[tilespmem:s20], [sflag:$0x1] =	stream.indirect.gather [hbm4b:s5+s19], $0x80, s0, s19, $0xb8;
	[tilespmem:$0x1E080] =	vst v63  }
0x8c: {  	_ =	swait.ge [sflag:s23], $0x3E80  }
.Ltmp1:
0x8d: {  	[sflag:s23] =	ssyncset.done $0x0;
	(pc) =	sbr.rel @p1 .LBB2_4-.Ltmp1, $4  }
0x8e: {  	s0 =	sadd.s32 $0x1480, s29;
	[sflag:s23] =	ssyncadd.s32 $0xFFFFC180  }
0x8f: {  	[spmem:s2] =	stream.indirect.scatter.add.f32 [tilespmem:s21], [sflag:$0x3], $0x80, s0, s19, $0xb8;
	[tilespmem:$0x1E080] =	vst v63  }
0x90: {  	_ =	swait.ge [sflag:s17], $0x3E80  }
0x91: {  	s30 =	smov.u32 s31;
	s29 =	sshra.s32 s1, $0x2;
	[sflag:s17] =	ssyncset.done $0x0  }
0x92: {  	s0 =	sadd.s32 $0x80, s29;
	[sflag:s17] =	ssyncadd.s32 $0xFFFFC180  }
0x93: {  	[tilespmem:s21], [sflag:$0x2] =	stream.indirect.gather [hbm4b:s5+s19], $0x80, s0, s19, $0xb8;
	[tilespmem:$0x1E080] =	vst v63  }
0x94: {  	_ =	swait.ge [sflag:s22], $0x3E80  }
0x95: {  	[sflag:s22] =	ssyncset.done $0x0  }
0x96: {  	s1 =	sadd.s32 $0x1400, s29;
	[sflag:s22] =	ssyncadd.s32 $0xFFFFC180  }
0x97: {  	[spmem:s2] =	stream.indirect.scatter.add.f32 [tilespmem:s20], [sflag:$0x3], $0x80, s1, s19, $0xb8;
	[tilespmem:$0x1E080] =	vst v63  }
0x98: {  	_ =	swait.ge [sflag:s17], $0x3E80  }
0x99: {  	[sflag:s17] =	ssyncset.done $0x0  }
0x9a: {  	s30 =	sadd.s32 $0x100, s29;
	[sflag:s17] =	ssyncadd.s32 $0xFFFFC180  }
0x9b: {  	[tilespmem:s20], [sflag:$0x1] =	stream.indirect.gather [hbm4b:s5+s19], $0x80, s30, s19, $0xb8;
	[tilespmem:$0x1E080] =	vst v63  }
0x9c: {  	_ =	swait.ge [sflag:s23], $0x3E80  }
0x9d: {  	[sflag:s23] =	ssyncset.done $0x0  }
0x9e: {  	s31 =	sadd.s32 $0x1480, s29;
	[sflag:s23] =	ssyncadd.s32 $0xFFFFC180  }
0x9f: {  	[spmem:s2] =	stream.indirect.scatter.add.f32 [tilespmem:s21], [sflag:$0x3], $0x80, s31, s19, $0xb8;
	[tilespmem:$0x1E080] =	vst v63  }
0xa0: {  	_ =	swait.ge [sflag:s17], $0x3E80  }
0xa1: {  	[sflag:s17] =	ssyncset.done $0x0  }
0xa2: {  	[sflag:s17] =	ssyncadd.s32 $0xFFFFC180  }
0xa3: {  	[tilespmem:s21], [sflag:$0x2] =	stream.indirect.gather [hbm4b:s5+s19], $0x80, s24, s19, $0xb8;
	[tilespmem:$0x1E080] =	vst v63  }
0xa4: {  	_ =	swait.ge [sflag:s22], $0x3E80  }
0xa5: {  	[sflag:s22] =	ssyncset.done $0x0  }
0xa6: {  	[sflag:s22] =	ssyncadd.s32 $0xFFFFC180  }
0xa7: {  	[spmem:s2] =	stream.indirect.scatter.add.f32 [tilespmem:s20], [sflag:$0x3], $0x80, s25, s19, $0xb8;
	[tilespmem:$0x1E080] =	vst v63  }
0xa8: {  	_ =	swait.ge [sflag:s17], $0x3E80  }
0xa9: {  	[sflag:s17] =	ssyncset.done $0x0  }
0xaa: {  	[sflag:s17] =	ssyncadd.s32 $0xFFFFC180  }
0xab: {  	_ =	swait.ge [sflag:s23], $0x3E80  }
0xac: {  	[sflag:s23] =	ssyncset.done $0x0  }
0xad: {  	[sflag:s23] =	ssyncadd.s32 $0xFFFFC180  }
0xae: {  	[spmem:s2] =	stream.indirect.scatter.add.f32 [tilespmem:s21], [sflag:$0x3], $0x80, s26, s19, $0xb8;
	[tilespmem:$0x1E080] =	vst v63  }
0xaf: {  	_ =	swait.ge [sflag:s17], $0x3E80  }
0xb0: {  	[sflag:s17] =	ssyncset.done $0x0  }
0xb1: {  	[sflag:s17] =	ssyncadd.s32 $0xFFFFC180  }
0xb2: {  	s0 =	sadd.s32 @p0 $0x25800, s8;
	s1 =	simm.s32 @p0 $0x1FC3;
	[bflag:$0x0] =	sbarrier.arrive $0xFFFF  }
0xb3: {  	[hbm:s0], [sflag:s1] =	dma.local @p0 [spmem:s14], $0x1900  }
0xb4: {  	s0 =	simm.s32 @p0 $0x3  }
0xb5: {  	_ =	swait.ge @p0 [sflag:s0], $0x1900  }
0xb6: {  	s28 =	sadd.s32 $0x1, s28;
	[sflag:s0] =	ssyncset.done @p0 $0x0  }
0xb7: {  	p1 =	sne.s32 s28, s9;
	[sflag:s0] =	ssyncadd.s32 @p0 $0xFFFFE700;
	s0 =	sadd.s32 @!p0 s4, s8  }
0xb8: {  	[hbm:s0], [sflag:s15] =	dma.local @!p0 [spmem:s16], $0x2800  }
.Ltmp2:
0xb9: {  	_ = 	snop;
	(pc) =	sbr.rel @p1 .LBB2_1-.Ltmp2, $4  }
0xba: {  	s0 =	simm.s32 @!p0 $0x3  }
0xbb: {  	_ =	swait.ge @!p0 [sflag:s0], $0x2800  }
0xbc: {  	[sflag:s0] =	ssyncset.done @!p0 $0x0  }
0xbd: {  	[sflag:s0] =	ssyncadd.s32 @!p0 $0xFFFFD800  }
0xbe: {  	_ =	sfence.sel $0x180000  }
0xbf: {  	[bflag:$0x0] =	sbarrier.arrive $0xFFFF  }
0xc0: {  	_ =	strace $0x90000056  }
0xc1: {  	s0 =	stileid.u32;
	[bflag:$0x2] =	sbarrier.arrive $0xFFFF  }
0xc2: {  	p0 =	sne.s32 s0, $0x0;
	s0 =	rddreg [dreg:$0x2]  }
0xc3: {  	s0 =	sadd.s32 @!p0 $0x100000, s0  }
0xc4: {  	[sflag:s0] =	ssyncadd.tile.s32 @!p0 $0x1;
	_ =	shalt  }
.Lfunc_end2:
_tile_overlayer_lowered:
.L_overlay_start_2:
0xc5: {  	(tag) =	ssettag $0x2  }
0xc6: {  	s0 =	rddreg [dreg:$0x0];
	s2 =	stileid.u32  }
0xc7: {  	s1 =	rddreg [dreg:$0x1];
	p0 =	sne.s32 s2, $0x0  }
0xc8: {  	s3 =	rddreg [dreg:$0x2];
	[bflag:$0x3] =	sbarrier.arrive $0xFFFF;
	s2 =	simm.s32 @!p0 $0x1C03  }
0xc9: {  	[timem:s3], [sflag:s2] =	dma.local @!p0 [hbm:s0], s1  }
0xca: {  	s0 =	simm.s32 @!p0 $0x3  }
0xcb: {  	_ =	swait.ge @!p0 [sflag:s0], s1  }
0xcc: {  	s1 =	ssub.s32 @!p0 $0x0, s1;
	[sflag:s0] =	ssyncset.done @!p0 $0x0  }
0xcd: {  	[sflag:s0] =	ssyncadd.s32 @!p0 s1  }
0xce: {  	[bflag:$0x3] =	sbarrier.arrive $0xFFFF  }
0xcf: {  	_ =	shalt  }

// kernel: kernel.23.cloned.1.call-start
scs
__scs_entry_jumppad:
0x0: {  	(pc) =	sbr.rel $0x88, $3  }
0x1: {  	(tag) =	ssettag $0x0;
	lr =	simm.s32 $0x1  }
0x2: {  	[smem:$0x3F7C] =	sst lr;
	_ =	strace $0xD0000000  }
0x3: {  	_ = 	snop  }
0x4: {  	_ = 	snop  }
0x5: {  	_ = 	snop  }
0x6: {  	_ = 	snop  }
0x7: {  	_ = 	snop  }
__scs_overlays_trampoline_lowered:
0x8: {  	[smem:$0x3F8B] =	sst s0  }
0x9: {  	[smem:$0x3F8C] =	sst s1  }
0xa: {  	[smem:$0x3F8D] =	sst s2  }
0xb: {  	[smem:$0x3F8E] =	sst s3  }
0xc: {  	[smem:$0x3F8F] =	sst s4  }
0xd: {  	[smem:$0x3F90] =	sst s5  }
0xe: {  	[smem:$0x3F91] =	sst s6  }
0xf: {  	[smem:$0x3F92] =	sst s7  }
0x10: {  	[smem:$0x3F93] =	sst s8  }
0x11: {  	[smem:$0x3F94] =	sst s9;
	s0 =	simm.s32 @!p0 $0x0  }
0x12: {  	s1 =	sld [smem:$0x3F7A];
	s0 =	simm.s32 @p0 $0x1  }
0x13: {  	[smem:$0x3F95] =	sst s0;
	s0 =	simm.s32 @!p1 $0x0  }
0x14: {  	s2 =	sld [smem:$0x3F79];
	s0 =	simm.s32 @p1 $0x1  }
0x15: {  	[smem:$0x3F96] =	sst s0;
	s0 =	simm.s32 @!p2 $0x0  }
0x16: {  	s3 =	sld [smem:$0x3FDB];
	s0 =	simm.s32 @p2 $0x1  }
0x17: {  	s4 =	simm.s32 $0x1BF5;
	[smem:$0x3F98] =	sst s0  }
0x18: {  	s0 =	sld [smem:$0x3F7B];
	_ =	swait.ge [sflag:s4], $0x0  }
0x19: {  	s7 =	sld [smem:$0x3F7C]  }
0x1a: {  	s8 =	sadd.s32 $0xFFFFE003, lr  }
0x1b: {  	s9 =	sadd.s32 $0xFFFFFEF7, lr;
	s5 =	simm.s32 $0xFFFFFFFF;
	p2 =	slt.u32 s8, $0xFFFFF086  }
0x1c: {  	p1 =	slt.u32 s9, $0xF7A;
	s5 =	simm.s32 @!p2 $0x0  }
0x1d: {  	s5 =	simm.s32 @p1 $0x1;
	p0 =	seq.s32 s7, s2  }
0x1e: {  	s7 =	smul.u32 @!p0 $0xF7A, s2;
	p2 =	seq.s32 @!p0 s5, $0x0  }
0x1f: {  	s9 =	smul.u32 $0xF7A, s1;
	s8 =	simm.s32 @!p0 $0x1BF5;
	p2 =	por !p2, p0  }
0x20: {  	[sflag:s8] =	ssyncset.s32 @!p0 $0xFFFFF086;
	s6 =	sadd.s32 @!p0 s3, s7;
	s7 =	simm.s32 @!p0 $0x108  }
0x21: {  	s3 =	sadd.s32 s3, s9;
	s6 =	sadd.s32 @!p0 $0x88, s6;
	s7 =	simm.s32 @p2 $0x1082  }
0x22: {  	[simem:s7], [sflag:s8] =	dma.local @!p0 [hbm:s6], $0xF7A  }
0x23: {  	s9 =	sor.u32 $0xD0000000, s2;
	s6 =	simm.s32 $0x108;
	_ =	swait.ge @!p0 [sflag:s8], $0x0  }
0x24: {  	s3 =	sadd.s32 $0x88, s3;
	s6 =	simm.s32 @!p1 $0x1082;
	[sflag:s4] =	ssyncset.s32 $0xFFFFF086  }
0x25: {  	[simem:s6], [sflag:s4] =	dma.local [hbm:s3], $0xF7A  }
0x26: {  	[smem:$0x3F7C] =	sst s1;
	(tag) =	ssettag s2;
	_ =	strace s9  }
0x27: {  	s1 =	sld [smem:$0x3F8C]  }
0x28: {  	s2 =	sld [smem:$0x3F8D]  }
0x29: {  	s4 =	sld [smem:$0x3F8F]  }
0x2a: {  	p0 =	seq.s32 s5, $0x0;
	s5 =	sld [smem:$0x3F90]  }
0x2b: {  	s6 =	sld [smem:$0x3F91]  }
0x2c: {  	s7 =	sld [smem:$0x3F92]  }
0x2d: {  	s3 =	simm.s32 $0x108;
	s8 =	sld [smem:$0x3F93]  }
0x2e: {  	s3 =	simm.s32 @!p0 $0x1082;
	s9 =	sld [smem:$0x3F94]  }
0x2f: {  	lr =	sadd.s32 s0, s3;
	s0 =	sld [smem:$0x3F8B]  }
0x30: {  	s3 =	sld [smem:$0x3F8E]  }
0x31: {  	[smem:$0x3F97] =	sst s10  }
0x32: {  	s10 =	sld [smem:$0x3F95];
	_ =	sdelay $0x3  }
0x33: {  	p0 =	seq.s32 s10, $0x1;
	s10 =	sld [smem:$0x3F97];
	_ =	sdelay $0x3  }
0x34: {  	[smem:$0x3F97] =	sst s10  }
0x35: {  	s10 =	sld [smem:$0x3F96];
	_ =	sdelay $0x3  }
0x36: {  	p1 =	seq.s32 s10, $0x1;
	s10 =	sld [smem:$0x3F97];
	_ =	sdelay $0x3  }
0x37: {  	[smem:$0x3F97] =	sst s10  }
0x38: {  	s10 =	sld [smem:$0x3F98]  }
0x39: {  	_ = 	snop;
	(pc) =	sbr.ind lr, $3  }
0x3a: {  	_ = 	snop  }
0x3b: {  	_ = 	snop  }
0x3c: {  	p2 =	seq.s32 s10, $0x1;
	s10 =	sld [smem:$0x3F97]  }
0x3d: {  	_ =	shalt  }
0x3e: {  	_ =	shalt  }
0x3f: {  	_ =	shalt  }
0x40: {  	_ =	shalt  }
0x41: {  	_ =	shalt  }
0x42: {  	_ =	shalt  }
0x43: {  	_ =	shalt  }
0x44: {  	_ =	shalt  }
0x45: {  	_ =	shalt  }
0x46: {  	_ =	shalt  }
0x47: {  	_ =	shalt  }
0x48: {  	_ =	shalt  }
0x49: {  	_ =	shalt  }
0x4a: {  	_ =	shalt  }
0x4b: {  	_ =	shalt  }
0x4c: {  	_ =	shalt  }
0x4d: {  	_ =	shalt  }
0x4e: {  	_ =	shalt  }
0x4f: {  	_ =	shalt  }
0x50: {  	_ =	shalt  }
0x51: {  	_ =	shalt  }
0x52: {  	_ =	shalt  }
0x53: {  	_ =	shalt  }
0x54: {  	_ =	shalt  }
0x55: {  	_ =	shalt  }
0x56: {  	_ =	shalt  }
0x57: {  	_ =	shalt  }
0x58: {  	_ =	shalt  }
0x59: {  	_ =	shalt  }
0x5a: {  	_ =	shalt  }
0x5b: {  	_ =	shalt  }
0x5c: {  	_ =	shalt  }
0x5d: {  	_ =	shalt  }
0x5e: {  	_ =	shalt  }
0x5f: {  	_ =	shalt  }
0x60: {  	_ =	shalt  }
0x61: {  	_ =	shalt  }
0x62: {  	_ =	shalt  }
0x63: {  	_ =	shalt  }
0x64: {  	_ =	shalt  }
0x65: {  	_ =	shalt  }
0x66: {  	_ =	shalt  }
0x67: {  	_ =	shalt  }
0x68: {  	_ =	shalt  }
0x69: {  	_ =	shalt  }
0x6a: {  	_ =	shalt  }
0x6b: {  	_ =	shalt  }
0x6c: {  	_ =	shalt  }
0x6d: {  	_ =	shalt  }
0x6e: {  	_ =	shalt  }
0x6f: {  	_ =	shalt  }
0x70: {  	_ =	shalt  }
0x71: {  	_ =	shalt  }
0x72: {  	_ =	shalt  }
0x73: {  	_ =	shalt  }
0x74: {  	_ =	shalt  }
0x75: {  	_ =	shalt  }
0x76: {  	_ =	shalt  }
0x77: {  	_ =	shalt  }
0x78: {  	_ =	shalt  }
0x79: {  	_ =	shalt  }
0x7a: {  	_ =	shalt  }
0x7b: {  	_ =	shalt  }
0x7c: {  	_ =	shalt  }
0x7d: {  	_ =	shalt  }
0x7e: {  	_ =	shalt  }
0x7f: {  	_ =	shalt  }
0x80: {  	_ =	shalt  }
0x81: {  	_ =	shalt  }
0x82: {  	_ =	shalt  }
0x83: {  	_ =	shalt  }
0x84: {  	_ =	shalt  }
0x85: {  	_ =	shalt  }
0x86: {  	_ =	shalt  }
0x87: {  	_ =	shalt  }
.Lfunc_end0:
.L_simem_size_0:
called_computation.2_lowered:
.L_overlay_start_0:
0x88: {  	s2 =	sld [smem:$0x3FD9]  }
0x89: {  	s3 =	sld [smem:$0x3FFE];
	_ =	sdelay $0x1  }
0x8a: {  	s1 =	srdreg.scid  }
0x8b: {  	s0 =	sand.u32 $0x1, s1  }
0x8c: {  	s17 =	sshll.u32 s0, $0xA;
	s2 =	sadd.s32 s3, s2  }
0x8d: {  	s2 =	sadd.s32 s2, s17  }
0x8e: {  	[smem:$0x3FA3] =	sst s2  }
0x8f: {  	_ = 	snop  }
0x90: {  	(tm) =	ssettm $0x1  }
0x91: {  	s18 =	sld [smem:$0x3FFB];
	_ =	sdelay $0x3  }
0x92: {  	_ =	strace s18  }
0x93: {  	s2 =	sld [smem:$0x3FFC];
	_ =	sdelay $0x3  }
0x94: {  	_ =	strace s2  }
0x95: {  	s2 =	sld [smem:$0x3FFD];
	_ =	sdelay $0x3  }
0x96: {  	_ =	strace s2  }
0x97: {  	_ =	strace $0x8FFFFFFF  }
0x98: {  	s19 =	sld [smem:$0x3FDB];
	_ =	sdelay $0x1  }
0x99: {  	s20 =	simm.s32 $_scs_section_size  }
0x9a: {  	s4 =	simm.s32 $_size__tile_overlayer_lowered;
	s5 =	simm.s32 $_tile_overlayer_lowered  }
0x9b: {  	s6 =	simm.s32 $0x1BFF;
	s21 =	sshll.u32 s5, $0x1;
	s3 =	sadd.s32 s20, s19  }
0x9c: {  	s22 =	simm.s32 $0x0;
	s4 =	sshll.u32 s4, $0x1;
	s5 =	sadd.s32 s21, s3  }
0x9d: {  	[timem:s22], [sflag:s6] =	dma.local [hbm:s5], s4  }
0x9e: {  	_ =	swait.ge [sflag:s6], s4  }
0x9f: {  	s4 =	ssub.s32 $0x0, s4;
	[sflag:s6] =	ssyncset.done $0x0  }
0xa0: {  	[sflag:s6] =	ssyncadd.s32 s4;
	_ =	sdelay $0x1  }
0xa1: {  	s23 =	simm.s32 $0x1B8B  }
0xa2: {  	_ =	swait.ge [sflag:s23], $0x1  }
0xa3: {  	[sflag:s23] =	ssyncset.done $0x0  }
0xa4: {  	[sflag:s23] =	ssyncadd.s32 $0xFFFFFFFF  }
0xa5: {  	s4 =	sld [smem:$0x0]  }
0xa6: {  	s5 =	sand.u32 $0xFFFFFFFE, s1  }
0xa7: {  	p0 =	sne.s32 s1, s5  }
0xa8: {  	s5 =	sshll.u32 @p0 s5, $0xE  }
0xa9: {  	s5 =	sadd.s32 @p0 $0x11B8D, s5;
	s6 =	sshll.u32 @p0 s4, $0x11  }
0xaa: {  	s5 =	sor.u32 @p0 s6, s5  }
0xab: {  	[sflag:s5] =	ssyncadd.remote.s32 @p0 $0x1;
	_ =	sdelay $0x1  }
0xac: {  	s5 =	simm.s32 @p0 $0x1B8D  }
0xad: {  	_ =	swait.eq @p0 [sflag:s5], $0x1  }
0xae: {  	[sflag:s5] =	ssyncadd.s32 @p0 $0xFFFFFFFF  }
0xaf: {  	s6 =	sshll.u32 @!p0 s1, $0xE  }
0xb0: {  	s6 =	sor.u32 @!p0 $0x4000, s6;
	s5 =	simm.s32 @!p0 $0x1B8D  }
0xb1: {  	s4 =	sshll.u32 @!p0 s4, $0x11;
	s6 =	sadd.s32 @!p0 $0x11B8D, s6;
	_ =	swait.eq @!p0 [sflag:s5], $0x1  }
0xb2: {  	s4 =	sor.u32 @!p0 s4, s6;
	[sflag:s5] =	ssyncadd.s32 @!p0 $0xFFFFFFFF  }
0xb3: {  	s25 =	simm.s32 $0x1B8E;
	s24 =	sld [smem:$0x3FFE];
	[sflag:s4] =	ssyncadd.remote.s32 @!p0 $0x1  }
0xb4: {  	s26 =	simm.s32 $execute0_lowered;
	[smem:$0x3FD2] =	sst s25  }
0xb5: {  	s5 =	sshll.u32 s26, $0x1;
	_ =	strace $0x80000049;
	[dreg:$0x1] =	wrdreg $0xFFFFFFFF  }
0xb6: {  	s28 =	simm.s32 $_size_execute0_lowered;
	s3 =	sadd.s32 s3, s5;
	[dreg:$0x0] =	wrdreg $0x0  }
0xb7: {  	s5 =	sshll.u32 s28, $0x1;
	[dreg:$0x2] =	wrdreg s3  }
0xb8: {  	[dreg:$0x3] =	wrdreg s5  }
0xb9: {  	[dreg:$0x4] =	wrdreg $0xC0  }
0xba: {  	_ =	task [dreg:s22], $0x5FFFF  }
0xbb: {  	[dreg:$0x1] =	wrdreg $0xFFFFFFFF  }
0xbc: {  	[dreg:$0x0] =	wrdreg $0x60  }
0xbd: {  	[dreg:$0x2] =	wrdreg s24  }
0xbe: {  	[dreg:$0x3] =	wrdreg $0x68000  }
0xbf: {  	[dreg:$0x4] =	wrdreg $0xB  }
0xc0: {  	_ =	task.clear_ibuf [dreg:s22], $0x5FFFF;
	_ =	strace $0x90000049  }
0xc1: {  	s29 =	simm.s32 $0xB;
	_ =	strace $0x8000004B  }
0xc2: {  	_ =	swait.ge [sflag:s29], $0x1  }
0xc3: {  	[sflag:s29] =	ssyncadd.s32 $0xFFFFFFFF  }
0xc4: {  	_ =	strace $0x9000004B  }
0xc5: {  	_ =	sfence  }
0xc6: {  	s30 =	sld [smem:$0x0];
	_ =	sdelay $0x2  }
0xc7: {  	s31 =	sshll.u32 s1, $0xD;
	s1 =	sshrl.u32 s1, $0x2  }
0xc8: {  	s4 =	sand.u32 $0x4000, s31;
	s1 =	sadd.s32 s1, s30  }
0xc9: {  	s0 =	sor.u32 s4, s0;
	s1 =	sshll.u32 s1, $0x11  }
0xca: {  	s0 =	sor.u32 s1, s0  }
0xcb: {  	s0 =	sadd.s32 $0x8F2B, s0  }
0xcc: {  	[sflag:s0] =	ssyncadd.remote.s32 $0x1  }
0xcd: {  	_ =	sfence.sel $0xFFFF  }
0xce: {  	[dreg:$0x0] =	wrdreg $0xFFFFFFFF;
	(pc) =	sbr.abs _section_cstart, $3  }
0xcf: {  	[dreg:$0x1] =	wrdreg $0xFFFFFFFF  }
0xd0: {  	_ =	task.clear_ibuf [dreg:s22], $0x2FFFF;
	_ =	strace $0x9FFFFFFF  }
0xd1: {  	(tm) =	ssettm $0x7FFFFFFF  }
tec
execute0_lowered:
.L_overlay_start_1:
0x0: {  	(tag) =	ssettag $0x1  }
0x1: {  	s1 =	srdreg.scid  }
0x2: {  	s0 =	stileid.u32;
	s6 =	rddreg [dreg:$0x0]  }
0x3: {  	s2 =	rddreg [dreg:$0x1];
	s3 =	simm.s32 $0x0;
	s13 =	simm.s32 $0x2  }
0x4: {  	s14 =	simm.s32 $0x7D;
	s15 =	simm.s32 $0x1;
	s5 =	sand.u32 $0x1, s1  }
0x5: {  	s31 =	sshll.u32 s0, $0x1;
	s1 =	rddreg [dreg:$0x2];
	s17 =	smul.u32 $0x2800, s0  }
0x6: {  	[smem:$0x7FF] =	sst s3;
	s8 =	smul.u32 $0x50000, s0;
	p0 =	seq.s32 s0, $0xF  }
0x7: {  	s4 =	sor.u32 s5, s31;
	_ =	strace $0x8000004A;
	s9 =	smul.u32 $0x27100, s5  }
0x8: {  	s5 =	ssub.s32 $0x2, s5;
	s4 =	smul.u32 $0x500, s4;
	s10 =	sadd.s32 s17, s6  }
0x9: {  	s11 =	sshrl.u32 s5, $0x1;
	s8 =	sshrl.u32 s8, $0x2;
	s9 =	sadd.s32 s9, s6  }
0xa: {  	s11 =	ssub.s32 s5, s11;
	s12 =	sadd.s32 s8, s2;
	s5 =	sadd.s32 $0x12800, s10  }
0xb: {  	s10 =	sadd.s32 $0x12C000, s2;
	s7 =	sadd.s32 s4, s6;
	s4 =	sadd.s32 $0x39A00, s6  }
0xc: {  	s6 =	sadd.s32 $0x38000, s6;
	s18 =	sadd.s32 $0x92400, s9;
	s8 =	smax.u32 s11, $0x1  }
0xd: {  	s9 =	sshrl.u32 @p0 s10, $0x3;
	s10 =	sshll.u32 @!p0 s0, $0x6;
	s11 =	sshrl.u32 @!p0 s12, $0x3  }
0xe: {  	s12 =	simm.s32 $0x2800;
	s7 =	sadd.s32 $0x88400, s7;
	s10 =	sor.u32 @!p0 $0x1C02, s10  }
0xf: {  	s16 =	sadd.s32 @p0 $0x25800, s18;
	s17 =	sadd.s32 @!p0 s17, s18;
	s18 =	simm.s32 $0x0  }
.LBB2_1:
0x10: {  	s19 =	simm.s32 @p0 $0x1FC2  }
0x11: {  	[spmem:s9], [sflag:s19] =	dma.local @p0 [hbm:s6], $0x1900  }
0x12: {  	s19 =	simm.s32 @p0 $0x2  }
0x13: {  	_ =	swait.ge @p0 [sflag:s19], $0x1900  }
0x14: {  	[sflag:s19] =	ssyncset.done @p0 $0x0  }
0x15: {  	[sflag:s19] =	ssyncadd.s32 @p0 $0xFFFFE700;
	s19 =	simm.s32 @!p0 $0x2  }
0x16: {  	[spmem:s11], [sflag:s10] =	dma.local @!p0 [hbm:s5], $0x2800  }
0x17: {  	_ =	swait.ge @!p0 [sflag:s19], $0x2800  }
0x18: {  	[sflag:s19] =	ssyncset.done @!p0 $0x0  }
0x19: {  	[sflag:s19] =	ssyncadd.s32 @!p0 $0xFFFFD800  }
0x1a: {  	[tilespmem:s12], [sflag:$0x2] =	stream.linear.gather [hbm4b:s4+s3], $0x3E80, $0x38;
	[tilespmem:$0x1A080] =	vst v63  }
0x1b: {  	_ =	swait.ge [sflag:s13], $0x3E80  }
0x1c: {  	[sflag:s13] =	ssyncset.done $0x0  }
0x1d: {  	[sflag:s13] =	ssyncadd.s32 $0xFFFFC180  }
0x1e: {  	[tilespmem:s3], [sflag:$0x2] =	stream.linear.gather [hbm4b:s7+s3], $0x2800, $0x38;
	[tilespmem:$0x1A080] =	vst v63  }
0x1f: {  	_ =	swait.ge [sflag:s13], $0x2800  }
0x20: {  	[sflag:s13] =	ssyncset.done $0x0  }
0x21: {  	[sflag:s13] =	ssyncadd.s32 $0xFFFFD800  }
0x22: {  	s23 =	simm.s32 $0x0;
	[bflag:$0x0] =	sbarrier.arrive $0xFFFF  }
0x23: {  	[spmem:s2] =	stream.indirect.scatter.add.f32 [tilespmem:s12], [sflag:$0x1], $0x80, s23, s14, $0xb8;
	[tilespmem:$0x1A080] =	vst v63  }
0x24: {  	s24 =	simm.s32 $0x80  }
0x25: {  	[spmem:s2] =	stream.indirect.scatter.add.f32 [tilespmem:s12], [sflag:$0x1], $0x80, s24, s14, $0xb8;
	[tilespmem:$0x1A080] =	vst v63  }
0x26: {  	s25 =	simm.s32 $0x100  }
0x27: {  	[spmem:s2] =	stream.indirect.scatter.add.f32 [tilespmem:s12], [sflag:$0x1], $0x80, s25, s14, $0xb8;
	[tilespmem:$0x1A080] =	vst v63  }
0x28: {  	s26 =	simm.s32 $0x180  }
0x29: {  	[spmem:s2] =	stream.indirect.scatter.add.f32 [tilespmem:s12], [sflag:$0x1], $0x80, s26, s14, $0xb8;
	[tilespmem:$0x1A080] =	vst v63  }
0x2a: {  	s28 =	simm.s32 $0x200  }
0x2b: {  	[spmem:s2] =	stream.indirect.scatter.add.f32 [tilespmem:s12], [sflag:$0x1], $0x80, s28, s14, $0xb8;
	[tilespmem:$0x1A080] =	vst v63  }
0x2c: {  	s29 =	simm.s32 $0x280  }
0x2d: {  	[spmem:s2] =	stream.indirect.scatter.add.f32 [tilespmem:s12], [sflag:$0x1], $0x80, s29, s14, $0xb8;
	[tilespmem:$0x1A080] =	vst v63  }
0x2e: {  	s30 =	simm.s32 $0x300  }
0x2f: {  	[spmem:s2] =	stream.indirect.scatter.add.f32 [tilespmem:s12], [sflag:$0x1], $0x80, s30, s14, $0xb8;
	[tilespmem:$0x1A080] =	vst v63  }
0x30: {  	s31 =	simm.s32 $0x380  }
0x31: {  	[spmem:s2] =	stream.indirect.scatter.add.f32 [tilespmem:s12], [sflag:$0x1], $0x80, s31, s14, $0xb8;
	[tilespmem:$0x1A080] =	vst v63  }
0x32: {  	_ =	swait.ge [sflag:s15], $0x3E80  }
0x33: {  	[sflag:s15] =	ssyncset.done $0x0  }
0x34: {  	[sflag:s15] =	ssyncadd.s32 $0xFFFFC180  }
0x35: {  	_ =	swait.ge [sflag:s15], $0x3E80  }
0x36: {  	[sflag:s15] =	ssyncset.done $0x0  }
0x37: {  	[sflag:s15] =	ssyncadd.s32 $0xFFFFC180  }
0x38: {  	_ =	swait.ge [sflag:s15], $0x3E80  }
0x39: {  	[sflag:s15] =	ssyncset.done $0x0  }
0x3a: {  	[sflag:s15] =	ssyncadd.s32 $0xFFFFC180  }
0x3b: {  	_ =	swait.ge [sflag:s15], $0x3E80  }
0x3c: {  	[sflag:s15] =	ssyncset.done $0x0  }
0x3d: {  	[sflag:s15] =	ssyncadd.s32 $0xFFFFC180  }
0x3e: {  	_ =	swait.ge [sflag:s15], $0x3E80  }
0x3f: {  	[sflag:s15] =	ssyncset.done $0x0  }
0x40: {  	[sflag:s15] =	ssyncadd.s32 $0xFFFFC180  }
0x41: {  	_ =	swait.ge [sflag:s15], $0x3E80  }
0x42: {  	[sflag:s15] =	ssyncset.done $0x0  }
0x43: {  	[sflag:s15] =	ssyncadd.s32 $0xFFFFC180  }
0x44: {  	_ =	swait.ge [sflag:s15], $0x3E80  }
0x45: {  	[sflag:s15] =	ssyncset.done $0x0  }
0x46: {  	[sflag:s15] =	ssyncadd.s32 $0xFFFFC180  }
0x47: {  	_ =	swait.ge [sflag:s15], $0x3E80  }
0x48: {  	s21 =	simm.s32 $0x2000;
	s19 =	simm.s32 $0x1000;
	[sflag:s15] =	ssyncset.done $0x0  }
.LBB2_2:
0x49: {  	s22 =	sshra.s32 s19, $0x2  }
0x4a: {  	[sflag:s15] =	ssyncadd.s32 $0xFFFFC180;
	s19 =	smov.u32 s21;
	s20 =	sadd.s32 $0x1000, s21  }
0x4b: {  	[spmem:s2] =	stream.indirect.scatter.add.f32 [tilespmem:s12], [sflag:$0x1], $0x80, s22, s14, $0xb8;
	[tilespmem:$0x1A080] =	vst v63  }
0x4c: {  	p1 =	sne.s32 s21, $0x9000;
	s21 =	sadd.s32 $0x80, s22  }
0x4d: {  	[spmem:s2] =	stream.indirect.scatter.add.f32 [tilespmem:s12], [sflag:$0x1], $0x80, s21, s14, $0xb8;
	[tilespmem:$0x1A080] =	vst v63  }
0x4e: {  	s21 =	sadd.s32 $0x100, s22  }
0x4f: {  	[spmem:s2] =	stream.indirect.scatter.add.f32 [tilespmem:s12], [sflag:$0x1], $0x80, s21, s14, $0xb8;
	[tilespmem:$0x1A080] =	vst v63  }
0x50: {  	s21 =	sadd.s32 $0x180, s22  }
0x51: {  	[spmem:s2] =	stream.indirect.scatter.add.f32 [tilespmem:s12], [sflag:$0x1], $0x80, s21, s14, $0xb8;
	[tilespmem:$0x1A080] =	vst v63  }
0x52: {  	s21 =	sadd.s32 $0x200, s22  }
0x53: {  	[spmem:s2] =	stream.indirect.scatter.add.f32 [tilespmem:s12], [sflag:$0x1], $0x80, s21, s14, $0xb8;
	[tilespmem:$0x1A080] =	vst v63  }
0x54: {  	s21 =	sadd.s32 $0x280, s22  }
0x55: {  	[spmem:s2] =	stream.indirect.scatter.add.f32 [tilespmem:s12], [sflag:$0x1], $0x80, s21, s14, $0xb8;
	[tilespmem:$0x1A080] =	vst v63  }
0x56: {  	s21 =	sadd.s32 $0x300, s22  }
0x57: {  	[spmem:s2] =	stream.indirect.scatter.add.f32 [tilespmem:s12], [sflag:$0x1], $0x80, s21, s14, $0xb8;
	[tilespmem:$0x1A080] =	vst v63  }
0x58: {  	s21 =	sadd.s32 $0x380, s22  }
0x59: {  	[spmem:s2] =	stream.indirect.scatter.add.f32 [tilespmem:s12], [sflag:$0x1], $0x80, s21, s14, $0xb8;
	[tilespmem:$0x1A080] =	vst v63  }
0x5a: {  	_ =	swait.ge [sflag:s15], $0x3E80  }
0x5b: {  	[sflag:s15] =	ssyncset.done $0x0  }
0x5c: {  	[sflag:s15] =	ssyncadd.s32 $0xFFFFC180  }
0x5d: {  	_ =	swait.ge [sflag:s15], $0x3E80  }
0x5e: {  	[sflag:s15] =	ssyncset.done $0x0  }
0x5f: {  	[sflag:s15] =	ssyncadd.s32 $0xFFFFC180  }
0x60: {  	_ =	swait.ge [sflag:s15], $0x3E80  }
0x61: {  	[sflag:s15] =	ssyncset.done $0x0  }
0x62: {  	[sflag:s15] =	ssyncadd.s32 $0xFFFFC180  }
0x63: {  	_ =	swait.ge [sflag:s15], $0x3E80  }
0x64: {  	[sflag:s15] =	ssyncset.done $0x0  }
0x65: {  	[sflag:s15] =	ssyncadd.s32 $0xFFFFC180  }
0x66: {  	_ =	swait.ge [sflag:s15], $0x3E80  }
0x67: {  	[sflag:s15] =	ssyncset.done $0x0  }
0x68: {  	[sflag:s15] =	ssyncadd.s32 $0xFFFFC180  }
0x69: {  	_ =	swait.ge [sflag:s15], $0x3E80  }
0x6a: {  	[sflag:s15] =	ssyncset.done $0x0  }
0x6b: {  	[sflag:s15] =	ssyncadd.s32 $0xFFFFC180  }
.Ltmp0:
0x6c: {  	_ =	swait.ge [sflag:s15], $0x3E80;
	(pc) =	sbr.rel @p1 .LBB2_2-.Ltmp0, $4  }
0x6d: {  	[sflag:s15] =	ssyncset.done $0x0  }
0x6e: {  	[sflag:s15] =	ssyncadd.s32 $0xFFFFC180  }
0x6f: {  	_ =	swait.ge [sflag:s15], $0x3E80  }
0x70: {  	s21 =	smov.u32 s20;
	[sflag:s15] =	ssyncset.done $0x0  }
0x71: {  	s19 =	sshra.s32 s19, $0x2;
	[sflag:s15] =	ssyncadd.s32 $0xFFFFC180  }
0x72: {  	[spmem:s2] =	stream.indirect.scatter.add.f32 [tilespmem:s12], [sflag:$0x1], $0x80, s19, s14, $0xb8;
	[tilespmem:$0x1A080] =	vst v63  }
0x73: {  	s20 =	sadd.s32 $0x80, s19  }
0x74: {  	[spmem:s2] =	stream.indirect.scatter.add.f32 [tilespmem:s12], [sflag:$0x1], $0x80, s20, s14, $0xb8;
	[tilespmem:$0x1A080] =	vst v63  }
0x75: {  	s26 =	sadd.s32 $0x100, s19  }
0x76: {  	[spmem:s2] =	stream.indirect.scatter.add.f32 [tilespmem:s12], [sflag:$0x1], $0x80, s26, s14, $0xb8;
	[tilespmem:$0x1A080] =	vst v63  }
0x77: {  	s28 =	sadd.s32 $0x180, s19  }
0x78: {  	[spmem:s2] =	stream.indirect.scatter.add.f32 [tilespmem:s12], [sflag:$0x1], $0x80, s28, s14, $0xb8;
	[tilespmem:$0x1A080] =	vst v63  }
0x79: {  	s29 =	sadd.s32 $0x200, s19  }
0x7a: {  	[spmem:s2] =	stream.indirect.scatter.add.f32 [tilespmem:s12], [sflag:$0x1], $0x80, s29, s14, $0xb8;
	[tilespmem:$0x1A080] =	vst v63  }
0x7b: {  	s30 =	sadd.s32 $0x280, s19  }
0x7c: {  	[spmem:s2] =	stream.indirect.scatter.add.f32 [tilespmem:s12], [sflag:$0x1], $0x80, s30, s14, $0xb8;
	[tilespmem:$0x1A080] =	vst v63  }
0x7d: {  	s31 =	sadd.s32 $0x300, s19  }
0x7e: {  	[spmem:s2] =	stream.indirect.scatter.add.f32 [tilespmem:s12], [sflag:$0x1], $0x80, s31, s14, $0xb8;
	[tilespmem:$0x1A080] =	vst v63  }
0x7f: {  	s19 =	sadd.s32 $0x380, s19  }
0x80: {  	[spmem:s2] =	stream.indirect.scatter.add.f32 [tilespmem:s12], [sflag:$0x1], $0x80, s19, s14, $0xb8;
	[tilespmem:$0x1A080] =	vst v63  }
0x81: {  	_ =	swait.ge [sflag:s15], $0x3E80  }
0x82: {  	[sflag:s15] =	ssyncset.done $0x0  }
0x83: {  	[sflag:s15] =	ssyncadd.s32 $0xFFFFC180  }
0x84: {  	_ =	swait.ge [sflag:s15], $0x3E80  }
0x85: {  	[sflag:s15] =	ssyncset.done $0x0  }
0x86: {  	[sflag:s15] =	ssyncadd.s32 $0xFFFFC180  }
0x87: {  	_ =	swait.ge [sflag:s15], $0x3E80  }
0x88: {  	[sflag:s15] =	ssyncset.done $0x0  }
0x89: {  	[sflag:s15] =	ssyncadd.s32 $0xFFFFC180  }
0x8a: {  	_ =	swait.ge [sflag:s15], $0x3E80  }
0x8b: {  	[sflag:s15] =	ssyncset.done $0x0  }
0x8c: {  	[sflag:s15] =	ssyncadd.s32 $0xFFFFC180  }
0x8d: {  	_ =	swait.ge [sflag:s15], $0x3E80  }
0x8e: {  	[sflag:s15] =	ssyncset.done $0x0  }
0x8f: {  	[sflag:s15] =	ssyncadd.s32 $0xFFFFC180  }
0x90: {  	_ =	swait.ge [sflag:s15], $0x3E80  }
0x91: {  	[sflag:s15] =	ssyncset.done $0x0  }
0x92: {  	[sflag:s15] =	ssyncadd.s32 $0xFFFFC180  }
0x93: {  	_ =	swait.ge [sflag:s15], $0x3E80  }
0x94: {  	[sflag:s15] =	ssyncset.done $0x0  }
0x95: {  	[sflag:s15] =	ssyncadd.s32 $0xFFFFC180  }
0x96: {  	_ =	swait.ge [sflag:s15], $0x3E80  }
0x97: {  	[sflag:s15] =	ssyncset.done $0x0  }
0x98: {  	[sflag:s15] =	ssyncadd.s32 $0xFFFFC180  }
0x99: {  	s19 =	simm.s32 @p0 $0x1FC2;
	[bflag:$0x0] =	sbarrier.arrive $0xFFFF  }
0x9a: {  	[hbm:s16], [sflag:s19] =	dma.local @p0 [spmem:s9], $0x1900  }
0x9b: {  	s19 =	simm.s32 @p0 $0x2  }
0x9c: {  	s18 =	sadd.s32 $0x1, s18;
	_ =	swait.ge @p0 [sflag:s19], $0x1900  }
0x9d: {  	p1 =	sne.s32 s18, s8;
	[sflag:s19] =	ssyncset.done @p0 $0x0  }
.Ltmp1:
0x9e: {  	[sflag:s19] =	ssyncadd.s32 @p0 $0xFFFFE700;
	s19 =	simm.s32 @!p0 $0x2;
	(pc) =	sbr.rel @p1 .LBB2_1-.Ltmp1, $4  }
0x9f: {  	[hbm:s17], [sflag:s10] =	dma.local @!p0 [spmem:s11], $0x2800  }
0xa0: {  	_ =	swait.ge @!p0 [sflag:s19], $0x2800  }
0xa1: {  	[sflag:s19] =	ssyncset.done @!p0 $0x0  }
0xa2: {  	[sflag:s19] =	ssyncadd.s32 @!p0 $0xFFFFD800  }
0xa3: {  	_ =	sfence.sel $0x180000  }
0xa4: {  	[bflag:$0x0] =	sbarrier.arrive $0xFFFF  }
0xa5: {  	p0 =	sne.s32 s0, $0x0;
	_ =	strace $0x9000004A  }
0xa6: {  	s0 =	sadd.s32 @!p0 $0x100000, s1;
	[bflag:$0x2] =	sbarrier.arrive $0xFFFF  }
0xa7: {  	[sflag:s0] =	ssyncadd.tile.s32 @!p0 $0x1;
	_ =	shalt  }
.Lfunc_end2:
_tile_overlayer_lowered:
.L_overlay_start_2:
0xa8: {  	(tag) =	ssettag $0x2  }
0xa9: {  	s0 =	rddreg [dreg:$0x0];
	s2 =	stileid.u32  }
0xaa: {  	s1 =	rddreg [dreg:$0x1];
	p0 =	sne.s32 s2, $0x0  }
0xab: {  	s3 =	rddreg [dreg:$0x2];
	[bflag:$0x3] =	sbarrier.arrive $0xFFFF;
	s2 =	simm.s32 @!p0 $0x1C02  }
0xac: {  	[timem:s3], [sflag:s2] =	dma.local @!p0 [hbm:s0], s1  }
0xad: {  	s0 =	simm.s32 @!p0 $0x2  }
0xae: {  	_ =	swait.ge @!p0 [sflag:s0], s1  }
0xaf: {  	s1 =	ssub.s32 @!p0 $0x0, s1;
	[sflag:s0] =	ssyncset.done @!p0 $0x0  }
0xb0: {  	[sflag:s0] =	ssyncadd.s32 @!p0 s1  }
0xb1: {  	[bflag:$0x3] =	sbarrier.arrive $0xFFFF  }
0xb2: {  	_ =	shalt  }

// kernel: kernel.26.cloned.1.call-start
scs
__scs_entry_jumppad:
0x0: {  	(pc) =	sbr.rel $0x88, $3  }
0x1: {  	(tag) =	ssettag $0x0;
	lr =	simm.s32 $0x1  }
0x2: {  	[smem:$0x3F7C] =	sst lr;
	_ =	strace $0xD0000000  }
0x3: {  	_ = 	snop  }
0x4: {  	_ = 	snop  }
0x5: {  	_ = 	snop  }
0x6: {  	_ = 	snop  }
0x7: {  	_ = 	snop  }
__scs_overlays_trampoline_lowered:
0x8: {  	[smem:$0x3F8B] =	sst s0  }
0x9: {  	[smem:$0x3F8C] =	sst s1  }
0xa: {  	[smem:$0x3F8D] =	sst s2  }
0xb: {  	[smem:$0x3F8E] =	sst s3  }
0xc: {  	[smem:$0x3F8F] =	sst s4  }
0xd: {  	[smem:$0x3F90] =	sst s5  }
0xe: {  	[smem:$0x3F91] =	sst s6  }
0xf: {  	[smem:$0x3F92] =	sst s7  }
0x10: {  	[smem:$0x3F93] =	sst s8  }
0x11: {  	[smem:$0x3F94] =	sst s9;
	s0 =	simm.s32 @!p0 $0x0  }
0x12: {  	s1 =	sld [smem:$0x3F7A];
	s0 =	simm.s32 @p0 $0x1  }
0x13: {  	[smem:$0x3F95] =	sst s0;
	s0 =	simm.s32 @!p1 $0x0  }
0x14: {  	s2 =	sld [smem:$0x3F79];
	s0 =	simm.s32 @p1 $0x1  }
0x15: {  	[smem:$0x3F96] =	sst s0;
	s0 =	simm.s32 @!p2 $0x0  }
0x16: {  	s3 =	sld [smem:$0x3FDB];
	s0 =	simm.s32 @p2 $0x1  }
0x17: {  	s4 =	simm.s32 $0x1BF5;
	[smem:$0x3F98] =	sst s0  }
0x18: {  	s0 =	sld [smem:$0x3F7B];
	_ =	swait.ge [sflag:s4], $0x0  }
0x19: {  	s7 =	sld [smem:$0x3F7C]  }
0x1a: {  	s8 =	sadd.s32 $0xFFFFE003, lr  }
0x1b: {  	s9 =	sadd.s32 $0xFFFFFEF7, lr;
	s5 =	simm.s32 $0xFFFFFFFF;
	p2 =	slt.u32 s8, $0xFFFFF086  }
0x1c: {  	p1 =	slt.u32 s9, $0xF7A;
	s5 =	simm.s32 @!p2 $0x0  }
0x1d: {  	s5 =	simm.s32 @p1 $0x1;
	p0 =	seq.s32 s7, s2  }
0x1e: {  	s7 =	smul.u32 @!p0 $0xF7A, s2;
	p2 =	seq.s32 @!p0 s5, $0x0  }
0x1f: {  	s9 =	smul.u32 $0xF7A, s1;
	s8 =	simm.s32 @!p0 $0x1BF5;
	p2 =	por !p2, p0  }
0x20: {  	[sflag:s8] =	ssyncset.s32 @!p0 $0xFFFFF086;
	s6 =	sadd.s32 @!p0 s3, s7;
	s7 =	simm.s32 @!p0 $0x108  }
0x21: {  	s3 =	sadd.s32 s3, s9;
	s6 =	sadd.s32 @!p0 $0x88, s6;
	s7 =	simm.s32 @p2 $0x1082  }
0x22: {  	[simem:s7], [sflag:s8] =	dma.local @!p0 [hbm:s6], $0xF7A  }
0x23: {  	s9 =	sor.u32 $0xD0000000, s2;
	s6 =	simm.s32 $0x108;
	_ =	swait.ge @!p0 [sflag:s8], $0x0  }
0x24: {  	s3 =	sadd.s32 $0x88, s3;
	s6 =	simm.s32 @!p1 $0x1082;
	[sflag:s4] =	ssyncset.s32 $0xFFFFF086  }
0x25: {  	[simem:s6], [sflag:s4] =	dma.local [hbm:s3], $0xF7A  }
0x26: {  	[smem:$0x3F7C] =	sst s1;
	(tag) =	ssettag s2;
	_ =	strace s9  }
0x27: {  	s1 =	sld [smem:$0x3F8C]  }
0x28: {  	s2 =	sld [smem:$0x3F8D]  }
0x29: {  	s4 =	sld [smem:$0x3F8F]  }
0x2a: {  	p0 =	seq.s32 s5, $0x0;
	s5 =	sld [smem:$0x3F90]  }
0x2b: {  	s6 =	sld [smem:$0x3F91]  }
0x2c: {  	s7 =	sld [smem:$0x3F92]  }
0x2d: {  	s3 =	simm.s32 $0x108;
	s8 =	sld [smem:$0x3F93]  }
0x2e: {  	s3 =	simm.s32 @!p0 $0x1082;
	s9 =	sld [smem:$0x3F94]  }
0x2f: {  	lr =	sadd.s32 s0, s3;
	s0 =	sld [smem:$0x3F8B]  }
0x30: {  	s3 =	sld [smem:$0x3F8E]  }
0x31: {  	[smem:$0x3F97] =	sst s10  }
0x32: {  	s10 =	sld [smem:$0x3F95];
	_ =	sdelay $0x3  }
0x33: {  	p0 =	seq.s32 s10, $0x1;
	s10 =	sld [smem:$0x3F97];
	_ =	sdelay $0x3  }
0x34: {  	[smem:$0x3F97] =	sst s10  }
0x35: {  	s10 =	sld [smem:$0x3F96];
	_ =	sdelay $0x3  }
0x36: {  	p1 =	seq.s32 s10, $0x1;
	s10 =	sld [smem:$0x3F97];
	_ =	sdelay $0x3  }
0x37: {  	[smem:$0x3F97] =	sst s10  }
0x38: {  	s10 =	sld [smem:$0x3F98]  }
0x39: {  	_ = 	snop;
	(pc) =	sbr.ind lr, $3  }
0x3a: {  	_ = 	snop  }
0x3b: {  	_ = 	snop  }
0x3c: {  	p2 =	seq.s32 s10, $0x1;
	s10 =	sld [smem:$0x3F97]  }
0x3d: {  	_ =	shalt  }
0x3e: {  	_ =	shalt  }
0x3f: {  	_ =	shalt  }
0x40: {  	_ =	shalt  }
0x41: {  	_ =	shalt  }
0x42: {  	_ =	shalt  }
0x43: {  	_ =	shalt  }
0x44: {  	_ =	shalt  }
0x45: {  	_ =	shalt  }
0x46: {  	_ =	shalt  }
0x47: {  	_ =	shalt  }
0x48: {  	_ =	shalt  }
0x49: {  	_ =	shalt  }
0x4a: {  	_ =	shalt  }
0x4b: {  	_ =	shalt  }
0x4c: {  	_ =	shalt  }
0x4d: {  	_ =	shalt  }
0x4e: {  	_ =	shalt  }
0x4f: {  	_ =	shalt  }
0x50: {  	_ =	shalt  }
0x51: {  	_ =	shalt  }
0x52: {  	_ =	shalt  }
0x53: {  	_ =	shalt  }
0x54: {  	_ =	shalt  }
0x55: {  	_ =	shalt  }
0x56: {  	_ =	shalt  }
0x57: {  	_ =	shalt  }
0x58: {  	_ =	shalt  }
0x59: {  	_ =	shalt  }
0x5a: {  	_ =	shalt  }
0x5b: {  	_ =	shalt  }
0x5c: {  	_ =	shalt  }
0x5d: {  	_ =	shalt  }
0x5e: {  	_ =	shalt  }
0x5f: {  	_ =	shalt  }
0x60: {  	_ =	shalt  }
0x61: {  	_ =	shalt  }
0x62: {  	_ =	shalt  }
0x63: {  	_ =	shalt  }
0x64: {  	_ =	shalt  }
0x65: {  	_ =	shalt  }
0x66: {  	_ =	shalt  }
0x67: {  	_ =	shalt  }
0x68: {  	_ =	shalt  }
0x69: {  	_ =	shalt  }
0x6a: {  	_ =	shalt  }
0x6b: {  	_ =	shalt  }
0x6c: {  	_ =	shalt  }
0x6d: {  	_ =	shalt  }
0x6e: {  	_ =	shalt  }
0x6f: {  	_ =	shalt  }
0x70: {  	_ =	shalt  }
0x71: {  	_ =	shalt  }
0x72: {  	_ =	shalt  }
0x73: {  	_ =	shalt  }
0x74: {  	_ =	shalt  }
0x75: {  	_ =	shalt  }
0x76: {  	_ =	shalt  }
0x77: {  	_ =	shalt  }
0x78: {  	_ =	shalt  }
0x79: {  	_ =	shalt  }
0x7a: {  	_ =	shalt  }
0x7b: {  	_ =	shalt  }
0x7c: {  	_ =	shalt  }
0x7d: {  	_ =	shalt  }
0x7e: {  	_ =	shalt  }
0x7f: {  	_ =	shalt  }
0x80: {  	_ =	shalt  }
0x81: {  	_ =	shalt  }
0x82: {  	_ =	shalt  }
0x83: {  	_ =	shalt  }
0x84: {  	_ =	shalt  }
0x85: {  	_ =	shalt  }
0x86: {  	_ =	shalt  }
0x87: {  	_ =	shalt  }
.Lfunc_end0:
.L_simem_size_0:
called_computation.3_lowered:
.L_overlay_start_0:
0x88: {  	s2 =	sld [smem:$0x3FD9]  }
0x89: {  	s3 =	sld [smem:$0x3FFE];
	_ =	sdelay $0x1  }
0x8a: {  	s1 =	srdreg.scid  }
0x8b: {  	s0 =	sand.u32 $0x1, s1  }
0x8c: {  	s17 =	sshll.u32 s0, $0xA;
	s2 =	sadd.s32 s3, s2  }
0x8d: {  	s2 =	sadd.s32 s2, s17  }
0x8e: {  	[smem:$0x3FA3] =	sst s2  }
0x8f: {  	_ = 	snop  }
0x90: {  	(tm) =	ssettm $0x1  }
0x91: {  	s18 =	sld [smem:$0x3FFB];
	_ =	sdelay $0x3  }
0x92: {  	_ =	strace s18  }
0x93: {  	s2 =	sld [smem:$0x3FFC];
	_ =	sdelay $0x3  }
0x94: {  	_ =	strace s2  }
0x95: {  	s2 =	sld [smem:$0x3FFD];
	_ =	sdelay $0x3  }
0x96: {  	_ =	strace s2  }
0x97: {  	_ =	strace $0x8FFFFFFF  }
0x98: {  	s19 =	sld [smem:$0x3FDB];
	_ =	sdelay $0x1  }
0x99: {  	s20 =	simm.s32 $_scs_section_size  }
0x9a: {  	s4 =	simm.s32 $_size__tile_overlayer_lowered;
	s5 =	simm.s32 $_tile_overlayer_lowered  }
0x9b: {  	s6 =	simm.s32 $0x1BFF;
	s21 =	sshll.u32 s5, $0x1;
	s3 =	sadd.s32 s20, s19  }
0x9c: {  	s22 =	simm.s32 $0x0;
	s4 =	sshll.u32 s4, $0x1;
	s5 =	sadd.s32 s21, s3  }
0x9d: {  	[timem:s22], [sflag:s6] =	dma.local [hbm:s5], s4  }
0x9e: {  	_ =	swait.ge [sflag:s6], s4  }
0x9f: {  	s4 =	ssub.s32 $0x0, s4;
	[sflag:s6] =	ssyncset.done $0x0  }
0xa0: {  	[sflag:s6] =	ssyncadd.s32 s4;
	_ =	sdelay $0x1  }
0xa1: {  	s23 =	simm.s32 $0x1B8B  }
0xa2: {  	_ =	swait.ge [sflag:s23], $0x1  }
0xa3: {  	[sflag:s23] =	ssyncset.done $0x0  }
0xa4: {  	[sflag:s23] =	ssyncadd.s32 $0xFFFFFFFF  }
0xa5: {  	s4 =	sld [smem:$0x0]  }
0xa6: {  	s5 =	sand.u32 $0xFFFFFFFE, s1  }
0xa7: {  	p0 =	sne.s32 s1, s5  }
0xa8: {  	s5 =	sshll.u32 @p0 s5, $0xE  }
0xa9: {  	s5 =	sadd.s32 @p0 $0x11B8D, s5;
	s6 =	sshll.u32 @p0 s4, $0x11  }
0xaa: {  	s5 =	sor.u32 @p0 s6, s5  }
0xab: {  	[sflag:s5] =	ssyncadd.remote.s32 @p0 $0x1;
	_ =	sdelay $0x1  }
0xac: {  	s5 =	simm.s32 @p0 $0x1B8D  }
0xad: {  	_ =	swait.eq @p0 [sflag:s5], $0x1  }
0xae: {  	[sflag:s5] =	ssyncadd.s32 @p0 $0xFFFFFFFF  }
0xaf: {  	s6 =	sshll.u32 @!p0 s1, $0xE  }
0xb0: {  	s6 =	sor.u32 @!p0 $0x4000, s6;
	s5 =	simm.s32 @!p0 $0x1B8D  }
0xb1: {  	s4 =	sshll.u32 @!p0 s4, $0x11;
	s6 =	sadd.s32 @!p0 $0x11B8D, s6;
	_ =	swait.eq @!p0 [sflag:s5], $0x1  }
0xb2: {  	s4 =	sor.u32 @!p0 s4, s6;
	[sflag:s5] =	ssyncadd.s32 @!p0 $0xFFFFFFFF  }
0xb3: {  	s25 =	simm.s32 $0x1B8E;
	s24 =	sld [smem:$0x3FFE];
	[sflag:s4] =	ssyncadd.remote.s32 @!p0 $0x1  }
0xb4: {  	s26 =	simm.s32 $execute0_lowered;
	[smem:$0x3FD2] =	sst s25  }
0xb5: {  	s5 =	sshll.u32 s26, $0x1;
	_ =	strace $0x80000052;
	[dreg:$0x1] =	wrdreg $0xFFFFFFFF  }
0xb6: {  	s28 =	simm.s32 $_size_execute0_lowered;
	s3 =	sadd.s32 s3, s5;
	[dreg:$0x0] =	wrdreg $0x0  }
0xb7: {  	s5 =	sshll.u32 s28, $0x1;
	[dreg:$0x2] =	wrdreg s3  }
0xb8: {  	[dreg:$0x3] =	wrdreg s5  }
0xb9: {  	[dreg:$0x4] =	wrdreg $0xC0  }
0xba: {  	_ =	task [dreg:s22], $0x5FFFF  }
0xbb: {  	[dreg:$0x1] =	wrdreg $0xFFFFFFFF  }
0xbc: {  	[dreg:$0x0] =	wrdreg $0x60  }
0xbd: {  	[dreg:$0x2] =	wrdreg s24  }
0xbe: {  	[dreg:$0x3] =	wrdreg $0xA8000  }
0xbf: {  	[dreg:$0x4] =	wrdreg $0xB  }
0xc0: {  	_ =	task.clear_ibuf [dreg:s22], $0x5FFFF;
	_ =	strace $0x90000052  }
0xc1: {  	s29 =	simm.s32 $0xB;
	_ =	strace $0x80000054  }
0xc2: {  	_ =	swait.ge [sflag:s29], $0x1  }
0xc3: {  	[sflag:s29] =	ssyncadd.s32 $0xFFFFFFFF  }
0xc4: {  	_ =	strace $0x90000054  }
0xc5: {  	_ =	sfence  }
0xc6: {  	s30 =	sld [smem:$0x0];
	_ =	sdelay $0x2  }
0xc7: {  	s31 =	sshll.u32 s1, $0xD;
	s1 =	sshrl.u32 s1, $0x2  }
0xc8: {  	s4 =	sand.u32 $0x4000, s31;
	s1 =	sadd.s32 s1, s30  }
0xc9: {  	s0 =	sor.u32 s4, s0;
	s1 =	sshll.u32 s1, $0x11  }
0xca: {  	s0 =	sor.u32 s1, s0  }
0xcb: {  	s0 =	sadd.s32 $0x8F2B, s0  }
0xcc: {  	[sflag:s0] =	ssyncadd.remote.s32 $0x1  }
0xcd: {  	_ =	sfence.sel $0xFFFF  }
0xce: {  	[dreg:$0x0] =	wrdreg $0xFFFFFFFF;
	(pc) =	sbr.abs _section_cstart, $3  }
0xcf: {  	[dreg:$0x1] =	wrdreg $0xFFFFFFFF  }
0xd0: {  	_ =	task.clear_ibuf [dreg:s22], $0x2FFFF;
	_ =	strace $0x9FFFFFFF  }
0xd1: {  	(tm) =	ssettm $0x7FFFFFFF  }
tec
execute0_lowered:
.L_overlay_start_1:
0x0: {  	(tag) =	ssettag $0x1  }
0x1: {  	s7 =	rddreg [dreg:$0x0]  }
0x2: {  	s2 =	rddreg [dreg:$0x1]  }
0x3: {  	s3 =	simm.s32 $0x0;
	s0 =	stileid.u32;
	s5 =	srdreg.scid  }
0x4: {  	s19 =	simm.s32 $0x7D;
	s20 =	simm.s32 $0x2800;
	s21 =	simm.s32 $0x6800  }
0x5: {  	s22 =	simm.s32 $0x1;
	s23 =	simm.s32 $0x2;
	s24 =	simm.s32 $0x1380  }
0x6: {  	s25 =	simm.s32 $0x2700;
	s26 =	simm.s32 $0x2780;
	s28 =	simm.s32 $0x0  }
0x7: {  	[smem:$0x7FF] =	sst s3;
	s4 =	smul.u32 $0x2800, s0;
	s6 =	sand.u32 $0x1, s5  }
0x8: {  	s12 =	sadd.s32 $0x61400, s7;
	s13 =	sadd.s32 $0x88400, s7;
	s5 =	sadd.s32 $0x206000, s7  }
0x9: {  	s9 =	smul.u32 $0x50000, s0;
	s15 =	sshll.u32 s0, $0x1;
	p0 =	seq.s32 s0, $0xF  }
0xa: {  	_ =	strace $0x80000053;
	s8 =	smul.u32 $0x27100, s6;
	s11 =	ssub.s32 $0x2, s6  }
0xb: {  	s31 =	sor.u32 s6, s15;
	s15 =	sadd.s32 $0x12C000, s2;
	s18 =	sshll.u32 @!p0 s0, $0x6  }
0xc: {  	s10 =	sadd.s32 s4, s7;
	s14 =	sshrl.u32 s11, $0x1;
	s9 =	sshrl.u32 s9, $0x2  }
0xd: {  	s8 =	sadd.s32 s8, s7;
	s11 =	ssub.s32 s11, s14;
	s16 =	sadd.s32 s9, s2  }
0xe: {  	s6 =	sadd.s32 $0x12800, s10;
	s14 =	smul.u32 $0x500, s31;
	s7 =	sadd.s32 $0x38000, s7  }
0xf: {  	s8 =	sadd.s32 $0x22D200, s8;
	s9 =	smax.u32 s11, $0x1;
	s16 =	sshrl.u32 @!p0 s16, $0x3  }
0x10: {  	s10 =	sadd.s32 s12, s14;
	s17 =	sadd.s32 $0x280, s14;
	s11 =	sadd.s32 s13, s14  }
0x11: {  	s14 =	sshrl.u32 @p0 s15, $0x3;
	s15 =	sor.u32 @!p0 $0x1C03, s18;
	s18 =	simm.s32 $0x1400  }
0x12: {  	s12 =	sadd.s32 s12, s17;
	s13 =	sadd.s32 s13, s17;
	s17 =	simm.s32 $0x3  }
.LBB2_1:
0x13: {  	s29 =	simm.s32 @p0 $0x1FC3  }
0x14: {  	[spmem:s14], [sflag:s29] =	dma.local @p0 [hbm:s7], $0x1900  }
0x15: {  	s29 =	simm.s32 @p0 $0x3  }
0x16: {  	_ =	swait.ge @p0 [sflag:s29], $0x1900  }
0x17: {  	[sflag:s29] =	ssyncset.done @p0 $0x0  }
0x18: {  	[sflag:s29] =	ssyncadd.s32 @p0 $0xFFFFE700;
	s29 =	simm.s32 @!p0 $0x3  }
0x19: {  	[spmem:s16], [sflag:s15] =	dma.local @!p0 [hbm:s6], $0x2800  }
0x1a: {  	_ =	swait.ge @!p0 [sflag:s29], $0x2800  }
0x1b: {  	[sflag:s29] =	ssyncset.done @!p0 $0x0  }
0x1c: {  	[sflag:s29] =	ssyncadd.s32 @!p0 $0xFFFFD800  }
0x1d: {  	[bflag:$0x0] =	sbarrier.arrive $0xFFFF  }
0x1e: {  	[tilespmem:s3], [sflag:$0x3] =	stream.linear.gather [hbm4b:s10+s3], $0x1400, $0x38;
	[tilespmem:$0x1E080] =	vst v63  }
0x1f: {  	_ =	swait.ge [sflag:s17], $0x1400  }
0x20: {  	[sflag:s17] =	ssyncset.done $0x0  }
0x21: {  	[sflag:s17] =	ssyncadd.s32 $0xFFFFEC00  }
0x22: {  	[tilespmem:s18], [sflag:$0x3] =	stream.linear.gather [hbm4b:s11+s3], $0x1400, $0x38;
	[tilespmem:$0x1E080] =	vst v63  }
0x23: {  	_ =	swait.ge [sflag:s17], $0x1400  }
0x24: {  	[sflag:s17] =	ssyncset.done $0x0  }
0x25: {  	[sflag:s17] =	ssyncadd.s32 $0xFFFFEC00  }
0x26: {  	[tilespmem:s20], [sflag:$0x1] =	stream.indirect.gather [hbm4b:s5+s19], $0x80, s3, s19, $0xb8;
	[tilespmem:$0x1E080] =	vst v63  }
0x27: {  	s29 =	simm.s32 $0x80  }
0x28: {  	[tilespmem:s21], [sflag:$0x2] =	stream.indirect.gather [hbm4b:s5+s19], $0x80, s29, s19, $0xb8;
	[tilespmem:$0x1E080] =	vst v63  }
0x29: {  	_ =	swait.ge [sflag:s22], $0x3E80  }
0x2a: {  	[sflag:s22] =	ssyncset.done $0x0  }
0x2b: {  	s29 =	simm.s32 $0x1400;
	[sflag:s22] =	ssyncadd.s32 $0xFFFFC180  }
0x2c: {  	[spmem:s2] =	stream.indirect.scatter.add.f32 [tilespmem:s20], [sflag:$0x3], $0x80, s29, s19, $0xb8;
	[tilespmem:$0x1E080] =	vst v63  }
0x2d: {  	_ =	swait.ge [sflag:s17], $0x3E80  }
0x2e: {  	[sflag:s17] =	ssyncset.done $0x0  }
0x2f: {  	s29 =	simm.s32 $0x100;
	[sflag:s17] =	ssyncadd.s32 $0xFFFFC180  }
0x30: {  	[tilespmem:s20], [sflag:$0x1] =	stream.indirect.gather [hbm4b:s5+s19], $0x80, s29, s19, $0xb8;
	[tilespmem:$0x1E080] =	vst v63  }
0x31: {  	_ =	swait.ge [sflag:s23], $0x3E80  }
0x32: {  	[sflag:s23] =	ssyncset.done $0x0  }
0x33: {  	s29 =	simm.s32 $0x1480;
	[sflag:s23] =	ssyncadd.s32 $0xFFFFC180  }
0x34: {  	[spmem:s2] =	stream.indirect.scatter.add.f32 [tilespmem:s21], [sflag:$0x3], $0x80, s29, s19, $0xb8;
	[tilespmem:$0x1E080] =	vst v63  }
0x35: {  	_ =	swait.ge [sflag:s17], $0x3E80  }
0x36: {  	s30 =	simm.s32 $0x800;
	s29 =	simm.s32 $0x100;
	[sflag:s17] =	ssyncset.done $0x0  }
.LBB2_2:
0x37: {  	s31 =	sadd.s32 $0x80, s29  }
0x38: {  	[sflag:s17] =	ssyncadd.s32 $0xFFFFC180;
	s0 =	smov.u32 s30;
	s1 =	sadd.s32 $0x400, s30  }
0x39: {  	[tilespmem:s21], [sflag:$0x2] =	stream.indirect.gather [hbm4b:s5+s19], $0x80, s31, s19, $0xb8;
	[tilespmem:$0x1E080] =	vst v63  }
0x3a: {  	p1 =	sne.s32 s30, $0x4800;
	_ =	swait.ge [sflag:s22], $0x3E80  }
0x3b: {  	[sflag:s22] =	ssyncset.done $0x0  }
0x3c: {  	s30 =	sadd.s32 $0x1400, s29;
	[sflag:s22] =	ssyncadd.s32 $0xFFFFC180  }
0x3d: {  	[spmem:s2] =	stream.indirect.scatter.add.f32 [tilespmem:s20], [sflag:$0x3], $0x80, s30, s19, $0xb8;
	[tilespmem:$0x1E080] =	vst v63  }
0x3e: {  	_ =	swait.ge [sflag:s17], $0x3E80  }
0x3f: {  	[sflag:s17] =	ssyncset.done $0x0  }
0x40: {  	s30 =	sadd.s32 $0x100, s29;
	[sflag:s17] =	ssyncadd.s32 $0xFFFFC180  }
0x41: {  	[tilespmem:s20], [sflag:$0x1] =	stream.indirect.gather [hbm4b:s5+s19], $0x80, s30, s19, $0xb8;
	[tilespmem:$0x1E080] =	vst v63  }
0x42: {  	_ =	swait.ge [sflag:s23], $0x3E80  }
.Ltmp0:
0x43: {  	[sflag:s23] =	ssyncset.done $0x0;
	(pc) =	sbr.rel @p1 .LBB2_2-.Ltmp0, $4  }
0x44: {  	s29 =	sadd.s32 $0x1480, s29;
	[sflag:s23] =	ssyncadd.s32 $0xFFFFC180  }
0x45: {  	[spmem:s2] =	stream.indirect.scatter.add.f32 [tilespmem:s21], [sflag:$0x3], $0x80, s29, s19, $0xb8;
	[tilespmem:$0x1E080] =	vst v63  }
0x46: {  	_ =	swait.ge [sflag:s17], $0x3E80  }
0x47: {  	s30 =	smov.u32 s1;
	s29 =	sshra.s32 s0, $0x2;
	[sflag:s17] =	ssyncset.done $0x0  }
0x48: {  	s0 =	sadd.s32 $0x80, s29;
	[sflag:s17] =	ssyncadd.s32 $0xFFFFC180  }
0x49: {  	[tilespmem:s21], [sflag:$0x2] =	stream.indirect.gather [hbm4b:s5+s19], $0x80, s0, s19, $0xb8;
	[tilespmem:$0x1E080] =	vst v63  }
0x4a: {  	_ =	swait.ge [sflag:s22], $0x3E80  }
0x4b: {  	[sflag:s22] =	ssyncset.done $0x0  }
0x4c: {  	s1 =	sadd.s32 $0x1400, s29;
	[sflag:s22] =	ssyncadd.s32 $0xFFFFC180  }
0x4d: {  	[spmem:s2] =	stream.indirect.scatter.add.f32 [tilespmem:s20], [sflag:$0x3], $0x80, s1, s19, $0xb8;
	[tilespmem:$0x1E080] =	vst v63  }
0x4e: {  	_ =	swait.ge [sflag:s17], $0x3E80  }
0x4f: {  	[sflag:s17] =	ssyncset.done $0x0  }
0x50: {  	s31 =	sadd.s32 $0x100, s29;
	[sflag:s17] =	ssyncadd.s32 $0xFFFFC180  }
0x51: {  	[tilespmem:s20], [sflag:$0x1] =	stream.indirect.gather [hbm4b:s5+s19], $0x80, s31, s19, $0xb8;
	[tilespmem:$0x1E080] =	vst v63  }
0x52: {  	_ =	swait.ge [sflag:s23], $0x3E80  }
0x53: {  	[sflag:s23] =	ssyncset.done $0x0  }
0x54: {  	s1 =	sadd.s32 $0x1480, s29;
	[sflag:s23] =	ssyncadd.s32 $0xFFFFC180  }
0x55: {  	[spmem:s2] =	stream.indirect.scatter.add.f32 [tilespmem:s21], [sflag:$0x3], $0x80, s1, s19, $0xb8;
	[tilespmem:$0x1E080] =	vst v63  }
0x56: {  	_ =	swait.ge [sflag:s17], $0x3E80  }
0x57: {  	[sflag:s17] =	ssyncset.done $0x0  }
0x58: {  	[sflag:s17] =	ssyncadd.s32 $0xFFFFC180  }
0x59: {  	[tilespmem:s21], [sflag:$0x2] =	stream.indirect.gather [hbm4b:s5+s19], $0x80, s24, s19, $0xb8;
	[tilespmem:$0x1E080] =	vst v63  }
0x5a: {  	_ =	swait.ge [sflag:s22], $0x3E80  }
0x5b: {  	[sflag:s22] =	ssyncset.done $0x0  }
0x5c: {  	[sflag:s22] =	ssyncadd.s32 $0xFFFFC180  }
0x5d: {  	[spmem:s2] =	stream.indirect.scatter.add.f32 [tilespmem:s20], [sflag:$0x3], $0x80, s25, s19, $0xb8;
	[tilespmem:$0x1E080] =	vst v63  }
0x5e: {  	_ =	swait.ge [sflag:s17], $0x3E80  }
0x5f: {  	[sflag:s17] =	ssyncset.done $0x0  }
0x60: {  	[sflag:s17] =	ssyncadd.s32 $0xFFFFC180  }
0x61: {  	_ =	swait.ge [sflag:s23], $0x3E80  }
0x62: {  	[sflag:s23] =	ssyncset.done $0x0  }
0x63: {  	[sflag:s23] =	ssyncadd.s32 $0xFFFFC180  }
0x64: {  	[spmem:s2] =	stream.indirect.scatter.add.f32 [tilespmem:s21], [sflag:$0x3], $0x80, s26, s19, $0xb8;
	[tilespmem:$0x1E080] =	vst v63  }
0x65: {  	_ =	swait.ge [sflag:s17], $0x3E80  }
0x66: {  	[sflag:s17] =	ssyncset.done $0x0  }
0x67: {  	s31 =	simm.s32 $0x0;
	[sflag:s17] =	ssyncadd.s32 $0xFFFFC180  }
0x68: {  	[tilespmem:s31], [sflag:$0x3] =	stream.linear.gather [hbm4b:s12+s31], $0x1400, $0x38;
	[tilespmem:$0x1E080] =	vst v63  }
0x69: {  	_ =	swait.ge [sflag:s17], $0x1400  }
0x6a: {  	[sflag:s17] =	ssyncset.done $0x0  }
0x6b: {  	[sflag:s17] =	ssyncadd.s32 $0xFFFFEC00  }
0x6c: {  	[tilespmem:s18], [sflag:$0x3] =	stream.linear.gather [hbm4b:s13+s31], $0x1400, $0x38;
	[tilespmem:$0x1E080] =	vst v63  }
0x6d: {  	_ =	swait.ge [sflag:s17], $0x1400  }
0x6e: {  	[sflag:s17] =	ssyncset.done $0x0  }
0x6f: {  	[sflag:s17] =	ssyncadd.s32 $0xFFFFEC00  }
0x70: {  	[tilespmem:s20], [sflag:$0x1] =	stream.indirect.gather [hbm4b:s5+s19], $0x80, s31, s19, $0xb8;
	[tilespmem:$0x1E080] =	vst v63  }
0x71: {  	s1 =	simm.s32 $0x80  }
0x72: {  	[tilespmem:s21], [sflag:$0x2] =	stream.indirect.gather [hbm4b:s5+s19], $0x80, s1, s19, $0xb8;
	[tilespmem:$0x1E080] =	vst v63  }
0x73: {  	_ =	swait.ge [sflag:s22], $0x3E80  }
0x74: {  	[sflag:s22] =	ssyncset.done $0x0  }
0x75: {  	s31 =	simm.s32 $0x1400;
	[sflag:s22] =	ssyncadd.s32 $0xFFFFC180  }
0x76: {  	[spmem:s2] =	stream.indirect.scatter.add.f32 [tilespmem:s20], [sflag:$0x3], $0x80, s31, s19, $0xb8;
	[tilespmem:$0x1E080] =	vst v63  }
0x77: {  	_ =	swait.ge [sflag:s17], $0x3E80  }
0x78: {  	[sflag:s17] =	ssyncset.done $0x0  }
0x79: {  	s1 =	simm.s32 $0x100;
	[sflag:s17] =	ssyncadd.s32 $0xFFFFC180  }
0x7a: {  	[tilespmem:s20], [sflag:$0x1] =	stream.indirect.gather [hbm4b:s5+s19], $0x80, s1, s19, $0xb8;
	[tilespmem:$0x1E080] =	vst v63  }
0x7b: {  	_ =	swait.ge [sflag:s23], $0x3E80  }
0x7c: {  	[sflag:s23] =	ssyncset.done $0x0  }
0x7d: {  	s31 =	simm.s32 $0x1480;
	[sflag:s23] =	ssyncadd.s32 $0xFFFFC180  }
0x7e: {  	[spmem:s2] =	stream.indirect.scatter.add.f32 [tilespmem:s21], [sflag:$0x3], $0x80, s31, s19, $0xb8;
	[tilespmem:$0x1E080] =	vst v63  }
0x7f: {  	_ =	swait.ge [sflag:s17], $0x3E80  }
0x80: {  	s30 =	simm.s32 $0x800;
	s29 =	simm.s32 $0x100;
	[sflag:s17] =	ssyncset.done $0x0  }
.LBB2_4:
0x81: {  	s0 =	sadd.s32 $0x80, s29  }
0x82: {  	[sflag:s17] =	ssyncadd.s32 $0xFFFFC180;
	s1 =	smov.u32 s30;
	s31 =	sadd.s32 $0x400, s30  }
0x83: {  	[tilespmem:s21], [sflag:$0x2] =	stream.indirect.gather [hbm4b:s5+s19], $0x80, s0, s19, $0xb8;
	[tilespmem:$0x1E080] =	vst v63  }
0x84: {  	p1 =	sne.s32 s30, $0x4800;
	_ =	swait.ge [sflag:s22], $0x3E80  }
0x85: {  	[sflag:s22] =	ssyncset.done $0x0  }
0x86: {  	s0 =	sadd.s32 $0x1400, s29;
	[sflag:s22] =	ssyncadd.s32 $0xFFFFC180  }
0x87: {  	[spmem:s2] =	stream.indirect.scatter.add.f32 [tilespmem:s20], [sflag:$0x3], $0x80, s0, s19, $0xb8;
	[tilespmem:$0x1E080] =	vst v63  }
0x88: {  	_ =	swait.ge [sflag:s17], $0x3E80  }
0x89: {  	[sflag:s17] =	ssyncset.done $0x0  }
0x8a: {  	s0 =	sadd.s32 $0x100, s29;
	[sflag:s17] =	ssyncadd.s32 $0xFFFFC180  }
0x8b: {  	[tilespmem:s20], [sflag:$0x1] =	stream.indirect.gather [hbm4b:s5+s19], $0x80, s0, s19, $0xb8;
	[tilespmem:$0x1E080] =	vst v63  }
0x8c: {  	_ =	swait.ge [sflag:s23], $0x3E80  }
.Ltmp1:
0x8d: {  	[sflag:s23] =	ssyncset.done $0x0;
	(pc) =	sbr.rel @p1 .LBB2_4-.Ltmp1, $4  }
0x8e: {  	s0 =	sadd.s32 $0x1480, s29;
	[sflag:s23] =	ssyncadd.s32 $0xFFFFC180  }
0x8f: {  	[spmem:s2] =	stream.indirect.scatter.add.f32 [tilespmem:s21], [sflag:$0x3], $0x80, s0, s19, $0xb8;
	[tilespmem:$0x1E080] =	vst v63  }
0x90: {  	_ =	swait.ge [sflag:s17], $0x3E80  }
0x91: {  	s30 =	smov.u32 s31;
	s29 =	sshra.s32 s1, $0x2;
	[sflag:s17] =	ssyncset.done $0x0  }
0x92: {  	s0 =	sadd.s32 $0x80, s29;
	[sflag:s17] =	ssyncadd.s32 $0xFFFFC180  }
0x93: {  	[tilespmem:s21], [sflag:$0x2] =	stream.indirect.gather [hbm4b:s5+s19], $0x80, s0, s19, $0xb8;
	[tilespmem:$0x1E080] =	vst v63  }
0x94: {  	_ =	swait.ge [sflag:s22], $0x3E80  }
0x95: {  	[sflag:s22] =	ssyncset.done $0x0  }
0x96: {  	s1 =	sadd.s32 $0x1400, s29;
	[sflag:s22] =	ssyncadd.s32 $0xFFFFC180  }
0x97: {  	[spmem:s2] =	stream.indirect.scatter.add.f32 [tilespmem:s20], [sflag:$0x3], $0x80, s1, s19, $0xb8;
	[tilespmem:$0x1E080] =	vst v63  }
0x98: {  	_ =	swait.ge [sflag:s17], $0x3E80  }
0x99: {  	[sflag:s17] =	ssyncset.done $0x0  }
0x9a: {  	s30 =	sadd.s32 $0x100, s29;
	[sflag:s17] =	ssyncadd.s32 $0xFFFFC180  }
0x9b: {  	[tilespmem:s20], [sflag:$0x1] =	stream.indirect.gather [hbm4b:s5+s19], $0x80, s30, s19, $0xb8;
	[tilespmem:$0x1E080] =	vst v63  }
0x9c: {  	_ =	swait.ge [sflag:s23], $0x3E80  }
0x9d: {  	[sflag:s23] =	ssyncset.done $0x0  }
0x9e: {  	s31 =	sadd.s32 $0x1480, s29;
	[sflag:s23] =	ssyncadd.s32 $0xFFFFC180  }
0x9f: {  	[spmem:s2] =	stream.indirect.scatter.add.f32 [tilespmem:s21], [sflag:$0x3], $0x80, s31, s19, $0xb8;
	[tilespmem:$0x1E080] =	vst v63  }
0xa0: {  	_ =	swait.ge [sflag:s17], $0x3E80  }
0xa1: {  	[sflag:s17] =	ssyncset.done $0x0  }
0xa2: {  	[sflag:s17] =	ssyncadd.s32 $0xFFFFC180  }
0xa3: {  	[tilespmem:s21], [sflag:$0x2] =	stream.indirect.gather [hbm4b:s5+s19], $0x80, s24, s19, $0xb8;
	[tilespmem:$0x1E080] =	vst v63  }
0xa4: {  	_ =	swait.ge [sflag:s22], $0x3E80  }
0xa5: {  	[sflag:s22] =	ssyncset.done $0x0  }
0xa6: {  	[sflag:s22] =	ssyncadd.s32 $0xFFFFC180  }
0xa7: {  	[spmem:s2] =	stream.indirect.scatter.add.f32 [tilespmem:s20], [sflag:$0x3], $0x80, s25, s19, $0xb8;
	[tilespmem:$0x1E080] =	vst v63  }
0xa8: {  	_ =	swait.ge [sflag:s17], $0x3E80  }
0xa9: {  	[sflag:s17] =	ssyncset.done $0x0  }
0xaa: {  	[sflag:s17] =	ssyncadd.s32 $0xFFFFC180  }
0xab: {  	_ =	swait.ge [sflag:s23], $0x3E80  }
0xac: {  	[sflag:s23] =	ssyncset.done $0x0  }
0xad: {  	[sflag:s23] =	ssyncadd.s32 $0xFFFFC180  }
0xae: {  	[spmem:s2] =	stream.indirect.scatter.add.f32 [tilespmem:s21], [sflag:$0x3], $0x80, s26, s19, $0xb8;
	[tilespmem:$0x1E080] =	vst v63  }
0xaf: {  	_ =	swait.ge [sflag:s17], $0x3E80  }
0xb0: {  	[sflag:s17] =	ssyncset.done $0x0  }
0xb1: {  	[sflag:s17] =	ssyncadd.s32 $0xFFFFC180  }
0xb2: {  	s0 =	sadd.s32 @p0 $0x25800, s8;
	s1 =	simm.s32 @p0 $0x1FC3;
	[bflag:$0x0] =	sbarrier.arrive $0xFFFF  }
0xb3: {  	[hbm:s0], [sflag:s1] =	dma.local @p0 [spmem:s14], $0x1900  }
0xb4: {  	s0 =	simm.s32 @p0 $0x3  }
0xb5: {  	_ =	swait.ge @p0 [sflag:s0], $0x1900  }
0xb6: {  	s28 =	sadd.s32 $0x1, s28;
	[sflag:s0] =	ssyncset.done @p0 $0x0  }
0xb7: {  	p1 =	sne.s32 s28, s9;
	[sflag:s0] =	ssyncadd.s32 @p0 $0xFFFFE700;
	s0 =	sadd.s32 @!p0 s4, s8  }
0xb8: {  	[hbm:s0], [sflag:s15] =	dma.local @!p0 [spmem:s16], $0x2800  }
.Ltmp2:
0xb9: {  	_ = 	snop;
	(pc) =	sbr.rel @p1 .LBB2_1-.Ltmp2, $4  }
0xba: {  	s0 =	simm.s32 @!p0 $0x3  }
0xbb: {  	_ =	swait.ge @!p0 [sflag:s0], $0x2800  }
0xbc: {  	[sflag:s0] =	ssyncset.done @!p0 $0x0  }
0xbd: {  	[sflag:s0] =	ssyncadd.s32 @!p0 $0xFFFFD800  }
0xbe: {  	_ =	sfence.sel $0x180000  }
0xbf: {  	[bflag:$0x0] =	sbarrier.arrive $0xFFFF  }
0xc0: {  	_ =	strace $0x90000053  }
0xc1: {  	s0 =	stileid.u32;
	[bflag:$0x2] =	sbarrier.arrive $0xFFFF  }
0xc2: {  	p0 =	sne.s32 s0, $0x0;
	s0 =	rddreg [dreg:$0x2]  }
0xc3: {  	s0 =	sadd.s32 @!p0 $0x100000, s0  }
0xc4: {  	[sflag:s0] =	ssyncadd.tile.s32 @!p0 $0x1;
	_ =	shalt  }
.Lfunc_end2:
_tile_overlayer_lowered:
.L_overlay_start_2:
0xc5: {  	(tag) =	ssettag $0x2  }
0xc6: {  	s0 =	rddreg [dreg:$0x0];
	s2 =	stileid.u32  }
0xc7: {  	s1 =	rddreg [dreg:$0x1];
	p0 =	sne.s32 s2, $0x0  }
0xc8: {  	s3 =	rddreg [dreg:$0x2];
	[bflag:$0x3] =	sbarrier.arrive $0xFFFF;
	s2 =	simm.s32 @!p0 $0x1C03  }
0xc9: {  	[timem:s3], [sflag:s2] =	dma.local @!p0 [hbm:s0], s1  }
0xca: {  	s0 =	simm.s32 @!p0 $0x3  }
0xcb: {  	_ =	swait.ge @!p0 [sflag:s0], s1  }
0xcc: {  	s1 =	ssub.s32 @!p0 $0x0, s1;
	[sflag:s0] =	ssyncset.done @!p0 $0x0  }
0xcd: {  	[sflag:s0] =	ssyncadd.s32 @!p0 s1  }
0xce: {  	[bflag:$0x3] =	sbarrier.arrive $0xFFFF  }
0xcf: {  	_ =	shalt  }

// kernel: kernel.29.cloned.1.call-start
scs
__scs_entry_jumppad:
0x0: {  	(pc) =	sbr.rel $0x88, $3  }
0x1: {  	(tag) =	ssettag $0x0;
	lr =	simm.s32 $0x1  }
0x2: {  	[smem:$0x3F7C] =	sst lr;
	_ =	strace $0xD0000000  }
0x3: {  	_ = 	snop  }
0x4: {  	_ = 	snop  }
0x5: {  	_ = 	snop  }
0x6: {  	_ = 	snop  }
0x7: {  	_ = 	snop  }
__scs_overlays_trampoline_lowered:
0x8: {  	[smem:$0x3F8B] =	sst s0  }
0x9: {  	[smem:$0x3F8C] =	sst s1  }
0xa: {  	[smem:$0x3F8D] =	sst s2  }
0xb: {  	[smem:$0x3F8E] =	sst s3  }
0xc: {  	[smem:$0x3F8F] =	sst s4  }
0xd: {  	[smem:$0x3F90] =	sst s5  }
0xe: {  	[smem:$0x3F91] =	sst s6  }
0xf: {  	[smem:$0x3F92] =	sst s7  }
0x10: {  	[smem:$0x3F93] =	sst s8  }
0x11: {  	[smem:$0x3F94] =	sst s9;
	s0 =	simm.s32 @!p0 $0x0  }
0x12: {  	s1 =	sld [smem:$0x3F7A];
	s0 =	simm.s32 @p0 $0x1  }
0x13: {  	[smem:$0x3F95] =	sst s0;
	s0 =	simm.s32 @!p1 $0x0  }
0x14: {  	s2 =	sld [smem:$0x3F79];
	s0 =	simm.s32 @p1 $0x1  }
0x15: {  	[smem:$0x3F96] =	sst s0;
	s0 =	simm.s32 @!p2 $0x0  }
0x16: {  	s3 =	sld [smem:$0x3FDB];
	s0 =	simm.s32 @p2 $0x1  }
0x17: {  	s4 =	simm.s32 $0x1BF5;
	[smem:$0x3F98] =	sst s0  }
0x18: {  	s0 =	sld [smem:$0x3F7B];
	_ =	swait.ge [sflag:s4], $0x0  }
0x19: {  	s7 =	sld [smem:$0x3F7C]  }
0x1a: {  	s8 =	sadd.s32 $0xFFFFE003, lr  }
0x1b: {  	s9 =	sadd.s32 $0xFFFFFEF7, lr;
	s5 =	simm.s32 $0xFFFFFFFF;
	p2 =	slt.u32 s8, $0xFFFFF086  }
0x1c: {  	p1 =	slt.u32 s9, $0xF7A;
	s5 =	simm.s32 @!p2 $0x0  }
0x1d: {  	s5 =	simm.s32 @p1 $0x1;
	p0 =	seq.s32 s7, s2  }
0x1e: {  	s7 =	smul.u32 @!p0 $0xF7A, s2;
	p2 =	seq.s32 @!p0 s5, $0x0  }
0x1f: {  	s9 =	smul.u32 $0xF7A, s1;
	s8 =	simm.s32 @!p0 $0x1BF5;
	p2 =	por !p2, p0  }
0x20: {  	[sflag:s8] =	ssyncset.s32 @!p0 $0xFFFFF086;
	s6 =	sadd.s32 @!p0 s3, s7;
	s7 =	simm.s32 @!p0 $0x108  }
0x21: {  	s3 =	sadd.s32 s3, s9;
	s6 =	sadd.s32 @!p0 $0x88, s6;
	s7 =	simm.s32 @p2 $0x1082  }
0x22: {  	[simem:s7], [sflag:s8] =	dma.local @!p0 [hbm:s6], $0xF7A  }
0x23: {  	s9 =	sor.u32 $0xD0000000, s2;
	s6 =	simm.s32 $0x108;
	_ =	swait.ge @!p0 [sflag:s8], $0x0  }
0x24: {  	s3 =	sadd.s32 $0x88, s3;
	s6 =	simm.s32 @!p1 $0x1082;
	[sflag:s4] =	ssyncset.s32 $0xFFFFF086  }
0x25: {  	[simem:s6], [sflag:s4] =	dma.local [hbm:s3], $0xF7A  }
0x26: {  	[smem:$0x3F7C] =	sst s1;
	(tag) =	ssettag s2;
	_ =	strace s9  }
0x27: {  	s1 =	sld [smem:$0x3F8C]  }
0x28: {  	s2 =	sld [smem:$0x3F8D]  }
0x29: {  	s4 =	sld [smem:$0x3F8F]  }
0x2a: {  	p0 =	seq.s32 s5, $0x0;
	s5 =	sld [smem:$0x3F90]  }
0x2b: {  	s6 =	sld [smem:$0x3F91]  }
0x2c: {  	s7 =	sld [smem:$0x3F92]  }
0x2d: {  	s3 =	simm.s32 $0x108;
	s8 =	sld [smem:$0x3F93]  }
0x2e: {  	s3 =	simm.s32 @!p0 $0x1082;
	s9 =	sld [smem:$0x3F94]  }
0x2f: {  	lr =	sadd.s32 s0, s3;
	s0 =	sld [smem:$0x3F8B]  }
0x30: {  	s3 =	sld [smem:$0x3F8E]  }
0x31: {  	[smem:$0x3F97] =	sst s10  }
0x32: {  	s10 =	sld [smem:$0x3F95];
	_ =	sdelay $0x3  }
0x33: {  	p0 =	seq.s32 s10, $0x1;
	s10 =	sld [smem:$0x3F97];
	_ =	sdelay $0x3  }
0x34: {  	[smem:$0x3F97] =	sst s10  }
0x35: {  	s10 =	sld [smem:$0x3F96];
	_ =	sdelay $0x3  }
0x36: {  	p1 =	seq.s32 s10, $0x1;
	s10 =	sld [smem:$0x3F97];
	_ =	sdelay $0x3  }
0x37: {  	[smem:$0x3F97] =	sst s10  }
0x38: {  	s10 =	sld [smem:$0x3F98]  }
0x39: {  	_ = 	snop;
	(pc) =	sbr.ind lr, $3  }
0x3a: {  	_ = 	snop  }
0x3b: {  	_ = 	snop  }
0x3c: {  	p2 =	seq.s32 s10, $0x1;
	s10 =	sld [smem:$0x3F97]  }
0x3d: {  	_ =	shalt  }
0x3e: {  	_ =	shalt  }
0x3f: {  	_ =	shalt  }
0x40: {  	_ =	shalt  }
0x41: {  	_ =	shalt  }
0x42: {  	_ =	shalt  }
0x43: {  	_ =	shalt  }
0x44: {  	_ =	shalt  }
0x45: {  	_ =	shalt  }
0x46: {  	_ =	shalt  }
0x47: {  	_ =	shalt  }
0x48: {  	_ =	shalt  }
0x49: {  	_ =	shalt  }
0x4a: {  	_ =	shalt  }
0x4b: {  	_ =	shalt  }
0x4c: {  	_ =	shalt  }
0x4d: {  	_ =	shalt  }
0x4e: {  	_ =	shalt  }
0x4f: {  	_ =	shalt  }
0x50: {  	_ =	shalt  }
0x51: {  	_ =	shalt  }
0x52: {  	_ =	shalt  }
0x53: {  	_ =	shalt  }
0x54: {  	_ =	shalt  }
0x55: {  	_ =	shalt  }
0x56: {  	_ =	shalt  }
0x57: {  	_ =	shalt  }
0x58: {  	_ =	shalt  }
0x59: {  	_ =	shalt  }
0x5a: {  	_ =	shalt  }
0x5b: {  	_ =	shalt  }
0x5c: {  	_ =	shalt  }
0x5d: {  	_ =	shalt  }
0x5e: {  	_ =	shalt  }
0x5f: {  	_ =	shalt  }
0x60: {  	_ =	shalt  }
0x61: {  	_ =	shalt  }
0x62: {  	_ =	shalt  }
0x63: {  	_ =	shalt  }
0x64: {  	_ =	shalt  }
0x65: {  	_ =	shalt  }
0x66: {  	_ =	shalt  }
0x67: {  	_ =	shalt  }
0x68: {  	_ =	shalt  }
0x69: {  	_ =	shalt  }
0x6a: {  	_ =	shalt  }
0x6b: {  	_ =	shalt  }
0x6c: {  	_ =	shalt  }
0x6d: {  	_ =	shalt  }
0x6e: {  	_ =	shalt  }
0x6f: {  	_ =	shalt  }
0x70: {  	_ =	shalt  }
0x71: {  	_ =	shalt  }
0x72: {  	_ =	shalt  }
0x73: {  	_ =	shalt  }
0x74: {  	_ =	shalt  }
0x75: {  	_ =	shalt  }
0x76: {  	_ =	shalt  }
0x77: {  	_ =	shalt  }
0x78: {  	_ =	shalt  }
0x79: {  	_ =	shalt  }
0x7a: {  	_ =	shalt  }
0x7b: {  	_ =	shalt  }
0x7c: {  	_ =	shalt  }
0x7d: {  	_ =	shalt  }
0x7e: {  	_ =	shalt  }
0x7f: {  	_ =	shalt  }
0x80: {  	_ =	shalt  }
0x81: {  	_ =	shalt  }
0x82: {  	_ =	shalt  }
0x83: {  	_ =	shalt  }
0x84: {  	_ =	shalt  }
0x85: {  	_ =	shalt  }
0x86: {  	_ =	shalt  }
0x87: {  	_ =	shalt  }
.Lfunc_end0:
.L_simem_size_0:
called_computation.4_lowered:
.L_overlay_start_0:
0x88: {  	s2 =	sld [smem:$0x3FD9]  }
0x89: {  	s3 =	sld [smem:$0x3FFE];
	_ =	sdelay $0x1  }
0x8a: {  	s1 =	srdreg.scid  }
0x8b: {  	s0 =	sand.u32 $0x1, s1  }
0x8c: {  	s16 =	sshll.u32 s0, $0xA;
	s2 =	sadd.s32 s3, s2  }
0x8d: {  	s2 =	sadd.s32 s2, s16  }
0x8e: {  	[smem:$0x3FA3] =	sst s2  }
0x8f: {  	_ = 	snop  }
0x90: {  	(tm) =	ssettm $0x1  }
0x91: {  	s17 =	sld [smem:$0x3FFB];
	_ =	sdelay $0x3  }
0x92: {  	_ =	strace s17  }
0x93: {  	s2 =	sld [smem:$0x3FFC];
	_ =	sdelay $0x3  }
0x94: {  	_ =	strace s2  }
0x95: {  	s2 =	sld [smem:$0x3FFD];
	_ =	sdelay $0x3  }
0x96: {  	_ =	strace s2  }
0x97: {  	_ =	strace $0x8FFFFFFF  }
0x98: {  	s18 =	sld [smem:$0x3FDB];
	_ =	sdelay $0x1  }
0x99: {  	s19 =	simm.s32 $_scs_section_size  }
0x9a: {  	s4 =	simm.s32 $_size__tile_overlayer_lowered;
	s5 =	simm.s32 $_tile_overlayer_lowered  }
0x9b: {  	s22 =	simm.s32 $0x1BFF;
	s21 =	sshll.u32 s5, $0x1;
	s2 =	sadd.s32 s19, s18  }
0x9c: {  	s6 =	simm.s32 $0x0;
	s20 =	sshll.u32 s4, $0x1;
	s4 =	sadd.s32 s21, s2  }
0x9d: {  	[timem:s6], [sflag:s22] =	dma.local [hbm:s4], s20  }
0x9e: {  	_ =	swait.ge [sflag:s22], s20  }
0x9f: {  	s3 =	ssub.s32 $0x0, s20;
	[sflag:s22] =	ssyncset.done $0x0  }
0xa0: {  	[sflag:s22] =	ssyncadd.s32 s3;
	_ =	sdelay $0x1  }
0xa1: {  	s23 =	simm.s32 $0x1B8B  }
0xa2: {  	_ =	swait.ge [sflag:s23], $0x1  }
0xa3: {  	[sflag:s23] =	ssyncset.done $0x0  }
0xa4: {  	s25 =	simm.s32 $0x1B8E;
	s24 =	sld [smem:$0x3FFE];
	[sflag:s23] =	ssyncadd.s32 $0xFFFFFFFF  }
0xa5: {  	s26 =	simm.s32 $execute0_lowered;
	[smem:$0x3FD2] =	sst s25  }
0xa6: {  	s4 =	sshll.u32 s26, $0x1;
	_ =	strace $0x80000046;
	[dreg:$0x1] =	wrdreg $0xFFFFFFFF  }
0xa7: {  	s28 =	simm.s32 $_size_execute0_lowered;
	s2 =	sadd.s32 s2, s4;
	[dreg:$0x0] =	wrdreg $0x0  }
0xa8: {  	s4 =	sshll.u32 s28, $0x1;
	[dreg:$0x2] =	wrdreg s2  }
0xa9: {  	[dreg:$0x3] =	wrdreg s4  }
0xaa: {  	[dreg:$0x4] =	wrdreg $0xC0  }
0xab: {  	_ =	task [dreg:s6], $0x5FFFF  }
0xac: {  	[dreg:$0x1] =	wrdreg $0xFFFFFFFF  }
0xad: {  	[dreg:$0x0] =	wrdreg $0x60  }
0xae: {  	[dreg:$0x2] =	wrdreg s24  }
0xaf: {  	[dreg:$0x3] =	wrdreg $0x68000  }
0xb0: {  	[dreg:$0x4] =	wrdreg $0xA  }
0xb1: {  	_ =	task.clear_ibuf [dreg:s6], $0x5FFFF;
	_ =	strace $0x90000046  }
0xb2: {  	s29 =	simm.s32 $0xA;
	_ =	strace $0x80000048  }
0xb3: {  	_ =	swait.ge [sflag:s29], $0x1  }
0xb4: {  	[sflag:s29] =	ssyncadd.s32 $0xFFFFFFFF  }
0xb5: {  	_ =	strace $0x90000048  }
0xb6: {  	_ =	sfence  }
0xb7: {  	s30 =	sld [smem:$0x0];
	_ =	sdelay $0x2  }
0xb8: {  	s31 =	sshll.u32 s1, $0xD;
	s1 =	sshrl.u32 s1, $0x2  }
0xb9: {  	s3 =	sand.u32 $0x4000, s31;
	s1 =	sadd.s32 s1, s30  }
0xba: {  	s0 =	sor.u32 s3, s0;
	s1 =	sshll.u32 s1, $0x11  }
0xbb: {  	s0 =	sor.u32 s1, s0  }
0xbc: {  	s0 =	sadd.s32 $0x8F2B, s0  }
0xbd: {  	[sflag:s0] =	ssyncadd.remote.s32 $0x1  }
0xbe: {  	_ =	sfence.sel $0xFFFF  }
0xbf: {  	[dreg:$0x0] =	wrdreg $0xFFFFFFFF;
	(pc) =	sbr.abs _section_cstart, $3  }
0xc0: {  	[dreg:$0x1] =	wrdreg $0xFFFFFFFF  }
0xc1: {  	_ =	task.clear_ibuf [dreg:s6], $0x2FFFF;
	_ =	strace $0x9FFFFFFF  }
0xc2: {  	(tm) =	ssettm $0x7FFFFFFF  }
0xc3: {  	_ =	shalt  }
tec
execute0_lowered:
.L_overlay_start_1:
0x0: {  	(tag) =	ssettag $0x1  }
0x1: {  	s1 =	srdreg.scid  }
0x2: {  	s0 =	stileid.u32;
	s6 =	rddreg [dreg:$0x0]  }
0x3: {  	s2 =	rddreg [dreg:$0x1];
	s3 =	simm.s32 $0x0;
	s13 =	simm.s32 $0x2  }
0x4: {  	s14 =	simm.s32 $0x7D;
	s15 =	simm.s32 $0x1;
	s5 =	sand.u32 $0x1, s1  }
0x5: {  	s31 =	sshll.u32 s0, $0x1;
	s1 =	rddreg [dreg:$0x2];
	s17 =	smul.u32 $0x2800, s0  }
0x6: {  	[smem:$0x7FF] =	sst s3;
	s8 =	smul.u32 $0x50000, s0;
	p0 =	seq.s32 s0, $0xF  }
0x7: {  	s4 =	sor.u32 s5, s31;
	_ =	strace $0x80000047;
	s9 =	smul.u32 $0x27100, s5  }
0x8: {  	s5 =	ssub.s32 $0x2, s5;
	s4 =	smul.u32 $0x500, s4;
	s10 =	sadd.s32 s17, s6  }
0x9: {  	s11 =	sshrl.u32 s5, $0x1;
	s8 =	sshrl.u32 s8, $0x2;
	s9 =	sadd.s32 s9, s6  }
0xa: {  	s11 =	ssub.s32 s5, s11;
	s12 =	sadd.s32 s8, s2;
	s5 =	sadd.s32 $0x12800, s10  }
0xb: {  	s10 =	sadd.s32 $0x12C000, s2;
	s7 =	sadd.s32 s4, s6;
	s4 =	sadd.s32 $0x39A00, s6  }
0xc: {  	s6 =	sadd.s32 $0x38000, s6;
	s18 =	sadd.s32 $0x3A200, s9;
	s8 =	smax.u32 s11, $0x1  }
0xd: {  	s9 =	sshrl.u32 @p0 s10, $0x3;
	s10 =	sshll.u32 @!p0 s0, $0x6;
	s11 =	sshrl.u32 @!p0 s12, $0x3  }
0xe: {  	s12 =	simm.s32 $0x2800;
	s7 =	sadd.s32 $0x8800, s7;
	s10 =	sor.u32 @!p0 $0x1C02, s10  }
0xf: {  	s16 =	sadd.s32 @p0 $0x25800, s18;
	s17 =	sadd.s32 @!p0 s17, s18;
	s18 =	simm.s32 $0x0  }
.LBB2_1:
0x10: {  	s19 =	simm.s32 @p0 $0x1FC2  }
0x11: {  	[spmem:s9], [sflag:s19] =	dma.local @p0 [hbm:s6], $0x1900  }
0x12: {  	s19 =	simm.s32 @p0 $0x2  }
0x13: {  	_ =	swait.ge @p0 [sflag:s19], $0x1900  }
0x14: {  	[sflag:s19] =	ssyncset.done @p0 $0x0  }
0x15: {  	[sflag:s19] =	ssyncadd.s32 @p0 $0xFFFFE700;
	s19 =	simm.s32 @!p0 $0x2  }
0x16: {  	[spmem:s11], [sflag:s10] =	dma.local @!p0 [hbm:s5], $0x2800  }
0x17: {  	_ =	swait.ge @!p0 [sflag:s19], $0x2800  }
0x18: {  	[sflag:s19] =	ssyncset.done @!p0 $0x0  }
0x19: {  	[sflag:s19] =	ssyncadd.s32 @!p0 $0xFFFFD800  }
0x1a: {  	[tilespmem:s12], [sflag:$0x2] =	stream.linear.gather [hbm4b:s4+s3], $0x3E80, $0x38;
	[tilespmem:$0x1A080] =	vst v63  }
0x1b: {  	_ =	swait.ge [sflag:s13], $0x3E80  }
0x1c: {  	[sflag:s13] =	ssyncset.done $0x0  }
0x1d: {  	[sflag:s13] =	ssyncadd.s32 $0xFFFFC180  }
0x1e: {  	[tilespmem:s3], [sflag:$0x2] =	stream.linear.gather [hbm4b:s7+s3], $0x2800, $0x38;
	[tilespmem:$0x1A080] =	vst v63  }
0x1f: {  	_ =	swait.ge [sflag:s13], $0x2800  }
0x20: {  	[sflag:s13] =	ssyncset.done $0x0  }
0x21: {  	[sflag:s13] =	ssyncadd.s32 $0xFFFFD800  }
0x22: {  	s23 =	simm.s32 $0x0;
	[bflag:$0x0] =	sbarrier.arrive $0xFFFF  }
0x23: {  	[spmem:s2] =	stream.indirect.scatter.add.f32 [tilespmem:s12], [sflag:$0x1], $0x80, s23, s14, $0xb8;
	[tilespmem:$0x1A080] =	vst v63  }
0x24: {  	s24 =	simm.s32 $0x80  }
0x25: {  	[spmem:s2] =	stream.indirect.scatter.add.f32 [tilespmem:s12], [sflag:$0x1], $0x80, s24, s14, $0xb8;
	[tilespmem:$0x1A080] =	vst v63  }
0x26: {  	s25 =	simm.s32 $0x100  }
0x27: {  	[spmem:s2] =	stream.indirect.scatter.add.f32 [tilespmem:s12], [sflag:$0x1], $0x80, s25, s14, $0xb8;
	[tilespmem:$0x1A080] =	vst v63  }
0x28: {  	s26 =	simm.s32 $0x180  }
0x29: {  	[spmem:s2] =	stream.indirect.scatter.add.f32 [tilespmem:s12], [sflag:$0x1], $0x80, s26, s14, $0xb8;
	[tilespmem:$0x1A080] =	vst v63  }
0x2a: {  	s28 =	simm.s32 $0x200  }
0x2b: {  	[spmem:s2] =	stream.indirect.scatter.add.f32 [tilespmem:s12], [sflag:$0x1], $0x80, s28, s14, $0xb8;
	[tilespmem:$0x1A080] =	vst v63  }
0x2c: {  	s29 =	simm.s32 $0x280  }
0x2d: {  	[spmem:s2] =	stream.indirect.scatter.add.f32 [tilespmem:s12], [sflag:$0x1], $0x80, s29, s14, $0xb8;
	[tilespmem:$0x1A080] =	vst v63  }
0x2e: {  	s30 =	simm.s32 $0x300  }
0x2f: {  	[spmem:s2] =	stream.indirect.scatter.add.f32 [tilespmem:s12], [sflag:$0x1], $0x80, s30, s14, $0xb8;
	[tilespmem:$0x1A080] =	vst v63  }
0x30: {  	s31 =	simm.s32 $0x380  }
0x31: {  	[spmem:s2] =	stream.indirect.scatter.add.f32 [tilespmem:s12], [sflag:$0x1], $0x80, s31, s14, $0xb8;
	[tilespmem:$0x1A080] =	vst v63  }
0x32: {  	_ =	swait.ge [sflag:s15], $0x3E80  }
0x33: {  	[sflag:s15] =	ssyncset.done $0x0  }
0x34: {  	[sflag:s15] =	ssyncadd.s32 $0xFFFFC180  }
0x35: {  	_ =	swait.ge [sflag:s15], $0x3E80  }
0x36: {  	[sflag:s15] =	ssyncset.done $0x0  }
0x37: {  	[sflag:s15] =	ssyncadd.s32 $0xFFFFC180  }
0x38: {  	_ =	swait.ge [sflag:s15], $0x3E80  }
0x39: {  	[sflag:s15] =	ssyncset.done $0x0  }
0x3a: {  	[sflag:s15] =	ssyncadd.s32 $0xFFFFC180  }
0x3b: {  	_ =	swait.ge [sflag:s15], $0x3E80  }
0x3c: {  	[sflag:s15] =	ssyncset.done $0x0  }
0x3d: {  	[sflag:s15] =	ssyncadd.s32 $0xFFFFC180  }
0x3e: {  	_ =	swait.ge [sflag:s15], $0x3E80  }
0x3f: {  	[sflag:s15] =	ssyncset.done $0x0  }
0x40: {  	[sflag:s15] =	ssyncadd.s32 $0xFFFFC180  }
0x41: {  	_ =	swait.ge [sflag:s15], $0x3E80  }
0x42: {  	[sflag:s15] =	ssyncset.done $0x0  }
0x43: {  	[sflag:s15] =	ssyncadd.s32 $0xFFFFC180  }
0x44: {  	_ =	swait.ge [sflag:s15], $0x3E80  }
0x45: {  	[sflag:s15] =	ssyncset.done $0x0  }
0x46: {  	[sflag:s15] =	ssyncadd.s32 $0xFFFFC180  }
0x47: {  	_ =	swait.ge [sflag:s15], $0x3E80  }
0x48: {  	s21 =	simm.s32 $0x2000;
	s19 =	simm.s32 $0x1000;
	[sflag:s15] =	ssyncset.done $0x0  }
.LBB2_2:
0x49: {  	s22 =	sshra.s32 s19, $0x2  }
0x4a: {  	[sflag:s15] =	ssyncadd.s32 $0xFFFFC180;
	s19 =	smov.u32 s21;
	s20 =	sadd.s32 $0x1000, s21  }
0x4b: {  	[spmem:s2] =	stream.indirect.scatter.add.f32 [tilespmem:s12], [sflag:$0x1], $0x80, s22, s14, $0xb8;
	[tilespmem:$0x1A080] =	vst v63  }
0x4c: {  	p1 =	sne.s32 s21, $0x9000;
	s21 =	sadd.s32 $0x80, s22  }
0x4d: {  	[spmem:s2] =	stream.indirect.scatter.add.f32 [tilespmem:s12], [sflag:$0x1], $0x80, s21, s14, $0xb8;
	[tilespmem:$0x1A080] =	vst v63  }
0x4e: {  	s21 =	sadd.s32 $0x100, s22  }
0x4f: {  	[spmem:s2] =	stream.indirect.scatter.add.f32 [tilespmem:s12], [sflag:$0x1], $0x80, s21, s14, $0xb8;
	[tilespmem:$0x1A080] =	vst v63  }
0x50: {  	s21 =	sadd.s32 $0x180, s22  }
0x51: {  	[spmem:s2] =	stream.indirect.scatter.add.f32 [tilespmem:s12], [sflag:$0x1], $0x80, s21, s14, $0xb8;
	[tilespmem:$0x1A080] =	vst v63  }
0x52: {  	s21 =	sadd.s32 $0x200, s22  }
0x53: {  	[spmem:s2] =	stream.indirect.scatter.add.f32 [tilespmem:s12], [sflag:$0x1], $0x80, s21, s14, $0xb8;
	[tilespmem:$0x1A080] =	vst v63  }
0x54: {  	s21 =	sadd.s32 $0x280, s22  }
0x55: {  	[spmem:s2] =	stream.indirect.scatter.add.f32 [tilespmem:s12], [sflag:$0x1], $0x80, s21, s14, $0xb8;
	[tilespmem:$0x1A080] =	vst v63  }
0x56: {  	s21 =	sadd.s32 $0x300, s22  }
0x57: {  	[spmem:s2] =	stream.indirect.scatter.add.f32 [tilespmem:s12], [sflag:$0x1], $0x80, s21, s14, $0xb8;
	[tilespmem:$0x1A080] =	vst v63  }
0x58: {  	s21 =	sadd.s32 $0x380, s22  }
0x59: {  	[spmem:s2] =	stream.indirect.scatter.add.f32 [tilespmem:s12], [sflag:$0x1], $0x80, s21, s14, $0xb8;
	[tilespmem:$0x1A080] =	vst v63  }
0x5a: {  	_ =	swait.ge [sflag:s15], $0x3E80  }
0x5b: {  	[sflag:s15] =	ssyncset.done $0x0  }
0x5c: {  	[sflag:s15] =	ssyncadd.s32 $0xFFFFC180  }
0x5d: {  	_ =	swait.ge [sflag:s15], $0x3E80  }
0x5e: {  	[sflag:s15] =	ssyncset.done $0x0  }
0x5f: {  	[sflag:s15] =	ssyncadd.s32 $0xFFFFC180  }
0x60: {  	_ =	swait.ge [sflag:s15], $0x3E80  }
0x61: {  	[sflag:s15] =	ssyncset.done $0x0  }
0x62: {  	[sflag:s15] =	ssyncadd.s32 $0xFFFFC180  }
0x63: {  	_ =	swait.ge [sflag:s15], $0x3E80  }
0x64: {  	[sflag:s15] =	ssyncset.done $0x0  }
0x65: {  	[sflag:s15] =	ssyncadd.s32 $0xFFFFC180  }
0x66: {  	_ =	swait.ge [sflag:s15], $0x3E80  }
0x67: {  	[sflag:s15] =	ssyncset.done $0x0  }
0x68: {  	[sflag:s15] =	ssyncadd.s32 $0xFFFFC180  }
0x69: {  	_ =	swait.ge [sflag:s15], $0x3E80  }
0x6a: {  	[sflag:s15] =	ssyncset.done $0x0  }
0x6b: {  	[sflag:s15] =	ssyncadd.s32 $0xFFFFC180  }
.Ltmp0:
0x6c: {  	_ =	swait.ge [sflag:s15], $0x3E80;
	(pc) =	sbr.rel @p1 .LBB2_2-.Ltmp0, $4  }
0x6d: {  	[sflag:s15] =	ssyncset.done $0x0  }
0x6e: {  	[sflag:s15] =	ssyncadd.s32 $0xFFFFC180  }
0x6f: {  	_ =	swait.ge [sflag:s15], $0x3E80  }
0x70: {  	s21 =	smov.u32 s20;
	[sflag:s15] =	ssyncset.done $0x0  }
0x71: {  	s19 =	sshra.s32 s19, $0x2;
	[sflag:s15] =	ssyncadd.s32 $0xFFFFC180  }
0x72: {  	[spmem:s2] =	stream.indirect.scatter.add.f32 [tilespmem:s12], [sflag:$0x1], $0x80, s19, s14, $0xb8;
	[tilespmem:$0x1A080] =	vst v63  }
0x73: {  	s20 =	sadd.s32 $0x80, s19  }
0x74: {  	[spmem:s2] =	stream.indirect.scatter.add.f32 [tilespmem:s12], [sflag:$0x1], $0x80, s20, s14, $0xb8;
	[tilespmem:$0x1A080] =	vst v63  }
0x75: {  	s26 =	sadd.s32 $0x100, s19  }
0x76: {  	[spmem:s2] =	stream.indirect.scatter.add.f32 [tilespmem:s12], [sflag:$0x1], $0x80, s26, s14, $0xb8;
	[tilespmem:$0x1A080] =	vst v63  }
0x77: {  	s28 =	sadd.s32 $0x180, s19  }
0x78: {  	[spmem:s2] =	stream.indirect.scatter.add.f32 [tilespmem:s12], [sflag:$0x1], $0x80, s28, s14, $0xb8;
	[tilespmem:$0x1A080] =	vst v63  }
0x79: {  	s29 =	sadd.s32 $0x200, s19  }
0x7a: {  	[spmem:s2] =	stream.indirect.scatter.add.f32 [tilespmem:s12], [sflag:$0x1], $0x80, s29, s14, $0xb8;
	[tilespmem:$0x1A080] =	vst v63  }
0x7b: {  	s30 =	sadd.s32 $0x280, s19  }
0x7c: {  	[spmem:s2] =	stream.indirect.scatter.add.f32 [tilespmem:s12], [sflag:$0x1], $0x80, s30, s14, $0xb8;
	[tilespmem:$0x1A080] =	vst v63  }
0x7d: {  	s31 =	sadd.s32 $0x300, s19  }
0x7e: {  	[spmem:s2] =	stream.indirect.scatter.add.f32 [tilespmem:s12], [sflag:$0x1], $0x80, s31, s14, $0xb8;
	[tilespmem:$0x1A080] =	vst v63  }
0x7f: {  	s19 =	sadd.s32 $0x380, s19  }
0x80: {  	[spmem:s2] =	stream.indirect.scatter.add.f32 [tilespmem:s12], [sflag:$0x1], $0x80, s19, s14, $0xb8;
	[tilespmem:$0x1A080] =	vst v63  }
0x81: {  	_ =	swait.ge [sflag:s15], $0x3E80  }
0x82: {  	[sflag:s15] =	ssyncset.done $0x0  }
0x83: {  	[sflag:s15] =	ssyncadd.s32 $0xFFFFC180  }
0x84: {  	_ =	swait.ge [sflag:s15], $0x3E80  }
0x85: {  	[sflag:s15] =	ssyncset.done $0x0  }
0x86: {  	[sflag:s15] =	ssyncadd.s32 $0xFFFFC180  }
0x87: {  	_ =	swait.ge [sflag:s15], $0x3E80  }
0x88: {  	[sflag:s15] =	ssyncset.done $0x0  }
0x89: {  	[sflag:s15] =	ssyncadd.s32 $0xFFFFC180  }
0x8a: {  	_ =	swait.ge [sflag:s15], $0x3E80  }
0x8b: {  	[sflag:s15] =	ssyncset.done $0x0  }
0x8c: {  	[sflag:s15] =	ssyncadd.s32 $0xFFFFC180  }
0x8d: {  	_ =	swait.ge [sflag:s15], $0x3E80  }
0x8e: {  	[sflag:s15] =	ssyncset.done $0x0  }
0x8f: {  	[sflag:s15] =	ssyncadd.s32 $0xFFFFC180  }
0x90: {  	_ =	swait.ge [sflag:s15], $0x3E80  }
0x91: {  	[sflag:s15] =	ssyncset.done $0x0  }
0x92: {  	[sflag:s15] =	ssyncadd.s32 $0xFFFFC180  }
0x93: {  	_ =	swait.ge [sflag:s15], $0x3E80  }
0x94: {  	[sflag:s15] =	ssyncset.done $0x0  }
0x95: {  	[sflag:s15] =	ssyncadd.s32 $0xFFFFC180  }
0x96: {  	_ =	swait.ge [sflag:s15], $0x3E80  }
0x97: {  	[sflag:s15] =	ssyncset.done $0x0  }
0x98: {  	[sflag:s15] =	ssyncadd.s32 $0xFFFFC180  }
0x99: {  	s19 =	simm.s32 @p0 $0x1FC2;
	[bflag:$0x0] =	sbarrier.arrive $0xFFFF  }
0x9a: {  	[hbm:s16], [sflag:s19] =	dma.local @p0 [spmem:s9], $0x1900  }
0x9b: {  	s19 =	simm.s32 @p0 $0x2  }
0x9c: {  	s18 =	sadd.s32 $0x1, s18;
	_ =	swait.ge @p0 [sflag:s19], $0x1900  }
0x9d: {  	p1 =	sne.s32 s18, s8;
	[sflag:s19] =	ssyncset.done @p0 $0x0  }
.Ltmp1:
0x9e: {  	[sflag:s19] =	ssyncadd.s32 @p0 $0xFFFFE700;
	s19 =	simm.s32 @!p0 $0x2;
	(pc) =	sbr.rel @p1 .LBB2_1-.Ltmp1, $4  }
0x9f: {  	[hbm:s17], [sflag:s10] =	dma.local @!p0 [spmem:s11], $0x2800  }
0xa0: {  	_ =	swait.ge @!p0 [sflag:s19], $0x2800  }
0xa1: {  	[sflag:s19] =	ssyncset.done @!p0 $0x0  }
0xa2: {  	[sflag:s19] =	ssyncadd.s32 @!p0 $0xFFFFD800  }
0xa3: {  	_ =	sfence.sel $0x180000  }
0xa4: {  	[bflag:$0x0] =	sbarrier.arrive $0xFFFF  }
0xa5: {  	p0 =	sne.s32 s0, $0x0;
	_ =	strace $0x90000047  }
0xa6: {  	s0 =	sadd.s32 @!p0 $0x100000, s1;
	[bflag:$0x2] =	sbarrier.arrive $0xFFFF  }
0xa7: {  	[sflag:s0] =	ssyncadd.tile.s32 @!p0 $0x1;
	_ =	shalt  }
.Lfunc_end2:
_tile_overlayer_lowered:
.L_overlay_start_2:
0xa8: {  	(tag) =	ssettag $0x2  }
0xa9: {  	s0 =	rddreg [dreg:$0x0];
	s2 =	stileid.u32  }
0xaa: {  	s1 =	rddreg [dreg:$0x1];
	p0 =	sne.s32 s2, $0x0  }
0xab: {  	s3 =	rddreg [dreg:$0x2];
	[bflag:$0x3] =	sbarrier.arrive $0xFFFF;
	s2 =	simm.s32 @!p0 $0x1C02  }
0xac: {  	[timem:s3], [sflag:s2] =	dma.local @!p0 [hbm:s0], s1  }
0xad: {  	s0 =	simm.s32 @!p0 $0x2  }
0xae: {  	_ =	swait.ge @!p0 [sflag:s0], s1  }
0xaf: {  	s1 =	ssub.s32 @!p0 $0x0, s1;
	[sflag:s0] =	ssyncset.done @!p0 $0x0  }
0xb0: {  	[sflag:s0] =	ssyncadd.s32 @!p0 s1  }
0xb1: {  	[bflag:$0x3] =	sbarrier.arrive $0xFFFF  }
0xb2: {  	_ =	shalt  }

// kernel: kernel.32.cloned.1.call-start
scs
__scs_entry_jumppad:
0x0: {  	(pc) =	sbr.rel $0x88, $3  }
0x1: {  	(tag) =	ssettag $0x0;
	lr =	simm.s32 $0x1  }
0x2: {  	[smem:$0x3F7C] =	sst lr;
	_ =	strace $0xD0000000  }
0x3: {  	_ = 	snop  }
0x4: {  	_ = 	snop  }
0x5: {  	_ = 	snop  }
0x6: {  	_ = 	snop  }
0x7: {  	_ = 	snop  }
__scs_overlays_trampoline_lowered:
0x8: {  	[smem:$0x3F8B] =	sst s0  }
0x9: {  	[smem:$0x3F8C] =	sst s1  }
0xa: {  	[smem:$0x3F8D] =	sst s2  }
0xb: {  	[smem:$0x3F8E] =	sst s3  }
0xc: {  	[smem:$0x3F8F] =	sst s4  }
0xd: {  	[smem:$0x3F90] =	sst s5  }
0xe: {  	[smem:$0x3F91] =	sst s6  }
0xf: {  	[smem:$0x3F92] =	sst s7  }
0x10: {  	[smem:$0x3F93] =	sst s8  }
0x11: {  	[smem:$0x3F94] =	sst s9;
	s0 =	simm.s32 @!p0 $0x0  }
0x12: {  	s1 =	sld [smem:$0x3F7A];
	s0 =	simm.s32 @p0 $0x1  }
0x13: {  	[smem:$0x3F95] =	sst s0;
	s0 =	simm.s32 @!p1 $0x0  }
0x14: {  	s2 =	sld [smem:$0x3F79];
	s0 =	simm.s32 @p1 $0x1  }
0x15: {  	[smem:$0x3F96] =	sst s0;
	s0 =	simm.s32 @!p2 $0x0  }
0x16: {  	s3 =	sld [smem:$0x3FDB];
	s0 =	simm.s32 @p2 $0x1  }
0x17: {  	s4 =	simm.s32 $0x1BF5;
	[smem:$0x3F98] =	sst s0  }
0x18: {  	s0 =	sld [smem:$0x3F7B];
	_ =	swait.ge [sflag:s4], $0x0  }
0x19: {  	s7 =	sld [smem:$0x3F7C]  }
0x1a: {  	s8 =	sadd.s32 $0xFFFFE003, lr  }
0x1b: {  	s9 =	sadd.s32 $0xFFFFFEF7, lr;
	s5 =	simm.s32 $0xFFFFFFFF;
	p2 =	slt.u32 s8, $0xFFFFF086  }
0x1c: {  	p1 =	slt.u32 s9, $0xF7A;
	s5 =	simm.s32 @!p2 $0x0  }
0x1d: {  	s5 =	simm.s32 @p1 $0x1;
	p0 =	seq.s32 s7, s2  }
0x1e: {  	s7 =	smul.u32 @!p0 $0xF7A, s2;
	p2 =	seq.s32 @!p0 s5, $0x0  }
0x1f: {  	s9 =	smul.u32 $0xF7A, s1;
	s8 =	simm.s32 @!p0 $0x1BF5;
	p2 =	por !p2, p0  }
0x20: {  	[sflag:s8] =	ssyncset.s32 @!p0 $0xFFFFF086;
	s6 =	sadd.s32 @!p0 s3, s7;
	s7 =	simm.s32 @!p0 $0x108  }
0x21: {  	s3 =	sadd.s32 s3, s9;
	s6 =	sadd.s32 @!p0 $0x88, s6;
	s7 =	simm.s32 @p2 $0x1082  }
0x22: {  	[simem:s7], [sflag:s8] =	dma.local @!p0 [hbm:s6], $0xF7A  }
0x23: {  	s9 =	sor.u32 $0xD0000000, s2;
	s6 =	simm.s32 $0x108;
	_ =	swait.ge @!p0 [sflag:s8], $0x0  }
0x24: {  	s3 =	sadd.s32 $0x88, s3;
	s6 =	simm.s32 @!p1 $0x1082;
	[sflag:s4] =	ssyncset.s32 $0xFFFFF086  }
0x25: {  	[simem:s6], [sflag:s4] =	dma.local [hbm:s3], $0xF7A  }
0x26: {  	[smem:$0x3F7C] =	sst s1;
	(tag) =	ssettag s2;
	_ =	strace s9  }
0x27: {  	s1 =	sld [smem:$0x3F8C]  }
0x28: {  	s2 =	sld [smem:$0x3F8D]  }
0x29: {  	s4 =	sld [smem:$0x3F8F]  }
0x2a: {  	p0 =	seq.s32 s5, $0x0;
	s5 =	sld [smem:$0x3F90]  }
0x2b: {  	s6 =	sld [smem:$0x3F91]  }
0x2c: {  	s7 =	sld [smem:$0x3F92]  }
0x2d: {  	s3 =	simm.s32 $0x108;
	s8 =	sld [smem:$0x3F93]  }
0x2e: {  	s3 =	simm.s32 @!p0 $0x1082;
	s9 =	sld [smem:$0x3F94]  }
0x2f: {  	lr =	sadd.s32 s0, s3;
	s0 =	sld [smem:$0x3F8B]  }
0x30: {  	s3 =	sld [smem:$0x3F8E]  }
0x31: {  	[smem:$0x3F97] =	sst s10  }
0x32: {  	s10 =	sld [smem:$0x3F95];
	_ =	sdelay $0x3  }
0x33: {  	p0 =	seq.s32 s10, $0x1;
	s10 =	sld [smem:$0x3F97];
	_ =	sdelay $0x3  }
0x34: {  	[smem:$0x3F97] =	sst s10  }
0x35: {  	s10 =	sld [smem:$0x3F96];
	_ =	sdelay $0x3  }
0x36: {  	p1 =	seq.s32 s10, $0x1;
	s10 =	sld [smem:$0x3F97];
	_ =	sdelay $0x3  }
0x37: {  	[smem:$0x3F97] =	sst s10  }
0x38: {  	s10 =	sld [smem:$0x3F98]  }
0x39: {  	_ = 	snop;
	(pc) =	sbr.ind lr, $3  }
0x3a: {  	_ = 	snop  }
0x3b: {  	_ = 	snop  }
0x3c: {  	p2 =	seq.s32 s10, $0x1;
	s10 =	sld [smem:$0x3F97]  }
0x3d: {  	_ =	shalt  }
0x3e: {  	_ =	shalt  }
0x3f: {  	_ =	shalt  }
0x40: {  	_ =	shalt  }
0x41: {  	_ =	shalt  }
0x42: {  	_ =	shalt  }
0x43: {  	_ =	shalt  }
0x44: {  	_ =	shalt  }
0x45: {  	_ =	shalt  }
0x46: {  	_ =	shalt  }
0x47: {  	_ =	shalt  }
0x48: {  	_ =	shalt  }
0x49: {  	_ =	shalt  }
0x4a: {  	_ =	shalt  }
0x4b: {  	_ =	shalt  }
0x4c: {  	_ =	shalt  }
0x4d: {  	_ =	shalt  }
0x4e: {  	_ =	shalt  }
0x4f: {  	_ =	shalt  }
0x50: {  	_ =	shalt  }
0x51: {  	_ =	shalt  }
0x52: {  	_ =	shalt  }
0x53: {  	_ =	shalt  }
0x54: {  	_ =	shalt  }
0x55: {  	_ =	shalt  }
0x56: {  	_ =	shalt  }
0x57: {  	_ =	shalt  }
0x58: {  	_ =	shalt  }
0x59: {  	_ =	shalt  }
0x5a: {  	_ =	shalt  }
0x5b: {  	_ =	shalt  }
0x5c: {  	_ =	shalt  }
0x5d: {  	_ =	shalt  }
0x5e: {  	_ =	shalt  }
0x5f: {  	_ =	shalt  }
0x60: {  	_ =	shalt  }
0x61: {  	_ =	shalt  }
0x62: {  	_ =	shalt  }
0x63: {  	_ =	shalt  }
0x64: {  	_ =	shalt  }
0x65: {  	_ =	shalt  }
0x66: {  	_ =	shalt  }
0x67: {  	_ =	shalt  }
0x68: {  	_ =	shalt  }
0x69: {  	_ =	shalt  }
0x6a: {  	_ =	shalt  }
0x6b: {  	_ =	shalt  }
0x6c: {  	_ =	shalt  }
0x6d: {  	_ =	shalt  }
0x6e: {  	_ =	shalt  }
0x6f: {  	_ =	shalt  }
0x70: {  	_ =	shalt  }
0x71: {  	_ =	shalt  }
0x72: {  	_ =	shalt  }
0x73: {  	_ =	shalt  }
0x74: {  	_ =	shalt  }
0x75: {  	_ =	shalt  }
0x76: {  	_ =	shalt  }
0x77: {  	_ =	shalt  }
0x78: {  	_ =	shalt  }
0x79: {  	_ =	shalt  }
0x7a: {  	_ =	shalt  }
0x7b: {  	_ =	shalt  }
0x7c: {  	_ =	shalt  }
0x7d: {  	_ =	shalt  }
0x7e: {  	_ =	shalt  }
0x7f: {  	_ =	shalt  }
0x80: {  	_ =	shalt  }
0x81: {  	_ =	shalt  }
0x82: {  	_ =	shalt  }
0x83: {  	_ =	shalt  }
0x84: {  	_ =	shalt  }
0x85: {  	_ =	shalt  }
0x86: {  	_ =	shalt  }
0x87: {  	_ =	shalt  }
.Lfunc_end0:
.L_simem_size_0:
called_computation.5_lowered:
.L_overlay_start_0:
0x88: {  	s2 =	sld [smem:$0x3FD9]  }
0x89: {  	s3 =	sld [smem:$0x3FFE];
	_ =	sdelay $0x1  }
0x8a: {  	s1 =	srdreg.scid  }
0x8b: {  	s0 =	sand.u32 $0x1, s1  }
0x8c: {  	s17 =	sshll.u32 s0, $0xA;
	s2 =	sadd.s32 s3, s2  }
0x8d: {  	s2 =	sadd.s32 s2, s17  }
0x8e: {  	[smem:$0x3FA3] =	sst s2  }
0x8f: {  	_ = 	snop  }
0x90: {  	(tm) =	ssettm $0x1  }
0x91: {  	s18 =	sld [smem:$0x3FFB];
	_ =	sdelay $0x3  }
0x92: {  	_ =	strace s18  }
0x93: {  	s2 =	sld [smem:$0x3FFC];
	_ =	sdelay $0x3  }
0x94: {  	_ =	strace s2  }
0x95: {  	s2 =	sld [smem:$0x3FFD];
	_ =	sdelay $0x3  }
0x96: {  	_ =	strace s2  }
0x97: {  	_ =	strace $0x8FFFFFFF  }
0x98: {  	s19 =	sld [smem:$0x3FDB];
	_ =	sdelay $0x1  }
0x99: {  	s20 =	simm.s32 $_scs_section_size  }
0x9a: {  	s4 =	simm.s32 $_size__tile_overlayer_lowered;
	s5 =	simm.s32 $_tile_overlayer_lowered  }
0x9b: {  	s6 =	simm.s32 $0x1BFF;
	s21 =	sshll.u32 s5, $0x1;
	s3 =	sadd.s32 s20, s19  }
0x9c: {  	s22 =	simm.s32 $0x0;
	s4 =	sshll.u32 s4, $0x1;
	s5 =	sadd.s32 s21, s3  }
0x9d: {  	[timem:s22], [sflag:s6] =	dma.local [hbm:s5], s4  }
0x9e: {  	_ =	swait.ge [sflag:s6], s4  }
0x9f: {  	s4 =	ssub.s32 $0x0, s4;
	[sflag:s6] =	ssyncset.done $0x0  }
0xa0: {  	[sflag:s6] =	ssyncadd.s32 s4;
	_ =	sdelay $0x1  }
0xa1: {  	s23 =	simm.s32 $0x1B8B  }
0xa2: {  	_ =	swait.ge [sflag:s23], $0x1  }
0xa3: {  	[sflag:s23] =	ssyncset.done $0x0  }
0xa4: {  	[sflag:s23] =	ssyncadd.s32 $0xFFFFFFFF  }
0xa5: {  	s4 =	sld [smem:$0x0]  }
0xa6: {  	s5 =	sand.u32 $0xFFFFFFFE, s1  }
0xa7: {  	p0 =	sne.s32 s1, s5  }
0xa8: {  	s5 =	sshll.u32 @p0 s5, $0xE  }
0xa9: {  	s5 =	sadd.s32 @p0 $0x11B8D, s5;
	s6 =	sshll.u32 @p0 s4, $0x11  }
0xaa: {  	s5 =	sor.u32 @p0 s6, s5  }
0xab: {  	[sflag:s5] =	ssyncadd.remote.s32 @p0 $0x1;
	_ =	sdelay $0x1  }
0xac: {  	s5 =	simm.s32 @p0 $0x1B8D  }
0xad: {  	_ =	swait.eq @p0 [sflag:s5], $0x1  }
0xae: {  	[sflag:s5] =	ssyncadd.s32 @p0 $0xFFFFFFFF  }
0xaf: {  	s6 =	sshll.u32 @!p0 s1, $0xE  }
0xb0: {  	s6 =	sor.u32 @!p0 $0x4000, s6;
	s5 =	simm.s32 @!p0 $0x1B8D  }
0xb1: {  	s4 =	sshll.u32 @!p0 s4, $0x11;
	s6 =	sadd.s32 @!p0 $0x11B8D, s6;
	_ =	swait.eq @!p0 [sflag:s5], $0x1  }
0xb2: {  	s4 =	sor.u32 @!p0 s4, s6;
	[sflag:s5] =	ssyncadd.s32 @!p0 $0xFFFFFFFF  }
0xb3: {  	s25 =	simm.s32 $0x1B8E;
	s24 =	sld [smem:$0x3FFE];
	[sflag:s4] =	ssyncadd.remote.s32 @!p0 $0x1  }
0xb4: {  	s26 =	simm.s32 $execute0_lowered;
	[smem:$0x3FD2] =	sst s25  }
0xb5: {  	s5 =	sshll.u32 s26, $0x1;
	_ =	strace $0x8000004F;
	[dreg:$0x1] =	wrdreg $0xFFFFFFFF  }
0xb6: {  	s28 =	simm.s32 $_size_execute0_lowered;
	s3 =	sadd.s32 s3, s5;
	[dreg:$0x0] =	wrdreg $0x0  }
0xb7: {  	s5 =	sshll.u32 s28, $0x1;
	[dreg:$0x2] =	wrdreg s3  }
0xb8: {  	[dreg:$0x3] =	wrdreg s5  }
0xb9: {  	[dreg:$0x4] =	wrdreg $0xC0  }
0xba: {  	_ =	task [dreg:s22], $0x5FFFF  }
0xbb: {  	[dreg:$0x1] =	wrdreg $0xFFFFFFFF  }
0xbc: {  	[dreg:$0x0] =	wrdreg $0x60  }
0xbd: {  	[dreg:$0x2] =	wrdreg s24  }
0xbe: {  	[dreg:$0x3] =	wrdreg $0xA8000  }
0xbf: {  	[dreg:$0x4] =	wrdreg $0xA  }
0xc0: {  	_ =	task.clear_ibuf [dreg:s22], $0x5FFFF;
	_ =	strace $0x9000004F  }
0xc1: {  	s29 =	simm.s32 $0xA;
	_ =	strace $0x80000051  }
0xc2: {  	_ =	swait.ge [sflag:s29], $0x1  }
0xc3: {  	[sflag:s29] =	ssyncadd.s32 $0xFFFFFFFF  }
0xc4: {  	_ =	strace $0x90000051  }
0xc5: {  	_ =	sfence  }
0xc6: {  	s30 =	sld [smem:$0x0];
	_ =	sdelay $0x2  }
0xc7: {  	s31 =	sshll.u32 s1, $0xD;
	s1 =	sshrl.u32 s1, $0x2  }
0xc8: {  	s4 =	sand.u32 $0x4000, s31;
	s1 =	sadd.s32 s1, s30  }
0xc9: {  	s0 =	sor.u32 s4, s0;
	s1 =	sshll.u32 s1, $0x11  }
0xca: {  	s0 =	sor.u32 s1, s0  }
0xcb: {  	s0 =	sadd.s32 $0x8F2B, s0  }
0xcc: {  	[sflag:s0] =	ssyncadd.remote.s32 $0x1  }
0xcd: {  	_ =	sfence.sel $0xFFFF  }
0xce: {  	[dreg:$0x0] =	wrdreg $0xFFFFFFFF;
	(pc) =	sbr.abs _section_cstart, $3  }
0xcf: {  	[dreg:$0x1] =	wrdreg $0xFFFFFFFF  }
0xd0: {  	_ =	task.clear_ibuf [dreg:s22], $0x2FFFF;
	_ =	strace $0x9FFFFFFF  }
0xd1: {  	(tm) =	ssettm $0x7FFFFFFF  }
tec
execute0_lowered:
.L_overlay_start_1:
0x0: {  	(tag) =	ssettag $0x1  }
0x1: {  	s7 =	rddreg [dreg:$0x0]  }
0x2: {  	s2 =	rddreg [dreg:$0x1]  }
0x3: {  	s3 =	simm.s32 $0x0;
	s0 =	stileid.u32;
	s5 =	srdreg.scid  }
0x4: {  	s19 =	simm.s32 $0x7D;
	s20 =	simm.s32 $0x2800;
	s21 =	simm.s32 $0x6800  }
0x5: {  	s22 =	simm.s32 $0x1;
	s23 =	simm.s32 $0x2;
	s24 =	simm.s32 $0x1380  }
0x6: {  	s25 =	simm.s32 $0x2700;
	s26 =	simm.s32 $0x2780;
	s28 =	simm.s32 $0x0  }
0x7: {  	[smem:$0x7FF] =	sst s3;
	s4 =	smul.u32 $0x2800, s0;
	s6 =	sand.u32 $0x1, s5  }
0x8: {  	s12 =	sadd.s32 $0x138800, s7;
	s13 =	sadd.s32 $0x8800, s7;
	s5 =	sadd.s32 $0x169A00, s7  }
0x9: {  	s9 =	smul.u32 $0x50000, s0;
	s15 =	sshll.u32 s0, $0x1;
	p0 =	seq.s32 s0, $0xF  }
0xa: {  	_ =	strace $0x80000050;
	s8 =	smul.u32 $0x27100, s6;
	s11 =	ssub.s32 $0x2, s6  }
0xb: {  	s31 =	sor.u32 s6, s15;
	s15 =	sadd.s32 $0x12C000, s2;
	s18 =	sshll.u32 @!p0 s0, $0x6  }
0xc: {  	s10 =	sadd.s32 s4, s7;
	s14 =	sshrl.u32 s11, $0x1;
	s9 =	sshrl.u32 s9, $0x2  }
0xd: {  	s8 =	sadd.s32 s8, s7;
	s11 =	ssub.s32 s11, s14;
	s16 =	sadd.s32 s9, s2  }
0xe: {  	s6 =	sadd.s32 $0x12800, s10;
	s14 =	smul.u32 $0x500, s31;
	s7 =	sadd.s32 $0x38000, s7  }
0xf: {  	s8 =	sadd.s32 $0x190C00, s8;
	s9 =	smax.u32 s11, $0x1;
	s16 =	sshrl.u32 @!p0 s16, $0x3  }
0x10: {  	s10 =	sadd.s32 s12, s14;
	s17 =	sadd.s32 $0x280, s14;
	s11 =	sadd.s32 s13, s14  }
0x11: {  	s14 =	sshrl.u32 @p0 s15, $0x3;
	s15 =	sor.u32 @!p0 $0x1C03, s18;
	s18 =	simm.s32 $0x1400  }
0x12: {  	s12 =	sadd.s32 s12, s17;
	s13 =	sadd.s32 s13, s17;
	s17 =	simm.s32 $0x3  }
.LBB2_1:
0x13: {  	s29 =	simm.s32 @p0 $0x1FC3  }
0x14: {  	[spmem:s14], [sflag:s29] =	dma.local @p0 [hbm:s7], $0x1900  }
0x15: {  	s29 =	simm.s32 @p0 $0x3  }
0x16: {  	_ =	swait.ge @p0 [sflag:s29], $0x1900  }
0x17: {  	[sflag:s29] =	ssyncset.done @p0 $0x0  }
0x18: {  	[sflag:s29] =	ssyncadd.s32 @p0 $0xFFFFE700;
	s29 =	simm.s32 @!p0 $0x3  }
0x19: {  	[spmem:s16], [sflag:s15] =	dma.local @!p0 [hbm:s6], $0x2800  }
0x1a: {  	_ =	swait.ge @!p0 [sflag:s29], $0x2800  }
0x1b: {  	[sflag:s29] =	ssyncset.done @!p0 $0x0  }
0x1c: {  	[sflag:s29] =	ssyncadd.s32 @!p0 $0xFFFFD800  }
0x1d: {  	[bflag:$0x0] =	sbarrier.arrive $0xFFFF  }
0x1e: {  	[tilespmem:s3], [sflag:$0x3] =	stream.linear.gather [hbm4b:s10+s3], $0x1400, $0x38;
	[tilespmem:$0x1E080] =	vst v63  }
0x1f: {  	_ =	swait.ge [sflag:s17], $0x1400  }
0x20: {  	[sflag:s17] =	ssyncset.done $0x0  }
0x21: {  	[sflag:s17] =	ssyncadd.s32 $0xFFFFEC00  }
0x22: {  	[tilespmem:s18], [sflag:$0x3] =	stream.linear.gather [hbm4b:s11+s3], $0x1400, $0x38;
	[tilespmem:$0x1E080] =	vst v63  }
0x23: {  	_ =	swait.ge [sflag:s17], $0x1400  }
0x24: {  	[sflag:s17] =	ssyncset.done $0x0  }
0x25: {  	[sflag:s17] =	ssyncadd.s32 $0xFFFFEC00  }
0x26: {  	[tilespmem:s20], [sflag:$0x1] =	stream.indirect.gather [hbm4b:s5+s19], $0x80, s3, s19, $0xb8;
	[tilespmem:$0x1E080] =	vst v63  }
0x27: {  	s29 =	simm.s32 $0x80  }
0x28: {  	[tilespmem:s21], [sflag:$0x2] =	stream.indirect.gather [hbm4b:s5+s19], $0x80, s29, s19, $0xb8;
	[tilespmem:$0x1E080] =	vst v63  }
0x29: {  	_ =	swait.ge [sflag:s22], $0x3E80  }
0x2a: {  	[sflag:s22] =	ssyncset.done $0x0  }
0x2b: {  	s29 =	simm.s32 $0x1400;
	[sflag:s22] =	ssyncadd.s32 $0xFFFFC180  }
0x2c: {  	[spmem:s2] =	stream.indirect.scatter.add.f32 [tilespmem:s20], [sflag:$0x3], $0x80, s29, s19, $0xb8;
	[tilespmem:$0x1E080] =	vst v63  }
0x2d: {  	_ =	swait.ge [sflag:s17], $0x3E80  }
0x2e: {  	[sflag:s17] =	ssyncset.done $0x0  }
0x2f: {  	s29 =	simm.s32 $0x100;
	[sflag:s17] =	ssyncadd.s32 $0xFFFFC180  }
0x30: {  	[tilespmem:s20], [sflag:$0x1] =	stream.indirect.gather [hbm4b:s5+s19], $0x80, s29, s19, $0xb8;
	[tilespmem:$0x1E080] =	vst v63  }
0x31: {  	_ =	swait.ge [sflag:s23], $0x3E80  }
0x32: {  	[sflag:s23] =	ssyncset.done $0x0  }
0x33: {  	s29 =	simm.s32 $0x1480;
	[sflag:s23] =	ssyncadd.s32 $0xFFFFC180  }
0x34: {  	[spmem:s2] =	stream.indirect.scatter.add.f32 [tilespmem:s21], [sflag:$0x3], $0x80, s29, s19, $0xb8;
	[tilespmem:$0x1E080] =	vst v63  }
0x35: {  	_ =	swait.ge [sflag:s17], $0x3E80  }
0x36: {  	s30 =	simm.s32 $0x800;
	s29 =	simm.s32 $0x100;
	[sflag:s17] =	ssyncset.done $0x0  }
.LBB2_2:
0x37: {  	s31 =	sadd.s32 $0x80, s29  }
0x38: {  	[sflag:s17] =	ssyncadd.s32 $0xFFFFC180;
	s0 =	smov.u32 s30;
	s1 =	sadd.s32 $0x400, s30  }
0x39: {  	[tilespmem:s21], [sflag:$0x2] =	stream.indirect.gather [hbm4b:s5+s19], $0x80, s31, s19, $0xb8;
	[tilespmem:$0x1E080] =	vst v63  }
0x3a: {  	p1 =	sne.s32 s30, $0x4800;
	_ =	swait.ge [sflag:s22], $0x3E80  }
0x3b: {  	[sflag:s22] =	ssyncset.done $0x0  }
0x3c: {  	s30 =	sadd.s32 $0x1400, s29;
	[sflag:s22] =	ssyncadd.s32 $0xFFFFC180  }
0x3d: {  	[spmem:s2] =	stream.indirect.scatter.add.f32 [tilespmem:s20], [sflag:$0x3], $0x80, s30, s19, $0xb8;
	[tilespmem:$0x1E080] =	vst v63  }
0x3e: {  	_ =	swait.ge [sflag:s17], $0x3E80  }
0x3f: {  	[sflag:s17] =	ssyncset.done $0x0  }
0x40: {  	s30 =	sadd.s32 $0x100, s29;
	[sflag:s17] =	ssyncadd.s32 $0xFFFFC180  }
0x41: {  	[tilespmem:s20], [sflag:$0x1] =	stream.indirect.gather [hbm4b:s5+s19], $0x80, s30, s19, $0xb8;
	[tilespmem:$0x1E080] =	vst v63  }
0x42: {  	_ =	swait.ge [sflag:s23], $0x3E80  }
.Ltmp0:
0x43: {  	[sflag:s23] =	ssyncset.done $0x0;
	(pc) =	sbr.rel @p1 .LBB2_2-.Ltmp0, $4  }
0x44: {  	s29 =	sadd.s32 $0x1480, s29;
	[sflag:s23] =	ssyncadd.s32 $0xFFFFC180  }
0x45: {  	[spmem:s2] =	stream.indirect.scatter.add.f32 [tilespmem:s21], [sflag:$0x3], $0x80, s29, s19, $0xb8;
	[tilespmem:$0x1E080] =	vst v63  }
0x46: {  	_ =	swait.ge [sflag:s17], $0x3E80  }
0x47: {  	s30 =	smov.u32 s1;
	s29 =	sshra.s32 s0, $0x2;
	[sflag:s17] =	ssyncset.done $0x0  }
0x48: {  	s0 =	sadd.s32 $0x80, s29;
	[sflag:s17] =	ssyncadd.s32 $0xFFFFC180  }
0x49: {  	[tilespmem:s21], [sflag:$0x2] =	stream.indirect.gather [hbm4b:s5+s19], $0x80, s0, s19, $0xb8;
	[tilespmem:$0x1E080] =	vst v63  }
0x4a: {  	_ =	swait.ge [sflag:s22], $0x3E80  }
0x4b: {  	[sflag:s22] =	ssyncset.done $0x0  }
0x4c: {  	s1 =	sadd.s32 $0x1400, s29;
	[sflag:s22] =	ssyncadd.s32 $0xFFFFC180  }
0x4d: {  	[spmem:s2] =	stream.indirect.scatter.add.f32 [tilespmem:s20], [sflag:$0x3], $0x80, s1, s19, $0xb8;
	[tilespmem:$0x1E080] =	vst v63  }
0x4e: {  	_ =	swait.ge [sflag:s17], $0x3E80  }
0x4f: {  	[sflag:s17] =	ssyncset.done $0x0  }
0x50: {  	s31 =	sadd.s32 $0x100, s29;
	[sflag:s17] =	ssyncadd.s32 $0xFFFFC180  }
0x51: {  	[tilespmem:s20], [sflag:$0x1] =	stream.indirect.gather [hbm4b:s5+s19], $0x80, s31, s19, $0xb8;
	[tilespmem:$0x1E080] =	vst v63  }
0x52: {  	_ =	swait.ge [sflag:s23], $0x3E80  }
0x53: {  	[sflag:s23] =	ssyncset.done $0x0  }
0x54: {  	s1 =	sadd.s32 $0x1480, s29;
	[sflag:s23] =	ssyncadd.s32 $0xFFFFC180  }
0x55: {  	[spmem:s2] =	stream.indirect.scatter.add.f32 [tilespmem:s21], [sflag:$0x3], $0x80, s1, s19, $0xb8;
	[tilespmem:$0x1E080] =	vst v63  }
0x56: {  	_ =	swait.ge [sflag:s17], $0x3E80  }
0x57: {  	[sflag:s17] =	ssyncset.done $0x0  }
0x58: {  	[sflag:s17] =	ssyncadd.s32 $0xFFFFC180  }
0x59: {  	[tilespmem:s21], [sflag:$0x2] =	stream.indirect.gather [hbm4b:s5+s19], $0x80, s24, s19, $0xb8;
	[tilespmem:$0x1E080] =	vst v63  }
0x5a: {  	_ =	swait.ge [sflag:s22], $0x3E80  }
0x5b: {  	[sflag:s22] =	ssyncset.done $0x0  }
0x5c: {  	[sflag:s22] =	ssyncadd.s32 $0xFFFFC180  }
0x5d: {  	[spmem:s2] =	stream.indirect.scatter.add.f32 [tilespmem:s20], [sflag:$0x3], $0x80, s25, s19, $0xb8;
	[tilespmem:$0x1E080] =	vst v63  }
0x5e: {  	_ =	swait.ge [sflag:s17], $0x3E80  }
0x5f: {  	[sflag:s17] =	ssyncset.done $0x0  }
0x60: {  	[sflag:s17] =	ssyncadd.s32 $0xFFFFC180  }
0x61: {  	_ =	swait.ge [sflag:s23], $0x3E80  }
0x62: {  	[sflag:s23] =	ssyncset.done $0x0  }
0x63: {  	[sflag:s23] =	ssyncadd.s32 $0xFFFFC180  }
0x64: {  	[spmem:s2] =	stream.indirect.scatter.add.f32 [tilespmem:s21], [sflag:$0x3], $0x80, s26, s19, $0xb8;
	[tilespmem:$0x1E080] =	vst v63  }
0x65: {  	_ =	swait.ge [sflag:s17], $0x3E80  }
0x66: {  	[sflag:s17] =	ssyncset.done $0x0  }
0x67: {  	s31 =	simm.s32 $0x0;
	[sflag:s17] =	ssyncadd.s32 $0xFFFFC180  }
0x68: {  	[tilespmem:s31], [sflag:$0x3] =	stream.linear.gather [hbm4b:s12+s31], $0x1400, $0x38;
	[tilespmem:$0x1E080] =	vst v63  }
0x69: {  	_ =	swait.ge [sflag:s17], $0x1400  }
0x6a: {  	[sflag:s17] =	ssyncset.done $0x0  }
0x6b: {  	[sflag:s17] =	ssyncadd.s32 $0xFFFFEC00  }
0x6c: {  	[tilespmem:s18], [sflag:$0x3] =	stream.linear.gather [hbm4b:s13+s31], $0x1400, $0x38;
	[tilespmem:$0x1E080] =	vst v63  }
0x6d: {  	_ =	swait.ge [sflag:s17], $0x1400  }
0x6e: {  	[sflag:s17] =	ssyncset.done $0x0  }
0x6f: {  	[sflag:s17] =	ssyncadd.s32 $0xFFFFEC00  }
0x70: {  	[tilespmem:s20], [sflag:$0x1] =	stream.indirect.gather [hbm4b:s5+s19], $0x80, s31, s19, $0xb8;
	[tilespmem:$0x1E080] =	vst v63  }
0x71: {  	s1 =	simm.s32 $0x80  }
0x72: {  	[tilespmem:s21], [sflag:$0x2] =	stream.indirect.gather [hbm4b:s5+s19], $0x80, s1, s19, $0xb8;
	[tilespmem:$0x1E080] =	vst v63  }
0x73: {  	_ =	swait.ge [sflag:s22], $0x3E80  }
0x74: {  	[sflag:s22] =	ssyncset.done $0x0  }
0x75: {  	s31 =	simm.s32 $0x1400;
	[sflag:s22] =	ssyncadd.s32 $0xFFFFC180  }
0x76: {  	[spmem:s2] =	stream.indirect.scatter.add.f32 [tilespmem:s20], [sflag:$0x3], $0x80, s31, s19, $0xb8;
	[tilespmem:$0x1E080] =	vst v63  }
0x77: {  	_ =	swait.ge [sflag:s17], $0x3E80  }
0x78: {  	[sflag:s17] =	ssyncset.done $0x0  }
0x79: {  	s1 =	simm.s32 $0x100;
	[sflag:s17] =	ssyncadd.s32 $0xFFFFC180  }
0x7a: {  	[tilespmem:s20], [sflag:$0x1] =	stream.indirect.gather [hbm4b:s5+s19], $0x80, s1, s19, $0xb8;
	[tilespmem:$0x1E080] =	vst v63  }
0x7b: {  	_ =	swait.ge [sflag:s23], $0x3E80  }
0x7c: {  	[sflag:s23] =	ssyncset.done $0x0  }
0x7d: {  	s31 =	simm.s32 $0x1480;
	[sflag:s23] =	ssyncadd.s32 $0xFFFFC180  }
0x7e: {  	[spmem:s2] =	stream.indirect.scatter.add.f32 [tilespmem:s21], [sflag:$0x3], $0x80, s31, s19, $0xb8;
	[tilespmem:$0x1E080] =	vst v63  }
0x7f: {  	_ =	swait.ge [sflag:s17], $0x3E80  }
0x80: {  	s30 =	simm.s32 $0x800;
	s29 =	simm.s32 $0x100;
	[sflag:s17] =	ssyncset.done $0x0  }
.LBB2_4:
0x81: {  	s0 =	sadd.s32 $0x80, s29  }
0x82: {  	[sflag:s17] =	ssyncadd.s32 $0xFFFFC180;
	s1 =	smov.u32 s30;
	s31 =	sadd.s32 $0x400, s30  }
0x83: {  	[tilespmem:s21], [sflag:$0x2] =	stream.indirect.gather [hbm4b:s5+s19], $0x80, s0, s19, $0xb8;
	[tilespmem:$0x1E080] =	vst v63  }
0x84: {  	p1 =	sne.s32 s30, $0x4800;
	_ =	swait.ge [sflag:s22], $0x3E80  }
0x85: {  	[sflag:s22] =	ssyncset.done $0x0  }
0x86: {  	s0 =	sadd.s32 $0x1400, s29;
	[sflag:s22] =	ssyncadd.s32 $0xFFFFC180  }
0x87: {  	[spmem:s2] =	stream.indirect.scatter.add.f32 [tilespmem:s20], [sflag:$0x3], $0x80, s0, s19, $0xb8;
	[tilespmem:$0x1E080] =	vst v63  }
0x88: {  	_ =	swait.ge [sflag:s17], $0x3E80  }
0x89: {  	[sflag:s17] =	ssyncset.done $0x0  }
0x8a: {  	s0 =	sadd.s32 $0x100, s29;
	[sflag:s17] =	ssyncadd.s32 $0xFFFFC180  }
0x8b: {  	[tilespmem:s20], [sflag:$0x1] =	stream.indirect.gather [hbm4b:s5+s19], $0x80, s0, s19, $0xb8;
	[tilespmem:$0x1E080] =	vst v63  }
0x8c: {  	_ =	swait.ge [sflag:s23], $0x3E80  }
.Ltmp1:
0x8d: {  	[sflag:s23] =	ssyncset.done $0x0;
	(pc) =	sbr.rel @p1 .LBB2_4-.Ltmp1, $4  }
0x8e: {  	s0 =	sadd.s32 $0x1480, s29;
	[sflag:s23] =	ssyncadd.s32 $0xFFFFC180  }
0x8f: {  	[spmem:s2] =	stream.indirect.scatter.add.f32 [tilespmem:s21], [sflag:$0x3], $0x80, s0, s19, $0xb8;
	[tilespmem:$0x1E080] =	vst v63  }
0x90: {  	_ =	swait.ge [sflag:s17], $0x3E80  }
0x91: {  	s30 =	smov.u32 s31;
	s29 =	sshra.s32 s1, $0x2;
	[sflag:s17] =	ssyncset.done $0x0  }
0x92: {  	s0 =	sadd.s32 $0x80, s29;
	[sflag:s17] =	ssyncadd.s32 $0xFFFFC180  }
0x93: {  	[tilespmem:s21], [sflag:$0x2] =	stream.indirect.gather [hbm4b:s5+s19], $0x80, s0, s19, $0xb8;
	[tilespmem:$0x1E080] =	vst v63  }
0x94: {  	_ =	swait.ge [sflag:s22], $0x3E80  }
0x95: {  	[sflag:s22] =	ssyncset.done $0x0  }
0x96: {  	s1 =	sadd.s32 $0x1400, s29;
	[sflag:s22] =	ssyncadd.s32 $0xFFFFC180  }
0x97: {  	[spmem:s2] =	stream.indirect.scatter.add.f32 [tilespmem:s20], [sflag:$0x3], $0x80, s1, s19, $0xb8;
	[tilespmem:$0x1E080] =	vst v63  }
0x98: {  	_ =	swait.ge [sflag:s17], $0x3E80  }
0x99: {  	[sflag:s17] =	ssyncset.done $0x0  }
0x9a: {  	s30 =	sadd.s32 $0x100, s29;
	[sflag:s17] =	ssyncadd.s32 $0xFFFFC180  }
0x9b: {  	[tilespmem:s20], [sflag:$0x1] =	stream.indirect.gather [hbm4b:s5+s19], $0x80, s30, s19, $0xb8;
	[tilespmem:$0x1E080] =	vst v63  }
0x9c: {  	_ =	swait.ge [sflag:s23], $0x3E80  }
0x9d: {  	[sflag:s23] =	ssyncset.done $0x0  }
0x9e: {  	s31 =	sadd.s32 $0x1480, s29;
	[sflag:s23] =	ssyncadd.s32 $0xFFFFC180  }
0x9f: {  	[spmem:s2] =	stream.indirect.scatter.add.f32 [tilespmem:s21], [sflag:$0x3], $0x80, s31, s19, $0xb8;
	[tilespmem:$0x1E080] =	vst v63  }
0xa0: {  	_ =	swait.ge [sflag:s17], $0x3E80  }
0xa1: {  	[sflag:s17] =	ssyncset.done $0x0  }
0xa2: {  	[sflag:s17] =	ssyncadd.s32 $0xFFFFC180  }
0xa3: {  	[tilespmem:s21], [sflag:$0x2] =	stream.indirect.gather [hbm4b:s5+s19], $0x80, s24, s19, $0xb8;
	[tilespmem:$0x1E080] =	vst v63  }
0xa4: {  	_ =	swait.ge [sflag:s22], $0x3E80  }
0xa5: {  	[sflag:s22] =	ssyncset.done $0x0  }
0xa6: {  	[sflag:s22] =	ssyncadd.s32 $0xFFFFC180  }
0xa7: {  	[spmem:s2] =	stream.indirect.scatter.add.f32 [tilespmem:s20], [sflag:$0x3], $0x80, s25, s19, $0xb8;
	[tilespmem:$0x1E080] =	vst v63  }
0xa8: {  	_ =	swait.ge [sflag:s17], $0x3E80  }
0xa9: {  	[sflag:s17] =	ssyncset.done $0x0  }
0xaa: {  	[sflag:s17] =	ssyncadd.s32 $0xFFFFC180  }
0xab: {  	_ =	swait.ge [sflag:s23], $0x3E80  }
0xac: {  	[sflag:s23] =	ssyncset.done $0x0  }
0xad: {  	[sflag:s23] =	ssyncadd.s32 $0xFFFFC180  }
0xae: {  	[spmem:s2] =	stream.indirect.scatter.add.f32 [tilespmem:s21], [sflag:$0x3], $0x80, s26, s19, $0xb8;
	[tilespmem:$0x1E080] =	vst v63  }
0xaf: {  	_ =	swait.ge [sflag:s17], $0x3E80  }
0xb0: {  	[sflag:s17] =	ssyncset.done $0x0  }
0xb1: {  	[sflag:s17] =	ssyncadd.s32 $0xFFFFC180  }
0xb2: {  	s0 =	sadd.s32 @p0 $0x25800, s8;
	s1 =	simm.s32 @p0 $0x1FC3;
	[bflag:$0x0] =	sbarrier.arrive $0xFFFF  }
0xb3: {  	[hbm:s0], [sflag:s1] =	dma.local @p0 [spmem:s14], $0x1900  }
0xb4: {  	s0 =	simm.s32 @p0 $0x3  }
0xb5: {  	_ =	swait.ge @p0 [sflag:s0], $0x1900  }
0xb6: {  	s28 =	sadd.s32 $0x1, s28;
	[sflag:s0] =	ssyncset.done @p0 $0x0  }
0xb7: {  	p1 =	sne.s32 s28, s9;
	[sflag:s0] =	ssyncadd.s32 @p0 $0xFFFFE700;
	s0 =	sadd.s32 @!p0 s4, s8  }
0xb8: {  	[hbm:s0], [sflag:s15] =	dma.local @!p0 [spmem:s16], $0x2800  }
.Ltmp2:
0xb9: {  	_ = 	snop;
	(pc) =	sbr.rel @p1 .LBB2_1-.Ltmp2, $4  }
0xba: {  	s0 =	simm.s32 @!p0 $0x3  }
0xbb: {  	_ =	swait.ge @!p0 [sflag:s0], $0x2800  }
0xbc: {  	[sflag:s0] =	ssyncset.done @!p0 $0x0  }
0xbd: {  	[sflag:s0] =	ssyncadd.s32 @!p0 $0xFFFFD800  }
0xbe: {  	_ =	sfence.sel $0x180000  }
0xbf: {  	[bflag:$0x0] =	sbarrier.arrive $0xFFFF  }
0xc0: {  	_ =	strace $0x90000050  }
0xc1: {  	s0 =	stileid.u32;
	[bflag:$0x2] =	sbarrier.arrive $0xFFFF  }
0xc2: {  	p0 =	sne.s32 s0, $0x0;
	s0 =	rddreg [dreg:$0x2]  }
0xc3: {  	s0 =	sadd.s32 @!p0 $0x100000, s0  }
0xc4: {  	[sflag:s0] =	ssyncadd.tile.s32 @!p0 $0x1;
	_ =	shalt  }
.Lfunc_end2:
_tile_overlayer_lowered:
.L_overlay_start_2:
0xc5: {  	(tag) =	ssettag $0x2  }
0xc6: {  	s0 =	rddreg [dreg:$0x0];
	s2 =	stileid.u32  }
0xc7: {  	s1 =	rddreg [dreg:$0x1];
	p0 =	sne.s32 s2, $0x0  }
0xc8: {  	s3 =	rddreg [dreg:$0x2];
	[bflag:$0x3] =	sbarrier.arrive $0xFFFF;
	s2 =	simm.s32 @!p0 $0x1C03  }
0xc9: {  	[timem:s3], [sflag:s2] =	dma.local @!p0 [hbm:s0], s1  }
0xca: {  	s0 =	simm.s32 @!p0 $0x3  }
0xcb: {  	_ =	swait.ge @!p0 [sflag:s0], s1  }
0xcc: {  	s1 =	ssub.s32 @!p0 $0x0, s1;
	[sflag:s0] =	ssyncset.done @!p0 $0x0  }
0xcd: {  	[sflag:s0] =	ssyncadd.s32 @!p0 s1  }
0xce: {  	[bflag:$0x3] =	sbarrier.arrive $0xFFFF  }
0xcf: {  	_ =	shalt  }

</sc_bundles>
